<compile_context>
chip_gen: v7x
topology: tpu7x:2x2x1
jax: 0.10.2.dev20260603
libtpu: 0.0.44.dev20260713+nightly
codegen_flags: <defaults>
</compile_context>

<pallas_src>
import functools

import jax
import jax.numpy as jnp
from jax import lax
from jax.experimental import pallas as pl
from jax.experimental.pallas import tpu as pltpu
from jax.experimental.pallas import tpu_sc as plsc

N = 10000
E = 320000
IN_DIM = 128
HID = 16
HEADS = 8
OUT_DIM = 64

NW = 32
CH = 96
CHUNKS_PER_WORKER = 106
EPAD = NW * CH * CHUNKS_PER_WORKER
NPAD = 16 * 632
ROWS_PER_SUB = NPAD // 16


def _make_sc_edge_kernel(D, NH):
  mesh = plsc.VectorSubcoreMesh(core_axis_name="c", subcore_axis_name="s")

  @functools.partial(
      pl.kernel,
      out_type=[
          jax.ShapeDtypeStruct((2, NPAD, D), jnp.float32),
          jax.ShapeDtypeStruct((2, NPAD, 16), jnp.float32),
      ],
      mesh=mesh,
      compiler_params=pltpu.CompilerParams(use_tc_tiling_on_sc=False),
      scratch_types=[
          pltpu.VMEM((2, CH), jnp.int32),
          pltpu.VMEM((2, CH), jnp.int32),
          pltpu.VMEM((2, CH, 16), jnp.float32),
          pltpu.VMEM((2, CH, 16), jnp.float32),
          pltpu.VMEM((2, CH, 16), jnp.float32),
          pltpu.VMEM((2, CH, 16), jnp.float32),
          pltpu.VMEM((2, CH, D), jnp.float32),
          pltpu.VMEM_SHARED((NPAD, D), jnp.float32),
          pltpu.VMEM_SHARED((NPAD, 16), jnp.float32),
          pltpu.SemaphoreType.DMA,
          pltpu.SemaphoreType.DMA,
          pltpu.SemaphoreType.DMA,
          pltpu.SemaphoreType.DMA,
          pltpu.SemaphoreType.DMA,
          pltpu.SemaphoreType.DMA,
      ],
  )
  def kern(t1_hbm, t2_hbm, h_hbm, ea_hbm, src_hbm, dst_hbm, zeros_hbm,
           zeros16_hbm, numer_hbm, denom_hbm,
           src_v, dst_v, t1_v, t2_v, ea_v, w_v, h_v, numer_sh, denom_sh,
           gsem0, gsem1, ssem0, ssem1, isem0, isem1):
    c = lax.axis_index("c")
    s = lax.axis_index("s")
    rows = pl.ds(s * ROWS_PER_SUB, ROWS_PER_SUB)
    pltpu.sync_copy(zeros_hbm.at[rows], numer_sh.at[rows])
    pltpu.sync_copy(zeros16_hbm.at[rows], denom_sh.at[rows])
    plsc.subcore_barrier()

    wid = c * 16 + s
    base = wid * CHUNKS_PER_WORKER * CH
    gsems = (gsem0, gsem1)
    ssems = (ssem0, ssem1)
    isems = (isem0, isem1)

    def start_idx(i, b):
      off = base + i * CH
      pltpu.async_copy(src_hbm.at[pl.ds(off, CH)], src_v.at[b], isems[b])
      pltpu.async_copy(dst_hbm.at[pl.ds(off, CH)], dst_v.at[b], isems[b])
      pltpu.async_copy(ea_hbm.at[pl.ds(off, CH)], ea_v.at[b], isems[b])

    def drain_idx(b):
      pltpu.make_async_copy(src_hbm.at[pl.ds(0, CH)], src_v.at[b],
                            isems[b]).wait()
      pltpu.make_async_copy(src_hbm.at[pl.ds(0, CH)], dst_v.at[b],
                            isems[b]).wait()
      pltpu.make_async_copy(ea_hbm.at[pl.ds(0, CH)], ea_v.at[b],
                            isems[b]).wait()

    def start_gathers(b):
      pltpu.async_copy(t1_hbm.at[src_v.at[b]], t1_v.at[b], gsems[b])
      pltpu.async_copy(t2_hbm.at[dst_v.at[b]], t2_v.at[b], gsems[b])
      pltpu.async_copy(h_hbm.at[src_v.at[b]], h_v.at[b], gsems[b])

    def drain_gathers(b):
      pltpu.make_async_copy(t1_hbm.at[pl.ds(0, CH)], t1_v.at[b],
                            gsems[b]).wait()
      pltpu.make_async_copy(t1_hbm.at[pl.ds(0, CH)], t2_v.at[b],
                            gsems[b]).wait()
      pltpu.make_async_copy(h_hbm.at[pl.ds(0, CH)], h_v.at[b],
                            gsems[b]).wait()

    def drain_scatters(b):
      pltpu.make_async_copy(t1_hbm.at[pl.ds(0, CH)], w_v.at[b],
                            ssems[b]).wait()
      pltpu.make_async_copy(h_hbm.at[pl.ds(0, CH)], h_v.at[b],
                            ssems[b]).wait()

    def compute(b):
      def edge_body(e, cc):
        q = t1_v[b, e] + t2_v[b, e] + ea_v[b, e]
        w = jnp.exp(jnp.maximum(q, q * 0.2))
        w_v[b, e] = w
        if NH == 1:
          sp = jnp.broadcast_to(w[0], (16,))
          for j in range(D // 16):
            h_v[b, e, pl.ds(j * 16, 16)] = h_v[b, e, pl.ds(j * 16, 16)] * sp
        else:
          for j in range(D // 16):
            sp = jnp.broadcast_to(w[min(j, NH - 1)], (16,))
            h_v[b, e, pl.ds(j * 16, 16)] = h_v[b, e, pl.ds(j * 16, 16)] * sp
        return cc

      lax.fori_loop(0, CH, edge_body, 0, unroll=4)

    def start_loads(i, b):
      start_idx(i, b)
      drain_idx(b)
      start_gathers(b)

    start_loads(0, 0)

    def pair_body(i2, carry):
      for b in range(2):
        i = i2 * 2 + b

        @pl.when(i >= 1)
        def _():
          drain_scatters(1 - b)

        @pl.when(i + 1 < CHUNKS_PER_WORKER)
        def _():
          start_loads(i + 1, 1 - b)

        drain_gathers(b)
        compute(b)
        pltpu.async_copy(w_v.at[b], denom_sh.at[dst_v.at[b]], ssems[b],
                         add=True)
        pltpu.async_copy(h_v.at[b], numer_sh.at[dst_v.at[b]], ssems[b],
                         add=True)
      return carry

    lax.fori_loop(0, CHUNKS_PER_WORKER // 2, pair_body, 0)
    drain_scatters(1)
    plsc.subcore_barrier()
    pltpu.sync_copy(numer_sh.at[rows], numer_hbm.at[c, rows])
    pltpu.sync_copy(denom_sh.at[rows], denom_hbm.at[c, rows])

  return kern


_sc_edge_l1 = _make_sc_edge_kernel(HEADS * HID, HEADS)
_sc_edge_l2 = _make_sc_edge_kernel(OUT_DIM, 1)


def _tc1_body(x_ref, w_ref, a1_ref, a2_ref, h_ref, t1_ref, t2_ref):
  h = jnp.dot(x_ref[...], w_ref[...], preferred_element_type=jnp.float32)
  h_ref[...] = h
  t1_ref[...] = jnp.dot(h, a1_ref[...], preferred_element_type=jnp.float32)
  t2_ref[...] = jnp.dot(h, a2_ref[...], preferred_element_type=jnp.float32)


def _tc_prep_body(ea_ref, c1_ref, c2_ref, ea1_ref, ea2_ref, mean_ref):
  i = pl.program_id(0)
  ea = ea_ref[...]
  blk = ea.shape[0]
  ea1_ref[...] = jnp.dot(ea, c1_ref[...], preferred_element_type=jnp.float32)
  ea2_ref[...] = jnp.dot(ea, c2_ref[...], preferred_element_type=jnp.float32)
  ridx = i * blk + lax.broadcasted_iota(jnp.int32, (blk, 1), 0)
  part = jnp.sum(jnp.where(ridx < E, ea, 0.0), axis=0, keepdims=True) / E

  @pl.when(i == 0)
  def _():
    mean_ref[...] = jnp.zeros_like(mean_ref)

  mean_ref[...] += part


def _tc2_body(numer_ref, denom_ref, h_ref, t1_ref, t2_ref, mean_ref, c1_ref,
              rep_ref, w2_ref, b1_ref, h2_ref):
  q = (t1_ref[...][:, :HEADS] + t2_ref[...][:, :HEADS]
       + mean_ref[0, 0] * c1_ref[...][:, :HEADS])
  sw = jnp.exp(jnp.maximum(q, q * 0.2))
  sw128 = jnp.dot(sw, rep_ref[...], preferred_element_type=jnp.float32)
  numer = numer_ref[0] + numer_ref[1] + sw128 * h_ref[...]
  den8 = denom_ref[0][:, :HEADS] + denom_ref[1][:, :HEADS] + sw
  den128 = jnp.dot(den8, rep_ref[...], preferred_element_type=jnp.float32)
  o = numer / (den128 + 1e-16) + b1_ref[...]
  g = jnp.where(o > 0, o, jnp.exp(jnp.minimum(o, 0.0)) - 1.0)
  h2_ref[...] = jnp.dot(g, w2_ref[...], preferred_element_type=jnp.float32)


def _tc2b_body(h2_ref, a1b_ref, a2b_ref, t1b_ref, t2b_ref):
  h2 = h2_ref[...]
  t1b_ref[...] = jnp.dot(h2, a1b_ref[...], preferred_element_type=jnp.float32)
  t2b_ref[...] = jnp.dot(h2, a2b_ref[...], preferred_element_type=jnp.float32)


def _tc3_body(numer_ref, denom_ref, h2_ref, t1b_ref, t2b_ref, mean_ref,
              c2_ref, b2_ref, out_ref):
  q = (t1b_ref[...][:, :1] + t2b_ref[...][:, :1]
       + mean_ref[0, 0] * c2_ref[...][:, :1])
  sw = jnp.exp(jnp.maximum(q, q * 0.2))
  numer = numer_ref[0] + numer_ref[1] + sw * h2_ref[...]
  den = denom_ref[0][:, :1] + denom_ref[1][:, :1] + sw
  out_ref[...] = numer / (den + 1e-16) + b2_ref[...]


def kernel(x, edge_index, edge_attr, W1, att_src1, att_dst1, We1, att_edge1,
           b1, W2, att_src2, att_dst2, We2, att_edge2, b2):
  f32 = jnp.float32
  pad_idx = jnp.full((EPAD - E,), N, jnp.int32)
  src = jnp.concatenate([edge_index[0], pad_idx])
  dst = jnp.concatenate([edge_index[1], pad_idx])
  ea_pad = jnp.concatenate([edge_attr, jnp.zeros((EPAD - E, 1), f32)])
  x_pad = jnp.concatenate([x, jnp.zeros((NPAD - N, IN_DIM), f32)])

  eye8 = jnp.eye(HEADS, dtype=f32)
  z88 = jnp.zeros((HEADS * HID, 16 - HEADS), f32)
  A1 = jnp.concatenate(
      [(att_src1[0][:, :, None] * eye8[:, None, :]).reshape(HEADS * HID, HEADS),
       z88], axis=1)
  A2 = jnp.concatenate(
      [(att_dst1[0][:, :, None] * eye8[:, None, :]).reshape(HEADS * HID, HEADS),
       z88], axis=1)
  zb = jnp.zeros((OUT_DIM, 15), f32)
  A1b = jnp.concatenate([att_src2[0].reshape(OUT_DIM, 1), zb], axis=1)
  A2b = jnp.concatenate([att_dst2[0].reshape(OUT_DIM, 1), zb], axis=1)
  c1 = (We1.reshape(1, HEADS, HID) * att_edge1).sum(-1)
  c1p = jnp.concatenate([c1, jnp.zeros((1, 8), f32)], axis=1)
  c2 = (We2.reshape(1, 1, OUT_DIM) * att_edge2).sum(-1)
  c2p = jnp.concatenate([c2, jnp.zeros((1, 15), f32)], axis=1)
  rep = (eye8[:, :, None] * jnp.ones((1, 1, HID), f32)).reshape(
      HEADS, HEADS * HID)
  zeros128 = jnp.zeros((NPAD, HEADS * HID), f32)
  zeros64 = jnp.zeros((NPAD, OUT_DIM), f32)
  zeros16 = jnp.zeros((NPAD, 16), f32)

  h, t1, t2 = pl.pallas_call(
      _tc1_body,
      out_shape=[
          jax.ShapeDtypeStruct((NPAD, HEADS * HID), f32),
          jax.ShapeDtypeStruct((NPAD, 16), f32),
          jax.ShapeDtypeStruct((NPAD, 16), f32),
      ],
  )(x_pad, W1, A1, A2)

  BLK = NW * CH
  ea16_1, ea16_2, mean_ea = pl.pallas_call(
      _tc_prep_body,
      grid=(EPAD // BLK,),
      in_specs=[
          pl.BlockSpec((BLK, 1), lambda i: (i, 0)),
          pl.BlockSpec((1, 16), lambda i: (0, 0)),
          pl.BlockSpec((1, 16), lambda i: (0, 0)),
      ],
      out_specs=[
          pl.BlockSpec((BLK, 16), lambda i: (i, 0)),
          pl.BlockSpec((BLK, 16), lambda i: (i, 0)),
          pl.BlockSpec((1, 1), lambda i: (0, 0)),
      ],
      out_shape=[
          jax.ShapeDtypeStruct((EPAD, 16), f32),
          jax.ShapeDtypeStruct((EPAD, 16), f32),
          jax.ShapeDtypeStruct((1, 1), f32),
      ],
  )(ea_pad, c1p, c2p)

  numer1, denom1 = _sc_edge_l1(t1, t2, h, ea16_1, src, dst, zeros128, zeros16)

  h2 = pl.pallas_call(
      _tc2_body,
      out_shape=jax.ShapeDtypeStruct((NPAD, OUT_DIM), f32),
  )(numer1, denom1, h, t1, t2, mean_ea, c1p, rep, W2,
    b1.reshape(1, HEADS * HID))

  t1b, t2b = pl.pallas_call(
      _tc2b_body,
      out_shape=[
          jax.ShapeDtypeStruct((NPAD, 16), f32),
          jax.ShapeDtypeStruct((NPAD, 16), f32),
      ],
  )(h2, A1b, A2b)

  numer2, denom2 = _sc_edge_l2(t1b, t2b, h2, ea16_2, src, dst, zeros64,
                               zeros16)

  out = pl.pallas_call(
      _tc3_body,
      out_shape=jax.ShapeDtypeStruct((NPAD, OUT_DIM), f32),
  )(numer2, denom2, h2, t1b, t2b, mean_ea, c2p, b2.reshape(1, OUT_DIM))
  return out[:N]

# --- scband reference (transcript-rebuilt; emitter-appended) ---
"""Pipeline reference for scband-gat-79937931313496 (READ-ONLY COPY).

The authoritative reference and input builder live on the scoring server;
editing this copy changes nothing except your own understanding.
"""

import jax, jax.numpy as jnp
import numpy as np

N = 10000
E = 320000
IN_DIM = 128
HID = 16
HEADS = 8
OUT_DIM = 64
EDGE_DIM = 1


def _gat_conv(x, src, dst, edge_attr, W, att_src, att_dst, We, att_edge, bias, heads, ch, concat, num_nodes):
    # PyG GATConv semantics: add self loops (edge_attr fill = mean), linear proj,
    # per-head attention logits, leaky_relu(0.2), segment softmax over dst, scatter-add.
    loop = jnp.arange(num_nodes, dtype=src.dtype)
    s = jnp.concatenate([src, loop])
    d = jnp.concatenate([dst, loop])
    loop_attr = jnp.broadcast_to(edge_attr.mean(axis=0, keepdims=True), (num_nodes, edge_attr.shape[1]))
    ea = jnp.concatenate([edge_attr, loop_attr], axis=0)
    h = (x @ W).reshape(-1, heads, ch)
    e = (ea @ We).reshape(-1, heads, ch)
    alpha = (h * att_src).sum(-1)[s] + (h * att_dst).sum(-1)[d] + (e * att_edge).sum(-1)
    alpha = jax.nn.leaky_relu(alpha, 0.2)
    m = jax.ops.segment_max(alpha, d, num_segments=num_nodes)
    m = jnp.where(jnp.isfinite(m), m, 0.0)
    alpha = jnp.exp(alpha - m[d])
    denom = jax.ops.segment_sum(alpha, d, num_segments=num_nodes)
    alpha = alpha / (denom[d] + 1e-16)
    out = jax.ops.segment_sum(h[s] * alpha[..., None], d, num_segments=num_nodes)
    if concat:
        out = out.reshape(num_nodes, heads * ch)
    else:
        out = out.mean(axis=1)
    return out + bias


def setup_inputs(seed: int = 0) -> dict:
    key = jax.random.key(seed)
    ks = jax.random.split(key, 15)
    inp = {}
    inp["x"] = jax.random.normal(ks[0], (N, IN_DIM), dtype=jnp.float32)
    inp["edge_index"] = jax.random.randint(ks[1], (2, E), 0, N, dtype=jnp.int32)
    inp["edge_attr"] = jax.random.uniform(ks[2], (E, EDGE_DIM), dtype=jnp.float32)
    s1 = 1.0 / np.sqrt(IN_DIM)
    inp["W1"] = jax.random.normal(ks[3], (IN_DIM, HEADS * HID), dtype=jnp.float32) * s1
    inp["att_src1"] = jax.random.normal(ks[4], (1, HEADS, HID), dtype=jnp.float32) * 0.1
    inp["att_dst1"] = jax.random.normal(ks[5], (1, HEADS, HID), dtype=jnp.float32) * 0.1
    inp["We1"] = jax.random.normal(ks[6], (EDGE_DIM, HEADS * HID), dtype=jnp.float32)
    inp["att_edge1"] = jax.random.normal(ks[7], (1, HEADS, HID), dtype=jnp.float32) * 0.1
    inp["b1"] = jnp.zeros((HEADS * HID,), dtype=jnp.float32)
    s2 = 1.0 / np.sqrt(HEADS * HID)
    inp["W2"] = jax.random.normal(ks[8], (HEADS * HID, OUT_DIM), dtype=jnp.float32) * s2
    inp["att_src2"] = jax.random.normal(ks[9], (1, 1, OUT_DIM), dtype=jnp.float32) * 0.1
    inp["att_dst2"] = jax.random.normal(ks[10], (1, 1, OUT_DIM), dtype=jnp.float32) * 0.1
    inp["We2"] = jax.random.normal(ks[11], (EDGE_DIM, OUT_DIM), dtype=jnp.float32)
    inp["att_edge2"] = jax.random.normal(ks[12], (1, 1, OUT_DIM), dtype=jnp.float32) * 0.1
    inp["b2"] = jnp.zeros((OUT_DIM,), dtype=jnp.float32)
    return inp


def reference(x, edge_index, edge_attr, W1, att_src1, att_dst1, We1, att_edge1, b1, W2, att_src2, att_dst2, We2, att_edge2, b2):
    # eval mode: F.dropout(p=0.6) is identity
    src = edge_index[0]
    dst = edge_index[1]
    h = _gat_conv(x, src, dst, edge_attr, W1, att_src1, att_dst1, We1, att_edge1, b1, HEADS, HID, True, N)
    h = jax.nn.elu(h)
    out = _gat_conv(h, src, dst, edge_attr, W2, att_src2, att_dst2, We2, att_edge2, b2, 1, OUT_DIM, False, N)
    return out

if __name__ == "__main__":
    import jax
    _d = setup_inputs()
    print(jax.jit(kernel)(*tuple(_d.values())))

</pallas_src>

<mosaic_0001>
#map = affine_map<(d0, d1) -> (0, 0)>
#map1 = affine_map<(d0, d1) -> (0)>
#map2 = affine_map<(d0, d1) -> (0, 0, 0)>
module attributes {stable_mosaic.version = 14 : i64} {
  func.func @kern(%arg0: i32, %arg1: i32, %arg2: memref<10112x16xf32, #tpu.memory_space<hbm>>, %arg3: memref<10112x16xf32, #tpu.memory_space<hbm>>, %arg4: memref<10112x128xf32, #tpu.memory_space<hbm>>, %arg5: memref<325632x16xf32, #tpu.memory_space<hbm>>, %arg6: memref<325632xi32, #tpu.memory_space<hbm>>, %arg7: memref<325632xi32, #tpu.memory_space<hbm>>, %arg8: memref<10112x128xf32, #tpu.memory_space<hbm>>, %arg9: memref<10112x16xf32, #tpu.memory_space<hbm>>, %arg10: memref<2x10112x128xf32, #tpu.memory_space<hbm>>, %arg11: memref<2x10112x16xf32, #tpu.memory_space<hbm>>, %arg12: memref<2x96xi32, #tpu.memory_space<vmem>>, %arg13: memref<2x96xi32, #tpu.memory_space<vmem>>, %arg14: memref<2x96x16xf32, #tpu.memory_space<vmem>>, %arg15: memref<2x96x16xf32, #tpu.memory_space<vmem>>, %arg16: memref<2x96x16xf32, #tpu.memory_space<vmem>>, %arg17: memref<2x96x16xf32, #tpu.memory_space<vmem>>, %arg18: memref<2x96x128xf32, #tpu.memory_space<vmem>>, %arg19: memref<10112x128xf32, #tpu.memory_space<vmem_shared>>, %arg20: memref<10112x16xf32, #tpu.memory_space<vmem_shared>>, %arg21: memref<!tpu.dma_semaphore, #tpu.memory_space<semaphore_mem>>, %arg22: memref<!tpu.dma_semaphore, #tpu.memory_space<semaphore_mem>>, %arg23: memref<!tpu.dma_semaphore, #tpu.memory_space<semaphore_mem>>, %arg24: memref<!tpu.dma_semaphore, #tpu.memory_space<semaphore_mem>>, %arg25: memref<!tpu.dma_semaphore, #tpu.memory_space<semaphore_mem>>, %arg26: memref<!tpu.dma_semaphore, #tpu.memory_space<semaphore_mem>>) attributes {dimension_semantics = [#tpu.dimension_semantics<core_parallel>, #tpu.dimension_semantics<subcore_parallel>], iteration_bounds = array<i64: 2, 16>, scalar_prefetch = 0 : i64, scratch_operands = 15 : i64, tpu.core_type = #tpu.core_type<sc_vector_subcore>, window_params = [{transform_indices = #map}, {transform_indices = #map}, {transform_indices = #map}, {transform_indices = #map}, {transform_indices = #map1}, {transform_indices = #map1}, {transform_indices = #map}, {transform_indices = #map}, {transform_indices = #map2}, {transform_indices = #map2}]} {
    %mul3A = arith.constant 632 : i32
    %mul3A_0 = arith.muli %arg1, %mul3A : i32
    "tpu.region"() ({
      %run_scoped3A = tpu.sem_alloc : memref<!tpu.dma_semaphore, #tpu.memory_space<semaphore_mem>>
      %dma_start3A_147 = arith.constant 0 : i32
      %dma_start3A_148 = tpu.memref_slice %arg19[%mul3A_0, %dma_start3A_147] : memref<10112x128xf32, #tpu.memory_space<vmem_shared>> -> memref<632x128xf32, #tpu.memory_space<vmem_shared>>
      %dma_start3A_149 = arith.constant 0 : i32
      %dma_start3A_150 = tpu.memref_slice %arg8[%mul3A_0, %dma_start3A_149] : memref<10112x128xf32, #tpu.memory_space<hbm>> -> memref<632x128xf32, #tpu.memory_space<hbm>>
      tpu.enqueue_dma source(%dma_start3A_150 : memref<632x128xf32, #tpu.memory_space<hbm>>) target(%dma_start3A_148 : memref<632x128xf32, #tpu.memory_space<vmem_shared>>) target_semaphore(%run_scoped3A : memref<!tpu.dma_semaphore, #tpu.memory_space<semaphore_mem>>)
      %dma_wait3A_151 = arith.constant 0 : i32
      %dma_wait3A_152 = tpu.memref_slice %arg19[%mul3A_0, %dma_wait3A_151] : memref<10112x128xf32, #tpu.memory_space<vmem_shared>> -> memref<632x128xf32, #tpu.memory_space<vmem_shared>>
      %dma_wait3A_153 = arith.constant 0 : i32
      %dma_wait3A_154 = tpu.memref_slice %arg8[%mul3A_0, %dma_wait3A_153] : memref<10112x128xf32, #tpu.memory_space<hbm>> -> memref<632x128xf32, #tpu.memory_space<hbm>>
      tpu.wait_dma2 semaphore(%run_scoped3A : memref<!tpu.dma_semaphore, #tpu.memory_space<semaphore_mem>>) src(%dma_wait3A_154 : memref<632x128xf32, #tpu.memory_space<hbm>>) dst(%dma_wait3A_152 : memref<632x128xf32, #tpu.memory_space<vmem_shared>>)
      tpu.yield
    }) : () -> ()
    "tpu.region"() ({
      %run_scoped3A = tpu.sem_alloc : memref<!tpu.dma_semaphore, #tpu.memory_space<semaphore_mem>>
      %dma_start3A_147 = arith.constant 0 : i32
      %dma_start3A_148 = tpu.memref_slice %arg20[%mul3A_0, %dma_start3A_147] : memref<10112x16xf32, #tpu.memory_space<vmem_shared>> -> memref<632x16xf32, #tpu.memory_space<vmem_shared>>
      %dma_start3A_149 = arith.constant 0 : i32
      %dma_start3A_150 = tpu.memref_slice %arg9[%mul3A_0, %dma_start3A_149] : memref<10112x16xf32, #tpu.memory_space<hbm>> -> memref<632x16xf32, #tpu.memory_space<hbm>>
      tpu.enqueue_dma source(%dma_start3A_150 : memref<632x16xf32, #tpu.memory_space<hbm>>) target(%dma_start3A_148 : memref<632x16xf32, #tpu.memory_space<vmem_shared>>) target_semaphore(%run_scoped3A : memref<!tpu.dma_semaphore, #tpu.memory_space<semaphore_mem>>)
      %dma_wait3A_151 = arith.constant 0 : i32
      %dma_wait3A_152 = tpu.memref_slice %arg20[%mul3A_0, %dma_wait3A_151] : memref<10112x16xf32, #tpu.memory_space<vmem_shared>> -> memref<632x16xf32, #tpu.memory_space<vmem_shared>>
      %dma_wait3A_153 = arith.constant 0 : i32
      %dma_wait3A_154 = tpu.memref_slice %arg9[%mul3A_0, %dma_wait3A_153] : memref<10112x16xf32, #tpu.memory_space<hbm>> -> memref<632x16xf32, #tpu.memory_space<hbm>>
      tpu.wait_dma2 semaphore(%run_scoped3A : memref<!tpu.dma_semaphore, #tpu.memory_space<semaphore_mem>>) src(%dma_wait3A_154 : memref<632x16xf32, #tpu.memory_space<hbm>>) dst(%dma_wait3A_152 : memref<632x16xf32, #tpu.memory_space<vmem_shared>>)
      tpu.yield
    }) : () -> ()
    %barrier3A = arith.constant 0 : index
    tpu.barrier barrier_id(%barrier3A)
    %mul3A_1 = arith.constant 16 : i32
    %mul3A_2 = arith.muli %arg0, %mul3A_1 : i32
    %add3A = arith.addi %mul3A_2, %arg1 : i32
    %mul3A_3 = arith.constant 106 : i32
    %mul3A_4 = arith.muli %add3A, %mul3A_3 : i32
    %mul3A_5 = arith.constant 96 : i32
    %mul3A_6 = arith.muli %mul3A_4, %mul3A_5 : i32
    %add3A_7 = arith.constant 0 : i32
    %add3A_8 = arith.addi %mul3A_6, %add3A_7 : i32
    %dma_start3A = arith.constant 0 : i32
    %dma_start3A_9 = arith.constant 0 : i32
    %dma_start3A_10 = tpu.memref_slice %arg12[%dma_start3A, %dma_start3A_9] : memref<2x96xi32, #tpu.memory_space<vmem>> -> memref<1x96xi32, #tpu.memory_space<vmem>>
    %dma_start3A_11 = tpu.memref_squeeze %dma_start3A_10 : memref<1x96xi32, #tpu.memory_space<vmem>> -> memref<96xi32, #tpu.memory_space<vmem>>
    %dma_start3A_12 = tpu.memref_slice %arg6[%add3A_8] : memref<325632xi32, #tpu.memory_space<hbm>> -> memref<96xi32, #tpu.memory_space<hbm>>
    %dma_start3A_13 = arith.constant 0 : i32
    %dma_start3A_14 = tpu.memref_slice %arg12[%dma_start3A, %dma_start3A_13] : memref<2x96xi32, #tpu.memory_space<vmem>> -> memref<1x96xi32, #tpu.memory_space<vmem>>
    %dma_start3A_15 = tpu.memref_squeeze %dma_start3A_14 : memref<1x96xi32, #tpu.memory_space<vmem>> -> memref<96xi32, #tpu.memory_space<vmem>>
    %dma_start3A_16 = tpu.memref_slice %arg6[%add3A_8] : memref<325632xi32, #tpu.memory_space<hbm>> -> memref<96xi32, #tpu.memory_space<hbm>>
    tpu.enqueue_dma source(%dma_start3A_16 : memref<96xi32, #tpu.memory_space<hbm>>) target(%dma_start3A_15 : memref<96xi32, #tpu.memory_space<vmem>>) target_semaphore(%arg25 : memref<!tpu.dma_semaphore, #tpu.memory_space<semaphore_mem>>)
    %dma_start3A_17 = arith.constant 0 : i32
    %dma_start3A_18 = arith.constant 0 : i32
    %dma_start3A_19 = tpu.memref_slice %arg13[%dma_start3A_17, %dma_start3A_18] : memref<2x96xi32, #tpu.memory_space<vmem>> -> memref<1x96xi32, #tpu.memory_space<vmem>>
    %dma_start3A_20 = tpu.memref_squeeze %dma_start3A_19 : memref<1x96xi32, #tpu.memory_space<vmem>> -> memref<96xi32, #tpu.memory_space<vmem>>
    %dma_start3A_21 = tpu.memref_slice %arg7[%add3A_8] : memref<325632xi32, #tpu.memory_space<hbm>> -> memref<96xi32, #tpu.memory_space<hbm>>
    %dma_start3A_22 = arith.constant 0 : i32
    %dma_start3A_23 = tpu.memref_slice %arg13[%dma_start3A_17, %dma_start3A_22] : memref<2x96xi32, #tpu.memory_space<vmem>> -> memref<1x96xi32, #tpu.memory_space<vmem>>
    %dma_start3A_24 = tpu.memref_squeeze %dma_start3A_23 : memref<1x96xi32, #tpu.memory_space<vmem>> -> memref<96xi32, #tpu.memory_space<vmem>>
    %dma_start3A_25 = tpu.memref_slice %arg7[%add3A_8] : memref<325632xi32, #tpu.memory_space<hbm>> -> memref<96xi32, #tpu.memory_space<hbm>>
    tpu.enqueue_dma source(%dma_start3A_25 : memref<96xi32, #tpu.memory_space<hbm>>) target(%dma_start3A_24 : memref<96xi32, #tpu.memory_space<vmem>>) target_semaphore(%arg25 : memref<!tpu.dma_semaphore, #tpu.memory_space<semaphore_mem>>)
    %dma_start3A_26 = arith.constant 0 : i32
    %dma_start3A_27 = arith.constant 0 : i32
    %dma_start3A_28 = arith.constant 0 : i32
    %dma_start3A_29 = tpu.memref_slice %arg16[%dma_start3A_26, %dma_start3A_27, %dma_start3A_28] : memref<2x96x16xf32, #tpu.memory_space<vmem>> -> memref<1x96x16xf32, #tpu.memory_space<vmem>>
    %dma_start3A_30 = tpu.memref_squeeze %dma_start3A_29 : memref<1x96x16xf32, #tpu.memory_space<vmem>> -> memref<96x16xf32, #tpu.memory_space<vmem>>
    %dma_start3A_31 = arith.constant 0 : i32
    %dma_start3A_32 = tpu.memref_slice %arg5[%add3A_8, %dma_start3A_31] : memref<325632x16xf32, #tpu.memory_space<hbm>> -> memref<96x16xf32, #tpu.memory_space<hbm>>
    %dma_start3A_33 = arith.constant 0 : i32
    %dma_start3A_34 = arith.constant 0 : i32
    %dma_start3A_35 = tpu.memref_slice %arg16[%dma_start3A_26, %dma_start3A_33, %dma_start3A_34] : memref<2x96x16xf32, #tpu.memory_space<vmem>> -> memref<1x96x16xf32, #tpu.memory_space<vmem>>
    %dma_start3A_36 = tpu.memref_squeeze %dma_start3A_35 : memref<1x96x16xf32, #tpu.memory_space<vmem>> -> memref<96x16xf32, #tpu.memory_space<vmem>>
    %dma_start3A_37 = arith.constant 0 : i32
    %dma_start3A_38 = tpu.memref_slice %arg5[%add3A_8, %dma_start3A_37] : memref<325632x16xf32, #tpu.memory_space<hbm>> -> memref<96x16xf32, #tpu.memory_space<hbm>>
    tpu.enqueue_dma source(%dma_start3A_38 : memref<96x16xf32, #tpu.memory_space<hbm>>) target(%dma_start3A_36 : memref<96x16xf32, #tpu.memory_space<vmem>>) target_semaphore(%arg25 : memref<!tpu.dma_semaphore, #tpu.memory_space<semaphore_mem>>)
    %dma_wait3A = arith.constant 0 : i32
    %dma_wait3A_39 = arith.constant 0 : i32
    %dma_wait3A_40 = tpu.memref_slice %arg12[%dma_wait3A, %dma_wait3A_39] : memref<2x96xi32, #tpu.memory_space<vmem>> -> memref<1x96xi32, #tpu.memory_space<vmem>>
    %dma_wait3A_41 = tpu.memref_squeeze %dma_wait3A_40 : memref<1x96xi32, #tpu.memory_space<vmem>> -> memref<96xi32, #tpu.memory_space<vmem>>
    %dma_wait3A_42 = arith.constant 0 : i32
    %dma_wait3A_43 = tpu.memref_slice %arg6[%dma_wait3A_42] : memref<325632xi32, #tpu.memory_space<hbm>> -> memref<96xi32, #tpu.memory_space<hbm>>
    %dma_wait3A_44 = arith.constant 0 : i32
    %dma_wait3A_45 = tpu.memref_slice %arg12[%dma_wait3A, %dma_wait3A_44] : memref<2x96xi32, #tpu.memory_space<vmem>> -> memref<1x96xi32, #tpu.memory_space<vmem>>
    %dma_wait3A_46 = tpu.memref_squeeze %dma_wait3A_45 : memref<1x96xi32, #tpu.memory_space<vmem>> -> memref<96xi32, #tpu.memory_space<vmem>>
    %dma_wait3A_47 = arith.constant 0 : i32
    %dma_wait3A_48 = tpu.memref_slice %arg6[%dma_wait3A_47] : memref<325632xi32, #tpu.memory_space<hbm>> -> memref<96xi32, #tpu.memory_space<hbm>>
    tpu.wait_dma2 semaphore(%arg25 : memref<!tpu.dma_semaphore, #tpu.memory_space<semaphore_mem>>) src(%dma_wait3A_48 : memref<96xi32, #tpu.memory_space<hbm>>) dst(%dma_wait3A_46 : memref<96xi32, #tpu.memory_space<vmem>>)
    %dma_wait3A_49 = arith.constant 0 : i32
    %dma_wait3A_50 = arith.constant 0 : i32
    %dma_wait3A_51 = tpu.memref_slice %arg13[%dma_wait3A_49, %dma_wait3A_50] : memref<2x96xi32, #tpu.memory_space<vmem>> -> memref<1x96xi32, #tpu.memory_space<vmem>>
    %dma_wait3A_52 = tpu.memref_squeeze %dma_wait3A_51 : memref<1x96xi32, #tpu.memory_space<vmem>> -> memref<96xi32, #tpu.memory_space<vmem>>
    %dma_wait3A_53 = arith.constant 0 : i32
    %dma_wait3A_54 = tpu.memref_slice %arg6[%dma_wait3A_53] : memref<325632xi32, #tpu.memory_space<hbm>> -> memref<96xi32, #tpu.memory_space<hbm>>
    %dma_wait3A_55 = arith.constant 0 : i32
    %dma_wait3A_56 = tpu.memref_slice %arg13[%dma_wait3A_49, %dma_wait3A_55] : memref<2x96xi32, #tpu.memory_space<vmem>> -> memref<1x96xi32, #tpu.memory_space<vmem>>
    %dma_wait3A_57 = tpu.memref_squeeze %dma_wait3A_56 : memref<1x96xi32, #tpu.memory_space<vmem>> -> memref<96xi32, #tpu.memory_space<vmem>>
    %dma_wait3A_58 = arith.constant 0 : i32
    %dma_wait3A_59 = tpu.memref_slice %arg6[%dma_wait3A_58] : memref<325632xi32, #tpu.memory_space<hbm>> -> memref<96xi32, #tpu.memory_space<hbm>>
    tpu.wait_dma2 semaphore(%arg25 : memref<!tpu.dma_semaphore, #tpu.memory_space<semaphore_mem>>) src(%dma_wait3A_59 : memref<96xi32, #tpu.memory_space<hbm>>) dst(%dma_wait3A_57 : memref<96xi32, #tpu.memory_space<vmem>>)
    %dma_wait3A_60 = arith.constant 0 : i32
    %dma_wait3A_61 = arith.constant 0 : i32
    %dma_wait3A_62 = arith.constant 0 : i32
    %dma_wait3A_63 = tpu.memref_slice %arg16[%dma_wait3A_60, %dma_wait3A_61, %dma_wait3A_62] : memref<2x96x16xf32, #tpu.memory_space<vmem>> -> memref<1x96x16xf32, #tpu.memory_space<vmem>>
    %dma_wait3A_64 = tpu.memref_squeeze %dma_wait3A_63 : memref<1x96x16xf32, #tpu.memory_space<vmem>> -> memref<96x16xf32, #tpu.memory_space<vmem>>
    %dma_wait3A_65 = arith.constant 0 : i32
    %dma_wait3A_66 = arith.constant 0 : i32
    %dma_wait3A_67 = tpu.memref_slice %arg5[%dma_wait3A_65, %dma_wait3A_66] : memref<325632x16xf32, #tpu.memory_space<hbm>> -> memref<96x16xf32, #tpu.memory_space<hbm>>
    %dma_wait3A_68 = arith.constant 0 : i32
    %dma_wait3A_69 = arith.constant 0 : i32
    %dma_wait3A_70 = tpu.memref_slice %arg16[%dma_wait3A_60, %dma_wait3A_68, %dma_wait3A_69] : memref<2x96x16xf32, #tpu.memory_space<vmem>> -> memref<1x96x16xf32, #tpu.memory_space<vmem>>
    %dma_wait3A_71 = tpu.memref_squeeze %dma_wait3A_70 : memref<1x96x16xf32, #tpu.memory_space<vmem>> -> memref<96x16xf32, #tpu.memory_space<vmem>>
    %dma_wait3A_72 = arith.constant 0 : i32
    %dma_wait3A_73 = arith.constant 0 : i32
    %dma_wait3A_74 = tpu.memref_slice %arg5[%dma_wait3A_72, %dma_wait3A_73] : memref<325632x16xf32, #tpu.memory_space<hbm>> -> memref<96x16xf32, #tpu.memory_space<hbm>>
    tpu.wait_dma2 semaphore(%arg25 : memref<!tpu.dma_semaphore, #tpu.memory_space<semaphore_mem>>) src(%dma_wait3A_74 : memref<96x16xf32, #tpu.memory_space<hbm>>) dst(%dma_wait3A_71 : memref<96x16xf32, #tpu.memory_space<vmem>>)
    %dma_start3A_75 = arith.constant 0 : i32
    %dma_start3A_76 = arith.constant 0 : i32
    %dma_start3A_77 = arith.constant 0 : i32
    %dma_start3A_78 = arith.constant 0 : i32
    %dma_start3A_79 = tpu.memref_slice %arg14[%dma_start3A_76, %dma_start3A_77, %dma_start3A_78] : memref<2x96x16xf32, #tpu.memory_space<vmem>> -> memref<1x96x16xf32, #tpu.memory_space<vmem>>
    %dma_start3A_80 = tpu.memref_squeeze %dma_start3A_79 : memref<1x96x16xf32, #tpu.memory_space<vmem>> -> memref<96x16xf32, #tpu.memory_space<vmem>>
    %dma_start3A_81 = arith.constant 0 : i32
    %dma_start3A_82 = tpu.memref_slice %arg12[%dma_start3A_75, %dma_start3A_81] : memref<2x96xi32, #tpu.memory_space<vmem>> -> memref<1x96xi32, #tpu.memory_space<vmem>>
    %dma_start3A_83 = tpu.memref_squeeze %dma_start3A_82 : memref<1x96xi32, #tpu.memory_space<vmem>> -> memref<96xi32, #tpu.memory_space<vmem>>
    %dma_start3A_84 = arith.constant 0 : i32
    %dma_start3A_85 = arith.constant 0 : i32
    %dma_start3A_86 = tpu.memref_slice %arg2[%dma_start3A_84, %dma_start3A_85] : memref<10112x16xf32, #tpu.memory_space<hbm>> -> memref<10112x16xf32, #tpu.memory_space<hbm>>
    tpu.enqueue_indirect_dma source(%dma_start3A_86 : memref<10112x16xf32, #tpu.memory_space<hbm>>) target(%dma_start3A_80 : memref<96x16xf32, #tpu.memory_space<vmem>>) offsets(%dma_start3A_83 : memref<96xi32, #tpu.memory_space<vmem>>) semaphore(%arg21 : memref<!tpu.dma_semaphore, #tpu.memory_space<semaphore_mem>>)
    %dma_start3A_87 = arith.constant 0 : i32
    %dma_start3A_88 = arith.constant 0 : i32
    %dma_start3A_89 = arith.constant 0 : i32
    %dma_start3A_90 = arith.constant 0 : i32
    %dma_start3A_91 = tpu.memref_slice %arg15[%dma_start3A_88, %dma_start3A_89, %dma_start3A_90] : memref<2x96x16xf32, #tpu.memory_space<vmem>> -> memref<1x96x16xf32, #tpu.memory_space<vmem>>
    %dma_start3A_92 = tpu.memref_squeeze %dma_start3A_91 : memref<1x96x16xf32, #tpu.memory_space<vmem>> -> memref<96x16xf32, #tpu.memory_space<vmem>>
    %dma_start3A_93 = arith.constant 0 : i32
    %dma_start3A_94 = tpu.memref_slice %arg13[%dma_start3A_87, %dma_start3A_93] : memref<2x96xi32, #tpu.memory_space<vmem>> -> memref<1x96xi32, #tpu.memory_space<vmem>>
    %dma_start3A_95 = tpu.memref_squeeze %dma_start3A_94 : memref<1x96xi32, #tpu.memory_space<vmem>> -> memref<96xi32, #tpu.memory_space<vmem>>
    %dma_start3A_96 = arith.constant 0 : i32
    %dma_start3A_97 = arith.constant 0 : i32
    %dma_start3A_98 = tpu.memref_slice %arg3[%dma_start3A_96, %dma_start3A_97] : memref<10112x16xf32, #tpu.memory_space<hbm>> -> memref<10112x16xf32, #tpu.memory_space<hbm>>
    tpu.enqueue_indirect_dma source(%dma_start3A_98 : memref<10112x16xf32, #tpu.memory_space<hbm>>) target(%dma_start3A_92 : memref<96x16xf32, #tpu.memory_space<vmem>>) offsets(%dma_start3A_95 : memref<96xi32, #tpu.memory_space<vmem>>) semaphore(%arg21 : memref<!tpu.dma_semaphore, #tpu.memory_space<semaphore_mem>>)
    %dma_start3A_99 = arith.constant 0 : i32
    %dma_start3A_100 = arith.constant 0 : i32
    %dma_start3A_101 = arith.constant 0 : i32
    %dma_start3A_102 = arith.constant 0 : i32
    %dma_start3A_103 = tpu.memref_slice %arg18[%dma_start3A_100, %dma_start3A_101, %dma_start3A_102] : memref<2x96x128xf32, #tpu.memory_space<vmem>> -> memref<1x96x128xf32, #tpu.memory_space<vmem>>
    %dma_start3A_104 = tpu.memref_squeeze %dma_start3A_103 : memref<1x96x128xf32, #tpu.memory_space<vmem>> -> memref<96x128xf32, #tpu.memory_space<vmem>>
    %dma_start3A_105 = arith.constant 0 : i32
    %dma_start3A_106 = tpu.memref_slice %arg12[%dma_start3A_99, %dma_start3A_105] : memref<2x96xi32, #tpu.memory_space<vmem>> -> memref<1x96xi32, #tpu.memory_space<vmem>>
    %dma_start3A_107 = tpu.memref_squeeze %dma_start3A_106 : memref<1x96xi32, #tpu.memory_space<vmem>> -> memref<96xi32, #tpu.memory_space<vmem>>
    %dma_start3A_108 = arith.constant 0 : i32
    %dma_start3A_109 = arith.constant 0 : i32
    %dma_start3A_110 = tpu.memref_slice %arg4[%dma_start3A_108, %dma_start3A_109] : memref<10112x128xf32, #tpu.memory_space<hbm>> -> memref<10112x128xf32, #tpu.memory_space<hbm>>
    tpu.enqueue_indirect_dma source(%dma_start3A_110 : memref<10112x128xf32, #tpu.memory_space<hbm>>) target(%dma_start3A_104 : memref<96x128xf32, #tpu.memory_space<vmem>>) offsets(%dma_start3A_107 : memref<96xi32, #tpu.memory_space<vmem>>) semaphore(%arg21 : memref<!tpu.dma_semaphore, #tpu.memory_space<semaphore_mem>>)
    %scan3A = arith.constant 0 : i32
    %scan3A_111 = arith.constant 0 : i32
    %scan3A_112 = arith.constant 53 : i32
    %scan3A_113 = arith.addi %scan3A_111, %scan3A_112 : i32
    %scan3A_114 = arith.constant 1 : i32
    scf.for %scan3A_147 = %scan3A_111 to %scan3A_113 step %scan3A_114  : i32 {
      %mul3A_148 = arith.constant 2 : i32
      %mul3A_149 = arith.muli %scan3A_147, %mul3A_148 : i32
      %add3A_150 = arith.constant 0 : i32
      %add3A_151 = arith.addi %mul3A_149, %add3A_150 : i32
      %ge3A = arith.constant 1 : i32
      %ge3A_152 = arith.cmpi sge, %add3A_151, %ge3A : i32
      %convert_element_type3A = arith.extui %ge3A_152 : i1 to i32
      %cond3A = arith.constant 0 : i32
      %cond3A_153 = arith.cmpi ne, %convert_element_type3A, %cond3A : i32
      scf.if %cond3A_153 {
        %dma_wait3A_326 = arith.constant 1 : i32
        %dma_wait3A_327 = arith.constant 0 : i32
        %dma_wait3A_328 = arith.constant 0 : i32
        %dma_wait3A_329 = tpu.memref_slice %arg17[%dma_wait3A_326, %dma_wait3A_327, %dma_wait3A_328] : memref<2x96x16xf32, #tpu.memory_space<vmem>> -> memref<1x96x16xf32, #tpu.memory_space<vmem>>
        %dma_wait3A_330 = tpu.memref_squeeze %dma_wait3A_329 : memref<1x96x16xf32, #tpu.memory_space<vmem>> -> memref<96x16xf32, #tpu.memory_space<vmem>>
        %dma_wait3A_331 = arith.constant 0 : i32
        %dma_wait3A_332 = arith.constant 0 : i32
        %dma_wait3A_333 = tpu.memref_slice %arg2[%dma_wait3A_331, %dma_wait3A_332] : memref<10112x16xf32, #tpu.memory_space<hbm>> -> memref<96x16xf32, #tpu.memory_space<hbm>>
        %dma_wait3A_334 = arith.constant 0 : i32
        %dma_wait3A_335 = arith.constant 0 : i32
        %dma_wait3A_336 = tpu.memref_slice %arg17[%dma_wait3A_326, %dma_wait3A_334, %dma_wait3A_335] : memref<2x96x16xf32, #tpu.memory_space<vmem>> -> memref<1x96x16xf32, #tpu.memory_space<vmem>>
        %dma_wait3A_337 = tpu.memref_squeeze %dma_wait3A_336 : memref<1x96x16xf32, #tpu.memory_space<vmem>> -> memref<96x16xf32, #tpu.memory_space<vmem>>
        %dma_wait3A_338 = arith.constant 0 : i32
        %dma_wait3A_339 = arith.constant 0 : i32
        %dma_wait3A_340 = tpu.memref_slice %arg2[%dma_wait3A_338, %dma_wait3A_339] : memref<10112x16xf32, #tpu.memory_space<hbm>> -> memref<96x16xf32, #tpu.memory_space<hbm>>
        tpu.wait_dma2 semaphore(%arg24 : memref<!tpu.dma_semaphore, #tpu.memory_space<semaphore_mem>>) src(%dma_wait3A_340 : memref<96x16xf32, #tpu.memory_space<hbm>>) dst(%dma_wait3A_337 : memref<96x16xf32, #tpu.memory_space<vmem>>)
        %dma_wait3A_341 = arith.constant 1 : i32
        %dma_wait3A_342 = arith.constant 0 : i32
        %dma_wait3A_343 = arith.constant 0 : i32
        %dma_wait3A_344 = tpu.memref_slice %arg18[%dma_wait3A_341, %dma_wait3A_342, %dma_wait3A_343] : memref<2x96x128xf32, #tpu.memory_space<vmem>> -> memref<1x96x128xf32, #tpu.memory_space<vmem>>
        %dma_wait3A_345 = tpu.memref_squeeze %dma_wait3A_344 : memref<1x96x128xf32, #tpu.memory_space<vmem>> -> memref<96x128xf32, #tpu.memory_space<vmem>>
        %dma_wait3A_346 = arith.constant 0 : i32
        %dma_wait3A_347 = arith.constant 0 : i32
        %dma_wait3A_348 = tpu.memref_slice %arg4[%dma_wait3A_346, %dma_wait3A_347] : memref<10112x128xf32, #tpu.memory_space<hbm>> -> memref<96x128xf32, #tpu.memory_space<hbm>>
        %dma_wait3A_349 = arith.constant 0 : i32
        %dma_wait3A_350 = arith.constant 0 : i32
        %dma_wait3A_351 = tpu.memref_slice %arg18[%dma_wait3A_341, %dma_wait3A_349, %dma_wait3A_350] : memref<2x96x128xf32, #tpu.memory_space<vmem>> -> memref<1x96x128xf32, #tpu.memory_space<vmem>>
        %dma_wait3A_352 = tpu.memref_squeeze %dma_wait3A_351 : memref<1x96x128xf32, #tpu.memory_space<vmem>> -> memref<96x128xf32, #tpu.memory_space<vmem>>
        %dma_wait3A_353 = arith.constant 0 : i32
        %dma_wait3A_354 = arith.constant 0 : i32
        %dma_wait3A_355 = tpu.memref_slice %arg4[%dma_wait3A_353, %dma_wait3A_354] : memref<10112x128xf32, #tpu.memory_space<hbm>> -> memref<96x128xf32, #tpu.memory_space<hbm>>
        tpu.wait_dma2 semaphore(%arg24 : memref<!tpu.dma_semaphore, #tpu.memory_space<semaphore_mem>>) src(%dma_wait3A_355 : memref<96x128xf32, #tpu.memory_space<hbm>>) dst(%dma_wait3A_352 : memref<96x128xf32, #tpu.memory_space<vmem>>)
      } else {
      }
      %add3A_154 = arith.constant 1 : i32
      %add3A_155 = arith.addi %add3A_151, %add3A_154 : i32
      %lt3A = arith.constant 106 : i32
      %lt3A_156 = arith.cmpi slt, %add3A_155, %lt3A : i32
      %convert_element_type3A_157 = arith.extui %lt3A_156 : i1 to i32
      %cond3A_158 = arith.constant 0 : i32
      %cond3A_159 = arith.cmpi ne, %convert_element_type3A_157, %cond3A_158 : i32
      scf.if %cond3A_159 {
        %add3A_326 = arith.constant 1 : i32
        %add3A_327 = arith.addi %add3A_151, %add3A_326 : i32
        %mul3A_328 = arith.constant 96 : i32
        %mul3A_329 = arith.muli %add3A_327, %mul3A_328 : i32
        %add3A_330 = arith.addi %mul3A_6, %mul3A_329 : i32
        %dma_start3A_331 = arith.constant 1 : i32
        %dma_start3A_332 = arith.constant 0 : i32
        %dma_start3A_333 = tpu.memref_slice %arg12[%dma_start3A_331, %dma_start3A_332] : memref<2x96xi32, #tpu.memory_space<vmem>> -> memref<1x96xi32, #tpu.memory_space<vmem>>
        %dma_start3A_334 = tpu.memref_squeeze %dma_start3A_333 : memref<1x96xi32, #tpu.memory_space<vmem>> -> memref<96xi32, #tpu.memory_space<vmem>>
        %dma_start3A_335 = tpu.memref_slice %arg6[%add3A_330] : memref<325632xi32, #tpu.memory_space<hbm>> -> memref<96xi32, #tpu.memory_space<hbm>>
        %dma_start3A_336 = arith.constant 0 : i32
        %dma_start3A_337 = tpu.memref_slice %arg12[%dma_start3A_331, %dma_start3A_336] : memref<2x96xi32, #tpu.memory_space<vmem>> -> memref<1x96xi32, #tpu.memory_space<vmem>>
        %dma_start3A_338 = tpu.memref_squeeze %dma_start3A_337 : memref<1x96xi32, #tpu.memory_space<vmem>> -> memref<96xi32, #tpu.memory_space<vmem>>
        %dma_start3A_339 = tpu.memref_slice %arg6[%add3A_330] : memref<325632xi32, #tpu.memory_space<hbm>> -> memref<96xi32, #tpu.memory_space<hbm>>
        tpu.enqueue_dma source(%dma_start3A_339 : memref<96xi32, #tpu.memory_space<hbm>>) target(%dma_start3A_338 : memref<96xi32, #tpu.memory_space<vmem>>) target_semaphore(%arg26 : memref<!tpu.dma_semaphore, #tpu.memory_space<semaphore_mem>>)
        %dma_start3A_340 = arith.constant 1 : i32
        %dma_start3A_341 = arith.constant 0 : i32
        %dma_start3A_342 = tpu.memref_slice %arg13[%dma_start3A_340, %dma_start3A_341] : memref<2x96xi32, #tpu.memory_space<vmem>> -> memref<1x96xi32, #tpu.memory_space<vmem>>
        %dma_start3A_343 = tpu.memref_squeeze %dma_start3A_342 : memref<1x96xi32, #tpu.memory_space<vmem>> -> memref<96xi32, #tpu.memory_space<vmem>>
        %dma_start3A_344 = tpu.memref_slice %arg7[%add3A_330] : memref<325632xi32, #tpu.memory_space<hbm>> -> memref<96xi32, #tpu.memory_space<hbm>>
        %dma_start3A_345 = arith.constant 0 : i32
        %dma_start3A_346 = tpu.memref_slice %arg13[%dma_start3A_340, %dma_start3A_345] : memref<2x96xi32, #tpu.memory_space<vmem>> -> memref<1x96xi32, #tpu.memory_space<vmem>>
        %dma_start3A_347 = tpu.memref_squeeze %dma_start3A_346 : memref<1x96xi32, #tpu.memory_space<vmem>> -> memref<96xi32, #tpu.memory_space<vmem>>
        %dma_start3A_348 = tpu.memref_slice %arg7[%add3A_330] : memref<325632xi32, #tpu.memory_space<hbm>> -> memref<96xi32, #tpu.memory_space<hbm>>
        tpu.enqueue_dma source(%dma_start3A_348 : memref<96xi32, #tpu.memory_space<hbm>>) target(%dma_start3A_347 : memref<96xi32, #tpu.memory_space<vmem>>) target_semaphore(%arg26 : memref<!tpu.dma_semaphore, #tpu.memory_space<semaphore_mem>>)
        %dma_start3A_349 = arith.constant 1 : i32
        %dma_start3A_350 = arith.constant 0 : i32
        %dma_start3A_351 = arith.constant 0 : i32
        %dma_start3A_352 = tpu.memref_slice %arg16[%dma_start3A_349, %dma_start3A_350, %dma_start3A_351] : memref<2x96x16xf32, #tpu.memory_space<vmem>> -> memref<1x96x16xf32, #tpu.memory_space<vmem>>
        %dma_start3A_353 = tpu.memref_squeeze %dma_start3A_352 : memref<1x96x16xf32, #tpu.memory_space<vmem>> -> memref<96x16xf32, #tpu.memory_space<vmem>>
        %dma_start3A_354 = arith.constant 0 : i32
        %dma_start3A_355 = tpu.memref_slice %arg5[%add3A_330, %dma_start3A_354] : memref<325632x16xf32, #tpu.memory_space<hbm>> -> memref<96x16xf32, #tpu.memory_space<hbm>>
        %dma_start3A_356 = arith.constant 0 : i32
        %dma_start3A_357 = arith.constant 0 : i32
        %dma_start3A_358 = tpu.memref_slice %arg16[%dma_start3A_349, %dma_start3A_356, %dma_start3A_357] : memref<2x96x16xf32, #tpu.memory_space<vmem>> -> memref<1x96x16xf32, #tpu.memory_space<vmem>>
        %dma_start3A_359 = tpu.memref_squeeze %dma_start3A_358 : memref<1x96x16xf32, #tpu.memory_space<vmem>> -> memref<96x16xf32, #tpu.memory_space<vmem>>
        %dma_start3A_360 = arith.constant 0 : i32
        %dma_start3A_361 = tpu.memref_slice %arg5[%add3A_330, %dma_start3A_360] : memref<325632x16xf32, #tpu.memory_space<hbm>> -> memref<96x16xf32, #tpu.memory_space<hbm>>
        tpu.enqueue_dma source(%dma_start3A_361 : memref<96x16xf32, #tpu.memory_space<hbm>>) target(%dma_start3A_359 : memref<96x16xf32, #tpu.memory_space<vmem>>) target_semaphore(%arg26 : memref<!tpu.dma_semaphore, #tpu.memory_space<semaphore_mem>>)
        %dma_wait3A_362 = arith.constant 1 : i32
        %dma_wait3A_363 = arith.constant 0 : i32
        %dma_wait3A_364 = tpu.memref_slice %arg12[%dma_wait3A_362, %dma_wait3A_363] : memref<2x96xi32, #tpu.memory_space<vmem>> -> memref<1x96xi32, #tpu.memory_space<vmem>>
        %dma_wait3A_365 = tpu.memref_squeeze %dma_wait3A_364 : memref<1x96xi32, #tpu.memory_space<vmem>> -> memref<96xi32, #tpu.memory_space<vmem>>
        %dma_wait3A_366 = arith.constant 0 : i32
        %dma_wait3A_367 = tpu.memref_slice %arg6[%dma_wait3A_366] : memref<325632xi32, #tpu.memory_space<hbm>> -> memref<96xi32, #tpu.memory_space<hbm>>
        %dma_wait3A_368 = arith.constant 0 : i32
        %dma_wait3A_369 = tpu.memref_slice %arg12[%dma_wait3A_362, %dma_wait3A_368] : memref<2x96xi32, #tpu.memory_space<vmem>> -> memref<1x96xi32, #tpu.memory_space<vmem>>
        %dma_wait3A_370 = tpu.memref_squeeze %dma_wait3A_369 : memref<1x96xi32, #tpu.memory_space<vmem>> -> memref<96xi32, #tpu.memory_space<vmem>>
        %dma_wait3A_371 = arith.constant 0 : i32
        %dma_wait3A_372 = tpu.memref_slice %arg6[%dma_wait3A_371] : memref<325632xi32, #tpu.memory_space<hbm>> -> memref<96xi32, #tpu.memory_space<hbm>>
        tpu.wait_dma2 semaphore(%arg26 : memref<!tpu.dma_semaphore, #tpu.memory_space<semaphore_mem>>) src(%dma_wait3A_372 : memref<96xi32, #tpu.memory_space<hbm>>) dst(%dma_wait3A_370 : memref<96xi32, #tpu.memory_space<vmem>>)
        %dma_wait3A_373 = arith.constant 1 : i32
        %dma_wait3A_374 = arith.constant 0 : i32
        %dma_wait3A_375 = tpu.memref_slice %arg13[%dma_wait3A_373, %dma_wait3A_374] : memref<2x96xi32, #tpu.memory_space<vmem>> -> memref<1x96xi32, #tpu.memory_space<vmem>>
        %dma_wait3A_376 = tpu.memref_squeeze %dma_wait3A_375 : memref<1x96xi32, #tpu.memory_space<vmem>> -> memref<96xi32, #tpu.memory_space<vmem>>
        %dma_wait3A_377 = arith.constant 0 : i32
        %dma_wait3A_378 = tpu.memref_slice %arg6[%dma_wait3A_377] : memref<325632xi32, #tpu.memory_space<hbm>> -> memref<96xi32, #tpu.memory_space<hbm>>
        %dma_wait3A_379 = arith.constant 0 : i32
        %dma_wait3A_380 = tpu.memref_slice %arg13[%dma_wait3A_373, %dma_wait3A_379] : memref<2x96xi32, #tpu.memory_space<vmem>> -> memref<1x96xi32, #tpu.memory_space<vmem>>
        %dma_wait3A_381 = tpu.memref_squeeze %dma_wait3A_380 : memref<1x96xi32, #tpu.memory_space<vmem>> -> memref<96xi32, #tpu.memory_space<vmem>>
        %dma_wait3A_382 = arith.constant 0 : i32
        %dma_wait3A_383 = tpu.memref_slice %arg6[%dma_wait3A_382] : memref<325632xi32, #tpu.memory_space<hbm>> -> memref<96xi32, #tpu.memory_space<hbm>>
        tpu.wait_dma2 semaphore(%arg26 : memref<!tpu.dma_semaphore, #tpu.memory_space<semaphore_mem>>) src(%dma_wait3A_383 : memref<96xi32, #tpu.memory_space<hbm>>) dst(%dma_wait3A_381 : memref<96xi32, #tpu.memory_space<vmem>>)
        %dma_wait3A_384 = arith.constant 1 : i32
        %dma_wait3A_385 = arith.constant 0 : i32
        %dma_wait3A_386 = arith.constant 0 : i32
        %dma_wait3A_387 = tpu.memref_slice %arg16[%dma_wait3A_384, %dma_wait3A_385, %dma_wait3A_386] : memref<2x96x16xf32, #tpu.memory_space<vmem>> -> memref<1x96x16xf32, #tpu.memory_space<vmem>>
        %dma_wait3A_388 = tpu.memref_squeeze %dma_wait3A_387 : memref<1x96x16xf32, #tpu.memory_space<vmem>> -> memref<96x16xf32, #tpu.memory_space<vmem>>
        %dma_wait3A_389 = arith.constant 0 : i32
        %dma_wait3A_390 = arith.constant 0 : i32
        %dma_wait3A_391 = tpu.memref_slice %arg5[%dma_wait3A_389, %dma_wait3A_390] : memref<325632x16xf32, #tpu.memory_space<hbm>> -> memref<96x16xf32, #tpu.memory_space<hbm>>
        %dma_wait3A_392 = arith.constant 0 : i32
        %dma_wait3A_393 = arith.constant 0 : i32
        %dma_wait3A_394 = tpu.memref_slice %arg16[%dma_wait3A_384, %dma_wait3A_392, %dma_wait3A_393] : memref<2x96x16xf32, #tpu.memory_space<vmem>> -> memref<1x96x16xf32, #tpu.memory_space<vmem>>
        %dma_wait3A_395 = tpu.memref_squeeze %dma_wait3A_394 : memref<1x96x16xf32, #tpu.memory_space<vmem>> -> memref<96x16xf32, #tpu.memory_space<vmem>>
        %dma_wait3A_396 = arith.constant 0 : i32
        %dma_wait3A_397 = arith.constant 0 : i32
        %dma_wait3A_398 = tpu.memref_slice %arg5[%dma_wait3A_396, %dma_wait3A_397] : memref<325632x16xf32, #tpu.memory_space<hbm>> -> memref<96x16xf32, #tpu.memory_space<hbm>>
        tpu.wait_dma2 semaphore(%arg26 : memref<!tpu.dma_semaphore, #tpu.memory_space<semaphore_mem>>) src(%dma_wait3A_398 : memref<96x16xf32, #tpu.memory_space<hbm>>) dst(%dma_wait3A_395 : memref<96x16xf32, #tpu.memory_space<vmem>>)
        %dma_start3A_399 = arith.constant 1 : i32
        %dma_start3A_400 = arith.constant 1 : i32
        %dma_start3A_401 = arith.constant 0 : i32
        %dma_start3A_402 = arith.constant 0 : i32
        %dma_start3A_403 = tpu.memref_slice %arg14[%dma_start3A_400, %dma_start3A_401, %dma_start3A_402] : memref<2x96x16xf32, #tpu.memory_space<vmem>> -> memref<1x96x16xf32, #tpu.memory_space<vmem>>
        %dma_start3A_404 = tpu.memref_squeeze %dma_start3A_403 : memref<1x96x16xf32, #tpu.memory_space<vmem>> -> memref<96x16xf32, #tpu.memory_space<vmem>>
        %dma_start3A_405 = arith.constant 0 : i32
        %dma_start3A_406 = tpu.memref_slice %arg12[%dma_start3A_399, %dma_start3A_405] : memref<2x96xi32, #tpu.memory_space<vmem>> -> memref<1x96xi32, #tpu.memory_space<vmem>>
        %dma_start3A_407 = tpu.memref_squeeze %dma_start3A_406 : memref<1x96xi32, #tpu.memory_space<vmem>> -> memref<96xi32, #tpu.memory_space<vmem>>
        %dma_start3A_408 = arith.constant 0 : i32
        %dma_start3A_409 = arith.constant 0 : i32
        %dma_start3A_410 = tpu.memref_slice %arg2[%dma_start3A_408, %dma_start3A_409] : memref<10112x16xf32, #tpu.memory_space<hbm>> -> memref<10112x16xf32, #tpu.memory_space<hbm>>
        tpu.enqueue_indirect_dma source(%dma_start3A_410 : memref<10112x16xf32, #tpu.memory_space<hbm>>) target(%dma_start3A_404 : memref<96x16xf32, #tpu.memory_space<vmem>>) offsets(%dma_start3A_407 : memref<96xi32, #tpu.memory_space<vmem>>) semaphore(%arg22 : memref<!tpu.dma_semaphore, #tpu.memory_space<semaphore_mem>>)
        %dma_start3A_411 = arith.constant 1 : i32
        %dma_start3A_412 = arith.constant 1 : i32
        %dma_start3A_413 = arith.constant 0 : i32
        %dma_start3A_414 = arith.constant 0 : i32
        %dma_start3A_415 = tpu.memref_slice %arg15[%dma_start3A_412, %dma_start3A_413, %dma_start3A_414] : memref<2x96x16xf32, #tpu.memory_space<vmem>> -> memref<1x96x16xf32, #tpu.memory_space<vmem>>
        %dma_start3A_416 = tpu.memref_squeeze %dma_start3A_415 : memref<1x96x16xf32, #tpu.memory_space<vmem>> -> memref<96x16xf32, #tpu.memory_space<vmem>>
        %dma_start3A_417 = arith.constant 0 : i32
        %dma_start3A_418 = tpu.memref_slice %arg13[%dma_start3A_411, %dma_start3A_417] : memref<2x96xi32, #tpu.memory_space<vmem>> -> memref<1x96xi32, #tpu.memory_space<vmem>>
        %dma_start3A_419 = tpu.memref_squeeze %dma_start3A_418 : memref<1x96xi32, #tpu.memory_space<vmem>> -> memref<96xi32, #tpu.memory_space<vmem>>
        %dma_start3A_420 = arith.constant 0 : i32
        %dma_start3A_421 = arith.constant 0 : i32
        %dma_start3A_422 = tpu.memref_slice %arg3[%dma_start3A_420, %dma_start3A_421] : memref<10112x16xf32, #tpu.memory_space<hbm>> -> memref<10112x16xf32, #tpu.memory_space<hbm>>
        tpu.enqueue_indirect_dma source(%dma_start3A_422 : memref<10112x16xf32, #tpu.memory_space<hbm>>) target(%dma_start3A_416 : memref<96x16xf32, #tpu.memory_space<vmem>>) offsets(%dma_start3A_419 : memref<96xi32, #tpu.memory_space<vmem>>) semaphore(%arg22 : memref<!tpu.dma_semaphore, #tpu.memory_space<semaphore_mem>>)
        %dma_start3A_423 = arith.constant 1 : i32
        %dma_start3A_424 = arith.constant 1 : i32
        %dma_start3A_425 = arith.constant 0 : i32
        %dma_start3A_426 = arith.constant 0 : i32
        %dma_start3A_427 = tpu.memref_slice %arg18[%dma_start3A_424, %dma_start3A_425, %dma_start3A_426] : memref<2x96x128xf32, #tpu.memory_space<vmem>> -> memref<1x96x128xf32, #tpu.memory_space<vmem>>
        %dma_start3A_428 = tpu.memref_squeeze %dma_start3A_427 : memref<1x96x128xf32, #tpu.memory_space<vmem>> -> memref<96x128xf32, #tpu.memory_space<vmem>>
        %dma_start3A_429 = arith.constant 0 : i32
        %dma_start3A_430 = tpu.memref_slice %arg12[%dma_start3A_423, %dma_start3A_429] : memref<2x96xi32, #tpu.memory_space<vmem>> -> memref<1x96xi32, #tpu.memory_space<vmem>>
        %dma_start3A_431 = tpu.memref_squeeze %dma_start3A_430 : memref<1x96xi32, #tpu.memory_space<vmem>> -> memref<96xi32, #tpu.memory_space<vmem>>
        %dma_start3A_432 = arith.constant 0 : i32
        %dma_start3A_433 = arith.constant 0 : i32
        %dma_start3A_434 = tpu.memref_slice %arg4[%dma_start3A_432, %dma_start3A_433] : memref<10112x128xf32, #tpu.memory_space<hbm>> -> memref<10112x128xf32, #tpu.memory_space<hbm>>
        tpu.enqueue_indirect_dma source(%dma_start3A_434 : memref<10112x128xf32, #tpu.memory_space<hbm>>) target(%dma_start3A_428 : memref<96x128xf32, #tpu.memory_space<vmem>>) offsets(%dma_start3A_431 : memref<96xi32, #tpu.memory_space<vmem>>) semaphore(%arg22 : memref<!tpu.dma_semaphore, #tpu.memory_space<semaphore_mem>>)
      } else {
      }
      %dma_wait3A_160 = arith.constant 0 : i32
      %dma_wait3A_161 = arith.constant 0 : i32
      %dma_wait3A_162 = arith.constant 0 : i32
      %dma_wait3A_163 = tpu.memref_slice %arg14[%dma_wait3A_160, %dma_wait3A_161, %dma_wait3A_162] : memref<2x96x16xf32, #tpu.memory_space<vmem>> -> memref<1x96x16xf32, #tpu.memory_space<vmem>>
      %dma_wait3A_164 = tpu.memref_squeeze %dma_wait3A_163 : memref<1x96x16xf32, #tpu.memory_space<vmem>> -> memref<96x16xf32, #tpu.memory_space<vmem>>
      %dma_wait3A_165 = arith.constant 0 : i32
      %dma_wait3A_166 = arith.constant 0 : i32
      %dma_wait3A_167 = tpu.memref_slice %arg2[%dma_wait3A_165, %dma_wait3A_166] : memref<10112x16xf32, #tpu.memory_space<hbm>> -> memref<96x16xf32, #tpu.memory_space<hbm>>
      %dma_wait3A_168 = arith.constant 0 : i32
      %dma_wait3A_169 = arith.constant 0 : i32
      %dma_wait3A_170 = tpu.memref_slice %arg14[%dma_wait3A_160, %dma_wait3A_168, %dma_wait3A_169] : memref<2x96x16xf32, #tpu.memory_space<vmem>> -> memref<1x96x16xf32, #tpu.memory_space<vmem>>
      %dma_wait3A_171 = tpu.memref_squeeze %dma_wait3A_170 : memref<1x96x16xf32, #tpu.memory_space<vmem>> -> memref<96x16xf32, #tpu.memory_space<vmem>>
      %dma_wait3A_172 = arith.constant 0 : i32
      %dma_wait3A_173 = arith.constant 0 : i32
      %dma_wait3A_174 = tpu.memref_slice %arg2[%dma_wait3A_172, %dma_wait3A_173] : memref<10112x16xf32, #tpu.memory_space<hbm>> -> memref<96x16xf32, #tpu.memory_space<hbm>>
      tpu.wait_dma2 semaphore(%arg21 : memref<!tpu.dma_semaphore, #tpu.memory_space<semaphore_mem>>) src(%dma_wait3A_174 : memref<96x16xf32, #tpu.memory_space<hbm>>) dst(%dma_wait3A_171 : memref<96x16xf32, #tpu.memory_space<vmem>>)
      %dma_wait3A_175 = arith.constant 0 : i32
      %dma_wait3A_176 = arith.constant 0 : i32
      %dma_wait3A_177 = arith.constant 0 : i32
      %dma_wait3A_178 = tpu.memref_slice %arg15[%dma_wait3A_175, %dma_wait3A_176, %dma_wait3A_177] : memref<2x96x16xf32, #tpu.memory_space<vmem>> -> memref<1x96x16xf32, #tpu.memory_space<vmem>>
      %dma_wait3A_179 = tpu.memref_squeeze %dma_wait3A_178 : memref<1x96x16xf32, #tpu.memory_space<vmem>> -> memref<96x16xf32, #tpu.memory_space<vmem>>
      %dma_wait3A_180 = arith.constant 0 : i32
      %dma_wait3A_181 = arith.constant 0 : i32
      %dma_wait3A_182 = tpu.memref_slice %arg2[%dma_wait3A_180, %dma_wait3A_181] : memref<10112x16xf32, #tpu.memory_space<hbm>> -> memref<96x16xf32, #tpu.memory_space<hbm>>
      %dma_wait3A_183 = arith.constant 0 : i32
      %dma_wait3A_184 = arith.constant 0 : i32
      %dma_wait3A_185 = tpu.memref_slice %arg15[%dma_wait3A_175, %dma_wait3A_183, %dma_wait3A_184] : memref<2x96x16xf32, #tpu.memory_space<vmem>> -> memref<1x96x16xf32, #tpu.memory_space<vmem>>
      %dma_wait3A_186 = tpu.memref_squeeze %dma_wait3A_185 : memref<1x96x16xf32, #tpu.memory_space<vmem>> -> memref<96x16xf32, #tpu.memory_space<vmem>>
      %dma_wait3A_187 = arith.constant 0 : i32
      %dma_wait3A_188 = arith.constant 0 : i32
      %dma_wait3A_189 = tpu.memref_slice %arg2[%dma_wait3A_187, %dma_wait3A_188] : memref<10112x16xf32, #tpu.memory_space<hbm>> -> memref<96x16xf32, #tpu.memory_space<hbm>>
      tpu.wait_dma2 semaphore(%arg21 : memref<!tpu.dma_semaphore, #tpu.memory_space<semaphore_mem>>) src(%dma_wait3A_189 : memref<96x16xf32, #tpu.memory_space<hbm>>) dst(%dma_wait3A_186 : memref<96x16xf32, #tpu.memory_space<vmem>>)
      %dma_wait3A_190 = arith.constant 0 : i32
      %dma_wait3A_191 = arith.constant 0 : i32
      %dma_wait3A_192 = arith.constant 0 : i32
      %dma_wait3A_193 = tpu.memref_slice %arg18[%dma_wait3A_190, %dma_wait3A_191, %dma_wait3A_192] : memref<2x96x128xf32, #tpu.memory_space<vmem>> -> memref<1x96x128xf32, #tpu.memory_space<vmem>>
      %dma_wait3A_194 = tpu.memref_squeeze %dma_wait3A_193 : memref<1x96x128xf32, #tpu.memory_space<vmem>> -> memref<96x128xf32, #tpu.memory_space<vmem>>
      %dma_wait3A_195 = arith.constant 0 : i32
      %dma_wait3A_196 = arith.constant 0 : i32
      %dma_wait3A_197 = tpu.memref_slice %arg4[%dma_wait3A_195, %dma_wait3A_196] : memref<10112x128xf32, #tpu.memory_space<hbm>> -> memref<96x128xf32, #tpu.memory_space<hbm>>
      %dma_wait3A_198 = arith.constant 0 : i32
      %dma_wait3A_199 = arith.constant 0 : i32
      %dma_wait3A_200 = tpu.memref_slice %arg18[%dma_wait3A_190, %dma_wait3A_198, %dma_wait3A_199] : memref<2x96x128xf32, #tpu.memory_space<vmem>> -> memref<1x96x128xf32, #tpu.memory_space<vmem>>
      %dma_wait3A_201 = tpu.memref_squeeze %dma_wait3A_200 : memref<1x96x128xf32, #tpu.memory_space<vmem>> -> memref<96x128xf32, #tpu.memory_space<vmem>>
      %dma_wait3A_202 = arith.constant 0 : i32
      %dma_wait3A_203 = arith.constant 0 : i32
      %dma_wait3A_204 = tpu.memref_slice %arg4[%dma_wait3A_202, %dma_wait3A_203] : memref<10112x128xf32, #tpu.memory_space<hbm>> -> memref<96x128xf32, #tpu.memory_space<hbm>>
      tpu.wait_dma2 semaphore(%arg21 : memref<!tpu.dma_semaphore, #tpu.memory_space<semaphore_mem>>) src(%dma_wait3A_204 : memref<96x128xf32, #tpu.memory_space<hbm>>) dst(%dma_wait3A_201 : memref<96x128xf32, #tpu.memory_space<vmem>>)
      %scan3A_205 = arith.constant 0 : i32
      %scan3A_206 = arith.constant 0 : i32
      %scan3A_207 = arith.constant 96 : i32
      %scan3A_208 = arith.addi %scan3A_206, %scan3A_207 : i32
      %scan3A_209 = arith.constant 4 : i32
      scf.for %scan3A_326 = %scan3A_206 to %scan3A_208 step %scan3A_209  : i32 {
        %get3A = arith.constant 0 : i32
        %get3A_327 = arith.index_cast %get3A : i32 to index
        %get3A_328 = arith.index_cast %scan3A_326 : i32 to index
        %get3A_329 = arith.constant 0 : index
        %get3A_330 = tpu.vector_load %arg14[%get3A_327, %get3A_328, %get3A_329] {strides = array<i32>} : memref<2x96x16xf32, #tpu.memory_space<vmem>>, vector<1x1x16xf32>,
        %get3A_331 = vector.shape_cast %get3A_330 : vector<1x1x16xf32> to vector<16xf32>
        %get3A_332 = arith.constant 0 : i32
        %get3A_333 = arith.index_cast %get3A_332 : i32 to index
        %get3A_334 = arith.index_cast %scan3A_326 : i32 to index
        %get3A_335 = arith.constant 0 : index
        %get3A_336 = tpu.vector_load %arg15[%get3A_333, %get3A_334, %get3A_335] {strides = array<i32>} : memref<2x96x16xf32, #tpu.memory_space<vmem>>, vector<1x1x16xf32>,
        %get3A_337 = vector.shape_cast %get3A_336 : vector<1x1x16xf32> to vector<16xf32>
        %add3A_338 = arith.addf %get3A_331, %get3A_337 : vector<16xf32>
        %get3A_339 = arith.constant 0 : i32
        %get3A_340 = arith.index_cast %get3A_339 : i32 to index
        %get3A_341 = arith.index_cast %scan3A_326 : i32 to index
        %get3A_342 = arith.constant 0 : index
        %get3A_343 = tpu.vector_load %arg16[%get3A_340, %get3A_341, %get3A_342] {strides = array<i32>} : memref<2x96x16xf32, #tpu.memory_space<vmem>>, vector<1x1x16xf32>,
        %get3A_344 = vector.shape_cast %get3A_343 : vector<1x1x16xf32> to vector<16xf32>
        %add3A_345 = arith.addf %add3A_338, %get3A_344 : vector<16xf32>
        %mul3A_346 = arith.constant 2.000000e-01 : f32
        %mul3A_347 = vector.broadcast %mul3A_346 : f32 to vector<16xf32>
        %mul3A_348 = arith.mulf %add3A_345, %mul3A_347 : vector<16xf32>
        %max3A = arith.maximumf %add3A_345, %mul3A_348 : vector<16xf32>
        %exp3A = math.exp %max3A : vector<16xf32>
        %swap3A = arith.constant 0 : i32
        %swap3A_349 = arith.index_cast %swap3A : i32 to index
        %swap3A_350 = arith.index_cast %scan3A_326 : i32 to index
        %swap3A_351 = arith.constant 0 : index
        %swap3A_352 = tpu.vector_load %arg17[%swap3A_349, %swap3A_350, %swap3A_351] {strides = array<i32>} : memref<2x96x16xf32, #tpu.memory_space<vmem>>, vector<1x1x16xf32>,
        %swap3A_353 = vector.shape_cast %swap3A_352 : vector<1x1x16xf32> to vector<16xf32>
        %swap3A_354 = vector.shape_cast %exp3A : vector<16xf32> to vector<1x1x16xf32>
        tpu.vector_store %arg17[%swap3A_349, %swap3A_350, %swap3A_351], %swap3A_354 {strides = array<i32>} : memref<2x96x16xf32, #tpu.memory_space<vmem>>, vector<1x1x16xf32>,
        %slice3A = vector.extract_strided_slice %exp3A {offsets = [0], sizes = [1], strides = [1]} : vector<16xf32> to vector<1xf32>
        %squeeze3A = vector.extract %slice3A[0] : f32 from vector<1xf32>
        %broadcast_in_dim3A = vector.broadcast %squeeze3A : f32 to vector<16xf32>
        %get3A_355 = arith.constant 0 : i32
        %get3A_356 = arith.index_cast %get3A_355 : i32 to index
        %get3A_357 = arith.index_cast %scan3A_326 : i32 to index
        %get3A_358 = arith.constant 0 : index
        %get3A_359 = tpu.vector_load %arg18[%get3A_356, %get3A_357, %get3A_358] {strides = array<i32>} : memref<2x96x128xf32, #tpu.memory_space<vmem>>, vector<1x1x16xf32>,
        %get3A_360 = vector.shape_cast %get3A_359 : vector<1x1x16xf32> to vector<16xf32>
        %mul3A_361 = arith.mulf %get3A_360, %broadcast_in_dim3A : vector<16xf32>
        %swap3A_362 = arith.constant 0 : i32
        %swap3A_363 = arith.index_cast %swap3A_362 : i32 to index
        %swap3A_364 = arith.index_cast %scan3A_326 : i32 to index
        %swap3A_365 = arith.constant 0 : index
        %swap3A_366 = tpu.vector_load %arg18[%swap3A_363, %swap3A_364, %swap3A_365] {strides = array<i32>} : memref<2x96x128xf32, #tpu.memory_space<vmem>>, vector<1x1x16xf32>,
        %swap3A_367 = vector.shape_cast %swap3A_366 : vector<1x1x16xf32> to vector<16xf32>
        %swap3A_368 = vector.shape_cast %mul3A_361 : vector<16xf32> to vector<1x1x16xf32>
        tpu.vector_store %arg18[%swap3A_363, %swap3A_364, %swap3A_365], %swap3A_368 {strides = array<i32>} : memref<2x96x128xf32, #tpu.memory_space<vmem>>, vector<1x1x16xf32>,
        %slice3A_369 = vector.extract_strided_slice %exp3A {offsets = [1], sizes = [1], strides = [1]} : vector<16xf32> to vector<1xf32>
        %squeeze3A_370 = vector.extract %slice3A_369[0] : f32 from vector<1xf32>
        %broadcast_in_dim3A_371 = vector.broadcast %squeeze3A_370 : f32 to vector<16xf32>
        %get3A_372 = arith.constant 0 : i32
        %get3A_373 = arith.index_cast %get3A_372 : i32 to index
        %get3A_374 = arith.index_cast %scan3A_326 : i32 to index
        %get3A_375 = arith.constant 16 : index
        %get3A_376 = tpu.vector_load %arg18[%get3A_373, %get3A_374, %get3A_375] {strides = array<i32>} : memref<2x96x128xf32, #tpu.memory_space<vmem>>, vector<1x1x16xf32>,
        %get3A_377 = vector.shape_cast %get3A_376 : vector<1x1x16xf32> to vector<16xf32>
        %mul3A_378 = arith.mulf %get3A_377, %broadcast_in_dim3A_371 : vector<16xf32>
        %swap3A_379 = arith.constant 0 : i32
        %swap3A_380 = arith.index_cast %swap3A_379 : i32 to index
        %swap3A_381 = arith.index_cast %scan3A_326 : i32 to index
        %swap3A_382 = arith.constant 16 : index
        %swap3A_383 = tpu.vector_load %arg18[%swap3A_380, %swap3A_381, %swap3A_382] {strides = array<i32>} : memref<2x96x128xf32, #tpu.memory_space<vmem>>, vector<1x1x16xf32>,
        %swap3A_384 = vector.shape_cast %swap3A_383 : vector<1x1x16xf32> to vector<16xf32>
        %swap3A_385 = vector.shape_cast %mul3A_378 : vector<16xf32> to vector<1x1x16xf32>
        tpu.vector_store %arg18[%swap3A_380, %swap3A_381, %swap3A_382], %swap3A_385 {strides = array<i32>} : memref<2x96x128xf32, #tpu.memory_space<vmem>>, vector<1x1x16xf32>,
        %slice3A_386 = vector.extract_strided_slice %exp3A {offsets = [2], sizes = [1], strides = [1]} : vector<16xf32> to vector<1xf32>
        %squeeze3A_387 = vector.extract %slice3A_386[0] : f32 from vector<1xf32>
        %broadcast_in_dim3A_388 = vector.broadcast %squeeze3A_387 : f32 to vector<16xf32>
        %get3A_389 = arith.constant 0 : i32
        %get3A_390 = arith.index_cast %get3A_389 : i32 to index
        %get3A_391 = arith.index_cast %scan3A_326 : i32 to index
        %get3A_392 = arith.constant 32 : index
        %get3A_393 = tpu.vector_load %arg18[%get3A_390, %get3A_391, %get3A_392] {strides = array<i32>} : memref<2x96x128xf32, #tpu.memory_space<vmem>>, vector<1x1x16xf32>,
        %get3A_394 = vector.shape_cast %get3A_393 : vector<1x1x16xf32> to vector<16xf32>
        %mul3A_395 = arith.mulf %get3A_394, %broadcast_in_dim3A_388 : vector<16xf32>
        %swap3A_396 = arith.constant 0 : i32
        %swap3A_397 = arith.index_cast %swap3A_396 : i32 to index
        %swap3A_398 = arith.index_cast %scan3A_326 : i32 to index
        %swap3A_399 = arith.constant 32 : index
        %swap3A_400 = tpu.vector_load %arg18[%swap3A_397, %swap3A_398, %swap3A_399] {strides = array<i32>} : memref<2x96x128xf32, #tpu.memory_space<vmem>>, vector<1x1x16xf32>,
        %swap3A_401 = vector.shape_cast %swap3A_400 : vector<1x1x16xf32> to vector<16xf32>
        %swap3A_402 = vector.shape_cast %mul3A_395 : vector<16xf32> to vector<1x1x16xf32>
        tpu.vector_store %arg18[%swap3A_397, %swap3A_398, %swap3A_399], %swap3A_402 {strides = array<i32>} : memref<2x96x128xf32, #tpu.memory_space<vmem>>, vector<1x1x16xf32>,
        %slice3A_403 = vector.extract_strided_slice %exp3A {offsets = [3], sizes = [1], strides = [1]} : vector<16xf32> to vector<1xf32>
        %squeeze3A_404 = vector.extract %slice3A_403[0] : f32 from vector<1xf32>
        %broadcast_in_dim3A_405 = vector.broadcast %squeeze3A_404 : f32 to vector<16xf32>
        %get3A_406 = arith.constant 0 : i32
        %get3A_407 = arith.index_cast %get3A_406 : i32 to index
        %get3A_408 = arith.index_cast %scan3A_326 : i32 to index
        %get3A_409 = arith.constant 48 : index
        %get3A_410 = tpu.vector_load %arg18[%get3A_407, %get3A_408, %get3A_409] {strides = array<i32>} : memref<2x96x128xf32, #tpu.memory_space<vmem>>, vector<1x1x16xf32>,
        %get3A_411 = vector.shape_cast %get3A_410 : vector<1x1x16xf32> to vector<16xf32>
        %mul3A_412 = arith.mulf %get3A_411, %broadcast_in_dim3A_405 : vector<16xf32>
        %swap3A_413 = arith.constant 0 : i32
        %swap3A_414 = arith.index_cast %swap3A_413 : i32 to index
        %swap3A_415 = arith.index_cast %scan3A_326 : i32 to index
        %swap3A_416 = arith.constant 48 : index
        %swap3A_417 = tpu.vector_load %arg18[%swap3A_414, %swap3A_415, %swap3A_416] {strides = array<i32>} : memref<2x96x128xf32, #tpu.memory_space<vmem>>, vector<1x1x16xf32>,
        %swap3A_418 = vector.shape_cast %swap3A_417 : vector<1x1x16xf32> to vector<16xf32>
        %swap3A_419 = vector.shape_cast %mul3A_412 : vector<16xf32> to vector<1x1x16xf32>
        tpu.vector_store %arg18[%swap3A_414, %swap3A_415, %swap3A_416], %swap3A_419 {strides = array<i32>} : memref<2x96x128xf32, #tpu.memory_space<vmem>>, vector<1x1x16xf32>,
        %slice3A_420 = vector.extract_strided_slice %exp3A {offsets = [4], sizes = [1], strides = [1]} : vector<16xf32> to vector<1xf32>
        %squeeze3A_421 = vector.extract %slice3A_420[0] : f32 from vector<1xf32>
        %broadcast_in_dim3A_422 = vector.broadcast %squeeze3A_421 : f32 to vector<16xf32>
        %get3A_423 = arith.constant 0 : i32
        %get3A_424 = arith.index_cast %get3A_423 : i32 to index
        %get3A_425 = arith.index_cast %scan3A_326 : i32 to index
        %get3A_426 = arith.constant 64 : index
        %get3A_427 = tpu.vector_load %arg18[%get3A_424, %get3A_425, %get3A_426] {strides = array<i32>} : memref<2x96x128xf32, #tpu.memory_space<vmem>>, vector<1x1x16xf32>,
        %get3A_428 = vector.shape_cast %get3A_427 : vector<1x1x16xf32> to vector<16xf32>
        %mul3A_429 = arith.mulf %get3A_428, %broadcast_in_dim3A_422 : vector<16xf32>
        %swap3A_430 = arith.constant 0 : i32
        %swap3A_431 = arith.index_cast %swap3A_430 : i32 to index
        %swap3A_432 = arith.index_cast %scan3A_326 : i32 to index
        %swap3A_433 = arith.constant 64 : index
        %swap3A_434 = tpu.vector_load %arg18[%swap3A_431, %swap3A_432, %swap3A_433] {strides = array<i32>} : memref<2x96x128xf32, #tpu.memory_space<vmem>>, vector<1x1x16xf32>,
        %swap3A_435 = vector.shape_cast %swap3A_434 : vector<1x1x16xf32> to vector<16xf32>
        %swap3A_436 = vector.shape_cast %mul3A_429 : vector<16xf32> to vector<1x1x16xf32>
        tpu.vector_store %arg18[%swap3A_431, %swap3A_432, %swap3A_433], %swap3A_436 {strides = array<i32>} : memref<2x96x128xf32, #tpu.memory_space<vmem>>, vector<1x1x16xf32>,
        %slice3A_437 = vector.extract_strided_slice %exp3A {offsets = [5], sizes = [1], strides = [1]} : vector<16xf32> to vector<1xf32>
        %squeeze3A_438 = vector.extract %slice3A_437[0] : f32 from vector<1xf32>
        %broadcast_in_dim3A_439 = vector.broadcast %squeeze3A_438 : f32 to vector<16xf32>
        %get3A_440 = arith.constant 0 : i32
        %get3A_441 = arith.index_cast %get3A_440 : i32 to index
        %get3A_442 = arith.index_cast %scan3A_326 : i32 to index
        %get3A_443 = arith.constant 80 : index
        %get3A_444 = tpu.vector_load %arg18[%get3A_441, %get3A_442, %get3A_443] {strides = array<i32>} : memref<2x96x128xf32, #tpu.memory_space<vmem>>, vector<1x1x16xf32>,
        %get3A_445 = vector.shape_cast %get3A_444 : vector<1x1x16xf32> to vector<16xf32>
        %mul3A_446 = arith.mulf %get3A_445, %broadcast_in_dim3A_439 : vector<16xf32>
        %swap3A_447 = arith.constant 0 : i32
        %swap3A_448 = arith.index_cast %swap3A_447 : i32 to index
        %swap3A_449 = arith.index_cast %scan3A_326 : i32 to index
        %swap3A_450 = arith.constant 80 : index
        %swap3A_451 = tpu.vector_load %arg18[%swap3A_448, %swap3A_449, %swap3A_450] {strides = array<i32>} : memref<2x96x128xf32, #tpu.memory_space<vmem>>, vector<1x1x16xf32>,
        %swap3A_452 = vector.shape_cast %swap3A_451 : vector<1x1x16xf32> to vector<16xf32>
        %swap3A_453 = vector.shape_cast %mul3A_446 : vector<16xf32> to vector<1x1x16xf32>
        tpu.vector_store %arg18[%swap3A_448, %swap3A_449, %swap3A_450], %swap3A_453 {strides = array<i32>} : memref<2x96x128xf32, #tpu.memory_space<vmem>>, vector<1x1x16xf32>,
        %slice3A_454 = vector.extract_strided_slice %exp3A {offsets = [6], sizes = [1], strides = [1]} : vector<16xf32> to vector<1xf32>
        %squeeze3A_455 = vector.extract %slice3A_454[0] : f32 from vector<1xf32>
        %broadcast_in_dim3A_456 = vector.broadcast %squeeze3A_455 : f32 to vector<16xf32>
        %get3A_457 = arith.constant 0 : i32
        %get3A_458 = arith.index_cast %get3A_457 : i32 to index
        %get3A_459 = arith.index_cast %scan3A_326 : i32 to index
        %get3A_460 = arith.constant 96 : index
        %get3A_461 = tpu.vector_load %arg18[%get3A_458, %get3A_459, %get3A_460] {strides = array<i32>} : memref<2x96x128xf32, #tpu.memory_space<vmem>>, vector<1x1x16xf32>,
        %get3A_462 = vector.shape_cast %get3A_461 : vector<1x1x16xf32> to vector<16xf32>
        %mul3A_463 = arith.mulf %get3A_462, %broadcast_in_dim3A_456 : vector<16xf32>
        %swap3A_464 = arith.constant 0 : i32
        %swap3A_465 = arith.index_cast %swap3A_464 : i32 to index
        %swap3A_466 = arith.index_cast %scan3A_326 : i32 to index
        %swap3A_467 = arith.constant 96 : index
        %swap3A_468 = tpu.vector_load %arg18[%swap3A_465, %swap3A_466, %swap3A_467] {strides = array<i32>} : memref<2x96x128xf32, #tpu.memory_space<vmem>>, vector<1x1x16xf32>,
        %swap3A_469 = vector.shape_cast %swap3A_468 : vector<1x1x16xf32> to vector<16xf32>
        %swap3A_470 = vector.shape_cast %mul3A_463 : vector<16xf32> to vector<1x1x16xf32>
        tpu.vector_store %arg18[%swap3A_465, %swap3A_466, %swap3A_467], %swap3A_470 {strides = array<i32>} : memref<2x96x128xf32, #tpu.memory_space<vmem>>, vector<1x1x16xf32>,
        %slice3A_471 = vector.extract_strided_slice %exp3A {offsets = [7], sizes = [1], strides = [1]} : vector<16xf32> to vector<1xf32>
        %squeeze3A_472 = vector.extract %slice3A_471[0] : f32 from vector<1xf32>
        %broadcast_in_dim3A_473 = vector.broadcast %squeeze3A_472 : f32 to vector<16xf32>
        %get3A_474 = arith.constant 0 : i32
        %get3A_475 = arith.index_cast %get3A_474 : i32 to index
        %get3A_476 = arith.index_cast %scan3A_326 : i32 to index
        %get3A_477 = arith.constant 112 : index
        %get3A_478 = tpu.vector_load %arg18[%get3A_475, %get3A_476, %get3A_477] {strides = array<i32>} : memref<2x96x128xf32, #tpu.memory_space<vmem>>, vector<1x1x16xf32>,
        %get3A_479 = vector.shape_cast %get3A_478 : vector<1x1x16xf32> to vector<16xf32>
        %mul3A_480 = arith.mulf %get3A_479, %broadcast_in_dim3A_473 : vector<16xf32>
        %swap3A_481 = arith.constant 0 : i32
        %swap3A_482 = arith.index_cast %swap3A_481 : i32 to index
        %swap3A_483 = arith.index_cast %scan3A_326 : i32 to index
        %swap3A_484 = arith.constant 112 : index
        %swap3A_485 = tpu.vector_load %arg18[%swap3A_482, %swap3A_483, %swap3A_484] {strides = array<i32>} : memref<2x96x128xf32, #tpu.memory_space<vmem>>, vector<1x1x16xf32>,
        %swap3A_486 = vector.shape_cast %swap3A_485 : vector<1x1x16xf32> to vector<16xf32>
        %swap3A_487 = vector.shape_cast %mul3A_480 : vector<16xf32> to vector<1x1x16xf32>
        tpu.vector_store %arg18[%swap3A_482, %swap3A_483, %swap3A_484], %swap3A_487 {strides = array<i32>} : memref<2x96x128xf32, #tpu.memory_space<vmem>>, vector<1x1x16xf32>,
        %scan3A_488 = arith.constant 1 : i32
        %scan3A_489 = arith.addi %scan3A_326, %scan3A_488 : i32
        %get3A_490 = arith.constant 0 : i32
        %get3A_491 = arith.index_cast %get3A_490 : i32 to index
        %get3A_492 = arith.index_cast %scan3A_489 : i32 to index
        %get3A_493 = arith.constant 0 : index
        %get3A_494 = tpu.vector_load %arg14[%get3A_491, %get3A_492, %get3A_493] {strides = array<i32>} : memref<2x96x16xf32, #tpu.memory_space<vmem>>, vector<1x1x16xf32>,
        %get3A_495 = vector.shape_cast %get3A_494 : vector<1x1x16xf32> to vector<16xf32>
        %get3A_496 = arith.constant 0 : i32
        %get3A_497 = arith.index_cast %get3A_496 : i32 to index
        %get3A_498 = arith.index_cast %scan3A_489 : i32 to index
        %get3A_499 = arith.constant 0 : index
        %get3A_500 = tpu.vector_load %arg15[%get3A_497, %get3A_498, %get3A_499] {strides = array<i32>} : memref<2x96x16xf32, #tpu.memory_space<vmem>>, vector<1x1x16xf32>,
        %get3A_501 = vector.shape_cast %get3A_500 : vector<1x1x16xf32> to vector<16xf32>
        %add3A_502 = arith.addf %get3A_495, %get3A_501 : vector<16xf32>
        %get3A_503 = arith.constant 0 : i32
        %get3A_504 = arith.index_cast %get3A_503 : i32 to index
        %get3A_505 = arith.index_cast %scan3A_489 : i32 to index
        %get3A_506 = arith.constant 0 : index
        %get3A_507 = tpu.vector_load %arg16[%get3A_504, %get3A_505, %get3A_506] {strides = array<i32>} : memref<2x96x16xf32, #tpu.memory_space<vmem>>, vector<1x1x16xf32>,
        %get3A_508 = vector.shape_cast %get3A_507 : vector<1x1x16xf32> to vector<16xf32>
        %add3A_509 = arith.addf %add3A_502, %get3A_508 : vector<16xf32>
        %mul3A_510 = arith.constant 2.000000e-01 : f32
        %mul3A_511 = vector.broadcast %mul3A_510 : f32 to vector<16xf32>
        %mul3A_512 = arith.mulf %add3A_509, %mul3A_511 : vector<16xf32>
        %max3A_513 = arith.maximumf %add3A_509, %mul3A_512 : vector<16xf32>
        %exp3A_514 = math.exp %max3A_513 : vector<16xf32>
        %swap3A_515 = arith.constant 0 : i32
        %swap3A_516 = arith.index_cast %swap3A_515 : i32 to index
        %swap3A_517 = arith.index_cast %scan3A_489 : i32 to index
        %swap3A_518 = arith.constant 0 : index
        %swap3A_519 = tpu.vector_load %arg17[%swap3A_516, %swap3A_517, %swap3A_518] {strides = array<i32>} : memref<2x96x16xf32, #tpu.memory_space<vmem>>, vector<1x1x16xf32>,
        %swap3A_520 = vector.shape_cast %swap3A_519 : vector<1x1x16xf32> to vector<16xf32>
        %swap3A_521 = vector.shape_cast %exp3A_514 : vector<16xf32> to vector<1x1x16xf32>
        tpu.vector_store %arg17[%swap3A_516, %swap3A_517, %swap3A_518], %swap3A_521 {strides = array<i32>} : memref<2x96x16xf32, #tpu.memory_space<vmem>>, vector<1x1x16xf32>,
        %slice3A_522 = vector.extract_strided_slice %exp3A_514 {offsets = [0], sizes = [1], strides = [1]} : vector<16xf32> to vector<1xf32>
        %squeeze3A_523 = vector.extract %slice3A_522[0] : f32 from vector<1xf32>
        %broadcast_in_dim3A_524 = vector.broadcast %squeeze3A_523 : f32 to vector<16xf32>
        %get3A_525 = arith.constant 0 : i32
        %get3A_526 = arith.index_cast %get3A_525 : i32 to index
        %get3A_527 = arith.index_cast %scan3A_489 : i32 to index
        %get3A_528 = arith.constant 0 : index
        %get3A_529 = tpu.vector_load %arg18[%get3A_526, %get3A_527, %get3A_528] {strides = array<i32>} : memref<2x96x128xf32, #tpu.memory_space<vmem>>, vector<1x1x16xf32>,
        %get3A_530 = vector.shape_cast %get3A_529 : vector<1x1x16xf32> to vector<16xf32>
        %mul3A_531 = arith.mulf %get3A_530, %broadcast_in_dim3A_524 : vector<16xf32>
        %swap3A_532 = arith.constant 0 : i32
        %swap3A_533 = arith.index_cast %swap3A_532 : i32 to index
        %swap3A_534 = arith.index_cast %scan3A_489 : i32 to index
        %swap3A_535 = arith.constant 0 : index
        %swap3A_536 = tpu.vector_load %arg18[%swap3A_533, %swap3A_534, %swap3A_535] {strides = array<i32>} : memref<2x96x128xf32, #tpu.memory_space<vmem>>, vector<1x1x16xf32>,
        %swap3A_537 = vector.shape_cast %swap3A_536 : vector<1x1x16xf32> to vector<16xf32>
        %swap3A_538 = vector.shape_cast %mul3A_531 : vector<16xf32> to vector<1x1x16xf32>
        tpu.vector_store %arg18[%swap3A_533, %swap3A_534, %swap3A_535], %swap3A_538 {strides = array<i32>} : memref<2x96x128xf32, #tpu.memory_space<vmem>>, vector<1x1x16xf32>,
        %slice3A_539 = vector.extract_strided_slice %exp3A_514 {offsets = [1], sizes = [1], strides = [1]} : vector<16xf32> to vector<1xf32>
        %squeeze3A_540 = vector.extract %slice3A_539[0] : f32 from vector<1xf32>
        %broadcast_in_dim3A_541 = vector.broadcast %squeeze3A_540 : f32 to vector<16xf32>
        %get3A_542 = arith.constant 0 : i32
        %get3A_543 = arith.index_cast %get3A_542 : i32 to index
        %get3A_544 = arith.index_cast %scan3A_489 : i32 to index
        %get3A_545 = arith.constant 16 : index
        %get3A_546 = tpu.vector_load %arg18[%get3A_543, %get3A_544, %get3A_545] {strides = array<i32>} : memref<2x96x128xf32, #tpu.memory_space<vmem>>, vector<1x1x16xf32>,
        %get3A_547 = vector.shape_cast %get3A_546 : vector<1x1x16xf32> to vector<16xf32>
        %mul3A_548 = arith.mulf %get3A_547, %broadcast_in_dim3A_541 : vector<16xf32>
        %swap3A_549 = arith.constant 0 : i32
        %swap3A_550 = arith.index_cast %swap3A_549 : i32 to index
        %swap3A_551 = arith.index_cast %scan3A_489 : i32 to index
        %swap3A_552 = arith.constant 16 : index
        %swap3A_553 = tpu.vector_load %arg18[%swap3A_550, %swap3A_551, %swap3A_552] {strides = array<i32>} : memref<2x96x128xf32, #tpu.memory_space<vmem>>, vector<1x1x16xf32>,
        %swap3A_554 = vector.shape_cast %swap3A_553 : vector<1x1x16xf32> to vector<16xf32>
        %swap3A_555 = vector.shape_cast %mul3A_548 : vector<16xf32> to vector<1x1x16xf32>
        tpu.vector_store %arg18[%swap3A_550, %swap3A_551, %swap3A_552], %swap3A_555 {strides = array<i32>} : memref<2x96x128xf32, #tpu.memory_space<vmem>>, vector<1x1x16xf32>,
        %slice3A_556 = vector.extract_strided_slice %exp3A_514 {offsets = [2], sizes = [1], strides = [1]} : vector<16xf32> to vector<1xf32>
        %squeeze3A_557 = vector.extract %slice3A_556[0] : f32 from vector<1xf32>
        %broadcast_in_dim3A_558 = vector.broadcast %squeeze3A_557 : f32 to vector<16xf32>
        %get3A_559 = arith.constant 0 : i32
        %get3A_560 = arith.index_cast %get3A_559 : i32 to index
        %get3A_561 = arith.index_cast %scan3A_489 : i32 to index
        %get3A_562 = arith.constant 32 : index
        %get3A_563 = tpu.vector_load %arg18[%get3A_560, %get3A_561, %get3A_562] {strides = array<i32>} : memref<2x96x128xf32, #tpu.memory_space<vmem>>, vector<1x1x16xf32>,
        %get3A_564 = vector.shape_cast %get3A_563 : vector<1x1x16xf32> to vector<16xf32>
        %mul3A_565 = arith.mulf %get3A_564, %broadcast_in_dim3A_558 : vector<16xf32>
        %swap3A_566 = arith.constant 0 : i32
        %swap3A_567 = arith.index_cast %swap3A_566 : i32 to index
        %swap3A_568 = arith.index_cast %scan3A_489 : i32 to index
        %swap3A_569 = arith.constant 32 : index
        %swap3A_570 = tpu.vector_load %arg18[%swap3A_567, %swap3A_568, %swap3A_569] {strides = array<i32>} : memref<2x96x128xf32, #tpu.memory_space<vmem>>, vector<1x1x16xf32>,
        %swap3A_571 = vector.shape_cast %swap3A_570 : vector<1x1x16xf32> to vector<16xf32>
        %swap3A_572 = vector.shape_cast %mul3A_565 : vector<16xf32> to vector<1x1x16xf32>
        tpu.vector_store %arg18[%swap3A_567, %swap3A_568, %swap3A_569], %swap3A_572 {strides = array<i32>} : memref<2x96x128xf32, #tpu.memory_space<vmem>>, vector<1x1x16xf32>,
        %slice3A_573 = vector.extract_strided_slice %exp3A_514 {offsets = [3], sizes = [1], strides = [1]} : vector<16xf32> to vector<1xf32>
        %squeeze3A_574 = vector.extract %slice3A_573[0] : f32 from vector<1xf32>
        %broadcast_in_dim3A_575 = vector.broadcast %squeeze3A_574 : f32 to vector<16xf32>
        %get3A_576 = arith.constant 0 : i32
        %get3A_577 = arith.index_cast %get3A_576 : i32 to index
        %get3A_578 = arith.index_cast %scan3A_489 : i32 to index
        %get3A_579 = arith.constant 48 : index
        %get3A_580 = tpu.vector_load %arg18[%get3A_577, %get3A_578, %get3A_579] {strides = array<i32>} : memref<2x96x128xf32, #tpu.memory_space<vmem>>, vector<1x1x16xf32>,
        %get3A_581 = vector.shape_cast %get3A_580 : vector<1x1x16xf32> to vector<16xf32>
        %mul3A_582 = arith.mulf %get3A_581, %broadcast_in_dim3A_575 : vector<16xf32>
        %swap3A_583 = arith.constant 0 : i32
        %swap3A_584 = arith.index_cast %swap3A_583 : i32 to index
        %swap3A_585 = arith.index_cast %scan3A_489 : i32 to index
        %swap3A_586 = arith.constant 48 : index
        %swap3A_587 = tpu.vector_load %arg18[%swap3A_584, %swap3A_585, %swap3A_586] {strides = array<i32>} : memref<2x96x128xf32, #tpu.memory_space<vmem>>, vector<1x1x16xf32>,
        %swap3A_588 = vector.shape_cast %swap3A_587 : vector<1x1x16xf32> to vector<16xf32>
        %swap3A_589 = vector.shape_cast %mul3A_582 : vector<16xf32> to vector<1x1x16xf32>
        tpu.vector_store %arg18[%swap3A_584, %swap3A_585, %swap3A_586], %swap3A_589 {strides = array<i32>} : memref<2x96x128xf32, #tpu.memory_space<vmem>>, vector<1x1x16xf32>,
        %slice3A_590 = vector.extract_strided_slice %exp3A_514 {offsets = [4], sizes = [1], strides = [1]} : vector<16xf32> to vector<1xf32>
        %squeeze3A_591 = vector.extract %slice3A_590[0] : f32 from vector<1xf32>
        %broadcast_in_dim3A_592 = vector.broadcast %squeeze3A_591 : f32 to vector<16xf32>
        %get3A_593 = arith.constant 0 : i32
        %get3A_594 = arith.index_cast %get3A_593 : i32 to index
        %get3A_595 = arith.index_cast %scan3A_489 : i32 to index
        %get3A_596 = arith.constant 64 : index
        %get3A_597 = tpu.vector_load %arg18[%get3A_594, %get3A_595, %get3A_596] {strides = array<i32>} : memref<2x96x128xf32, #tpu.memory_space<vmem>>, vector<1x1x16xf32>,
        %get3A_598 = vector.shape_cast %get3A_597 : vector<1x1x16xf32> to vector<16xf32>
        %mul3A_599 = arith.mulf %get3A_598, %broadcast_in_dim3A_592 : vector<16xf32>
        %swap3A_600 = arith.constant 0 : i32
        %swap3A_601 = arith.index_cast %swap3A_600 : i32 to index
        %swap3A_602 = arith.index_cast %scan3A_489 : i32 to index
        %swap3A_603 = arith.constant 64 : index
        %swap3A_604 = tpu.vector_load %arg18[%swap3A_601, %swap3A_602, %swap3A_603] {strides = array<i32>} : memref<2x96x128xf32, #tpu.memory_space<vmem>>, vector<1x1x16xf32>,
        %swap3A_605 = vector.shape_cast %swap3A_604 : vector<1x1x16xf32> to vector<16xf32>
        %swap3A_606 = vector.shape_cast %mul3A_599 : vector<16xf32> to vector<1x1x16xf32>
        tpu.vector_store %arg18[%swap3A_601, %swap3A_602, %swap3A_603], %swap3A_606 {strides = array<i32>} : memref<2x96x128xf32, #tpu.memory_space<vmem>>, vector<1x1x16xf32>,
        %slice3A_607 = vector.extract_strided_slice %exp3A_514 {offsets = [5], sizes = [1], strides = [1]} : vector<16xf32> to vector<1xf32>
        %squeeze3A_608 = vector.extract %slice3A_607[0] : f32 from vector<1xf32>
        %broadcast_in_dim3A_609 = vector.broadcast %squeeze3A_608 : f32 to vector<16xf32>
        %get3A_610 = arith.constant 0 : i32
        %get3A_611 = arith.index_cast %get3A_610 : i32 to index
        %get3A_612 = arith.index_cast %scan3A_489 : i32 to index
        %get3A_613 = arith.constant 80 : index
        %get3A_614 = tpu.vector_load %arg18[%get3A_611, %get3A_612, %get3A_613] {strides = array<i32>} : memref<2x96x128xf32, #tpu.memory_space<vmem>>, vector<1x1x16xf32>,
        %get3A_615 = vector.shape_cast %get3A_614 : vector<1x1x16xf32> to vector<16xf32>
        %mul3A_616 = arith.mulf %get3A_615, %broadcast_in_dim3A_609 : vector<16xf32>
        %swap3A_617 = arith.constant 0 : i32
        %swap3A_618 = arith.index_cast %swap3A_617 : i32 to index
        %swap3A_619 = arith.index_cast %scan3A_489 : i32 to index
        %swap3A_620 = arith.constant 80 : index
        %swap3A_621 = tpu.vector_load %arg18[%swap3A_618, %swap3A_619, %swap3A_620] {strides = array<i32>} : memref<2x96x128xf32, #tpu.memory_space<vmem>>, vector<1x1x16xf32>,
        %swap3A_622 = vector.shape_cast %swap3A_621 : vector<1x1x16xf32> to vector<16xf32>
        %swap3A_623 = vector.shape_cast %mul3A_616 : vector<16xf32> to vector<1x1x16xf32>
        tpu.vector_store %arg18[%swap3A_618, %swap3A_619, %swap3A_620], %swap3A_623 {strides = array<i32>} : memref<2x96x128xf32, #tpu.memory_space<vmem>>, vector<1x1x16xf32>,
        %slice3A_624 = vector.extract_strided_slice %exp3A_514 {offsets = [6], sizes = [1], strides = [1]} : vector<16xf32> to vector<1xf32>
        %squeeze3A_625 = vector.extract %slice3A_624[0] : f32 from vector<1xf32>
        %broadcast_in_dim3A_626 = vector.broadcast %squeeze3A_625 : f32 to vector<16xf32>
        %get3A_627 = arith.constant 0 : i32
        %get3A_628 = arith.index_cast %get3A_627 : i32 to index
        %get3A_629 = arith.index_cast %scan3A_489 : i32 to index
        %get3A_630 = arith.constant 96 : index
        %get3A_631 = tpu.vector_load %arg18[%get3A_628, %get3A_629, %get3A_630] {strides = array<i32>} : memref<2x96x128xf32, #tpu.memory_space<vmem>>, vector<1x1x16xf32>,
        %get3A_632 = vector.shape_cast %get3A_631 : vector<1x1x16xf32> to vector<16xf32>
        %mul3A_633 = arith.mulf %get3A_632, %broadcast_in_dim3A_626 : vector<16xf32>
        %swap3A_634 = arith.constant 0 : i32
        %swap3A_635 = arith.index_cast %swap3A_634 : i32 to index
        %swap3A_636 = arith.index_cast %scan3A_489 : i32 to index
        %swap3A_637 = arith.constant 96 : index
        %swap3A_638 = tpu.vector_load %arg18[%swap3A_635, %swap3A_636, %swap3A_637] {strides = array<i32>} : memref<2x96x128xf32, #tpu.memory_space<vmem>>, vector<1x1x16xf32>,
        %swap3A_639 = vector.shape_cast %swap3A_638 : vector<1x1x16xf32> to vector<16xf32>
        %swap3A_640 = vector.shape_cast %mul3A_633 : vector<16xf32> to vector<1x1x16xf32>
        tpu.vector_store %arg18[%swap3A_635, %swap3A_636, %swap3A_637], %swap3A_640 {strides = array<i32>} : memref<2x96x128xf32, #tpu.memory_space<vmem>>, vector<1x1x16xf32>,
        %slice3A_641 = vector.extract_strided_slice %exp3A_514 {offsets = [7], sizes = [1], strides = [1]} : vector<16xf32> to vector<1xf32>
        %squeeze3A_642 = vector.extract %slice3A_641[0] : f32 from vector<1xf32>
        %broadcast_in_dim3A_643 = vector.broadcast %squeeze3A_642 : f32 to vector<16xf32>
        %get3A_644 = arith.constant 0 : i32
        %get3A_645 = arith.index_cast %get3A_644 : i32 to index
        %get3A_646 = arith.index_cast %scan3A_489 : i32 to index
        %get3A_647 = arith.constant 112 : index
        %get3A_648 = tpu.vector_load %arg18[%get3A_645, %get3A_646, %get3A_647] {strides = array<i32>} : memref<2x96x128xf32, #tpu.memory_space<vmem>>, vector<1x1x16xf32>,
        %get3A_649 = vector.shape_cast %get3A_648 : vector<1x1x16xf32> to vector<16xf32>
        %mul3A_650 = arith.mulf %get3A_649, %broadcast_in_dim3A_643 : vector<16xf32>
        %swap3A_651 = arith.constant 0 : i32
        %swap3A_652 = arith.index_cast %swap3A_651 : i32 to index
        %swap3A_653 = arith.index_cast %scan3A_489 : i32 to index
        %swap3A_654 = arith.constant 112 : index
        %swap3A_655 = tpu.vector_load %arg18[%swap3A_652, %swap3A_653, %swap3A_654] {strides = array<i32>} : memref<2x96x128xf32, #tpu.memory_space<vmem>>, vector<1x1x16xf32>,
        %swap3A_656 = vector.shape_cast %swap3A_655 : vector<1x1x16xf32> to vector<16xf32>
        %swap3A_657 = vector.shape_cast %mul3A_650 : vector<16xf32> to vector<1x1x16xf32>
        tpu.vector_store %arg18[%swap3A_652, %swap3A_653, %swap3A_654], %swap3A_657 {strides = array<i32>} : memref<2x96x128xf32, #tpu.memory_space<vmem>>, vector<1x1x16xf32>,
        %scan3A_658 = arith.constant 2 : i32
        %scan3A_659 = arith.addi %scan3A_326, %scan3A_658 : i32
        %get3A_660 = arith.constant 0 : i32
        %get3A_661 = arith.index_cast %get3A_660 : i32 to index
        %get3A_662 = arith.index_cast %scan3A_659 : i32 to index
        %get3A_663 = arith.constant 0 : index
        %get3A_664 = tpu.vector_load %arg14[%get3A_661, %get3A_662, %get3A_663] {strides = array<i32>} : memref<2x96x16xf32, #tpu.memory_space<vmem>>, vector<1x1x16xf32>,
        %get3A_665 = vector.shape_cast %get3A_664 : vector<1x1x16xf32> to vector<16xf32>
        %get3A_666 = arith.constant 0 : i32
        %get3A_667 = arith.index_cast %get3A_666 : i32 to index
        %get3A_668 = arith.index_cast %scan3A_659 : i32 to index
        %get3A_669 = arith.constant 0 : index
        %get3A_670 = tpu.vector_load %arg15[%get3A_667, %get3A_668, %get3A_669] {strides = array<i32>} : memref<2x96x16xf32, #tpu.memory_space<vmem>>, vector<1x1x16xf32>,
        %get3A_671 = vector.shape_cast %get3A_670 : vector<1x1x16xf32> to vector<16xf32>
        %add3A_672 = arith.addf %get3A_665, %get3A_671 : vector<16xf32>
        %get3A_673 = arith.constant 0 : i32
        %get3A_674 = arith.index_cast %get3A_673 : i32 to index
        %get3A_675 = arith.index_cast %scan3A_659 : i32 to index
        %get3A_676 = arith.constant 0 : index
        %get3A_677 = tpu.vector_load %arg16[%get3A_674, %get3A_675, %get3A_676] {strides = array<i32>} : memref<2x96x16xf32, #tpu.memory_space<vmem>>, vector<1x1x16xf32>,
        %get3A_678 = vector.shape_cast %get3A_677 : vector<1x1x16xf32> to vector<16xf32>
        %add3A_679 = arith.addf %add3A_672, %get3A_678 : vector<16xf32>
        %mul3A_680 = arith.constant 2.000000e-01 : f32
        %mul3A_681 = vector.broadcast %mul3A_680 : f32 to vector<16xf32>
        %mul3A_682 = arith.mulf %add3A_679, %mul3A_681 : vector<16xf32>
        %max3A_683 = arith.maximumf %add3A_679, %mul3A_682 : vector<16xf32>
        %exp3A_684 = math.exp %max3A_683 : vector<16xf32>
        %swap3A_685 = arith.constant 0 : i32
        %swap3A_686 = arith.index_cast %swap3A_685 : i32 to index
        %swap3A_687 = arith.index_cast %scan3A_659 : i32 to index
        %swap3A_688 = arith.constant 0 : index
        %swap3A_689 = tpu.vector_load %arg17[%swap3A_686, %swap3A_687, %swap3A_688] {strides = array<i32>} : memref<2x96x16xf32, #tpu.memory_space<vmem>>, vector<1x1x16xf32>,
        %swap3A_690 = vector.shape_cast %swap3A_689 : vector<1x1x16xf32> to vector<16xf32>
        %swap3A_691 = vector.shape_cast %exp3A_684 : vector<16xf32> to vector<1x1x16xf32>
        tpu.vector_store %arg17[%swap3A_686, %swap3A_687, %swap3A_688], %swap3A_691 {strides = array<i32>} : memref<2x96x16xf32, #tpu.memory_space<vmem>>, vector<1x1x16xf32>,
        %slice3A_692 = vector.extract_strided_slice %exp3A_684 {offsets = [0], sizes = [1], strides = [1]} : vector<16xf32> to vector<1xf32>
        %squeeze3A_693 = vector.extract %slice3A_692[0] : f32 from vector<1xf32>
        %broadcast_in_dim3A_694 = vector.broadcast %squeeze3A_693 : f32 to vector<16xf32>
        %get3A_695 = arith.constant 0 : i32
        %get3A_696 = arith.index_cast %get3A_695 : i32 to index
        %get3A_697 = arith.index_cast %scan3A_659 : i32 to index
        %get3A_698 = arith.constant 0 : index
        %get3A_699 = tpu.vector_load %arg18[%get3A_696, %get3A_697, %get3A_698] {strides = array<i32>} : memref<2x96x128xf32, #tpu.memory_space<vmem>>, vector<1x1x16xf32>,
        %get3A_700 = vector.shape_cast %get3A_699 : vector<1x1x16xf32> to vector<16xf32>
        %mul3A_701 = arith.mulf %get3A_700, %broadcast_in_dim3A_694 : vector<16xf32>
        %swap3A_702 = arith.constant 0 : i32
        %swap3A_703 = arith.index_cast %swap3A_702 : i32 to index
        %swap3A_704 = arith.index_cast %scan3A_659 : i32 to index
        %swap3A_705 = arith.constant 0 : index
        %swap3A_706 = tpu.vector_load %arg18[%swap3A_703, %swap3A_704, %swap3A_705] {strides = array<i32>} : memref<2x96x128xf32, #tpu.memory_space<vmem>>, vector<1x1x16xf32>,
        %swap3A_707 = vector.shape_cast %swap3A_706 : vector<1x1x16xf32> to vector<16xf32>
        %swap3A_708 = vector.shape_cast %mul3A_701 : vector<16xf32> to vector<1x1x16xf32>
        tpu.vector_store %arg18[%swap3A_703, %swap3A_704, %swap3A_705], %swap3A_708 {strides = array<i32>} : memref<2x96x128xf32, #tpu.memory_space<vmem>>, vector<1x1x16xf32>,
        %slice3A_709 = vector.extract_strided_slice %exp3A_684 {offsets = [1], sizes = [1], strides = [1]} : vector<16xf32> to vector<1xf32>
        %squeeze3A_710 = vector.extract %slice3A_709[0] : f32 from vector<1xf32>
        %broadcast_in_dim3A_711 = vector.broadcast %squeeze3A_710 : f32 to vector<16xf32>
        %get3A_712 = arith.constant 0 : i32
        %get3A_713 = arith.index_cast %get3A_712 : i32 to index
        %get3A_714 = arith.index_cast %scan3A_659 : i32 to index
        %get3A_715 = arith.constant 16 : index
        %get3A_716 = tpu.vector_load %arg18[%get3A_713, %get3A_714, %get3A_715] {strides = array<i32>} : memref<2x96x128xf32, #tpu.memory_space<vmem>>, vector<1x1x16xf32>,
        %get3A_717 = vector.shape_cast %get3A_716 : vector<1x1x16xf32> to vector<16xf32>
        %mul3A_718 = arith.mulf %get3A_717, %broadcast_in_dim3A_711 : vector<16xf32>
        %swap3A_719 = arith.constant 0 : i32
        %swap3A_720 = arith.index_cast %swap3A_719 : i32 to index
        %swap3A_721 = arith.index_cast %scan3A_659 : i32 to index
        %swap3A_722 = arith.constant 16 : index
        %swap3A_723 = tpu.vector_load %arg18[%swap3A_720, %swap3A_721, %swap3A_722] {strides = array<i32>} : memref<2x96x128xf32, #tpu.memory_space<vmem>>, vector<1x1x16xf32>,
        %swap3A_724 = vector.shape_cast %swap3A_723 : vector<1x1x16xf32> to vector<16xf32>
        %swap3A_725 = vector.shape_cast %mul3A_718 : vector<16xf32> to vector<1x1x16xf32>
        tpu.vector_store %arg18[%swap3A_720, %swap3A_721, %swap3A_722], %swap3A_725 {strides = array<i32>} : memref<2x96x128xf32, #tpu.memory_space<vmem>>, vector<1x1x16xf32>,
        %slice3A_726 = vector.extract_strided_slice %exp3A_684 {offsets = [2], sizes = [1], strides = [1]} : vector<16xf32> to vector<1xf32>
        %squeeze3A_727 = vector.extract %slice3A_726[0] : f32 from vector<1xf32>
        %broadcast_in_dim3A_728 = vector.broadcast %squeeze3A_727 : f32 to vector<16xf32>
        %get3A_729 = arith.constant 0 : i32
        %get3A_730 = arith.index_cast %get3A_729 : i32 to index
        %get3A_731 = arith.index_cast %scan3A_659 : i32 to index
        %get3A_732 = arith.constant 32 : index
        %get3A_733 = tpu.vector_load %arg18[%get3A_730, %get3A_731, %get3A_732] {strides = array<i32>} : memref<2x96x128xf32, #tpu.memory_space<vmem>>, vector<1x1x16xf32>,
        %get3A_734 = vector.shape_cast %get3A_733 : vector<1x1x16xf32> to vector<16xf32>
        %mul3A_735 = arith.mulf %get3A_734, %broadcast_in_dim3A_728 : vector<16xf32>
        %swap3A_736 = arith.constant 0 : i32
        %swap3A_737 = arith.index_cast %swap3A_736 : i32 to index
        %swap3A_738 = arith.index_cast %scan3A_659 : i32 to index
        %swap3A_739 = arith.constant 32 : index
        %swap3A_740 = tpu.vector_load %arg18[%swap3A_737, %swap3A_738, %swap3A_739] {strides = array<i32>} : memref<2x96x128xf32, #tpu.memory_space<vmem>>, vector<1x1x16xf32>,
        %swap3A_741 = vector.shape_cast %swap3A_740 : vector<1x1x16xf32> to vector<16xf32>
        %swap3A_742 = vector.shape_cast %mul3A_735 : vector<16xf32> to vector<1x1x16xf32>
        tpu.vector_store %arg18[%swap3A_737, %swap3A_738, %swap3A_739], %swap3A_742 {strides = array<i32>} : memref<2x96x128xf32, #tpu.memory_space<vmem>>, vector<1x1x16xf32>,
        %slice3A_743 = vector.extract_strided_slice %exp3A_684 {offsets = [3], sizes = [1], strides = [1]} : vector<16xf32> to vector<1xf32>
        %squeeze3A_744 = vector.extract %slice3A_743[0] : f32 from vector<1xf32>
        %broadcast_in_dim3A_745 = vector.broadcast %squeeze3A_744 : f32 to vector<16xf32>
        %get3A_746 = arith.constant 0 : i32
        %get3A_747 = arith.index_cast %get3A_746 : i32 to index
        %get3A_748 = arith.index_cast %scan3A_659 : i32 to index
        %get3A_749 = arith.constant 48 : index
        %get3A_750 = tpu.vector_load %arg18[%get3A_747, %get3A_748, %get3A_749] {strides = array<i32>} : memref<2x96x128xf32, #tpu.memory_space<vmem>>, vector<1x1x16xf32>,
        %get3A_751 = vector.shape_cast %get3A_750 : vector<1x1x16xf32> to vector<16xf32>
        %mul3A_752 = arith.mulf %get3A_751, %broadcast_in_dim3A_745 : vector<16xf32>
        %swap3A_753 = arith.constant 0 : i32
        %swap3A_754 = arith.index_cast %swap3A_753 : i32 to index
        %swap3A_755 = arith.index_cast %scan3A_659 : i32 to index
        %swap3A_756 = arith.constant 48 : index
        %swap3A_757 = tpu.vector_load %arg18[%swap3A_754, %swap3A_755, %swap3A_756] {strides = array<i32>} : memref<2x96x128xf32, #tpu.memory_space<vmem>>, vector<1x1x16xf32>,
        %swap3A_758 = vector.shape_cast %swap3A_757 : vector<1x1x16xf32> to vector<16xf32>
        %swap3A_759 = vector.shape_cast %mul3A_752 : vector<16xf32> to vector<1x1x16xf32>
        tpu.vector_store %arg18[%swap3A_754, %swap3A_755, %swap3A_756], %swap3A_759 {strides = array<i32>} : memref<2x96x128xf32, #tpu.memory_space<vmem>>, vector<1x1x16xf32>,
        %slice3A_760 = vector.extract_strided_slice %exp3A_684 {offsets = [4], sizes = [1], strides = [1]} : vector<16xf32> to vector<1xf32>
        %squeeze3A_761 = vector.extract %slice3A_760[0] : f32 from vector<1xf32>
        %broadcast_in_dim3A_762 = vector.broadcast %squeeze3A_761 : f32 to vector<16xf32>
        %get3A_763 = arith.constant 0 : i32
        %get3A_764 = arith.index_cast %get3A_763 : i32 to index
        %get3A_765 = arith.index_cast %scan3A_659 : i32 to index
        %get3A_766 = arith.constant 64 : index
        %get3A_767 = tpu.vector_load %arg18[%get3A_764, %get3A_765, %get3A_766] {strides = array<i32>} : memref<2x96x128xf32, #tpu.memory_space<vmem>>, vector<1x1x16xf32>,
        %get3A_768 = vector.shape_cast %get3A_767 : vector<1x1x16xf32> to vector<16xf32>
        %mul3A_769 = arith.mulf %get3A_768, %broadcast_in_dim3A_762 : vector<16xf32>
        %swap3A_770 = arith.constant 0 : i32
        %swap3A_771 = arith.index_cast %swap3A_770 : i32 to index
        %swap3A_772 = arith.index_cast %scan3A_659 : i32 to index
        %swap3A_773 = arith.constant 64 : index
        %swap3A_774 = tpu.vector_load %arg18[%swap3A_771, %swap3A_772, %swap3A_773] {strides = array<i32>} : memref<2x96x128xf32, #tpu.memory_space<vmem>>, vector<1x1x16xf32>,
        %swap3A_775 = vector.shape_cast %swap3A_774 : vector<1x1x16xf32> to vector<16xf32>
        %swap3A_776 = vector.shape_cast %mul3A_769 : vector<16xf32> to vector<1x1x16xf32>
        tpu.vector_store %arg18[%swap3A_771, %swap3A_772, %swap3A_773], %swap3A_776 {strides = array<i32>} : memref<2x96x128xf32, #tpu.memory_space<vmem>>, vector<1x1x16xf32>,
        %slice3A_777 = vector.extract_strided_slice %exp3A_684 {offsets = [5], sizes = [1], strides = [1]} : vector<16xf32> to vector<1xf32>
        %squeeze3A_778 = vector.extract %slice3A_777[0] : f32 from vector<1xf32>
        %broadcast_in_dim3A_779 = vector.broadcast %squeeze3A_778 : f32 to vector<16xf32>
        %get3A_780 = arith.constant 0 : i32
        %get3A_781 = arith.index_cast %get3A_780 : i32 to index
        %get3A_782 = arith.index_cast %scan3A_659 : i32 to index
        %get3A_783 = arith.constant 80 : index
        %get3A_784 = tpu.vector_load %arg18[%get3A_781, %get3A_782, %get3A_783] {strides = array<i32>} : memref<2x96x128xf32, #tpu.memory_space<vmem>>, vector<1x1x16xf32>,
        %get3A_785 = vector.shape_cast %get3A_784 : vector<1x1x16xf32> to vector<16xf32>
        %mul3A_786 = arith.mulf %get3A_785, %broadcast_in_dim3A_779 : vector<16xf32>
        %swap3A_787 = arith.constant 0 : i32
        %swap3A_788 = arith.index_cast %swap3A_787 : i32 to index
        %swap3A_789 = arith.index_cast %scan3A_659 : i32 to index
        %swap3A_790 = arith.constant 80 : index
        %swap3A_791 = tpu.vector_load %arg18[%swap3A_788, %swap3A_789, %swap3A_790] {strides = array<i32>} : memref<2x96x128xf32, #tpu.memory_space<vmem>>, vector<1x1x16xf32>,
        %swap3A_792 = vector.shape_cast %swap3A_791 : vector<1x1x16xf32> to vector<16xf32>
        %swap3A_793 = vector.shape_cast %mul3A_786 : vector<16xf32> to vector<1x1x16xf32>
        tpu.vector_store %arg18[%swap3A_788, %swap3A_789, %swap3A_790], %swap3A_793 {strides = array<i32>} : memref<2x96x128xf32, #tpu.memory_space<vmem>>, vector<1x1x16xf32>,
        %slice3A_794 = vector.extract_strided_slice %exp3A_684 {offsets = [6], sizes = [1], strides = [1]} : vector<16xf32> to vector<1xf32>
        %squeeze3A_795 = vector.extract %slice3A_794[0] : f32 from vector<1xf32>
        %broadcast_in_dim3A_796 = vector.broadcast %squeeze3A_795 : f32 to vector<16xf32>
        %get3A_797 = arith.constant 0 : i32
        %get3A_798 = arith.index_cast %get3A_797 : i32 to index
        %get3A_799 = arith.index_cast %scan3A_659 : i32 to index
        %get3A_800 = arith.constant 96 : index
        %get3A_801 = tpu.vector_load %arg18[%get3A_798, %get3A_799, %get3A_800] {strides = array<i32>} : memref<2x96x128xf32, #tpu.memory_space<vmem>>, vector<1x1x16xf32>,
        %get3A_802 = vector.shape_cast %get3A_801 : vector<1x1x16xf32> to vector<16xf32>
        %mul3A_803 = arith.mulf %get3A_802, %broadcast_in_dim3A_796 : vector<16xf32>
        %swap3A_804 = arith.constant 0 : i32
        %swap3A_805 = arith.index_cast %swap3A_804 : i32 to index
        %swap3A_806 = arith.index_cast %scan3A_659 : i32 to index
        %swap3A_807 = arith.constant 96 : index
        %swap3A_808 = tpu.vector_load %arg18[%swap3A_805, %swap3A_806, %swap3A_807] {strides = array<i32>} : memref<2x96x128xf32, #tpu.memory_space<vmem>>, vector<1x1x16xf32>,
        %swap3A_809 = vector.shape_cast %swap3A_808 : vector<1x1x16xf32> to vector<16xf32>
        %swap3A_810 = vector.shape_cast %mul3A_803 : vector<16xf32> to vector<1x1x16xf32>
        tpu.vector_store %arg18[%swap3A_805, %swap3A_806, %swap3A_807], %swap3A_810 {strides = array<i32>} : memref<2x96x128xf32, #tpu.memory_space<vmem>>, vector<1x1x16xf32>,
        %slice3A_811 = vector.extract_strided_slice %exp3A_684 {offsets = [7], sizes = [1], strides = [1]} : vector<16xf32> to vector<1xf32>
        %squeeze3A_812 = vector.extract %slice3A_811[0] : f32 from vector<1xf32>
        %broadcast_in_dim3A_813 = vector.broadcast %squeeze3A_812 : f32 to vector<16xf32>
        %get3A_814 = arith.constant 0 : i32
        %get3A_815 = arith.index_cast %get3A_814 : i32 to index
        %get3A_816 = arith.index_cast %scan3A_659 : i32 to index
        %get3A_817 = arith.constant 112 : index
        %get3A_818 = tpu.vector_load %arg18[%get3A_815, %get3A_816, %get3A_817] {strides = array<i32>} : memref<2x96x128xf32, #tpu.memory_space<vmem>>, vector<1x1x16xf32>,
        %get3A_819 = vector.shape_cast %get3A_818 : vector<1x1x16xf32> to vector<16xf32>
        %mul3A_820 = arith.mulf %get3A_819, %broadcast_in_dim3A_813 : vector<16xf32>
        %swap3A_821 = arith.constant 0 : i32
        %swap3A_822 = arith.index_cast %swap3A_821 : i32 to index
        %swap3A_823 = arith.index_cast %scan3A_659 : i32 to index
        %swap3A_824 = arith.constant 112 : index
        %swap3A_825 = tpu.vector_load %arg18[%swap3A_822, %swap3A_823, %swap3A_824] {strides = array<i32>} : memref<2x96x128xf32, #tpu.memory_space<vmem>>, vector<1x1x16xf32>,
        %swap3A_826 = vector.shape_cast %swap3A_825 : vector<1x1x16xf32> to vector<16xf32>
        %swap3A_827 = vector.shape_cast %mul3A_820 : vector<16xf32> to vector<1x1x16xf32>
        tpu.vector_store %arg18[%swap3A_822, %swap3A_823, %swap3A_824], %swap3A_827 {strides = array<i32>} : memref<2x96x128xf32, #tpu.memory_space<vmem>>, vector<1x1x16xf32>,
        %scan3A_828 = arith.constant 3 : i32
        %scan3A_829 = arith.addi %scan3A_326, %scan3A_828 : i32
        %get3A_830 = arith.constant 0 : i32
        %get3A_831 = arith.index_cast %get3A_830 : i32 to index
        %get3A_832 = arith.index_cast %scan3A_829 : i32 to index
        %get3A_833 = arith.constant 0 : index
        %get3A_834 = tpu.vector_load %arg14[%get3A_831, %get3A_832, %get3A_833] {strides = array<i32>} : memref<2x96x16xf32, #tpu.memory_space<vmem>>, vector<1x1x16xf32>,
        %get3A_835 = vector.shape_cast %get3A_834 : vector<1x1x16xf32> to vector<16xf32>
        %get3A_836 = arith.constant 0 : i32
        %get3A_837 = arith.index_cast %get3A_836 : i32 to index
        %get3A_838 = arith.index_cast %scan3A_829 : i32 to index
        %get3A_839 = arith.constant 0 : index
        %get3A_840 = tpu.vector_load %arg15[%get3A_837, %get3A_838, %get3A_839] {strides = array<i32>} : memref<2x96x16xf32, #tpu.memory_space<vmem>>, vector<1x1x16xf32>,
        %get3A_841 = vector.shape_cast %get3A_840 : vector<1x1x16xf32> to vector<16xf32>
        %add3A_842 = arith.addf %get3A_835, %get3A_841 : vector<16xf32>
        %get3A_843 = arith.constant 0 : i32
        %get3A_844 = arith.index_cast %get3A_843 : i32 to index
        %get3A_845 = arith.index_cast %scan3A_829 : i32 to index
        %get3A_846 = arith.constant 0 : index
        %get3A_847 = tpu.vector_load %arg16[%get3A_844, %get3A_845, %get3A_846] {strides = array<i32>} : memref<2x96x16xf32, #tpu.memory_space<vmem>>, vector<1x1x16xf32>,
        %get3A_848 = vector.shape_cast %get3A_847 : vector<1x1x16xf32> to vector<16xf32>
        %add3A_849 = arith.addf %add3A_842, %get3A_848 : vector<16xf32>
        %mul3A_850 = arith.constant 2.000000e-01 : f32
        %mul3A_851 = vector.broadcast %mul3A_850 : f32 to vector<16xf32>
        %mul3A_852 = arith.mulf %add3A_849, %mul3A_851 : vector<16xf32>
        %max3A_853 = arith.maximumf %add3A_849, %mul3A_852 : vector<16xf32>
        %exp3A_854 = math.exp %max3A_853 : vector<16xf32>
        %swap3A_855 = arith.constant 0 : i32
        %swap3A_856 = arith.index_cast %swap3A_855 : i32 to index
        %swap3A_857 = arith.index_cast %scan3A_829 : i32 to index
        %swap3A_858 = arith.constant 0 : index
        %swap3A_859 = tpu.vector_load %arg17[%swap3A_856, %swap3A_857, %swap3A_858] {strides = array<i32>} : memref<2x96x16xf32, #tpu.memory_space<vmem>>, vector<1x1x16xf32>,
        %swap3A_860 = vector.shape_cast %swap3A_859 : vector<1x1x16xf32> to vector<16xf32>
        %swap3A_861 = vector.shape_cast %exp3A_854 : vector<16xf32> to vector<1x1x16xf32>
        tpu.vector_store %arg17[%swap3A_856, %swap3A_857, %swap3A_858], %swap3A_861 {strides = array<i32>} : memref<2x96x16xf32, #tpu.memory_space<vmem>>, vector<1x1x16xf32>,
        %slice3A_862 = vector.extract_strided_slice %exp3A_854 {offsets = [0], sizes = [1], strides = [1]} : vector<16xf32> to vector<1xf32>
        %squeeze3A_863 = vector.extract %slice3A_862[0] : f32 from vector<1xf32>
        %broadcast_in_dim3A_864 = vector.broadcast %squeeze3A_863 : f32 to vector<16xf32>
        %get3A_865 = arith.constant 0 : i32
        %get3A_866 = arith.index_cast %get3A_865 : i32 to index
        %get3A_867 = arith.index_cast %scan3A_829 : i32 to index
        %get3A_868 = arith.constant 0 : index
        %get3A_869 = tpu.vector_load %arg18[%get3A_866, %get3A_867, %get3A_868] {strides = array<i32>} : memref<2x96x128xf32, #tpu.memory_space<vmem>>, vector<1x1x16xf32>,
        %get3A_870 = vector.shape_cast %get3A_869 : vector<1x1x16xf32> to vector<16xf32>
        %mul3A_871 = arith.mulf %get3A_870, %broadcast_in_dim3A_864 : vector<16xf32>
        %swap3A_872 = arith.constant 0 : i32
        %swap3A_873 = arith.index_cast %swap3A_872 : i32 to index
        %swap3A_874 = arith.index_cast %scan3A_829 : i32 to index
        %swap3A_875 = arith.constant 0 : index
        %swap3A_876 = tpu.vector_load %arg18[%swap3A_873, %swap3A_874, %swap3A_875] {strides = array<i32>} : memref<2x96x128xf32, #tpu.memory_space<vmem>>, vector<1x1x16xf32>,
        %swap3A_877 = vector.shape_cast %swap3A_876 : vector<1x1x16xf32> to vector<16xf32>
        %swap3A_878 = vector.shape_cast %mul3A_871 : vector<16xf32> to vector<1x1x16xf32>
        tpu.vector_store %arg18[%swap3A_873, %swap3A_874, %swap3A_875], %swap3A_878 {strides = array<i32>} : memref<2x96x128xf32, #tpu.memory_space<vmem>>, vector<1x1x16xf32>,
        %slice3A_879 = vector.extract_strided_slice %exp3A_854 {offsets = [1], sizes = [1], strides = [1]} : vector<16xf32> to vector<1xf32>
        %squeeze3A_880 = vector.extract %slice3A_879[0] : f32 from vector<1xf32>
        %broadcast_in_dim3A_881 = vector.broadcast %squeeze3A_880 : f32 to vector<16xf32>
        %get3A_882 = arith.constant 0 : i32
        %get3A_883 = arith.index_cast %get3A_882 : i32 to index
        %get3A_884 = arith.index_cast %scan3A_829 : i32 to index
        %get3A_885 = arith.constant 16 : index
        %get3A_886 = tpu.vector_load %arg18[%get3A_883, %get3A_884, %get3A_885] {strides = array<i32>} : memref<2x96x128xf32, #tpu.memory_space<vmem>>, vector<1x1x16xf32>,
        %get3A_887 = vector.shape_cast %get3A_886 : vector<1x1x16xf32> to vector<16xf32>
        %mul3A_888 = arith.mulf %get3A_887, %broadcast_in_dim3A_881 : vector<16xf32>
        %swap3A_889 = arith.constant 0 : i32
        %swap3A_890 = arith.index_cast %swap3A_889 : i32 to index
        %swap3A_891 = arith.index_cast %scan3A_829 : i32 to index
        %swap3A_892 = arith.constant 16 : index
        %swap3A_893 = tpu.vector_load %arg18[%swap3A_890, %swap3A_891, %swap3A_892] {strides = array<i32>} : memref<2x96x128xf32, #tpu.memory_space<vmem>>, vector<1x1x16xf32>,
        %swap3A_894 = vector.shape_cast %swap3A_893 : vector<1x1x16xf32> to vector<16xf32>
        %swap3A_895 = vector.shape_cast %mul3A_888 : vector<16xf32> to vector<1x1x16xf32>
        tpu.vector_store %arg18[%swap3A_890, %swap3A_891, %swap3A_892], %swap3A_895 {strides = array<i32>} : memref<2x96x128xf32, #tpu.memory_space<vmem>>, vector<1x1x16xf32>,
        %slice3A_896 = vector.extract_strided_slice %exp3A_854 {offsets = [2], sizes = [1], strides = [1]} : vector<16xf32> to vector<1xf32>
        %squeeze3A_897 = vector.extract %slice3A_896[0] : f32 from vector<1xf32>
        %broadcast_in_dim3A_898 = vector.broadcast %squeeze3A_897 : f32 to vector<16xf32>
        %get3A_899 = arith.constant 0 : i32
        %get3A_900 = arith.index_cast %get3A_899 : i32 to index
        %get3A_901 = arith.index_cast %scan3A_829 : i32 to index
        %get3A_902 = arith.constant 32 : index
        %get3A_903 = tpu.vector_load %arg18[%get3A_900, %get3A_901, %get3A_902] {strides = array<i32>} : memref<2x96x128xf32, #tpu.memory_space<vmem>>, vector<1x1x16xf32>,
        %get3A_904 = vector.shape_cast %get3A_903 : vector<1x1x16xf32> to vector<16xf32>
        %mul3A_905 = arith.mulf %get3A_904, %broadcast_in_dim3A_898 : vector<16xf32>
        %swap3A_906 = arith.constant 0 : i32
        %swap3A_907 = arith.index_cast %swap3A_906 : i32 to index
        %swap3A_908 = arith.index_cast %scan3A_829 : i32 to index
        %swap3A_909 = arith.constant 32 : index
        %swap3A_910 = tpu.vector_load %arg18[%swap3A_907, %swap3A_908, %swap3A_909] {strides = array<i32>} : memref<2x96x128xf32, #tpu.memory_space<vmem>>, vector<1x1x16xf32>,
        %swap3A_911 = vector.shape_cast %swap3A_910 : vector<1x1x16xf32> to vector<16xf32>
        %swap3A_912 = vector.shape_cast %mul3A_905 : vector<16xf32> to vector<1x1x16xf32>
        tpu.vector_store %arg18[%swap3A_907, %swap3A_908, %swap3A_909], %swap3A_912 {strides = array<i32>} : memref<2x96x128xf32, #tpu.memory_space<vmem>>, vector<1x1x16xf32>,
        %slice3A_913 = vector.extract_strided_slice %exp3A_854 {offsets = [3], sizes = [1], strides = [1]} : vector<16xf32> to vector<1xf32>
        %squeeze3A_914 = vector.extract %slice3A_913[0] : f32 from vector<1xf32>
        %broadcast_in_dim3A_915 = vector.broadcast %squeeze3A_914 : f32 to vector<16xf32>
        %get3A_916 = arith.constant 0 : i32
        %get3A_917 = arith.index_cast %get3A_916 : i32 to index
        %get3A_918 = arith.index_cast %scan3A_829 : i32 to index
        %get3A_919 = arith.constant 48 : index
        %get3A_920 = tpu.vector_load %arg18[%get3A_917, %get3A_918, %get3A_919] {strides = array<i32>} : memref<2x96x128xf32, #tpu.memory_space<vmem>>, vector<1x1x16xf32>,
        %get3A_921 = vector.shape_cast %get3A_920 : vector<1x1x16xf32> to vector<16xf32>
        %mul3A_922 = arith.mulf %get3A_921, %broadcast_in_dim3A_915 : vector<16xf32>
        %swap3A_923 = arith.constant 0 : i32
        %swap3A_924 = arith.index_cast %swap3A_923 : i32 to index
        %swap3A_925 = arith.index_cast %scan3A_829 : i32 to index
        %swap3A_926 = arith.constant 48 : index
        %swap3A_927 = tpu.vector_load %arg18[%swap3A_924, %swap3A_925, %swap3A_926] {strides = array<i32>} : memref<2x96x128xf32, #tpu.memory_space<vmem>>, vector<1x1x16xf32>,
        %swap3A_928 = vector.shape_cast %swap3A_927 : vector<1x1x16xf32> to vector<16xf32>
        %swap3A_929 = vector.shape_cast %mul3A_922 : vector<16xf32> to vector<1x1x16xf32>
        tpu.vector_store %arg18[%swap3A_924, %swap3A_925, %swap3A_926], %swap3A_929 {strides = array<i32>} : memref<2x96x128xf32, #tpu.memory_space<vmem>>, vector<1x1x16xf32>,
        %slice3A_930 = vector.extract_strided_slice %exp3A_854 {offsets = [4], sizes = [1], strides = [1]} : vector<16xf32> to vector<1xf32>
        %squeeze3A_931 = vector.extract %slice3A_930[0] : f32 from vector<1xf32>
        %broadcast_in_dim3A_932 = vector.broadcast %squeeze3A_931 : f32 to vector<16xf32>
        %get3A_933 = arith.constant 0 : i32
        %get3A_934 = arith.index_cast %get3A_933 : i32 to index
        %get3A_935 = arith.index_cast %scan3A_829 : i32 to index
        %get3A_936 = arith.constant 64 : index
        %get3A_937 = tpu.vector_load %arg18[%get3A_934, %get3A_935, %get3A_936] {strides = array<i32>} : memref<2x96x128xf32, #tpu.memory_space<vmem>>, vector<1x1x16xf32>,
        %get3A_938 = vector.shape_cast %get3A_937 : vector<1x1x16xf32> to vector<16xf32>
        %mul3A_939 = arith.mulf %get3A_938, %broadcast_in_dim3A_932 : vector<16xf32>
        %swap3A_940 = arith.constant 0 : i32
        %swap3A_941 = arith.index_cast %swap3A_940 : i32 to index
        %swap3A_942 = arith.index_cast %scan3A_829 : i32 to index
        %swap3A_943 = arith.constant 64 : index
        %swap3A_944 = tpu.vector_load %arg18[%swap3A_941, %swap3A_942, %swap3A_943] {strides = array<i32>} : memref<2x96x128xf32, #tpu.memory_space<vmem>>, vector<1x1x16xf32>,
        %swap3A_945 = vector.shape_cast %swap3A_944 : vector<1x1x16xf32> to vector<16xf32>
        %swap3A_946 = vector.shape_cast %mul3A_939 : vector<16xf32> to vector<1x1x16xf32>
        tpu.vector_store %arg18[%swap3A_941, %swap3A_942, %swap3A_943], %swap3A_946 {strides = array<i32>} : memref<2x96x128xf32, #tpu.memory_space<vmem>>, vector<1x1x16xf32>,
        %slice3A_947 = vector.extract_strided_slice %exp3A_854 {offsets = [5], sizes = [1], strides = [1]} : vector<16xf32> to vector<1xf32>
        %squeeze3A_948 = vector.extract %slice3A_947[0] : f32 from vector<1xf32>
        %broadcast_in_dim3A_949 = vector.broadcast %squeeze3A_948 : f32 to vector<16xf32>
        %get3A_950 = arith.constant 0 : i32
        %get3A_951 = arith.index_cast %get3A_950 : i32 to index
        %get3A_952 = arith.index_cast %scan3A_829 : i32 to index
        %get3A_953 = arith.constant 80 : index
        %get3A_954 = tpu.vector_load %arg18[%get3A_951, %get3A_952, %get3A_953] {strides = array<i32>} : memref<2x96x128xf32, #tpu.memory_space<vmem>>, vector<1x1x16xf32>,
        %get3A_955 = vector.shape_cast %get3A_954 : vector<1x1x16xf32> to vector<16xf32>
        %mul3A_956 = arith.mulf %get3A_955, %broadcast_in_dim3A_949 : vector<16xf32>
        %swap3A_957 = arith.constant 0 : i32
        %swap3A_958 = arith.index_cast %swap3A_957 : i32 to index
        %swap3A_959 = arith.index_cast %scan3A_829 : i32 to index
        %swap3A_960 = arith.constant 80 : index
        %swap3A_961 = tpu.vector_load %arg18[%swap3A_958, %swap3A_959, %swap3A_960] {strides = array<i32>} : memref<2x96x128xf32, #tpu.memory_space<vmem>>, vector<1x1x16xf32>,
        %swap3A_962 = vector.shape_cast %swap3A_961 : vector<1x1x16xf32> to vector<16xf32>
        %swap3A_963 = vector.shape_cast %mul3A_956 : vector<16xf32> to vector<1x1x16xf32>
        tpu.vector_store %arg18[%swap3A_958, %swap3A_959, %swap3A_960], %swap3A_963 {strides = array<i32>} : memref<2x96x128xf32, #tpu.memory_space<vmem>>, vector<1x1x16xf32>,
        %slice3A_964 = vector.extract_strided_slice %exp3A_854 {offsets = [6], sizes = [1], strides = [1]} : vector<16xf32> to vector<1xf32>
        %squeeze3A_965 = vector.extract %slice3A_964[0] : f32 from vector<1xf32>
        %broadcast_in_dim3A_966 = vector.broadcast %squeeze3A_965 : f32 to vector<16xf32>
        %get3A_967 = arith.constant 0 : i32
        %get3A_968 = arith.index_cast %get3A_967 : i32 to index
        %get3A_969 = arith.index_cast %scan3A_829 : i32 to index
        %get3A_970 = arith.constant 96 : index
        %get3A_971 = tpu.vector_load %arg18[%get3A_968, %get3A_969, %get3A_970] {strides = array<i32>} : memref<2x96x128xf32, #tpu.memory_space<vmem>>, vector<1x1x16xf32>,
        %get3A_972 = vector.shape_cast %get3A_971 : vector<1x1x16xf32> to vector<16xf32>
        %mul3A_973 = arith.mulf %get3A_972, %broadcast_in_dim3A_966 : vector<16xf32>
        %swap3A_974 = arith.constant 0 : i32
        %swap3A_975 = arith.index_cast %swap3A_974 : i32 to index
        %swap3A_976 = arith.index_cast %scan3A_829 : i32 to index
        %swap3A_977 = arith.constant 96 : index
        %swap3A_978 = tpu.vector_load %arg18[%swap3A_975, %swap3A_976, %swap3A_977] {strides = array<i32>} : memref<2x96x128xf32, #tpu.memory_space<vmem>>, vector<1x1x16xf32>,
        %swap3A_979 = vector.shape_cast %swap3A_978 : vector<1x1x16xf32> to vector<16xf32>
        %swap3A_980 = vector.shape_cast %mul3A_973 : vector<16xf32> to vector<1x1x16xf32>
        tpu.vector_store %arg18[%swap3A_975, %swap3A_976, %swap3A_977], %swap3A_980 {strides = array<i32>} : memref<2x96x128xf32, #tpu.memory_space<vmem>>, vector<1x1x16xf32>,
        %slice3A_981 = vector.extract_strided_slice %exp3A_854 {offsets = [7], sizes = [1], strides = [1]} : vector<16xf32> to vector<1xf32>
        %squeeze3A_982 = vector.extract %slice3A_981[0] : f32 from vector<1xf32>
        %broadcast_in_dim3A_983 = vector.broadcast %squeeze3A_982 : f32 to vector<16xf32>
        %get3A_984 = arith.constant 0 : i32
        %get3A_985 = arith.index_cast %get3A_984 : i32 to index
        %get3A_986 = arith.index_cast %scan3A_829 : i32 to index
        %get3A_987 = arith.constant 112 : index
        %get3A_988 = tpu.vector_load %arg18[%get3A_985, %get3A_986, %get3A_987] {strides = array<i32>} : memref<2x96x128xf32, #tpu.memory_space<vmem>>, vector<1x1x16xf32>,
        %get3A_989 = vector.shape_cast %get3A_988 : vector<1x1x16xf32> to vector<16xf32>
        %mul3A_990 = arith.mulf %get3A_989, %broadcast_in_dim3A_983 : vector<16xf32>
        %swap3A_991 = arith.constant 0 : i32
        %swap3A_992 = arith.index_cast %swap3A_991 : i32 to index
        %swap3A_993 = arith.index_cast %scan3A_829 : i32 to index
        %swap3A_994 = arith.constant 112 : index
        %swap3A_995 = tpu.vector_load %arg18[%swap3A_992, %swap3A_993, %swap3A_994] {strides = array<i32>} : memref<2x96x128xf32, #tpu.memory_space<vmem>>, vector<1x1x16xf32>,
        %swap3A_996 = vector.shape_cast %swap3A_995 : vector<1x1x16xf32> to vector<16xf32>
        %swap3A_997 = vector.shape_cast %mul3A_990 : vector<16xf32> to vector<1x1x16xf32>
        tpu.vector_store %arg18[%swap3A_992, %swap3A_993, %swap3A_994], %swap3A_997 {strides = array<i32>} : memref<2x96x128xf32, #tpu.memory_space<vmem>>, vector<1x1x16xf32>,
      }
      %scan3A_210 = arith.constant 96 : i32
      %dma_start3A_211 = arith.constant 0 : i32
      %dma_start3A_212 = arith.constant 0 : i32
      %dma_start3A_213 = arith.constant 0 : i32
      %dma_start3A_214 = arith.constant 0 : i32
      %dma_start3A_215 = tpu.memref_slice %arg17[%dma_start3A_211, %dma_start3A_213, %dma_start3A_214] : memref<2x96x16xf32, #tpu.memory_space<vmem>> -> memref<1x96x16xf32, #tpu.memory_space<vmem>>
      %dma_start3A_216 = tpu.memref_squeeze %dma_start3A_215 : memref<1x96x16xf32, #tpu.memory_space<vmem>> -> memref<96x16xf32, #tpu.memory_space<vmem>>
      %dma_start3A_217 = arith.constant 0 : i32
      %dma_start3A_218 = tpu.memref_slice %arg13[%dma_start3A_212, %dma_start3A_217] : memref<2x96xi32, #tpu.memory_space<vmem>> -> memref<1x96xi32, #tpu.memory_space<vmem>>
      %dma_start3A_219 = tpu.memref_squeeze %dma_start3A_218 : memref<1x96xi32, #tpu.memory_space<vmem>> -> memref<96xi32, #tpu.memory_space<vmem>>
      %dma_start3A_220 = arith.constant 0 : i32
      %dma_start3A_221 = arith.constant 0 : i32
      %dma_start3A_222 = tpu.memref_slice %arg20[%dma_start3A_220, %dma_start3A_221] : memref<10112x16xf32, #tpu.memory_space<vmem_shared>> -> memref<10112x16xf32, #tpu.memory_space<vmem_shared>>
      tpu.enqueue_indirect_dma source(%dma_start3A_216 : memref<96x16xf32, #tpu.memory_space<vmem>>) target(%dma_start3A_222 : memref<10112x16xf32, #tpu.memory_space<vmem_shared>>) offsets(%dma_start3A_219 : memref<96xi32, #tpu.memory_space<vmem>>) semaphore(%arg23 : memref<!tpu.dma_semaphore, #tpu.memory_space<semaphore_mem>>) {add = true}
      %dma_start3A_223 = arith.constant 0 : i32
      %dma_start3A_224 = arith.constant 0 : i32
      %dma_start3A_225 = arith.constant 0 : i32
      %dma_start3A_226 = arith.constant 0 : i32
      %dma_start3A_227 = tpu.memref_slice %arg18[%dma_start3A_223, %dma_start3A_225, %dma_start3A_226] : memref<2x96x128xf32, #tpu.memory_space<vmem>> -> memref<1x96x128xf32, #tpu.memory_space<vmem>>
      %dma_start3A_228 = tpu.memref_squeeze %dma_start3A_227 : memref<1x96x128xf32, #tpu.memory_space<vmem>> -> memref<96x128xf32, #tpu.memory_space<vmem>>
      %dma_start3A_229 = arith.constant 0 : i32
      %dma_start3A_230 = tpu.memref_slice %arg13[%dma_start3A_224, %dma_start3A_229] : memref<2x96xi32, #tpu.memory_space<vmem>> -> memref<1x96xi32, #tpu.memory_space<vmem>>
      %dma_start3A_231 = tpu.memref_squeeze %dma_start3A_230 : memref<1x96xi32, #tpu.memory_space<vmem>> -> memref<96xi32, #tpu.memory_space<vmem>>
      %dma_start3A_232 = arith.constant 0 : i32
      %dma_start3A_233 = arith.constant 0 : i32
      %dma_start3A_234 = tpu.memref_slice %arg19[%dma_start3A_232, %dma_start3A_233] : memref<10112x128xf32, #tpu.memory_space<vmem_shared>> -> memref<10112x128xf32, #tpu.memory_space<vmem_shared>>
      tpu.enqueue_indirect_dma source(%dma_start3A_228 : memref<96x128xf32, #tpu.memory_space<vmem>>) target(%dma_start3A_234 : memref<10112x128xf32, #tpu.memory_space<vmem_shared>>) offsets(%dma_start3A_231 : memref<96xi32, #tpu.memory_space<vmem>>) semaphore(%arg23 : memref<!tpu.dma_semaphore, #tpu.memory_space<semaphore_mem>>) {add = true}
      %mul3A_235 = arith.constant 2 : i32
      %mul3A_236 = arith.muli %scan3A_147, %mul3A_235 : i32
      %add3A_237 = arith.constant 1 : i32
      %add3A_238 = arith.addi %mul3A_236, %add3A_237 : i32
      %ge3A_239 = arith.constant 1 : i32
      %ge3A_240 = arith.cmpi sge, %add3A_238, %ge3A_239 : i32
      %convert_element_type3A_241 = arith.extui %ge3A_240 : i1 to i32
      %cond3A_242 = arith.constant 0 : i32
      %cond3A_243 = arith.cmpi ne, %convert_element_type3A_241, %cond3A_242 : i32
      scf.if %cond3A_243 {
        %dma_wait3A_326 = arith.constant 0 : i32
        %dma_wait3A_327 = arith.constant 0 : i32
        %dma_wait3A_328 = arith.constant 0 : i32
        %dma_wait3A_329 = tpu.memref_slice %arg17[%dma_wait3A_326, %dma_wait3A_327, %dma_wait3A_328] : memref<2x96x16xf32, #tpu.memory_space<vmem>> -> memref<1x96x16xf32, #tpu.memory_space<vmem>>
        %dma_wait3A_330 = tpu.memref_squeeze %dma_wait3A_329 : memref<1x96x16xf32, #tpu.memory_space<vmem>> -> memref<96x16xf32, #tpu.memory_space<vmem>>
        %dma_wait3A_331 = arith.constant 0 : i32
        %dma_wait3A_332 = arith.constant 0 : i32
        %dma_wait3A_333 = tpu.memref_slice %arg2[%dma_wait3A_331, %dma_wait3A_332] : memref<10112x16xf32, #tpu.memory_space<hbm>> -> memref<96x16xf32, #tpu.memory_space<hbm>>
        %dma_wait3A_334 = arith.constant 0 : i32
        %dma_wait3A_335 = arith.constant 0 : i32
        %dma_wait3A_336 = tpu.memref_slice %arg17[%dma_wait3A_326, %dma_wait3A_334, %dma_wait3A_335] : memref<2x96x16xf32, #tpu.memory_space<vmem>> -> memref<1x96x16xf32, #tpu.memory_space<vmem>>
        %dma_wait3A_337 = tpu.memref_squeeze %dma_wait3A_336 : memref<1x96x16xf32, #tpu.memory_space<vmem>> -> memref<96x16xf32, #tpu.memory_space<vmem>>
        %dma_wait3A_338 = arith.constant 0 : i32
        %dma_wait3A_339 = arith.constant 0 : i32
        %dma_wait3A_340 = tpu.memref_slice %arg2[%dma_wait3A_338, %dma_wait3A_339] : memref<10112x16xf32, #tpu.memory_space<hbm>> -> memref<96x16xf32, #tpu.memory_space<hbm>>
        tpu.wait_dma2 semaphore(%arg23 : memref<!tpu.dma_semaphore, #tpu.memory_space<semaphore_mem>>) src(%dma_wait3A_340 : memref<96x16xf32, #tpu.memory_space<hbm>>) dst(%dma_wait3A_337 : memref<96x16xf32, #tpu.memory_space<vmem>>)
        %dma_wait3A_341 = arith.constant 0 : i32
        %dma_wait3A_342 = arith.constant 0 : i32
        %dma_wait3A_343 = arith.constant 0 : i32
        %dma_wait3A_344 = tpu.memref_slice %arg18[%dma_wait3A_341, %dma_wait3A_342, %dma_wait3A_343] : memref<2x96x128xf32, #tpu.memory_space<vmem>> -> memref<1x96x128xf32, #tpu.memory_space<vmem>>
        %dma_wait3A_345 = tpu.memref_squeeze %dma_wait3A_344 : memref<1x96x128xf32, #tpu.memory_space<vmem>> -> memref<96x128xf32, #tpu.memory_space<vmem>>
        %dma_wait3A_346 = arith.constant 0 : i32
        %dma_wait3A_347 = arith.constant 0 : i32
        %dma_wait3A_348 = tpu.memref_slice %arg4[%dma_wait3A_346, %dma_wait3A_347] : memref<10112x128xf32, #tpu.memory_space<hbm>> -> memref<96x128xf32, #tpu.memory_space<hbm>>
        %dma_wait3A_349 = arith.constant 0 : i32
        %dma_wait3A_350 = arith.constant 0 : i32
        %dma_wait3A_351 = tpu.memref_slice %arg18[%dma_wait3A_341, %dma_wait3A_349, %dma_wait3A_350] : memref<2x96x128xf32, #tpu.memory_space<vmem>> -> memref<1x96x128xf32, #tpu.memory_space<vmem>>
        %dma_wait3A_352 = tpu.memref_squeeze %dma_wait3A_351 : memref<1x96x128xf32, #tpu.memory_space<vmem>> -> memref<96x128xf32, #tpu.memory_space<vmem>>
        %dma_wait3A_353 = arith.constant 0 : i32
        %dma_wait3A_354 = arith.constant 0 : i32
        %dma_wait3A_355 = tpu.memref_slice %arg4[%dma_wait3A_353, %dma_wait3A_354] : memref<10112x128xf32, #tpu.memory_space<hbm>> -> memref<96x128xf32, #tpu.memory_space<hbm>>
        tpu.wait_dma2 semaphore(%arg23 : memref<!tpu.dma_semaphore, #tpu.memory_space<semaphore_mem>>) src(%dma_wait3A_355 : memref<96x128xf32, #tpu.memory_space<hbm>>) dst(%dma_wait3A_352 : memref<96x128xf32, #tpu.memory_space<vmem>>)
      } else {
      }
      %add3A_244 = arith.constant 1 : i32
      %add3A_245 = arith.addi %add3A_238, %add3A_244 : i32
      %lt3A_246 = arith.constant 106 : i32
      %lt3A_247 = arith.cmpi slt, %add3A_245, %lt3A_246 : i32
      %convert_element_type3A_248 = arith.extui %lt3A_247 : i1 to i32
      %cond3A_249 = arith.constant 0 : i32
      %cond3A_250 = arith.cmpi ne, %convert_element_type3A_248, %cond3A_249 : i32
      scf.if %cond3A_250 {
        %add3A_326 = arith.constant 1 : i32
        %add3A_327 = arith.addi %add3A_238, %add3A_326 : i32
        %mul3A_328 = arith.constant 96 : i32
        %mul3A_329 = arith.muli %add3A_327, %mul3A_328 : i32
        %add3A_330 = arith.addi %mul3A_6, %mul3A_329 : i32
        %dma_start3A_331 = arith.constant 0 : i32
        %dma_start3A_332 = arith.constant 0 : i32
        %dma_start3A_333 = tpu.memref_slice %arg12[%dma_start3A_331, %dma_start3A_332] : memref<2x96xi32, #tpu.memory_space<vmem>> -> memref<1x96xi32, #tpu.memory_space<vmem>>
        %dma_start3A_334 = tpu.memref_squeeze %dma_start3A_333 : memref<1x96xi32, #tpu.memory_space<vmem>> -> memref<96xi32, #tpu.memory_space<vmem>>
        %dma_start3A_335 = tpu.memref_slice %arg6[%add3A_330] : memref<325632xi32, #tpu.memory_space<hbm>> -> memref<96xi32, #tpu.memory_space<hbm>>
        %dma_start3A_336 = arith.constant 0 : i32
        %dma_start3A_337 = tpu.memref_slice %arg12[%dma_start3A_331, %dma_start3A_336] : memref<2x96xi32, #tpu.memory_space<vmem>> -> memref<1x96xi32, #tpu.memory_space<vmem>>
        %dma_start3A_338 = tpu.memref_squeeze %dma_start3A_337 : memref<1x96xi32, #tpu.memory_space<vmem>> -> memref<96xi32, #tpu.memory_space<vmem>>
        %dma_start3A_339 = tpu.memref_slice %arg6[%add3A_330] : memref<325632xi32, #tpu.memory_space<hbm>> -> memref<96xi32, #tpu.memory_space<hbm>>
        tpu.enqueue_dma source(%dma_start3A_339 : memref<96xi32, #tpu.memory_space<hbm>>) target(%dma_start3A_338 : memref<96xi32, #tpu.memory_space<vmem>>) target_semaphore(%arg25 : memref<!tpu.dma_semaphore, #tpu.memory_space<semaphore_mem>>)
        %dma_start3A_340 = arith.constant 0 : i32
        %dma_start3A_341 = arith.constant 0 : i32
        %dma_start3A_342 = tpu.memref_slice %arg13[%dma_start3A_340, %dma_start3A_341] : memref<2x96xi32, #tpu.memory_space<vmem>> -> memref<1x96xi32, #tpu.memory_space<vmem>>
        %dma_start3A_343 = tpu.memref_squeeze %dma_start3A_342 : memref<1x96xi32, #tpu.memory_space<vmem>> -> memref<96xi32, #tpu.memory_space<vmem>>
        %dma_start3A_344 = tpu.memref_slice %arg7[%add3A_330] : memref<325632xi32, #tpu.memory_space<hbm>> -> memref<96xi32, #tpu.memory_space<hbm>>
        %dma_start3A_345 = arith.constant 0 : i32
        %dma_start3A_346 = tpu.memref_slice %arg13[%dma_start3A_340, %dma_start3A_345] : memref<2x96xi32, #tpu.memory_space<vmem>> -> memref<1x96xi32, #tpu.memory_space<vmem>>
        %dma_start3A_347 = tpu.memref_squeeze %dma_start3A_346 : memref<1x96xi32, #tpu.memory_space<vmem>> -> memref<96xi32, #tpu.memory_space<vmem>>
        %dma_start3A_348 = tpu.memref_slice %arg7[%add3A_330] : memref<325632xi32, #tpu.memory_space<hbm>> -> memref<96xi32, #tpu.memory_space<hbm>>
        tpu.enqueue_dma source(%dma_start3A_348 : memref<96xi32, #tpu.memory_space<hbm>>) target(%dma_start3A_347 : memref<96xi32, #tpu.memory_space<vmem>>) target_semaphore(%arg25 : memref<!tpu.dma_semaphore, #tpu.memory_space<semaphore_mem>>)
        %dma_start3A_349 = arith.constant 0 : i32
        %dma_start3A_350 = arith.constant 0 : i32
        %dma_start3A_351 = arith.constant 0 : i32
        %dma_start3A_352 = tpu.memref_slice %arg16[%dma_start3A_349, %dma_start3A_350, %dma_start3A_351] : memref<2x96x16xf32, #tpu.memory_space<vmem>> -> memref<1x96x16xf32, #tpu.memory_space<vmem>>
        %dma_start3A_353 = tpu.memref_squeeze %dma_start3A_352 : memref<1x96x16xf32, #tpu.memory_space<vmem>> -> memref<96x16xf32, #tpu.memory_space<vmem>>
        %dma_start3A_354 = arith.constant 0 : i32
        %dma_start3A_355 = tpu.memref_slice %arg5[%add3A_330, %dma_start3A_354] : memref<325632x16xf32, #tpu.memory_space<hbm>> -> memref<96x16xf32, #tpu.memory_space<hbm>>
        %dma_start3A_356 = arith.constant 0 : i32
        %dma_start3A_357 = arith.constant 0 : i32
        %dma_start3A_358 = tpu.memref_slice %arg16[%dma_start3A_349, %dma_start3A_356, %dma_start3A_357] : memref<2x96x16xf32, #tpu.memory_space<vmem>> -> memref<1x96x16xf32, #tpu.memory_space<vmem>>
        %dma_start3A_359 = tpu.memref_squeeze %dma_start3A_358 : memref<1x96x16xf32, #tpu.memory_space<vmem>> -> memref<96x16xf32, #tpu.memory_space<vmem>>
        %dma_start3A_360 = arith.constant 0 : i32
        %dma_start3A_361 = tpu.memref_slice %arg5[%add3A_330, %dma_start3A_360] : memref<325632x16xf32, #tpu.memory_space<hbm>> -> memref<96x16xf32, #tpu.memory_space<hbm>>
        tpu.enqueue_dma source(%dma_start3A_361 : memref<96x16xf32, #tpu.memory_space<hbm>>) target(%dma_start3A_359 : memref<96x16xf32, #tpu.memory_space<vmem>>) target_semaphore(%arg25 : memref<!tpu.dma_semaphore, #tpu.memory_space<semaphore_mem>>)
        %dma_wait3A_362 = arith.constant 0 : i32
        %dma_wait3A_363 = arith.constant 0 : i32
        %dma_wait3A_364 = tpu.memref_slice %arg12[%dma_wait3A_362, %dma_wait3A_363] : memref<2x96xi32, #tpu.memory_space<vmem>> -> memref<1x96xi32, #tpu.memory_space<vmem>>
        %dma_wait3A_365 = tpu.memref_squeeze %dma_wait3A_364 : memref<1x96xi32, #tpu.memory_space<vmem>> -> memref<96xi32, #tpu.memory_space<vmem>>
        %dma_wait3A_366 = arith.constant 0 : i32
        %dma_wait3A_367 = tpu.memref_slice %arg6[%dma_wait3A_366] : memref<325632xi32, #tpu.memory_space<hbm>> -> memref<96xi32, #tpu.memory_space<hbm>>
        %dma_wait3A_368 = arith.constant 0 : i32
        %dma_wait3A_369 = tpu.memref_slice %arg12[%dma_wait3A_362, %dma_wait3A_368] : memref<2x96xi32, #tpu.memory_space<vmem>> -> memref<1x96xi32, #tpu.memory_space<vmem>>
        %dma_wait3A_370 = tpu.memref_squeeze %dma_wait3A_369 : memref<1x96xi32, #tpu.memory_space<vmem>> -> memref<96xi32, #tpu.memory_space<vmem>>
        %dma_wait3A_371 = arith.constant 0 : i32
        %dma_wait3A_372 = tpu.memref_slice %arg6[%dma_wait3A_371] : memref<325632xi32, #tpu.memory_space<hbm>> -> memref<96xi32, #tpu.memory_space<hbm>>
        tpu.wait_dma2 semaphore(%arg25 : memref<!tpu.dma_semaphore, #tpu.memory_space<semaphore_mem>>) src(%dma_wait3A_372 : memref<96xi32, #tpu.memory_space<hbm>>) dst(%dma_wait3A_370 : memref<96xi32, #tpu.memory_space<vmem>>)
        %dma_wait3A_373 = arith.constant 0 : i32
        %dma_wait3A_374 = arith.constant 0 : i32
        %dma_wait3A_375 = tpu.memref_slice %arg13[%dma_wait3A_373, %dma_wait3A_374] : memref<2x96xi32, #tpu.memory_space<vmem>> -> memref<1x96xi32, #tpu.memory_space<vmem>>
        %dma_wait3A_376 = tpu.memref_squeeze %dma_wait3A_375 : memref<1x96xi32, #tpu.memory_space<vmem>> -> memref<96xi32, #tpu.memory_space<vmem>>
        %dma_wait3A_377 = arith.constant 0 : i32
        %dma_wait3A_378 = tpu.memref_slice %arg6[%dma_wait3A_377] : memref<325632xi32, #tpu.memory_space<hbm>> -> memref<96xi32, #tpu.memory_space<hbm>>
        %dma_wait3A_379 = arith.constant 0 : i32
        %dma_wait3A_380 = tpu.memref_slice %arg13[%dma_wait3A_373, %dma_wait3A_379] : memref<2x96xi32, #tpu.memory_space<vmem>> -> memref<1x96xi32, #tpu.memory_space<vmem>>
        %dma_wait3A_381 = tpu.memref_squeeze %dma_wait3A_380 : memref<1x96xi32, #tpu.memory_space<vmem>> -> memref<96xi32, #tpu.memory_space<vmem>>
        %dma_wait3A_382 = arith.constant 0 : i32
        %dma_wait3A_383 = tpu.memref_slice %arg6[%dma_wait3A_382] : memref<325632xi32, #tpu.memory_space<hbm>> -> memref<96xi32, #tpu.memory_space<hbm>>
        tpu.wait_dma2 semaphore(%arg25 : memref<!tpu.dma_semaphore, #tpu.memory_space<semaphore_mem>>) src(%dma_wait3A_383 : memref<96xi32, #tpu.memory_space<hbm>>) dst(%dma_wait3A_381 : memref<96xi32, #tpu.memory_space<vmem>>)
        %dma_wait3A_384 = arith.constant 0 : i32
        %dma_wait3A_385 = arith.constant 0 : i32
        %dma_wait3A_386 = arith.constant 0 : i32
        %dma_wait3A_387 = tpu.memref_slice %arg16[%dma_wait3A_384, %dma_wait3A_385, %dma_wait3A_386] : memref<2x96x16xf32, #tpu.memory_space<vmem>> -> memref<1x96x16xf32, #tpu.memory_space<vmem>>
        %dma_wait3A_388 = tpu.memref_squeeze %dma_wait3A_387 : memref<1x96x16xf32, #tpu.memory_space<vmem>> -> memref<96x16xf32, #tpu.memory_space<vmem>>
        %dma_wait3A_389 = arith.constant 0 : i32
        %dma_wait3A_390 = arith.constant 0 : i32
        %dma_wait3A_391 = tpu.memref_slice %arg5[%dma_wait3A_389, %dma_wait3A_390] : memref<325632x16xf32, #tpu.memory_space<hbm>> -> memref<96x16xf32, #tpu.memory_space<hbm>>
        %dma_wait3A_392 = arith.constant 0 : i32
        %dma_wait3A_393 = arith.constant 0 : i32
        %dma_wait3A_394 = tpu.memref_slice %arg16[%dma_wait3A_384, %dma_wait3A_392, %dma_wait3A_393] : memref<2x96x16xf32, #tpu.memory_space<vmem>> -> memref<1x96x16xf32, #tpu.memory_space<vmem>>
        %dma_wait3A_395 = tpu.memref_squeeze %dma_wait3A_394 : memref<1x96x16xf32, #tpu.memory_space<vmem>> -> memref<96x16xf32, #tpu.memory_space<vmem>>
        %dma_wait3A_396 = arith.constant 0 : i32
        %dma_wait3A_397 = arith.constant 0 : i32
        %dma_wait3A_398 = tpu.memref_slice %arg5[%dma_wait3A_396, %dma_wait3A_397] : memref<325632x16xf32, #tpu.memory_space<hbm>> -> memref<96x16xf32, #tpu.memory_space<hbm>>
        tpu.wait_dma2 semaphore(%arg25 : memref<!tpu.dma_semaphore, #tpu.memory_space<semaphore_mem>>) src(%dma_wait3A_398 : memref<96x16xf32, #tpu.memory_space<hbm>>) dst(%dma_wait3A_395 : memref<96x16xf32, #tpu.memory_space<vmem>>)
        %dma_start3A_399 = arith.constant 0 : i32
        %dma_start3A_400 = arith.constant 0 : i32
        %dma_start3A_401 = arith.constant 0 : i32
        %dma_start3A_402 = arith.constant 0 : i32
        %dma_start3A_403 = tpu.memref_slice %arg14[%dma_start3A_400, %dma_start3A_401, %dma_start3A_402] : memref<2x96x16xf32, #tpu.memory_space<vmem>> -> memref<1x96x16xf32, #tpu.memory_space<vmem>>
        %dma_start3A_404 = tpu.memref_squeeze %dma_start3A_403 : memref<1x96x16xf32, #tpu.memory_space<vmem>> -> memref<96x16xf32, #tpu.memory_space<vmem>>
        %dma_start3A_405 = arith.constant 0 : i32
        %dma_start3A_406 = tpu.memref_slice %arg12[%dma_start3A_399, %dma_start3A_405] : memref<2x96xi32, #tpu.memory_space<vmem>> -> memref<1x96xi32, #tpu.memory_space<vmem>>
        %dma_start3A_407 = tpu.memref_squeeze %dma_start3A_406 : memref<1x96xi32, #tpu.memory_space<vmem>> -> memref<96xi32, #tpu.memory_space<vmem>>
        %dma_start3A_408 = arith.constant 0 : i32
        %dma_start3A_409 = arith.constant 0 : i32
        %dma_start3A_410 = tpu.memref_slice %arg2[%dma_start3A_408, %dma_start3A_409] : memref<10112x16xf32, #tpu.memory_space<hbm>> -> memref<10112x16xf32, #tpu.memory_space<hbm>>
        tpu.enqueue_indirect_dma source(%dma_start3A_410 : memref<10112x16xf32, #tpu.memory_space<hbm>>) target(%dma_start3A_404 : memref<96x16xf32, #tpu.memory_space<vmem>>) offsets(%dma_start3A_407 : memref<96xi32, #tpu.memory_space<vmem>>) semaphore(%arg21 : memref<!tpu.dma_semaphore, #tpu.memory_space<semaphore_mem>>)
        %dma_start3A_411 = arith.constant 0 : i32
        %dma_start3A_412 = arith.constant 0 : i32
        %dma_start3A_413 = arith.constant 0 : i32
        %dma_start3A_414 = arith.constant 0 : i32
        %dma_start3A_415 = tpu.memref_slice %arg15[%dma_start3A_412, %dma_start3A_413, %dma_start3A_414] : memref<2x96x16xf32, #tpu.memory_space<vmem>> -> memref<1x96x16xf32, #tpu.memory_space<vmem>>
        %dma_start3A_416 = tpu.memref_squeeze %dma_start3A_415 : memref<1x96x16xf32, #tpu.memory_space<vmem>> -> memref<96x16xf32, #tpu.memory_space<vmem>>
        %dma_start3A_417 = arith.constant 0 : i32
        %dma_start3A_418 = tpu.memref_slice %arg13[%dma_start3A_411, %dma_start3A_417] : memref<2x96xi32, #tpu.memory_space<vmem>> -> memref<1x96xi32, #tpu.memory_space<vmem>>
        %dma_start3A_419 = tpu.memref_squeeze %dma_start3A_418 : memref<1x96xi32, #tpu.memory_space<vmem>> -> memref<96xi32, #tpu.memory_space<vmem>>
        %dma_start3A_420 = arith.constant 0 : i32
        %dma_start3A_421 = arith.constant 0 : i32
        %dma_start3A_422 = tpu.memref_slice %arg3[%dma_start3A_420, %dma_start3A_421] : memref<10112x16xf32, #tpu.memory_space<hbm>> -> memref<10112x16xf32, #tpu.memory_space<hbm>>
        tpu.enqueue_indirect_dma source(%dma_start3A_422 : memref<10112x16xf32, #tpu.memory_space<hbm>>) target(%dma_start3A_416 : memref<96x16xf32, #tpu.memory_space<vmem>>) offsets(%dma_start3A_419 : memref<96xi32, #tpu.memory_space<vmem>>) semaphore(%arg21 : memref<!tpu.dma_semaphore, #tpu.memory_space<semaphore_mem>>)
        %dma_start3A_423 = arith.constant 0 : i32
        %dma_start3A_424 = arith.constant 0 : i32
        %dma_start3A_425 = arith.constant 0 : i32
        %dma_start3A_426 = arith.constant 0 : i32
        %dma_start3A_427 = tpu.memref_slice %arg18[%dma_start3A_424, %dma_start3A_425, %dma_start3A_426] : memref<2x96x128xf32, #tpu.memory_space<vmem>> -> memref<1x96x128xf32, #tpu.memory_space<vmem>>
        %dma_start3A_428 = tpu.memref_squeeze %dma_start3A_427 : memref<1x96x128xf32, #tpu.memory_space<vmem>> -> memref<96x128xf32, #tpu.memory_space<vmem>>
        %dma_start3A_429 = arith.constant 0 : i32
        %dma_start3A_430 = tpu.memref_slice %arg12[%dma_start3A_423, %dma_start3A_429] : memref<2x96xi32, #tpu.memory_space<vmem>> -> memref<1x96xi32, #tpu.memory_space<vmem>>
        %dma_start3A_431 = tpu.memref_squeeze %dma_start3A_430 : memref<1x96xi32, #tpu.memory_space<vmem>> -> memref<96xi32, #tpu.memory_space<vmem>>
        %dma_start3A_432 = arith.constant 0 : i32
        %dma_start3A_433 = arith.constant 0 : i32
        %dma_start3A_434 = tpu.memref_slice %arg4[%dma_start3A_432, %dma_start3A_433] : memref<10112x128xf32, #tpu.memory_space<hbm>> -> memref<10112x128xf32, #tpu.memory_space<hbm>>
        tpu.enqueue_indirect_dma source(%dma_start3A_434 : memref<10112x128xf32, #tpu.memory_space<hbm>>) target(%dma_start3A_428 : memref<96x128xf32, #tpu.memory_space<vmem>>) offsets(%dma_start3A_431 : memref<96xi32, #tpu.memory_space<vmem>>) semaphore(%arg21 : memref<!tpu.dma_semaphore, #tpu.memory_space<semaphore_mem>>)
      } else {
      }
      %dma_wait3A_251 = arith.constant 1 : i32
      %dma_wait3A_252 = arith.constant 0 : i32
      %dma_wait3A_253 = arith.constant 0 : i32
      %dma_wait3A_254 = tpu.memref_slice %arg14[%dma_wait3A_251, %dma_wait3A_252, %dma_wait3A_253] : memref<2x96x16xf32, #tpu.memory_space<vmem>> -> memref<1x96x16xf32, #tpu.memory_space<vmem>>
      %dma_wait3A_255 = tpu.memref_squeeze %dma_wait3A_254 : memref<1x96x16xf32, #tpu.memory_space<vmem>> -> memref<96x16xf32, #tpu.memory_space<vmem>>
      %dma_wait3A_256 = arith.constant 0 : i32
      %dma_wait3A_257 = arith.constant 0 : i32
      %dma_wait3A_258 = tpu.memref_slice %arg2[%dma_wait3A_256, %dma_wait3A_257] : memref<10112x16xf32, #tpu.memory_space<hbm>> -> memref<96x16xf32, #tpu.memory_space<hbm>>
      %dma_wait3A_259 = arith.constant 0 : i32
      %dma_wait3A_260 = arith.constant 0 : i32
      %dma_wait3A_261 = tpu.memref_slice %arg14[%dma_wait3A_251, %dma_wait3A_259, %dma_wait3A_260] : memref<2x96x16xf32, #tpu.memory_space<vmem>> -> memref<1x96x16xf32, #tpu.memory_space<vmem>>
      %dma_wait3A_262 = tpu.memref_squeeze %dma_wait3A_261 : memref<1x96x16xf32, #tpu.memory_space<vmem>> -> memref<96x16xf32, #tpu.memory_space<vmem>>
      %dma_wait3A_263 = arith.constant 0 : i32
      %dma_wait3A_264 = arith.constant 0 : i32
      %dma_wait3A_265 = tpu.memref_slice %arg2[%dma_wait3A_263, %dma_wait3A_264] : memref<10112x16xf32, #tpu.memory_space<hbm>> -> memref<96x16xf32, #tpu.memory_space<hbm>>
      tpu.wait_dma2 semaphore(%arg22 : memref<!tpu.dma_semaphore, #tpu.memory_space<semaphore_mem>>) src(%dma_wait3A_265 : memref<96x16xf32, #tpu.memory_space<hbm>>) dst(%dma_wait3A_262 : memref<96x16xf32, #tpu.memory_space<vmem>>)
      %dma_wait3A_266 = arith.constant 1 : i32
      %dma_wait3A_267 = arith.constant 0 : i32
      %dma_wait3A_268 = arith.constant 0 : i32
      %dma_wait3A_269 = tpu.memref_slice %arg15[%dma_wait3A_266, %dma_wait3A_267, %dma_wait3A_268] : memref<2x96x16xf32, #tpu.memory_space<vmem>> -> memref<1x96x16xf32, #tpu.memory_space<vmem>>
      %dma_wait3A_270 = tpu.memref_squeeze %dma_wait3A_269 : memref<1x96x16xf32, #tpu.memory_space<vmem>> -> memref<96x16xf32, #tpu.memory_space<vmem>>
      %dma_wait3A_271 = arith.constant 0 : i32
      %dma_wait3A_272 = arith.constant 0 : i32
      %dma_wait3A_273 = tpu.memref_slice %arg2[%dma_wait3A_271, %dma_wait3A_272] : memref<10112x16xf32, #tpu.memory_space<hbm>> -> memref<96x16xf32, #tpu.memory_space<hbm>>
      %dma_wait3A_274 = arith.constant 0 : i32
      %dma_wait3A_275 = arith.constant 0 : i32
      %dma_wait3A_276 = tpu.memref_slice %arg15[%dma_wait3A_266, %dma_wait3A_274, %dma_wait3A_275] : memref<2x96x16xf32, #tpu.memory_space<vmem>> -> memref<1x96x16xf32, #tpu.memory_space<vmem>>
      %dma_wait3A_277 = tpu.memref_squeeze %dma_wait3A_276 : memref<1x96x16xf32, #tpu.memory_space<vmem>> -> memref<96x16xf32, #tpu.memory_space<vmem>>
      %dma_wait3A_278 = arith.constant 0 : i32
      %dma_wait3A_279 = arith.constant 0 : i32
      %dma_wait3A_280 = tpu.memref_slice %arg2[%dma_wait3A_278, %dma_wait3A_279] : memref<10112x16xf32, #tpu.memory_space<hbm>> -> memref<96x16xf32, #tpu.memory_space<hbm>>
      tpu.wait_dma2 semaphore(%arg22 : memref<!tpu.dma_semaphore, #tpu.memory_space<semaphore_mem>>) src(%dma_wait3A_280 : memref<96x16xf32, #tpu.memory_space<hbm>>) dst(%dma_wait3A_277 : memref<96x16xf32, #tpu.memory_space<vmem>>)
      %dma_wait3A_281 = arith.constant 1 : i32
      %dma_wait3A_282 = arith.constant 0 : i32
      %dma_wait3A_283 = arith.constant 0 : i32
      %dma_wait3A_284 = tpu.memref_slice %arg18[%dma_wait3A_281, %dma_wait3A_282, %dma_wait3A_283] : memref<2x96x128xf32, #tpu.memory_space<vmem>> -> memref<1x96x128xf32, #tpu.memory_space<vmem>>
      %dma_wait3A_285 = tpu.memref_squeeze %dma_wait3A_284 : memref<1x96x128xf32, #tpu.memory_space<vmem>> -> memref<96x128xf32, #tpu.memory_space<vmem>>
      %dma_wait3A_286 = arith.constant 0 : i32
      %dma_wait3A_287 = arith.constant 0 : i32
      %dma_wait3A_288 = tpu.memref_slice %arg4[%dma_wait3A_286, %dma_wait3A_287] : memref<10112x128xf32, #tpu.memory_space<hbm>> -> memref<96x128xf32, #tpu.memory_space<hbm>>
      %dma_wait3A_289 = arith.constant 0 : i32
      %dma_wait3A_290 = arith.constant 0 : i32
      %dma_wait3A_291 = tpu.memref_slice %arg18[%dma_wait3A_281, %dma_wait3A_289, %dma_wait3A_290] : memref<2x96x128xf32, #tpu.memory_space<vmem>> -> memref<1x96x128xf32, #tpu.memory_space<vmem>>
      %dma_wait3A_292 = tpu.memref_squeeze %dma_wait3A_291 : memref<1x96x128xf32, #tpu.memory_space<vmem>> -> memref<96x128xf32, #tpu.memory_space<vmem>>
      %dma_wait3A_293 = arith.constant 0 : i32
      %dma_wait3A_294 = arith.constant 0 : i32
      %dma_wait3A_295 = tpu.memref_slice %arg4[%dma_wait3A_293, %dma_wait3A_294] : memref<10112x128xf32, #tpu.memory_space<hbm>> -> memref<96x128xf32, #tpu.memory_space<hbm>>
      tpu.wait_dma2 semaphore(%arg22 : memref<!tpu.dma_semaphore, #tpu.memory_space<semaphore_mem>>) src(%dma_wait3A_295 : memref<96x128xf32, #tpu.memory_space<hbm>>) dst(%dma_wait3A_292 : memref<96x128xf32, #tpu.memory_space<vmem>>)
      %scan3A_296 = arith.constant 0 : i32
      %scan3A_297 = arith.constant 0 : i32
      %scan3A_298 = arith.constant 96 : i32
      %scan3A_299 = arith.addi %scan3A_297, %scan3A_298 : i32
      %scan3A_300 = arith.constant 4 : i32
      scf.for %scan3A_326 = %scan3A_297 to %scan3A_299 step %scan3A_300  : i32 {
        %get3A = arith.constant 1 : i32
        %get3A_327 = arith.index_cast %get3A : i32 to index
        %get3A_328 = arith.index_cast %scan3A_326 : i32 to index
        %get3A_329 = arith.constant 0 : index
        %get3A_330 = tpu.vector_load %arg14[%get3A_327, %get3A_328, %get3A_329] {strides = array<i32>} : memref<2x96x16xf32, #tpu.memory_space<vmem>>, vector<1x1x16xf32>,
        %get3A_331 = vector.shape_cast %get3A_330 : vector<1x1x16xf32> to vector<16xf32>
        %get3A_332 = arith.constant 1 : i32
        %get3A_333 = arith.index_cast %get3A_332 : i32 to index
        %get3A_334 = arith.index_cast %scan3A_326 : i32 to index
        %get3A_335 = arith.constant 0 : index
        %get3A_336 = tpu.vector_load %arg15[%get3A_333, %get3A_334, %get3A_335] {strides = array<i32>} : memref<2x96x16xf32, #tpu.memory_space<vmem>>, vector<1x1x16xf32>,
        %get3A_337 = vector.shape_cast %get3A_336 : vector<1x1x16xf32> to vector<16xf32>
        %add3A_338 = arith.addf %get3A_331, %get3A_337 : vector<16xf32>
        %get3A_339 = arith.constant 1 : i32
        %get3A_340 = arith.index_cast %get3A_339 : i32 to index
        %get3A_341 = arith.index_cast %scan3A_326 : i32 to index
        %get3A_342 = arith.constant 0 : index
        %get3A_343 = tpu.vector_load %arg16[%get3A_340, %get3A_341, %get3A_342] {strides = array<i32>} : memref<2x96x16xf32, #tpu.memory_space<vmem>>, vector<1x1x16xf32>,
        %get3A_344 = vector.shape_cast %get3A_343 : vector<1x1x16xf32> to vector<16xf32>
        %add3A_345 = arith.addf %add3A_338, %get3A_344 : vector<16xf32>
        %mul3A_346 = arith.constant 2.000000e-01 : f32
        %mul3A_347 = vector.broadcast %mul3A_346 : f32 to vector<16xf32>
        %mul3A_348 = arith.mulf %add3A_345, %mul3A_347 : vector<16xf32>
        %max3A = arith.maximumf %add3A_345, %mul3A_348 : vector<16xf32>
        %exp3A = math.exp %max3A : vector<16xf32>
        %swap3A = arith.constant 1 : i32
        %swap3A_349 = arith.index_cast %swap3A : i32 to index
        %swap3A_350 = arith.index_cast %scan3A_326 : i32 to index
        %swap3A_351 = arith.constant 0 : index
        %swap3A_352 = tpu.vector_load %arg17[%swap3A_349, %swap3A_350, %swap3A_351] {strides = array<i32>} : memref<2x96x16xf32, #tpu.memory_space<vmem>>, vector<1x1x16xf32>,
        %swap3A_353 = vector.shape_cast %swap3A_352 : vector<1x1x16xf32> to vector<16xf32>
        %swap3A_354 = vector.shape_cast %exp3A : vector<16xf32> to vector<1x1x16xf32>
        tpu.vector_store %arg17[%swap3A_349, %swap3A_350, %swap3A_351], %swap3A_354 {strides = array<i32>} : memref<2x96x16xf32, #tpu.memory_space<vmem>>, vector<1x1x16xf32>,
        %slice3A = vector.extract_strided_slice %exp3A {offsets = [0], sizes = [1], strides = [1]} : vector<16xf32> to vector<1xf32>
        %squeeze3A = vector.extract %slice3A[0] : f32 from vector<1xf32>
        %broadcast_in_dim3A = vector.broadcast %squeeze3A : f32 to vector<16xf32>
        %get3A_355 = arith.constant 1 : i32
        %get3A_356 = arith.index_cast %get3A_355 : i32 to index
        %get3A_357 = arith.index_cast %scan3A_326 : i32 to index
        %get3A_358 = arith.constant 0 : index
        %get3A_359 = tpu.vector_load %arg18[%get3A_356, %get3A_357, %get3A_358] {strides = array<i32>} : memref<2x96x128xf32, #tpu.memory_space<vmem>>, vector<1x1x16xf32>,
        %get3A_360 = vector.shape_cast %get3A_359 : vector<1x1x16xf32> to vector<16xf32>
        %mul3A_361 = arith.mulf %get3A_360, %broadcast_in_dim3A : vector<16xf32>
        %swap3A_362 = arith.constant 1 : i32
        %swap3A_363 = arith.index_cast %swap3A_362 : i32 to index
        %swap3A_364 = arith.index_cast %scan3A_326 : i32 to index
        %swap3A_365 = arith.constant 0 : index
        %swap3A_366 = tpu.vector_load %arg18[%swap3A_363, %swap3A_364, %swap3A_365] {strides = array<i32>} : memref<2x96x128xf32, #tpu.memory_space<vmem>>, vector<1x1x16xf32>,
        %swap3A_367 = vector.shape_cast %swap3A_366 : vector<1x1x16xf32> to vector<16xf32>
        %swap3A_368 = vector.shape_cast %mul3A_361 : vector<16xf32> to vector<1x1x16xf32>
        tpu.vector_store %arg18[%swap3A_363, %swap3A_364, %swap3A_365], %swap3A_368 {strides = array<i32>} : memref<2x96x128xf32, #tpu.memory_space<vmem>>, vector<1x1x16xf32>,
        %slice3A_369 = vector.extract_strided_slice %exp3A {offsets = [1], sizes = [1], strides = [1]} : vector<16xf32> to vector<1xf32>
        %squeeze3A_370 = vector.extract %slice3A_369[0] : f32 from vector<1xf32>
        %broadcast_in_dim3A_371 = vector.broadcast %squeeze3A_370 : f32 to vector<16xf32>
        %get3A_372 = arith.constant 1 : i32
        %get3A_373 = arith.index_cast %get3A_372 : i32 to index
        %get3A_374 = arith.index_cast %scan3A_326 : i32 to index
        %get3A_375 = arith.constant 16 : index
        %get3A_376 = tpu.vector_load %arg18[%get3A_373, %get3A_374, %get3A_375] {strides = array<i32>} : memref<2x96x128xf32, #tpu.memory_space<vmem>>, vector<1x1x16xf32>,
        %get3A_377 = vector.shape_cast %get3A_376 : vector<1x1x16xf32> to vector<16xf32>
        %mul3A_378 = arith.mulf %get3A_377, %broadcast_in_dim3A_371 : vector<16xf32>
        %swap3A_379 = arith.constant 1 : i32
        %swap3A_380 = arith.index_cast %swap3A_379 : i32 to index
        %swap3A_381 = arith.index_cast %scan3A_326 : i32 to index
        %swap3A_382 = arith.constant 16 : index
        %swap3A_383 = tpu.vector_load %arg18[%swap3A_380, %swap3A_381, %swap3A_382] {strides = array<i32>} : memref<2x96x128xf32, #tpu.memory_space<vmem>>, vector<1x1x16xf32>,
        %swap3A_384 = vector.shape_cast %swap3A_383 : vector<1x1x16xf32> to vector<16xf32>
        %swap3A_385 = vector.shape_cast %mul3A_378 : vector<16xf32> to vector<1x1x16xf32>
        tpu.vector_store %arg18[%swap3A_380, %swap3A_381, %swap3A_382], %swap3A_385 {strides = array<i32>} : memref<2x96x128xf32, #tpu.memory_space<vmem>>, vector<1x1x16xf32>,
        %slice3A_386 = vector.extract_strided_slice %exp3A {offsets = [2], sizes = [1], strides = [1]} : vector<16xf32> to vector<1xf32>
        %squeeze3A_387 = vector.extract %slice3A_386[0] : f32 from vector<1xf32>
        %broadcast_in_dim3A_388 = vector.broadcast %squeeze3A_387 : f32 to vector<16xf32>
        %get3A_389 = arith.constant 1 : i32
        %get3A_390 = arith.index_cast %get3A_389 : i32 to index
        %get3A_391 = arith.index_cast %scan3A_326 : i32 to index
        %get3A_392 = arith.constant 32 : index
        %get3A_393 = tpu.vector_load %arg18[%get3A_390, %get3A_391, %get3A_392] {strides = array<i32>} : memref<2x96x128xf32, #tpu.memory_space<vmem>>, vector<1x1x16xf32>,
        %get3A_394 = vector.shape_cast %get3A_393 : vector<1x1x16xf32> to vector<16xf32>
        %mul3A_395 = arith.mulf %get3A_394, %broadcast_in_dim3A_388 : vector<16xf32>
        %swap3A_396 = arith.constant 1 : i32
        %swap3A_397 = arith.index_cast %swap3A_396 : i32 to index
        %swap3A_398 = arith.index_cast %scan3A_326 : i32 to index
        %swap3A_399 = arith.constant 32 : index
        %swap3A_400 = tpu.vector_load %arg18[%swap3A_397, %swap3A_398, %swap3A_399] {strides = array<i32>} : memref<2x96x128xf32, #tpu.memory_space<vmem>>, vector<1x1x16xf32>,
        %swap3A_401 = vector.shape_cast %swap3A_400 : vector<1x1x16xf32> to vector<16xf32>
        %swap3A_402 = vector.shape_cast %mul3A_395 : vector<16xf32> to vector<1x1x16xf32>
        tpu.vector_store %arg18[%swap3A_397, %swap3A_398, %swap3A_399], %swap3A_402 {strides = array<i32>} : memref<2x96x128xf32, #tpu.memory_space<vmem>>, vector<1x1x16xf32>,
        %slice3A_403 = vector.extract_strided_slice %exp3A {offsets = [3], sizes = [1], strides = [1]} : vector<16xf32> to vector<1xf32>
        %squeeze3A_404 = vector.extract %slice3A_403[0] : f32 from vector<1xf32>
        %broadcast_in_dim3A_405 = vector.broadcast %squeeze3A_404 : f32 to vector<16xf32>
        %get3A_406 = arith.constant 1 : i32
        %get3A_407 = arith.index_cast %get3A_406 : i32 to index
        %get3A_408 = arith.index_cast %scan3A_326 : i32 to index
        %get3A_409 = arith.constant 48 : index
        %get3A_410 = tpu.vector_load %arg18[%get3A_407, %get3A_408, %get3A_409] {strides = array<i32>} : memref<2x96x128xf32, #tpu.memory_space<vmem>>, vector<1x1x16xf32>,
        %get3A_411 = vector.shape_cast %get3A_410 : vector<1x1x16xf32> to vector<16xf32>
        %mul3A_412 = arith.mulf %get3A_411, %broadcast_in_dim3A_405 : vector<16xf32>
        %swap3A_413 = arith.constant 1 : i32
        %swap3A_414 = arith.index_cast %swap3A_413 : i32 to index
        %swap3A_415 = arith.index_cast %scan3A_326 : i32 to index
        %swap3A_416 = arith.constant 48 : index
        %swap3A_417 = tpu.vector_load %arg18[%swap3A_414, %swap3A_415, %swap3A_416] {strides = array<i32>} : memref<2x96x128xf32, #tpu.memory_space<vmem>>, vector<1x1x16xf32>,
        %swap3A_418 = vector.shape_cast %swap3A_417 : vector<1x1x16xf32> to vector<16xf32>
        %swap3A_419 = vector.shape_cast %mul3A_412 : vector<16xf32> to vector<1x1x16xf32>
        tpu.vector_store %arg18[%swap3A_414, %swap3A_415, %swap3A_416], %swap3A_419 {strides = array<i32>} : memref<2x96x128xf32, #tpu.memory_space<vmem>>, vector<1x1x16xf32>,
        %slice3A_420 = vector.extract_strided_slice %exp3A {offsets = [4], sizes = [1], strides = [1]} : vector<16xf32> to vector<1xf32>
        %squeeze3A_421 = vector.extract %slice3A_420[0] : f32 from vector<1xf32>
        %broadcast_in_dim3A_422 = vector.broadcast %squeeze3A_421 : f32 to vector<16xf32>
        %get3A_423 = arith.constant 1 : i32
        %get3A_424 = arith.index_cast %get3A_423 : i32 to index
        %get3A_425 = arith.index_cast %scan3A_326 : i32 to index
        %get3A_426 = arith.constant 64 : index
        %get3A_427 = tpu.vector_load %arg18[%get3A_424, %get3A_425, %get3A_426] {strides = array<i32>} : memref<2x96x128xf32, #tpu.memory_space<vmem>>, vector<1x1x16xf32>,
        %get3A_428 = vector.shape_cast %get3A_427 : vector<1x1x16xf32> to vector<16xf32>
        %mul3A_429 = arith.mulf %get3A_428, %broadcast_in_dim3A_422 : vector<16xf32>
        %swap3A_430 = arith.constant 1 : i32
        %swap3A_431 = arith.index_cast %swap3A_430 : i32 to index
        %swap3A_432 = arith.index_cast %scan3A_326 : i32 to index
        %swap3A_433 = arith.constant 64 : index
        %swap3A_434 = tpu.vector_load %arg18[%swap3A_431, %swap3A_432, %swap3A_433] {strides = array<i32>} : memref<2x96x128xf32, #tpu.memory_space<vmem>>, vector<1x1x16xf32>,
        %swap3A_435 = vector.shape_cast %swap3A_434 : vector<1x1x16xf32> to vector<16xf32>
        %swap3A_436 = vector.shape_cast %mul3A_429 : vector<16xf32> to vector<1x1x16xf32>
        tpu.vector_store %arg18[%swap3A_431, %swap3A_432, %swap3A_433], %swap3A_436 {strides = array<i32>} : memref<2x96x128xf32, #tpu.memory_space<vmem>>, vector<1x1x16xf32>,
        %slice3A_437 = vector.extract_strided_slice %exp3A {offsets = [5], sizes = [1], strides = [1]} : vector<16xf32> to vector<1xf32>
        %squeeze3A_438 = vector.extract %slice3A_437[0] : f32 from vector<1xf32>
        %broadcast_in_dim3A_439 = vector.broadcast %squeeze3A_438 : f32 to vector<16xf32>
        %get3A_440 = arith.constant 1 : i32
        %get3A_441 = arith.index_cast %get3A_440 : i32 to index
        %get3A_442 = arith.index_cast %scan3A_326 : i32 to index
        %get3A_443 = arith.constant 80 : index
        %get3A_444 = tpu.vector_load %arg18[%get3A_441, %get3A_442, %get3A_443] {strides = array<i32>} : memref<2x96x128xf32, #tpu.memory_space<vmem>>, vector<1x1x16xf32>,
        %get3A_445 = vector.shape_cast %get3A_444 : vector<1x1x16xf32> to vector<16xf32>
        %mul3A_446 = arith.mulf %get3A_445, %broadcast_in_dim3A_439 : vector<16xf32>
        %swap3A_447 = arith.constant 1 : i32
        %swap3A_448 = arith.index_cast %swap3A_447 : i32 to index
        %swap3A_449 = arith.index_cast %scan3A_326 : i32 to index
        %swap3A_450 = arith.constant 80 : index
        %swap3A_451 = tpu.vector_load %arg18[%swap3A_448, %swap3A_449, %swap3A_450] {strides = array<i32>} : memref<2x96x128xf32, #tpu.memory_space<vmem>>, vector<1x1x16xf32>,
        %swap3A_452 = vector.shape_cast %swap3A_451 : vector<1x1x16xf32> to vector<16xf32>
        %swap3A_453 = vector.shape_cast %mul3A_446 : vector<16xf32> to vector<1x1x16xf32>
        tpu.vector_store %arg18[%swap3A_448, %swap3A_449, %swap3A_450], %swap3A_453 {strides = array<i32>} : memref<2x96x128xf32, #tpu.memory_space<vmem>>, vector<1x1x16xf32>,
        %slice3A_454 = vector.extract_strided_slice %exp3A {offsets = [6], sizes = [1], strides = [1]} : vector<16xf32> to vector<1xf32>
        %squeeze3A_455 = vector.extract %slice3A_454[0] : f32 from vector<1xf32>
        %broadcast_in_dim3A_456 = vector.broadcast %squeeze3A_455 : f32 to vector<16xf32>
        %get3A_457 = arith.constant 1 : i32
        %get3A_458 = arith.index_cast %get3A_457 : i32 to index
        %get3A_459 = arith.index_cast %scan3A_326 : i32 to index
        %get3A_460 = arith.constant 96 : index
        %get3A_461 = tpu.vector_load %arg18[%get3A_458, %get3A_459, %get3A_460] {strides = array<i32>} : memref<2x96x128xf32, #tpu.memory_space<vmem>>, vector<1x1x16xf32>,
        %get3A_462 = vector.shape_cast %get3A_461 : vector<1x1x16xf32> to vector<16xf32>
        %mul3A_463 = arith.mulf %get3A_462, %broadcast_in_dim3A_456 : vector<16xf32>
        %swap3A_464 = arith.constant 1 : i32
        %swap3A_465 = arith.index_cast %swap3A_464 : i32 to index
        %swap3A_466 = arith.index_cast %scan3A_326 : i32 to index
        %swap3A_467 = arith.constant 96 : index
        %swap3A_468 = tpu.vector_load %arg18[%swap3A_465, %swap3A_466, %swap3A_467] {strides = array<i32>} : memref<2x96x128xf32, #tpu.memory_space<vmem>>, vector<1x1x16xf32>,
        %swap3A_469 = vector.shape_cast %swap3A_468 : vector<1x1x16xf32> to vector<16xf32>
        %swap3A_470 = vector.shape_cast %mul3A_463 : vector<16xf32> to vector<1x1x16xf32>
        tpu.vector_store %arg18[%swap3A_465, %swap3A_466, %swap3A_467], %swap3A_470 {strides = array<i32>} : memref<2x96x128xf32, #tpu.memory_space<vmem>>, vector<1x1x16xf32>,
        %slice3A_471 = vector.extract_strided_slice %exp3A {offsets = [7], sizes = [1], strides = [1]} : vector<16xf32> to vector<1xf32>
        %squeeze3A_472 = vector.extract %slice3A_471[0] : f32 from vector<1xf32>
        %broadcast_in_dim3A_473 = vector.broadcast %squeeze3A_472 : f32 to vector<16xf32>
        %get3A_474 = arith.constant 1 : i32
        %get3A_475 = arith.index_cast %get3A_474 : i32 to index
        %get3A_476 = arith.index_cast %scan3A_326 : i32 to index
        %get3A_477 = arith.constant 112 : index
        %get3A_478 = tpu.vector_load %arg18[%get3A_475, %get3A_476, %get3A_477] {strides = array<i32>} : memref<2x96x128xf32, #tpu.memory_space<vmem>>, vector<1x1x16xf32>,
        %get3A_479 = vector.shape_cast %get3A_478 : vector<1x1x16xf32> to vector<16xf32>
        %mul3A_480 = arith.mulf %get3A_479, %broadcast_in_dim3A_473 : vector<16xf32>
        %swap3A_481 = arith.constant 1 : i32
        %swap3A_482 = arith.index_cast %swap3A_481 : i32 to index
        %swap3A_483 = arith.index_cast %scan3A_326 : i32 to index
        %swap3A_484 = arith.constant 112 : index
        %swap3A_485 = tpu.vector_load %arg18[%swap3A_482, %swap3A_483, %swap3A_484] {strides = array<i32>} : memref<2x96x128xf32, #tpu.memory_space<vmem>>, vector<1x1x16xf32>,
        %swap3A_486 = vector.shape_cast %swap3A_485 : vector<1x1x16xf32> to vector<16xf32>
        %swap3A_487 = vector.shape_cast %mul3A_480 : vector<16xf32> to vector<1x1x16xf32>
        tpu.vector_store %arg18[%swap3A_482, %swap3A_483, %swap3A_484], %swap3A_487 {strides = array<i32>} : memref<2x96x128xf32, #tpu.memory_space<vmem>>, vector<1x1x16xf32>,
        %scan3A_488 = arith.constant 1 : i32
        %scan3A_489 = arith.addi %scan3A_326, %scan3A_488 : i32
        %get3A_490 = arith.constant 1 : i32
        %get3A_491 = arith.index_cast %get3A_490 : i32 to index
        %get3A_492 = arith.index_cast %scan3A_489 : i32 to index
        %get3A_493 = arith.constant 0 : index
        %get3A_494 = tpu.vector_load %arg14[%get3A_491, %get3A_492, %get3A_493] {strides = array<i32>} : memref<2x96x16xf32, #tpu.memory_space<vmem>>, vector<1x1x16xf32>,
        %get3A_495 = vector.shape_cast %get3A_494 : vector<1x1x16xf32> to vector<16xf32>
        %get3A_496 = arith.constant 1 : i32
        %get3A_497 = arith.index_cast %get3A_496 : i32 to index
        %get3A_498 = arith.index_cast %scan3A_489 : i32 to index
        %get3A_499 = arith.constant 0 : index
        %get3A_500 = tpu.vector_load %arg15[%get3A_497, %get3A_498, %get3A_499] {strides = array<i32>} : memref<2x96x16xf32, #tpu.memory_space<vmem>>, vector<1x1x16xf32>,
        %get3A_501 = vector.shape_cast %get3A_500 : vector<1x1x16xf32> to vector<16xf32>
        %add3A_502 = arith.addf %get3A_495, %get3A_501 : vector<16xf32>
        %get3A_503 = arith.constant 1 : i32
        %get3A_504 = arith.index_cast %get3A_503 : i32 to index
        %get3A_505 = arith.index_cast %scan3A_489 : i32 to index
        %get3A_506 = arith.constant 0 : index
        %get3A_507 = tpu.vector_load %arg16[%get3A_504, %get3A_505, %get3A_506] {strides = array<i32>} : memref<2x96x16xf32, #tpu.memory_space<vmem>>, vector<1x1x16xf32>,
        %get3A_508 = vector.shape_cast %get3A_507 : vector<1x1x16xf32> to vector<16xf32>
        %add3A_509 = arith.addf %add3A_502, %get3A_508 : vector<16xf32>
        %mul3A_510 = arith.constant 2.000000e-01 : f32
        %mul3A_511 = vector.broadcast %mul3A_510 : f32 to vector<16xf32>
        %mul3A_512 = arith.mulf %add3A_509, %mul3A_511 : vector<16xf32>
        %max3A_513 = arith.maximumf %add3A_509, %mul3A_512 : vector<16xf32>
        %exp3A_514 = math.exp %max3A_513 : vector<16xf32>
        %swap3A_515 = arith.constant 1 : i32
        %swap3A_516 = arith.index_cast %swap3A_515 : i32 to index
        %swap3A_517 = arith.index_cast %scan3A_489 : i32 to index
        %swap3A_518 = arith.constant 0 : index
        %swap3A_519 = tpu.vector_load %arg17[%swap3A_516, %swap3A_517, %swap3A_518] {strides = array<i32>} : memref<2x96x16xf32, #tpu.memory_space<vmem>>, vector<1x1x16xf32>,
        %swap3A_520 = vector.shape_cast %swap3A_519 : vector<1x1x16xf32> to vector<16xf32>
        %swap3A_521 = vector.shape_cast %exp3A_514 : vector<16xf32> to vector<1x1x16xf32>
        tpu.vector_store %arg17[%swap3A_516, %swap3A_517, %swap3A_518], %swap3A_521 {strides = array<i32>} : memref<2x96x16xf32, #tpu.memory_space<vmem>>, vector<1x1x16xf32>,
        %slice3A_522 = vector.extract_strided_slice %exp3A_514 {offsets = [0], sizes = [1], strides = [1]} : vector<16xf32> to vector<1xf32>
        %squeeze3A_523 = vector.extract %slice3A_522[0] : f32 from vector<1xf32>
        %broadcast_in_dim3A_524 = vector.broadcast %squeeze3A_523 : f32 to vector<16xf32>
        %get3A_525 = arith.constant 1 : i32
        %get3A_526 = arith.index_cast %get3A_525 : i32 to index
        %get3A_527 = arith.index_cast %scan3A_489 : i32 to index
        %get3A_528 = arith.constant 0 : index
        %get3A_529 = tpu.vector_load %arg18[%get3A_526, %get3A_527, %get3A_528] {strides = array<i32>} : memref<2x96x128xf32, #tpu.memory_space<vmem>>, vector<1x1x16xf32>,
        %get3A_530 = vector.shape_cast %get3A_529 : vector<1x1x16xf32> to vector<16xf32>
        %mul3A_531 = arith.mulf %get3A_530, %broadcast_in_dim3A_524 : vector<16xf32>
        %swap3A_532 = arith.constant 1 : i32
        %swap3A_533 = arith.index_cast %swap3A_532 : i32 to index
        %swap3A_534 = arith.index_cast %scan3A_489 : i32 to index
        %swap3A_535 = arith.constant 0 : index
        %swap3A_536 = tpu.vector_load %arg18[%swap3A_533, %swap3A_534, %swap3A_535] {strides = array<i32>} : memref<2x96x128xf32, #tpu.memory_space<vmem>>, vector<1x1x16xf32>,
        %swap3A_537 = vector.shape_cast %swap3A_536 : vector<1x1x16xf32> to vector<16xf32>
        %swap3A_538 = vector.shape_cast %mul3A_531 : vector<16xf32> to vector<1x1x16xf32>
        tpu.vector_store %arg18[%swap3A_533, %swap3A_534, %swap3A_535], %swap3A_538 {strides = array<i32>} : memref<2x96x128xf32, #tpu.memory_space<vmem>>, vector<1x1x16xf32>,
        %slice3A_539 = vector.extract_strided_slice %exp3A_514 {offsets = [1], sizes = [1], strides = [1]} : vector<16xf32> to vector<1xf32>
        %squeeze3A_540 = vector.extract %slice3A_539[0] : f32 from vector<1xf32>
        %broadcast_in_dim3A_541 = vector.broadcast %squeeze3A_540 : f32 to vector<16xf32>
        %get3A_542 = arith.constant 1 : i32
        %get3A_543 = arith.index_cast %get3A_542 : i32 to index
        %get3A_544 = arith.index_cast %scan3A_489 : i32 to index
        %get3A_545 = arith.constant 16 : index
        %get3A_546 = tpu.vector_load %arg18[%get3A_543, %get3A_544, %get3A_545] {strides = array<i32>} : memref<2x96x128xf32, #tpu.memory_space<vmem>>, vector<1x1x16xf32>,
        %get3A_547 = vector.shape_cast %get3A_546 : vector<1x1x16xf32> to vector<16xf32>
        %mul3A_548 = arith.mulf %get3A_547, %broadcast_in_dim3A_541 : vector<16xf32>
        %swap3A_549 = arith.constant 1 : i32
        %swap3A_550 = arith.index_cast %swap3A_549 : i32 to index
        %swap3A_551 = arith.index_cast %scan3A_489 : i32 to index
        %swap3A_552 = arith.constant 16 : index
        %swap3A_553 = tpu.vector_load %arg18[%swap3A_550, %swap3A_551, %swap3A_552] {strides = array<i32>} : memref<2x96x128xf32, #tpu.memory_space<vmem>>, vector<1x1x16xf32>,
        %swap3A_554 = vector.shape_cast %swap3A_553 : vector<1x1x16xf32> to vector<16xf32>
        %swap3A_555 = vector.shape_cast %mul3A_548 : vector<16xf32> to vector<1x1x16xf32>
        tpu.vector_store %arg18[%swap3A_550, %swap3A_551, %swap3A_552], %swap3A_555 {strides = array<i32>} : memref<2x96x128xf32, #tpu.memory_space<vmem>>, vector<1x1x16xf32>,
        %slice3A_556 = vector.extract_strided_slice %exp3A_514 {offsets = [2], sizes = [1], strides = [1]} : vector<16xf32> to vector<1xf32>
        %squeeze3A_557 = vector.extract %slice3A_556[0] : f32 from vector<1xf32>
        %broadcast_in_dim3A_558 = vector.broadcast %squeeze3A_557 : f32 to vector<16xf32>
        %get3A_559 = arith.constant 1 : i32
        %get3A_560 = arith.index_cast %get3A_559 : i32 to index
        %get3A_561 = arith.index_cast %scan3A_489 : i32 to index
        %get3A_562 = arith.constant 32 : index
        %get3A_563 = tpu.vector_load %arg18[%get3A_560, %get3A_561, %get3A_562] {strides = array<i32>} : memref<2x96x128xf32, #tpu.memory_space<vmem>>, vector<1x1x16xf32>,
        %get3A_564 = vector.shape_cast %get3A_563 : vector<1x1x16xf32> to vector<16xf32>
        %mul3A_565 = arith.mulf %get3A_564, %broadcast_in_dim3A_558 : vector<16xf32>
        %swap3A_566 = arith.constant 1 : i32
        %swap3A_567 = arith.index_cast %swap3A_566 : i32 to index
        %swap3A_568 = arith.index_cast %scan3A_489 : i32 to index
        %swap3A_569 = arith.constant 32 : index
        %swap3A_570 = tpu.vector_load %arg18[%swap3A_567, %swap3A_568, %swap3A_569] {strides = array<i32>} : memref<2x96x128xf32, #tpu.memory_space<vmem>>, vector<1x1x16xf32>,
        %swap3A_571 = vector.shape_cast %swap3A_570 : vector<1x1x16xf32> to vector<16xf32>
        %swap3A_572 = vector.shape_cast %mul3A_565 : vector<16xf32> to vector<1x1x16xf32>
        tpu.vector_store %arg18[%swap3A_567, %swap3A_568, %swap3A_569], %swap3A_572 {strides = array<i32>} : memref<2x96x128xf32, #tpu.memory_space<vmem>>, vector<1x1x16xf32>,
        %slice3A_573 = vector.extract_strided_slice %exp3A_514 {offsets = [3], sizes = [1], strides = [1]} : vector<16xf32> to vector<1xf32>
        %squeeze3A_574 = vector.extract %slice3A_573[0] : f32 from vector<1xf32>
        %broadcast_in_dim3A_575 = vector.broadcast %squeeze3A_574 : f32 to vector<16xf32>
        %get3A_576 = arith.constant 1 : i32
        %get3A_577 = arith.index_cast %get3A_576 : i32 to index
        %get3A_578 = arith.index_cast %scan3A_489 : i32 to index
        %get3A_579 = arith.constant 48 : index
        %get3A_580 = tpu.vector_load %arg18[%get3A_577, %get3A_578, %get3A_579] {strides = array<i32>} : memref<2x96x128xf32, #tpu.memory_space<vmem>>, vector<1x1x16xf32>,
        %get3A_581 = vector.shape_cast %get3A_580 : vector<1x1x16xf32> to vector<16xf32>
        %mul3A_582 = arith.mulf %get3A_581, %broadcast_in_dim3A_575 : vector<16xf32>
        %swap3A_583 = arith.constant 1 : i32
        %swap3A_584 = arith.index_cast %swap3A_583 : i32 to index
        %swap3A_585 = arith.index_cast %scan3A_489 : i32 to index
        %swap3A_586 = arith.constant 48 : index
        %swap3A_587 = tpu.vector_load %arg18[%swap3A_584, %swap3A_585, %swap3A_586] {strides = array<i32>} : memref<2x96x128xf32, #tpu.memory_space<vmem>>, vector<1x1x16xf32>,
        %swap3A_588 = vector.shape_cast %swap3A_587 : vector<1x1x16xf32> to vector<16xf32>
        %swap3A_589 = vector.shape_cast %mul3A_582 : vector<16xf32> to vector<1x1x16xf32>
        tpu.vector_store %arg18[%swap3A_584, %swap3A_585, %swap3A_586], %swap3A_589 {strides = array<i32>} : memref<2x96x128xf32, #tpu.memory_space<vmem>>, vector<1x1x16xf32>,
        %slice3A_590 = vector.extract_strided_slice %exp3A_514 {offsets = [4], sizes = [1], strides = [1]} : vector<16xf32> to vector<1xf32>
        %squeeze3A_591 = vector.extract %slice3A_590[0] : f32 from vector<1xf32>
        %broadcast_in_dim3A_592 = vector.broadcast %squeeze3A_591 : f32 to vector<16xf32>
        %get3A_593 = arith.constant 1 : i32
        %get3A_594 = arith.index_cast %get3A_593 : i32 to index
        %get3A_595 = arith.index_cast %scan3A_489 : i32 to index
        %get3A_596 = arith.constant 64 : index
        %get3A_597 = tpu.vector_load %arg18[%get3A_594, %get3A_595, %get3A_596] {strides = array<i32>} : memref<2x96x128xf32, #tpu.memory_space<vmem>>, vector<1x1x16xf32>,
        %get3A_598 = vector.shape_cast %get3A_597 : vector<1x1x16xf32> to vector<16xf32>
        %mul3A_599 = arith.mulf %get3A_598, %broadcast_in_dim3A_592 : vector<16xf32>
        %swap3A_600 = arith.constant 1 : i32
        %swap3A_601 = arith.index_cast %swap3A_600 : i32 to index
        %swap3A_602 = arith.index_cast %scan3A_489 : i32 to index
        %swap3A_603 = arith.constant 64 : index
        %swap3A_604 = tpu.vector_load %arg18[%swap3A_601, %swap3A_602, %swap3A_603] {strides = array<i32>} : memref<2x96x128xf32, #tpu.memory_space<vmem>>, vector<1x1x16xf32>,
        %swap3A_605 = vector.shape_cast %swap3A_604 : vector<1x1x16xf32> to vector<16xf32>
        %swap3A_606 = vector.shape_cast %mul3A_599 : vector<16xf32> to vector<1x1x16xf32>
        tpu.vector_store %arg18[%swap3A_601, %swap3A_602, %swap3A_603], %swap3A_606 {strides = array<i32>} : memref<2x96x128xf32, #tpu.memory_space<vmem>>, vector<1x1x16xf32>,
        %slice3A_607 = vector.extract_strided_slice %exp3A_514 {offsets = [5], sizes = [1], strides = [1]} : vector<16xf32> to vector<1xf32>
        %squeeze3A_608 = vector.extract %slice3A_607[0] : f32 from vector<1xf32>
        %broadcast_in_dim3A_609 = vector.broadcast %squeeze3A_608 : f32 to vector<16xf32>
        %get3A_610 = arith.constant 1 : i32
        %get3A_611 = arith.index_cast %get3A_610 : i32 to index
        %get3A_612 = arith.index_cast %scan3A_489 : i32 to index
        %get3A_613 = arith.constant 80 : index
        %get3A_614 = tpu.vector_load %arg18[%get3A_611, %get3A_612, %get3A_613] {strides = array<i32>} : memref<2x96x128xf32, #tpu.memory_space<vmem>>, vector<1x1x16xf32>,
        %get3A_615 = vector.shape_cast %get3A_614 : vector<1x1x16xf32> to vector<16xf32>
        %mul3A_616 = arith.mulf %get3A_615, %broadcast_in_dim3A_609 : vector<16xf32>
        %swap3A_617 = arith.constant 1 : i32
        %swap3A_618 = arith.index_cast %swap3A_617 : i32 to index
        %swap3A_619 = arith.index_cast %scan3A_489 : i32 to index
        %swap3A_620 = arith.constant 80 : index
        %swap3A_621 = tpu.vector_load %arg18[%swap3A_618, %swap3A_619, %swap3A_620] {strides = array<i32>} : memref<2x96x128xf32, #tpu.memory_space<vmem>>, vector<1x1x16xf32>,
        %swap3A_622 = vector.shape_cast %swap3A_621 : vector<1x1x16xf32> to vector<16xf32>
        %swap3A_623 = vector.shape_cast %mul3A_616 : vector<16xf32> to vector<1x1x16xf32>
        tpu.vector_store %arg18[%swap3A_618, %swap3A_619, %swap3A_620], %swap3A_623 {strides = array<i32>} : memref<2x96x128xf32, #tpu.memory_space<vmem>>, vector<1x1x16xf32>,
        %slice3A_624 = vector.extract_strided_slice %exp3A_514 {offsets = [6], sizes = [1], strides = [1]} : vector<16xf32> to vector<1xf32>
        %squeeze3A_625 = vector.extract %slice3A_624[0] : f32 from vector<1xf32>
        %broadcast_in_dim3A_626 = vector.broadcast %squeeze3A_625 : f32 to vector<16xf32>
        %get3A_627 = arith.constant 1 : i32
        %get3A_628 = arith.index_cast %get3A_627 : i32 to index
        %get3A_629 = arith.index_cast %scan3A_489 : i32 to index
        %get3A_630 = arith.constant 96 : index
        %get3A_631 = tpu.vector_load %arg18[%get3A_628, %get3A_629, %get3A_630] {strides = array<i32>} : memref<2x96x128xf32, #tpu.memory_space<vmem>>, vector<1x1x16xf32>,
        %get3A_632 = vector.shape_cast %get3A_631 : vector<1x1x16xf32> to vector<16xf32>
        %mul3A_633 = arith.mulf %get3A_632, %broadcast_in_dim3A_626 : vector<16xf32>
        %swap3A_634 = arith.constant 1 : i32
        %swap3A_635 = arith.index_cast %swap3A_634 : i32 to index
        %swap3A_636 = arith.index_cast %scan3A_489 : i32 to index
        %swap3A_637 = arith.constant 96 : index
        %swap3A_638 = tpu.vector_load %arg18[%swap3A_635, %swap3A_636, %swap3A_637] {strides = array<i32>} : memref<2x96x128xf32, #tpu.memory_space<vmem>>, vector<1x1x16xf32>,
        %swap3A_639 = vector.shape_cast %swap3A_638 : vector<1x1x16xf32> to vector<16xf32>
        %swap3A_640 = vector.shape_cast %mul3A_633 : vector<16xf32> to vector<1x1x16xf32>
        tpu.vector_store %arg18[%swap3A_635, %swap3A_636, %swap3A_637], %swap3A_640 {strides = array<i32>} : memref<2x96x128xf32, #tpu.memory_space<vmem>>, vector<1x1x16xf32>,
        %slice3A_641 = vector.extract_strided_slice %exp3A_514 {offsets = [7], sizes = [1], strides = [1]} : vector<16xf32> to vector<1xf32>
        %squeeze3A_642 = vector.extract %slice3A_641[0] : f32 from vector<1xf32>
        %broadcast_in_dim3A_643 = vector.broadcast %squeeze3A_642 : f32 to vector<16xf32>
        %get3A_644 = arith.constant 1 : i32
        %get3A_645 = arith.index_cast %get3A_644 : i32 to index
        %get3A_646 = arith.index_cast %scan3A_489 : i32 to index
        %get3A_647 = arith.constant 112 : index
        %get3A_648 = tpu.vector_load %arg18[%get3A_645, %get3A_646, %get3A_647] {strides = array<i32>} : memref<2x96x128xf32, #tpu.memory_space<vmem>>, vector<1x1x16xf32>,
        %get3A_649 = vector.shape_cast %get3A_648 : vector<1x1x16xf32> to vector<16xf32>
        %mul3A_650 = arith.mulf %get3A_649, %broadcast_in_dim3A_643 : vector<16xf32>
        %swap3A_651 = arith.constant 1 : i32
        %swap3A_652 = arith.index_cast %swap3A_651 : i32 to index
        %swap3A_653 = arith.index_cast %scan3A_489 : i32 to index
        %swap3A_654 = arith.constant 112 : index
        %swap3A_655 = tpu.vector_load %arg18[%swap3A_652, %swap3A_653, %swap3A_654] {strides = array<i32>} : memref<2x96x128xf32, #tpu.memory_space<vmem>>, vector<1x1x16xf32>,
        %swap3A_656 = vector.shape_cast %swap3A_655 : vector<1x1x16xf32> to vector<16xf32>
        %swap3A_657 = vector.shape_cast %mul3A_650 : vector<16xf32> to vector<1x1x16xf32>
        tpu.vector_store %arg18[%swap3A_652, %swap3A_653, %swap3A_654], %swap3A_657 {strides = array<i32>} : memref<2x96x128xf32, #tpu.memory_space<vmem>>, vector<1x1x16xf32>,
        %scan3A_658 = arith.constant 2 : i32
        %scan3A_659 = arith.addi %scan3A_326, %scan3A_658 : i32
        %get3A_660 = arith.constant 1 : i32
        %get3A_661 = arith.index_cast %get3A_660 : i32 to index
        %get3A_662 = arith.index_cast %scan3A_659 : i32 to index
        %get3A_663 = arith.constant 0 : index
        %get3A_664 = tpu.vector_load %arg14[%get3A_661, %get3A_662, %get3A_663] {strides = array<i32>} : memref<2x96x16xf32, #tpu.memory_space<vmem>>, vector<1x1x16xf32>,
        %get3A_665 = vector.shape_cast %get3A_664 : vector<1x1x16xf32> to vector<16xf32>
        %get3A_666 = arith.constant 1 : i32
        %get3A_667 = arith.index_cast %get3A_666 : i32 to index
        %get3A_668 = arith.index_cast %scan3A_659 : i32 to index
        %get3A_669 = arith.constant 0 : index
        %get3A_670 = tpu.vector_load %arg15[%get3A_667, %get3A_668, %get3A_669] {strides = array<i32>} : memref<2x96x16xf32, #tpu.memory_space<vmem>>, vector<1x1x16xf32>,
        %get3A_671 = vector.shape_cast %get3A_670 : vector<1x1x16xf32> to vector<16xf32>
        %add3A_672 = arith.addf %get3A_665, %get3A_671 : vector<16xf32>
        %get3A_673 = arith.constant 1 : i32
        %get3A_674 = arith.index_cast %get3A_673 : i32 to index
        %get3A_675 = arith.index_cast %scan3A_659 : i32 to index
        %get3A_676 = arith.constant 0 : index
        %get3A_677 = tpu.vector_load %arg16[%get3A_674, %get3A_675, %get3A_676] {strides = array<i32>} : memref<2x96x16xf32, #tpu.memory_space<vmem>>, vector<1x1x16xf32>,
        %get3A_678 = vector.shape_cast %get3A_677 : vector<1x1x16xf32> to vector<16xf32>
        %add3A_679 = arith.addf %add3A_672, %get3A_678 : vector<16xf32>
        %mul3A_680 = arith.constant 2.000000e-01 : f32
        %mul3A_681 = vector.broadcast %mul3A_680 : f32 to vector<16xf32>
        %mul3A_682 = arith.mulf %add3A_679, %mul3A_681 : vector<16xf32>
        %max3A_683 = arith.maximumf %add3A_679, %mul3A_682 : vector<16xf32>
        %exp3A_684 = math.exp %max3A_683 : vector<16xf32>
        %swap3A_685 = arith.constant 1 : i32
        %swap3A_686 = arith.index_cast %swap3A_685 : i32 to index
        %swap3A_687 = arith.index_cast %scan3A_659 : i32 to index
        %swap3A_688 = arith.constant 0 : index
        %swap3A_689 = tpu.vector_load %arg17[%swap3A_686, %swap3A_687, %swap3A_688] {strides = array<i32>} : memref<2x96x16xf32, #tpu.memory_space<vmem>>, vector<1x1x16xf32>,
        %swap3A_690 = vector.shape_cast %swap3A_689 : vector<1x1x16xf32> to vector<16xf32>
        %swap3A_691 = vector.shape_cast %exp3A_684 : vector<16xf32> to vector<1x1x16xf32>
        tpu.vector_store %arg17[%swap3A_686, %swap3A_687, %swap3A_688], %swap3A_691 {strides = array<i32>} : memref<2x96x16xf32, #tpu.memory_space<vmem>>, vector<1x1x16xf32>,
        %slice3A_692 = vector.extract_strided_slice %exp3A_684 {offsets = [0], sizes = [1], strides = [1]} : vector<16xf32> to vector<1xf32>
        %squeeze3A_693 = vector.extract %slice3A_692[0] : f32 from vector<1xf32>
        %broadcast_in_dim3A_694 = vector.broadcast %squeeze3A_693 : f32 to vector<16xf32>
        %get3A_695 = arith.constant 1 : i32
        %get3A_696 = arith.index_cast %get3A_695 : i32 to index
        %get3A_697 = arith.index_cast %scan3A_659 : i32 to index
        %get3A_698 = arith.constant 0 : index
        %get3A_699 = tpu.vector_load %arg18[%get3A_696, %get3A_697, %get3A_698] {strides = array<i32>} : memref<2x96x128xf32, #tpu.memory_space<vmem>>, vector<1x1x16xf32>,
        %get3A_700 = vector.shape_cast %get3A_699 : vector<1x1x16xf32> to vector<16xf32>
        %mul3A_701 = arith.mulf %get3A_700, %broadcast_in_dim3A_694 : vector<16xf32>
        %swap3A_702 = arith.constant 1 : i32
        %swap3A_703 = arith.index_cast %swap3A_702 : i32 to index
        %swap3A_704 = arith.index_cast %scan3A_659 : i32 to index
        %swap3A_705 = arith.constant 0 : index
        %swap3A_706 = tpu.vector_load %arg18[%swap3A_703, %swap3A_704, %swap3A_705] {strides = array<i32>} : memref<2x96x128xf32, #tpu.memory_space<vmem>>, vector<1x1x16xf32>,
        %swap3A_707 = vector.shape_cast %swap3A_706 : vector<1x1x16xf32> to vector<16xf32>
        %swap3A_708 = vector.shape_cast %mul3A_701 : vector<16xf32> to vector<1x1x16xf32>
        tpu.vector_store %arg18[%swap3A_703, %swap3A_704, %swap3A_705], %swap3A_708 {strides = array<i32>} : memref<2x96x128xf32, #tpu.memory_space<vmem>>, vector<1x1x16xf32>,
        %slice3A_709 = vector.extract_strided_slice %exp3A_684 {offsets = [1], sizes = [1], strides = [1]} : vector<16xf32> to vector<1xf32>
        %squeeze3A_710 = vector.extract %slice3A_709[0] : f32 from vector<1xf32>
        %broadcast_in_dim3A_711 = vector.broadcast %squeeze3A_710 : f32 to vector<16xf32>
        %get3A_712 = arith.constant 1 : i32
        %get3A_713 = arith.index_cast %get3A_712 : i32 to index
        %get3A_714 = arith.index_cast %scan3A_659 : i32 to index
        %get3A_715 = arith.constant 16 : index
        %get3A_716 = tpu.vector_load %arg18[%get3A_713, %get3A_714, %get3A_715] {strides = array<i32>} : memref<2x96x128xf32, #tpu.memory_space<vmem>>, vector<1x1x16xf32>,
        %get3A_717 = vector.shape_cast %get3A_716 : vector<1x1x16xf32> to vector<16xf32>
        %mul3A_718 = arith.mulf %get3A_717, %broadcast_in_dim3A_711 : vector<16xf32>
        %swap3A_719 = arith.constant 1 : i32
        %swap3A_720 = arith.index_cast %swap3A_719 : i32 to index
        %swap3A_721 = arith.index_cast %scan3A_659 : i32 to index
        %swap3A_722 = arith.constant 16 : index
        %swap3A_723 = tpu.vector_load %arg18[%swap3A_720, %swap3A_721, %swap3A_722] {strides = array<i32>} : memref<2x96x128xf32, #tpu.memory_space<vmem>>, vector<1x1x16xf32>,
        %swap3A_724 = vector.shape_cast %swap3A_723 : vector<1x1x16xf32> to vector<16xf32>
        %swap3A_725 = vector.shape_cast %mul3A_718 : vector<16xf32> to vector<1x1x16xf32>
        tpu.vector_store %arg18[%swap3A_720, %swap3A_721, %swap3A_722], %swap3A_725 {strides = array<i32>} : memref<2x96x128xf32, #tpu.memory_space<vmem>>, vector<1x1x16xf32>,
        %slice3A_726 = vector.extract_strided_slice %exp3A_684 {offsets = [2], sizes = [1], strides = [1]} : vector<16xf32> to vector<1xf32>
        %squeeze3A_727 = vector.extract %slice3A_726[0] : f32 from vector<1xf32>
        %broadcast_in_dim3A_728 = vector.broadcast %squeeze3A_727 : f32 to vector<16xf32>
        %get3A_729 = arith.constant 1 : i32
        %get3A_730 = arith.index_cast %get3A_729 : i32 to index
        %get3A_731 = arith.index_cast %scan3A_659 : i32 to index
        %get3A_732 = arith.constant 32 : index
        %get3A_733 = tpu.vector_load %arg18[%get3A_730, %get3A_731, %get3A_732] {strides = array<i32>} : memref<2x96x128xf32, #tpu.memory_space<vmem>>, vector<1x1x16xf32>,
        %get3A_734 = vector.shape_cast %get3A_733 : vector<1x1x16xf32> to vector<16xf32>
        %mul3A_735 = arith.mulf %get3A_734, %broadcast_in_dim3A_728 : vector<16xf32>
        %swap3A_736 = arith.constant 1 : i32
        %swap3A_737 = arith.index_cast %swap3A_736 : i32 to index
        %swap3A_738 = arith.index_cast %scan3A_659 : i32 to index
        %swap3A_739 = arith.constant 32 : index
        %swap3A_740 = tpu.vector_load %arg18[%swap3A_737, %swap3A_738, %swap3A_739] {strides = array<i32>} : memref<2x96x128xf32, #tpu.memory_space<vmem>>, vector<1x1x16xf32>,
        %swap3A_741 = vector.shape_cast %swap3A_740 : vector<1x1x16xf32> to vector<16xf32>
        %swap3A_742 = vector.shape_cast %mul3A_735 : vector<16xf32> to vector<1x1x16xf32>
        tpu.vector_store %arg18[%swap3A_737, %swap3A_738, %swap3A_739], %swap3A_742 {strides = array<i32>} : memref<2x96x128xf32, #tpu.memory_space<vmem>>, vector<1x1x16xf32>,
        %slice3A_743 = vector.extract_strided_slice %exp3A_684 {offsets = [3], sizes = [1], strides = [1]} : vector<16xf32> to vector<1xf32>
        %squeeze3A_744 = vector.extract %slice3A_743[0] : f32 from vector<1xf32>
        %broadcast_in_dim3A_745 = vector.broadcast %squeeze3A_744 : f32 to vector<16xf32>
        %get3A_746 = arith.constant 1 : i32
        %get3A_747 = arith.index_cast %get3A_746 : i32 to index
        %get3A_748 = arith.index_cast %scan3A_659 : i32 to index
        %get3A_749 = arith.constant 48 : index
        %get3A_750 = tpu.vector_load %arg18[%get3A_747, %get3A_748, %get3A_749] {strides = array<i32>} : memref<2x96x128xf32, #tpu.memory_space<vmem>>, vector<1x1x16xf32>,
        %get3A_751 = vector.shape_cast %get3A_750 : vector<1x1x16xf32> to vector<16xf32>
        %mul3A_752 = arith.mulf %get3A_751, %broadcast_in_dim3A_745 : vector<16xf32>
        %swap3A_753 = arith.constant 1 : i32
        %swap3A_754 = arith.index_cast %swap3A_753 : i32 to index
        %swap3A_755 = arith.index_cast %scan3A_659 : i32 to index
        %swap3A_756 = arith.constant 48 : index
        %swap3A_757 = tpu.vector_load %arg18[%swap3A_754, %swap3A_755, %swap3A_756] {strides = array<i32>} : memref<2x96x128xf32, #tpu.memory_space<vmem>>, vector<1x1x16xf32>,
        %swap3A_758 = vector.shape_cast %swap3A_757 : vector<1x1x16xf32> to vector<16xf32>
        %swap3A_759 = vector.shape_cast %mul3A_752 : vector<16xf32> to vector<1x1x16xf32>
        tpu.vector_store %arg18[%swap3A_754, %swap3A_755, %swap3A_756], %swap3A_759 {strides = array<i32>} : memref<2x96x128xf32, #tpu.memory_space<vmem>>, vector<1x1x16xf32>,
        %slice3A_760 = vector.extract_strided_slice %exp3A_684 {offsets = [4], sizes = [1], strides = [1]} : vector<16xf32> to vector<1xf32>
        %squeeze3A_761 = vector.extract %slice3A_760[0] : f32 from vector<1xf32>
        %broadcast_in_dim3A_762 = vector.broadcast %squeeze3A_761 : f32 to vector<16xf32>
        %get3A_763 = arith.constant 1 : i32
        %get3A_764 = arith.index_cast %get3A_763 : i32 to index
        %get3A_765 = arith.index_cast %scan3A_659 : i32 to index
        %get3A_766 = arith.constant 64 : index
        %get3A_767 = tpu.vector_load %arg18[%get3A_764, %get3A_765, %get3A_766] {strides = array<i32>} : memref<2x96x128xf32, #tpu.memory_space<vmem>>, vector<1x1x16xf32>,
        %get3A_768 = vector.shape_cast %get3A_767 : vector<1x1x16xf32> to vector<16xf32>
        %mul3A_769 = arith.mulf %get3A_768, %broadcast_in_dim3A_762 : vector<16xf32>
        %swap3A_770 = arith.constant 1 : i32
        %swap3A_771 = arith.index_cast %swap3A_770 : i32 to index
        %swap3A_772 = arith.index_cast %scan3A_659 : i32 to index
        %swap3A_773 = arith.constant 64 : index
        %swap3A_774 = tpu.vector_load %arg18[%swap3A_771, %swap3A_772, %swap3A_773] {strides = array<i32>} : memref<2x96x128xf32, #tpu.memory_space<vmem>>, vector<1x1x16xf32>,
        %swap3A_775 = vector.shape_cast %swap3A_774 : vector<1x1x16xf32> to vector<16xf32>
        %swap3A_776 = vector.shape_cast %mul3A_769 : vector<16xf32> to vector<1x1x16xf32>
        tpu.vector_store %arg18[%swap3A_771, %swap3A_772, %swap3A_773], %swap3A_776 {strides = array<i32>} : memref<2x96x128xf32, #tpu.memory_space<vmem>>, vector<1x1x16xf32>,
        %slice3A_777 = vector.extract_strided_slice %exp3A_684 {offsets = [5], sizes = [1], strides = [1]} : vector<16xf32> to vector<1xf32>
        %squeeze3A_778 = vector.extract %slice3A_777[0] : f32 from vector<1xf32>
        %broadcast_in_dim3A_779 = vector.broadcast %squeeze3A_778 : f32 to vector<16xf32>
        %get3A_780 = arith.constant 1 : i32
        %get3A_781 = arith.index_cast %get3A_780 : i32 to index
        %get3A_782 = arith.index_cast %scan3A_659 : i32 to index
        %get3A_783 = arith.constant 80 : index
        %get3A_784 = tpu.vector_load %arg18[%get3A_781, %get3A_782, %get3A_783] {strides = array<i32>} : memref<2x96x128xf32, #tpu.memory_space<vmem>>, vector<1x1x16xf32>,
        %get3A_785 = vector.shape_cast %get3A_784 : vector<1x1x16xf32> to vector<16xf32>
        %mul3A_786 = arith.mulf %get3A_785, %broadcast_in_dim3A_779 : vector<16xf32>
        %swap3A_787 = arith.constant 1 : i32
        %swap3A_788 = arith.index_cast %swap3A_787 : i32 to index
        %swap3A_789 = arith.index_cast %scan3A_659 : i32 to index
        %swap3A_790 = arith.constant 80 : index
        %swap3A_791 = tpu.vector_load %arg18[%swap3A_788, %swap3A_789, %swap3A_790] {strides = array<i32>} : memref<2x96x128xf32, #tpu.memory_space<vmem>>, vector<1x1x16xf32>,
        %swap3A_792 = vector.shape_cast %swap3A_791 : vector<1x1x16xf32> to vector<16xf32>
        %swap3A_793 = vector.shape_cast %mul3A_786 : vector<16xf32> to vector<1x1x16xf32>
        tpu.vector_store %arg18[%swap3A_788, %swap3A_789, %swap3A_790], %swap3A_793 {strides = array<i32>} : memref<2x96x128xf32, #tpu.memory_space<vmem>>, vector<1x1x16xf32>,
        %slice3A_794 = vector.extract_strided_slice %exp3A_684 {offsets = [6], sizes = [1], strides = [1]} : vector<16xf32> to vector<1xf32>
        %squeeze3A_795 = vector.extract %slice3A_794[0] : f32 from vector<1xf32>
        %broadcast_in_dim3A_796 = vector.broadcast %squeeze3A_795 : f32 to vector<16xf32>
        %get3A_797 = arith.constant 1 : i32
        %get3A_798 = arith.index_cast %get3A_797 : i32 to index
        %get3A_799 = arith.index_cast %scan3A_659 : i32 to index
        %get3A_800 = arith.constant 96 : index
        %get3A_801 = tpu.vector_load %arg18[%get3A_798, %get3A_799, %get3A_800] {strides = array<i32>} : memref<2x96x128xf32, #tpu.memory_space<vmem>>, vector<1x1x16xf32>,
        %get3A_802 = vector.shape_cast %get3A_801 : vector<1x1x16xf32> to vector<16xf32>
        %mul3A_803 = arith.mulf %get3A_802, %broadcast_in_dim3A_796 : vector<16xf32>
        %swap3A_804 = arith.constant 1 : i32
        %swap3A_805 = arith.index_cast %swap3A_804 : i32 to index
        %swap3A_806 = arith.index_cast %scan3A_659 : i32 to index
        %swap3A_807 = arith.constant 96 : index
        %swap3A_808 = tpu.vector_load %arg18[%swap3A_805, %swap3A_806, %swap3A_807] {strides = array<i32>} : memref<2x96x128xf32, #tpu.memory_space<vmem>>, vector<1x1x16xf32>,
        %swap3A_809 = vector.shape_cast %swap3A_808 : vector<1x1x16xf32> to vector<16xf32>
        %swap3A_810 = vector.shape_cast %mul3A_803 : vector<16xf32> to vector<1x1x16xf32>
        tpu.vector_store %arg18[%swap3A_805, %swap3A_806, %swap3A_807], %swap3A_810 {strides = array<i32>} : memref<2x96x128xf32, #tpu.memory_space<vmem>>, vector<1x1x16xf32>,
        %slice3A_811 = vector.extract_strided_slice %exp3A_684 {offsets = [7], sizes = [1], strides = [1]} : vector<16xf32> to vector<1xf32>
        %squeeze3A_812 = vector.extract %slice3A_811[0] : f32 from vector<1xf32>
        %broadcast_in_dim3A_813 = vector.broadcast %squeeze3A_812 : f32 to vector<16xf32>
        %get3A_814 = arith.constant 1 : i32
        %get3A_815 = arith.index_cast %get3A_814 : i32 to index
        %get3A_816 = arith.index_cast %scan3A_659 : i32 to index
        %get3A_817 = arith.constant 112 : index
        %get3A_818 = tpu.vector_load %arg18[%get3A_815, %get3A_816, %get3A_817] {strides = array<i32>} : memref<2x96x128xf32, #tpu.memory_space<vmem>>, vector<1x1x16xf32>,
        %get3A_819 = vector.shape_cast %get3A_818 : vector<1x1x16xf32> to vector<16xf32>
        %mul3A_820 = arith.mulf %get3A_819, %broadcast_in_dim3A_813 : vector<16xf32>
        %swap3A_821 = arith.constant 1 : i32
        %swap3A_822 = arith.index_cast %swap3A_821 : i32 to index
        %swap3A_823 = arith.index_cast %scan3A_659 : i32 to index
        %swap3A_824 = arith.constant 112 : index
        %swap3A_825 = tpu.vector_load %arg18[%swap3A_822, %swap3A_823, %swap3A_824] {strides = array<i32>} : memref<2x96x128xf32, #tpu.memory_space<vmem>>, vector<1x1x16xf32>,
        %swap3A_826 = vector.shape_cast %swap3A_825 : vector<1x1x16xf32> to vector<16xf32>
        %swap3A_827 = vector.shape_cast %mul3A_820 : vector<16xf32> to vector<1x1x16xf32>
        tpu.vector_store %arg18[%swap3A_822, %swap3A_823, %swap3A_824], %swap3A_827 {strides = array<i32>} : memref<2x96x128xf32, #tpu.memory_space<vmem>>, vector<1x1x16xf32>,
        %scan3A_828 = arith.constant 3 : i32
        %scan3A_829 = arith.addi %scan3A_326, %scan3A_828 : i32
        %get3A_830 = arith.constant 1 : i32
        %get3A_831 = arith.index_cast %get3A_830 : i32 to index
        %get3A_832 = arith.index_cast %scan3A_829 : i32 to index
        %get3A_833 = arith.constant 0 : index
        %get3A_834 = tpu.vector_load %arg14[%get3A_831, %get3A_832, %get3A_833] {strides = array<i32>} : memref<2x96x16xf32, #tpu.memory_space<vmem>>, vector<1x1x16xf32>,
        %get3A_835 = vector.shape_cast %get3A_834 : vector<1x1x16xf32> to vector<16xf32>
        %get3A_836 = arith.constant 1 : i32
        %get3A_837 = arith.index_cast %get3A_836 : i32 to index
        %get3A_838 = arith.index_cast %scan3A_829 : i32 to index
        %get3A_839 = arith.constant 0 : index
        %get3A_840 = tpu.vector_load %arg15[%get3A_837, %get3A_838, %get3A_839] {strides = array<i32>} : memref<2x96x16xf32, #tpu.memory_space<vmem>>, vector<1x1x16xf32>,
        %get3A_841 = vector.shape_cast %get3A_840 : vector<1x1x16xf32> to vector<16xf32>
        %add3A_842 = arith.addf %get3A_835, %get3A_841 : vector<16xf32>
        %get3A_843 = arith.constant 1 : i32
        %get3A_844 = arith.index_cast %get3A_843 : i32 to index
        %get3A_845 = arith.index_cast %scan3A_829 : i32 to index
        %get3A_846 = arith.constant 0 : index
        %get3A_847 = tpu.vector_load %arg16[%get3A_844, %get3A_845, %get3A_846] {strides = array<i32>} : memref<2x96x16xf32, #tpu.memory_space<vmem>>, vector<1x1x16xf32>,
        %get3A_848 = vector.shape_cast %get3A_847 : vector<1x1x16xf32> to vector<16xf32>
        %add3A_849 = arith.addf %add3A_842, %get3A_848 : vector<16xf32>
        %mul3A_850 = arith.constant 2.000000e-01 : f32
        %mul3A_851 = vector.broadcast %mul3A_850 : f32 to vector<16xf32>
        %mul3A_852 = arith.mulf %add3A_849, %mul3A_851 : vector<16xf32>
        %max3A_853 = arith.maximumf %add3A_849, %mul3A_852 : vector<16xf32>
        %exp3A_854 = math.exp %max3A_853 : vector<16xf32>
        %swap3A_855 = arith.constant 1 : i32
        %swap3A_856 = arith.index_cast %swap3A_855 : i32 to index
        %swap3A_857 = arith.index_cast %scan3A_829 : i32 to index
        %swap3A_858 = arith.constant 0 : index
        %swap3A_859 = tpu.vector_load %arg17[%swap3A_856, %swap3A_857, %swap3A_858] {strides = array<i32>} : memref<2x96x16xf32, #tpu.memory_space<vmem>>, vector<1x1x16xf32>,
        %swap3A_860 = vector.shape_cast %swap3A_859 : vector<1x1x16xf32> to vector<16xf32>
        %swap3A_861 = vector.shape_cast %exp3A_854 : vector<16xf32> to vector<1x1x16xf32>
        tpu.vector_store %arg17[%swap3A_856, %swap3A_857, %swap3A_858], %swap3A_861 {strides = array<i32>} : memref<2x96x16xf32, #tpu.memory_space<vmem>>, vector<1x1x16xf32>,
        %slice3A_862 = vector.extract_strided_slice %exp3A_854 {offsets = [0], sizes = [1], strides = [1]} : vector<16xf32> to vector<1xf32>
        %squeeze3A_863 = vector.extract %slice3A_862[0] : f32 from vector<1xf32>
        %broadcast_in_dim3A_864 = vector.broadcast %squeeze3A_863 : f32 to vector<16xf32>
        %get3A_865 = arith.constant 1 : i32
        %get3A_866 = arith.index_cast %get3A_865 : i32 to index
        %get3A_867 = arith.index_cast %scan3A_829 : i32 to index
        %get3A_868 = arith.constant 0 : index
        %get3A_869 = tpu.vector_load %arg18[%get3A_866, %get3A_867, %get3A_868] {strides = array<i32>} : memref<2x96x128xf32, #tpu.memory_space<vmem>>, vector<1x1x16xf32>,
        %get3A_870 = vector.shape_cast %get3A_869 : vector<1x1x16xf32> to vector<16xf32>
        %mul3A_871 = arith.mulf %get3A_870, %broadcast_in_dim3A_864 : vector<16xf32>
        %swap3A_872 = arith.constant 1 : i32
        %swap3A_873 = arith.index_cast %swap3A_872 : i32 to index
        %swap3A_874 = arith.index_cast %scan3A_829 : i32 to index
        %swap3A_875 = arith.constant 0 : index
        %swap3A_876 = tpu.vector_load %arg18[%swap3A_873, %swap3A_874, %swap3A_875] {strides = array<i32>} : memref<2x96x128xf32, #tpu.memory_space<vmem>>, vector<1x1x16xf32>,
        %swap3A_877 = vector.shape_cast %swap3A_876 : vector<1x1x16xf32> to vector<16xf32>
        %swap3A_878 = vector.shape_cast %mul3A_871 : vector<16xf32> to vector<1x1x16xf32>
        tpu.vector_store %arg18[%swap3A_873, %swap3A_874, %swap3A_875], %swap3A_878 {strides = array<i32>} : memref<2x96x128xf32, #tpu.memory_space<vmem>>, vector<1x1x16xf32>,
        %slice3A_879 = vector.extract_strided_slice %exp3A_854 {offsets = [1], sizes = [1], strides = [1]} : vector<16xf32> to vector<1xf32>
        %squeeze3A_880 = vector.extract %slice3A_879[0] : f32 from vector<1xf32>
        %broadcast_in_dim3A_881 = vector.broadcast %squeeze3A_880 : f32 to vector<16xf32>
        %get3A_882 = arith.constant 1 : i32
        %get3A_883 = arith.index_cast %get3A_882 : i32 to index
        %get3A_884 = arith.index_cast %scan3A_829 : i32 to index
        %get3A_885 = arith.constant 16 : index
        %get3A_886 = tpu.vector_load %arg18[%get3A_883, %get3A_884, %get3A_885] {strides = array<i32>} : memref<2x96x128xf32, #tpu.memory_space<vmem>>, vector<1x1x16xf32>,
        %get3A_887 = vector.shape_cast %get3A_886 : vector<1x1x16xf32> to vector<16xf32>
        %mul3A_888 = arith.mulf %get3A_887, %broadcast_in_dim3A_881 : vector<16xf32>
        %swap3A_889 = arith.constant 1 : i32
        %swap3A_890 = arith.index_cast %swap3A_889 : i32 to index
        %swap3A_891 = arith.index_cast %scan3A_829 : i32 to index
        %swap3A_892 = arith.constant 16 : index
        %swap3A_893 = tpu.vector_load %arg18[%swap3A_890, %swap3A_891, %swap3A_892] {strides = array<i32>} : memref<2x96x128xf32, #tpu.memory_space<vmem>>, vector<1x1x16xf32>,
        %swap3A_894 = vector.shape_cast %swap3A_893 : vector<1x1x16xf32> to vector<16xf32>
        %swap3A_895 = vector.shape_cast %mul3A_888 : vector<16xf32> to vector<1x1x16xf32>
        tpu.vector_store %arg18[%swap3A_890, %swap3A_891, %swap3A_892], %swap3A_895 {strides = array<i32>} : memref<2x96x128xf32, #tpu.memory_space<vmem>>, vector<1x1x16xf32>,
        %slice3A_896 = vector.extract_strided_slice %exp3A_854 {offsets = [2], sizes = [1], strides = [1]} : vector<16xf32> to vector<1xf32>
        %squeeze3A_897 = vector.extract %slice3A_896[0] : f32 from vector<1xf32>
        %broadcast_in_dim3A_898 = vector.broadcast %squeeze3A_897 : f32 to vector<16xf32>
        %get3A_899 = arith.constant 1 : i32
        %get3A_900 = arith.index_cast %get3A_899 : i32 to index
        %get3A_901 = arith.index_cast %scan3A_829 : i32 to index
        %get3A_902 = arith.constant 32 : index
        %get3A_903 = tpu.vector_load %arg18[%get3A_900, %get3A_901, %get3A_902] {strides = array<i32>} : memref<2x96x128xf32, #tpu.memory_space<vmem>>, vector<1x1x16xf32>,
        %get3A_904 = vector.shape_cast %get3A_903 : vector<1x1x16xf32> to vector<16xf32>
        %mul3A_905 = arith.mulf %get3A_904, %broadcast_in_dim3A_898 : vector<16xf32>
        %swap3A_906 = arith.constant 1 : i32
        %swap3A_907 = arith.index_cast %swap3A_906 : i32 to index
        %swap3A_908 = arith.index_cast %scan3A_829 : i32 to index
        %swap3A_909 = arith.constant 32 : index
        %swap3A_910 = tpu.vector_load %arg18[%swap3A_907, %swap3A_908, %swap3A_909] {strides = array<i32>} : memref<2x96x128xf32, #tpu.memory_space<vmem>>, vector<1x1x16xf32>,
        %swap3A_911 = vector.shape_cast %swap3A_910 : vector<1x1x16xf32> to vector<16xf32>
        %swap3A_912 = vector.shape_cast %mul3A_905 : vector<16xf32> to vector<1x1x16xf32>
        tpu.vector_store %arg18[%swap3A_907, %swap3A_908, %swap3A_909], %swap3A_912 {strides = array<i32>} : memref<2x96x128xf32, #tpu.memory_space<vmem>>, vector<1x1x16xf32>,
        %slice3A_913 = vector.extract_strided_slice %exp3A_854 {offsets = [3], sizes = [1], strides = [1]} : vector<16xf32> to vector<1xf32>
        %squeeze3A_914 = vector.extract %slice3A_913[0] : f32 from vector<1xf32>
        %broadcast_in_dim3A_915 = vector.broadcast %squeeze3A_914 : f32 to vector<16xf32>
        %get3A_916 = arith.constant 1 : i32
        %get3A_917 = arith.index_cast %get3A_916 : i32 to index
        %get3A_918 = arith.index_cast %scan3A_829 : i32 to index
        %get3A_919 = arith.constant 48 : index
        %get3A_920 = tpu.vector_load %arg18[%get3A_917, %get3A_918, %get3A_919] {strides = array<i32>} : memref<2x96x128xf32, #tpu.memory_space<vmem>>, vector<1x1x16xf32>,
        %get3A_921 = vector.shape_cast %get3A_920 : vector<1x1x16xf32> to vector<16xf32>
        %mul3A_922 = arith.mulf %get3A_921, %broadcast_in_dim3A_915 : vector<16xf32>
        %swap3A_923 = arith.constant 1 : i32
        %swap3A_924 = arith.index_cast %swap3A_923 : i32 to index
        %swap3A_925 = arith.index_cast %scan3A_829 : i32 to index
        %swap3A_926 = arith.constant 48 : index
        %swap3A_927 = tpu.vector_load %arg18[%swap3A_924, %swap3A_925, %swap3A_926] {strides = array<i32>} : memref<2x96x128xf32, #tpu.memory_space<vmem>>, vector<1x1x16xf32>,
        %swap3A_928 = vector.shape_cast %swap3A_927 : vector<1x1x16xf32> to vector<16xf32>
        %swap3A_929 = vector.shape_cast %mul3A_922 : vector<16xf32> to vector<1x1x16xf32>
        tpu.vector_store %arg18[%swap3A_924, %swap3A_925, %swap3A_926], %swap3A_929 {strides = array<i32>} : memref<2x96x128xf32, #tpu.memory_space<vmem>>, vector<1x1x16xf32>,
        %slice3A_930 = vector.extract_strided_slice %exp3A_854 {offsets = [4], sizes = [1], strides = [1]} : vector<16xf32> to vector<1xf32>
        %squeeze3A_931 = vector.extract %slice3A_930[0] : f32 from vector<1xf32>
        %broadcast_in_dim3A_932 = vector.broadcast %squeeze3A_931 : f32 to vector<16xf32>
        %get3A_933 = arith.constant 1 : i32
        %get3A_934 = arith.index_cast %get3A_933 : i32 to index
        %get3A_935 = arith.index_cast %scan3A_829 : i32 to index
        %get3A_936 = arith.constant 64 : index
        %get3A_937 = tpu.vector_load %arg18[%get3A_934, %get3A_935, %get3A_936] {strides = array<i32>} : memref<2x96x128xf32, #tpu.memory_space<vmem>>, vector<1x1x16xf32>,
        %get3A_938 = vector.shape_cast %get3A_937 : vector<1x1x16xf32> to vector<16xf32>
        %mul3A_939 = arith.mulf %get3A_938, %broadcast_in_dim3A_932 : vector<16xf32>
        %swap3A_940 = arith.constant 1 : i32
        %swap3A_941 = arith.index_cast %swap3A_940 : i32 to index
        %swap3A_942 = arith.index_cast %scan3A_829 : i32 to index
        %swap3A_943 = arith.constant 64 : index
        %swap3A_944 = tpu.vector_load %arg18[%swap3A_941, %swap3A_942, %swap3A_943] {strides = array<i32>} : memref<2x96x128xf32, #tpu.memory_space<vmem>>, vector<1x1x16xf32>,
        %swap3A_945 = vector.shape_cast %swap3A_944 : vector<1x1x16xf32> to vector<16xf32>
        %swap3A_946 = vector.shape_cast %mul3A_939 : vector<16xf32> to vector<1x1x16xf32>
        tpu.vector_store %arg18[%swap3A_941, %swap3A_942, %swap3A_943], %swap3A_946 {strides = array<i32>} : memref<2x96x128xf32, #tpu.memory_space<vmem>>, vector<1x1x16xf32>,
        %slice3A_947 = vector.extract_strided_slice %exp3A_854 {offsets = [5], sizes = [1], strides = [1]} : vector<16xf32> to vector<1xf32>
        %squeeze3A_948 = vector.extract %slice3A_947[0] : f32 from vector<1xf32>
        %broadcast_in_dim3A_949 = vector.broadcast %squeeze3A_948 : f32 to vector<16xf32>
        %get3A_950 = arith.constant 1 : i32
        %get3A_951 = arith.index_cast %get3A_950 : i32 to index
        %get3A_952 = arith.index_cast %scan3A_829 : i32 to index
        %get3A_953 = arith.constant 80 : index
        %get3A_954 = tpu.vector_load %arg18[%get3A_951, %get3A_952, %get3A_953] {strides = array<i32>} : memref<2x96x128xf32, #tpu.memory_space<vmem>>, vector<1x1x16xf32>,
        %get3A_955 = vector.shape_cast %get3A_954 : vector<1x1x16xf32> to vector<16xf32>
        %mul3A_956 = arith.mulf %get3A_955, %broadcast_in_dim3A_949 : vector<16xf32>
        %swap3A_957 = arith.constant 1 : i32
        %swap3A_958 = arith.index_cast %swap3A_957 : i32 to index
        %swap3A_959 = arith.index_cast %scan3A_829 : i32 to index
        %swap3A_960 = arith.constant 80 : index
        %swap3A_961 = tpu.vector_load %arg18[%swap3A_958, %swap3A_959, %swap3A_960] {strides = array<i32>} : memref<2x96x128xf32, #tpu.memory_space<vmem>>, vector<1x1x16xf32>,
        %swap3A_962 = vector.shape_cast %swap3A_961 : vector<1x1x16xf32> to vector<16xf32>
        %swap3A_963 = vector.shape_cast %mul3A_956 : vector<16xf32> to vector<1x1x16xf32>
        tpu.vector_store %arg18[%swap3A_958, %swap3A_959, %swap3A_960], %swap3A_963 {strides = array<i32>} : memref<2x96x128xf32, #tpu.memory_space<vmem>>, vector<1x1x16xf32>,
        %slice3A_964 = vector.extract_strided_slice %exp3A_854 {offsets = [6], sizes = [1], strides = [1]} : vector<16xf32> to vector<1xf32>
        %squeeze3A_965 = vector.extract %slice3A_964[0] : f32 from vector<1xf32>
        %broadcast_in_dim3A_966 = vector.broadcast %squeeze3A_965 : f32 to vector<16xf32>
        %get3A_967 = arith.constant 1 : i32
        %get3A_968 = arith.index_cast %get3A_967 : i32 to index
        %get3A_969 = arith.index_cast %scan3A_829 : i32 to index
        %get3A_970 = arith.constant 96 : index
        %get3A_971 = tpu.vector_load %arg18[%get3A_968, %get3A_969, %get3A_970] {strides = array<i32>} : memref<2x96x128xf32, #tpu.memory_space<vmem>>, vector<1x1x16xf32>,
        %get3A_972 = vector.shape_cast %get3A_971 : vector<1x1x16xf32> to vector<16xf32>
        %mul3A_973 = arith.mulf %get3A_972, %broadcast_in_dim3A_966 : vector<16xf32>
        %swap3A_974 = arith.constant 1 : i32
        %swap3A_975 = arith.index_cast %swap3A_974 : i32 to index
        %swap3A_976 = arith.index_cast %scan3A_829 : i32 to index
        %swap3A_977 = arith.constant 96 : index
        %swap3A_978 = tpu.vector_load %arg18[%swap3A_975, %swap3A_976, %swap3A_977] {strides = array<i32>} : memref<2x96x128xf32, #tpu.memory_space<vmem>>, vector<1x1x16xf32>,
        %swap3A_979 = vector.shape_cast %swap3A_978 : vector<1x1x16xf32> to vector<16xf32>
        %swap3A_980 = vector.shape_cast %mul3A_973 : vector<16xf32> to vector<1x1x16xf32>
        tpu.vector_store %arg18[%swap3A_975, %swap3A_976, %swap3A_977], %swap3A_980 {strides = array<i32>} : memref<2x96x128xf32, #tpu.memory_space<vmem>>, vector<1x1x16xf32>,
        %slice3A_981 = vector.extract_strided_slice %exp3A_854 {offsets = [7], sizes = [1], strides = [1]} : vector<16xf32> to vector<1xf32>
        %squeeze3A_982 = vector.extract %slice3A_981[0] : f32 from vector<1xf32>
        %broadcast_in_dim3A_983 = vector.broadcast %squeeze3A_982 : f32 to vector<16xf32>
        %get3A_984 = arith.constant 1 : i32
        %get3A_985 = arith.index_cast %get3A_984 : i32 to index
        %get3A_986 = arith.index_cast %scan3A_829 : i32 to index
        %get3A_987 = arith.constant 112 : index
        %get3A_988 = tpu.vector_load %arg18[%get3A_985, %get3A_986, %get3A_987] {strides = array<i32>} : memref<2x96x128xf32, #tpu.memory_space<vmem>>, vector<1x1x16xf32>,
        %get3A_989 = vector.shape_cast %get3A_988 : vector<1x1x16xf32> to vector<16xf32>
        %mul3A_990 = arith.mulf %get3A_989, %broadcast_in_dim3A_983 : vector<16xf32>
        %swap3A_991 = arith.constant 1 : i32
        %swap3A_992 = arith.index_cast %swap3A_991 : i32 to index
        %swap3A_993 = arith.index_cast %scan3A_829 : i32 to index
        %swap3A_994 = arith.constant 112 : index
        %swap3A_995 = tpu.vector_load %arg18[%swap3A_992, %swap3A_993, %swap3A_994] {strides = array<i32>} : memref<2x96x128xf32, #tpu.memory_space<vmem>>, vector<1x1x16xf32>,
        %swap3A_996 = vector.shape_cast %swap3A_995 : vector<1x1x16xf32> to vector<16xf32>
        %swap3A_997 = vector.shape_cast %mul3A_990 : vector<16xf32> to vector<1x1x16xf32>
        tpu.vector_store %arg18[%swap3A_992, %swap3A_993, %swap3A_994], %swap3A_997 {strides = array<i32>} : memref<2x96x128xf32, #tpu.memory_space<vmem>>, vector<1x1x16xf32>,
      }
      %scan3A_301 = arith.constant 96 : i32
      %dma_start3A_302 = arith.constant 1 : i32
      %dma_start3A_303 = arith.constant 1 : i32
      %dma_start3A_304 = arith.constant 0 : i32
      %dma_start3A_305 = arith.constant 0 : i32
      %dma_start3A_306 = tpu.memref_slice %arg17[%dma_start3A_302, %dma_start3A_304, %dma_start3A_305] : memref<2x96x16xf32, #tpu.memory_space<vmem>> -> memref<1x96x16xf32, #tpu.memory_space<vmem>>
      %dma_start3A_307 = tpu.memref_squeeze %dma_start3A_306 : memref<1x96x16xf32, #tpu.memory_space<vmem>> -> memref<96x16xf32, #tpu.memory_space<vmem>>
      %dma_start3A_308 = arith.constant 0 : i32
      %dma_start3A_309 = tpu.memref_slice %arg13[%dma_start3A_303, %dma_start3A_308] : memref<2x96xi32, #tpu.memory_space<vmem>> -> memref<1x96xi32, #tpu.memory_space<vmem>>
      %dma_start3A_310 = tpu.memref_squeeze %dma_start3A_309 : memref<1x96xi32, #tpu.memory_space<vmem>> -> memref<96xi32, #tpu.memory_space<vmem>>
      %dma_start3A_311 = arith.constant 0 : i32
      %dma_start3A_312 = arith.constant 0 : i32
      %dma_start3A_313 = tpu.memref_slice %arg20[%dma_start3A_311, %dma_start3A_312] : memref<10112x16xf32, #tpu.memory_space<vmem_shared>> -> memref<10112x16xf32, #tpu.memory_space<vmem_shared>>
      tpu.enqueue_indirect_dma source(%dma_start3A_307 : memref<96x16xf32, #tpu.memory_space<vmem>>) target(%dma_start3A_313 : memref<10112x16xf32, #tpu.memory_space<vmem_shared>>) offsets(%dma_start3A_310 : memref<96xi32, #tpu.memory_space<vmem>>) semaphore(%arg24 : memref<!tpu.dma_semaphore, #tpu.memory_space<semaphore_mem>>) {add = true}
      %dma_start3A_314 = arith.constant 1 : i32
      %dma_start3A_315 = arith.constant 1 : i32
      %dma_start3A_316 = arith.constant 0 : i32
      %dma_start3A_317 = arith.constant 0 : i32
      %dma_start3A_318 = tpu.memref_slice %arg18[%dma_start3A_314, %dma_start3A_316, %dma_start3A_317] : memref<2x96x128xf32, #tpu.memory_space<vmem>> -> memref<1x96x128xf32, #tpu.memory_space<vmem>>
      %dma_start3A_319 = tpu.memref_squeeze %dma_start3A_318 : memref<1x96x128xf32, #tpu.memory_space<vmem>> -> memref<96x128xf32, #tpu.memory_space<vmem>>
      %dma_start3A_320 = arith.constant 0 : i32
      %dma_start3A_321 = tpu.memref_slice %arg13[%dma_start3A_315, %dma_start3A_320] : memref<2x96xi32, #tpu.memory_space<vmem>> -> memref<1x96xi32, #tpu.memory_space<vmem>>
      %dma_start3A_322 = tpu.memref_squeeze %dma_start3A_321 : memref<1x96xi32, #tpu.memory_space<vmem>> -> memref<96xi32, #tpu.memory_space<vmem>>
      %dma_start3A_323 = arith.constant 0 : i32
      %dma_start3A_324 = arith.constant 0 : i32
      %dma_start3A_325 = tpu.memref_slice %arg19[%dma_start3A_323, %dma_start3A_324] : memref<10112x128xf32, #tpu.memory_space<vmem_shared>> -> memref<10112x128xf32, #tpu.memory_space<vmem_shared>>
      tpu.enqueue_indirect_dma source(%dma_start3A_319 : memref<96x128xf32, #tpu.memory_space<vmem>>) target(%dma_start3A_325 : memref<10112x128xf32, #tpu.memory_space<vmem_shared>>) offsets(%dma_start3A_322 : memref<96xi32, #tpu.memory_space<vmem>>) semaphore(%arg24 : memref<!tpu.dma_semaphore, #tpu.memory_space<semaphore_mem>>) {add = true}
    }
    %scan3A_115 = arith.constant 53 : i32
    %dma_wait3A_116 = arith.constant 1 : i32
    %dma_wait3A_117 = arith.constant 0 : i32
    %dma_wait3A_118 = arith.constant 0 : i32
    %dma_wait3A_119 = tpu.memref_slice %arg17[%dma_wait3A_116, %dma_wait3A_117, %dma_wait3A_118] : memref<2x96x16xf32, #tpu.memory_space<vmem>> -> memref<1x96x16xf32, #tpu.memory_space<vmem>>
    %dma_wait3A_120 = tpu.memref_squeeze %dma_wait3A_119 : memref<1x96x16xf32, #tpu.memory_space<vmem>> -> memref<96x16xf32, #tpu.memory_space<vmem>>
    %dma_wait3A_121 = arith.constant 0 : i32
    %dma_wait3A_122 = arith.constant 0 : i32
    %dma_wait3A_123 = tpu.memref_slice %arg2[%dma_wait3A_121, %dma_wait3A_122] : memref<10112x16xf32, #tpu.memory_space<hbm>> -> memref<96x16xf32, #tpu.memory_space<hbm>>
    %dma_wait3A_124 = arith.constant 0 : i32
    %dma_wait3A_125 = arith.constant 0 : i32
    %dma_wait3A_126 = tpu.memref_slice %arg17[%dma_wait3A_116, %dma_wait3A_124, %dma_wait3A_125] : memref<2x96x16xf32, #tpu.memory_space<vmem>> -> memref<1x96x16xf32, #tpu.memory_space<vmem>>
    %dma_wait3A_127 = tpu.memref_squeeze %dma_wait3A_126 : memref<1x96x16xf32, #tpu.memory_space<vmem>> -> memref<96x16xf32, #tpu.memory_space<vmem>>
    %dma_wait3A_128 = arith.constant 0 : i32
    %dma_wait3A_129 = arith.constant 0 : i32
    %dma_wait3A_130 = tpu.memref_slice %arg2[%dma_wait3A_128, %dma_wait3A_129] : memref<10112x16xf32, #tpu.memory_space<hbm>> -> memref<96x16xf32, #tpu.memory_space<hbm>>
    tpu.wait_dma2 semaphore(%arg24 : memref<!tpu.dma_semaphore, #tpu.memory_space<semaphore_mem>>) src(%dma_wait3A_130 : memref<96x16xf32, #tpu.memory_space<hbm>>) dst(%dma_wait3A_127 : memref<96x16xf32, #tpu.memory_space<vmem>>)
    %dma_wait3A_131 = arith.constant 1 : i32
    %dma_wait3A_132 = arith.constant 0 : i32
    %dma_wait3A_133 = arith.constant 0 : i32
    %dma_wait3A_134 = tpu.memref_slice %arg18[%dma_wait3A_131, %dma_wait3A_132, %dma_wait3A_133] : memref<2x96x128xf32, #tpu.memory_space<vmem>> -> memref<1x96x128xf32, #tpu.memory_space<vmem>>
    %dma_wait3A_135 = tpu.memref_squeeze %dma_wait3A_134 : memref<1x96x128xf32, #tpu.memory_space<vmem>> -> memref<96x128xf32, #tpu.memory_space<vmem>>
    %dma_wait3A_136 = arith.constant 0 : i32
    %dma_wait3A_137 = arith.constant 0 : i32
    %dma_wait3A_138 = tpu.memref_slice %arg4[%dma_wait3A_136, %dma_wait3A_137] : memref<10112x128xf32, #tpu.memory_space<hbm>> -> memref<96x128xf32, #tpu.memory_space<hbm>>
    %dma_wait3A_139 = arith.constant 0 : i32
    %dma_wait3A_140 = arith.constant 0 : i32
    %dma_wait3A_141 = tpu.memref_slice %arg18[%dma_wait3A_131, %dma_wait3A_139, %dma_wait3A_140] : memref<2x96x128xf32, #tpu.memory_space<vmem>> -> memref<1x96x128xf32, #tpu.memory_space<vmem>>
    %dma_wait3A_142 = tpu.memref_squeeze %dma_wait3A_141 : memref<1x96x128xf32, #tpu.memory_space<vmem>> -> memref<96x128xf32, #tpu.memory_space<vmem>>
    %dma_wait3A_143 = arith.constant 0 : i32
    %dma_wait3A_144 = arith.constant 0 : i32
    %dma_wait3A_145 = tpu.memref_slice %arg4[%dma_wait3A_143, %dma_wait3A_144] : memref<10112x128xf32, #tpu.memory_space<hbm>> -> memref<96x128xf32, #tpu.memory_space<hbm>>
    tpu.wait_dma2 semaphore(%arg24 : memref<!tpu.dma_semaphore, #tpu.memory_space<semaphore_mem>>) src(%dma_wait3A_145 : memref<96x128xf32, #tpu.memory_space<hbm>>) dst(%dma_wait3A_142 : memref<96x128xf32, #tpu.memory_space<vmem>>)
    %barrier3A_146 = arith.constant 0 : index
    tpu.barrier barrier_id(%barrier3A_146)
    "tpu.region"() ({
      %run_scoped3A = tpu.sem_alloc : memref<!tpu.dma_semaphore, #tpu.memory_space<semaphore_mem>>
      %dma_start3A_147 = arith.constant 0 : i32
      %dma_start3A_148 = tpu.memref_slice %arg10[%arg0, %mul3A_0, %dma_start3A_147] : memref<2x10112x128xf32, #tpu.memory_space<hbm>> -> memref<1x632x128xf32, #tpu.memory_space<hbm>>
      %dma_start3A_149 = tpu.memref_squeeze %dma_start3A_148 : memref<1x632x128xf32, #tpu.memory_space<hbm>> -> memref<632x128xf32, #tpu.memory_space<hbm>>
      %dma_start3A_150 = arith.constant 0 : i32
      %dma_start3A_151 = tpu.memref_slice %arg19[%mul3A_0, %dma_start3A_150] : memref<10112x128xf32, #tpu.memory_space<vmem_shared>> -> memref<632x128xf32, #tpu.memory_space<vmem_shared>>
      tpu.enqueue_dma source(%dma_start3A_151 : memref<632x128xf32, #tpu.memory_space<vmem_shared>>) target(%dma_start3A_149 : memref<632x128xf32, #tpu.memory_space<hbm>>) target_semaphore(%run_scoped3A : memref<!tpu.dma_semaphore, #tpu.memory_space<semaphore_mem>>)
      %dma_wait3A_152 = arith.constant 0 : i32
      %dma_wait3A_153 = tpu.memref_slice %arg10[%arg0, %mul3A_0, %dma_wait3A_152] : memref<2x10112x128xf32, #tpu.memory_space<hbm>> -> memref<1x632x128xf32, #tpu.memory_space<hbm>>
      %dma_wait3A_154 = tpu.memref_squeeze %dma_wait3A_153 : memref<1x632x128xf32, #tpu.memory_space<hbm>> -> memref<632x128xf32, #tpu.memory_space<hbm>>
      %dma_wait3A_155 = arith.constant 0 : i32
      %dma_wait3A_156 = tpu.memref_slice %arg19[%mul3A_0, %dma_wait3A_155] : memref<10112x128xf32, #tpu.memory_space<vmem_shared>> -> memref<632x128xf32, #tpu.memory_space<vmem_shared>>
      tpu.wait_dma2 semaphore(%run_scoped3A : memref<!tpu.dma_semaphore, #tpu.memory_space<semaphore_mem>>) src(%dma_wait3A_156 : memref<632x128xf32, #tpu.memory_space<vmem_shared>>) dst(%dma_wait3A_154 : memref<632x128xf32, #tpu.memory_space<hbm>>)
      tpu.yield
    }) : () -> ()
    "tpu.region"() ({
      %run_scoped3A = tpu.sem_alloc : memref<!tpu.dma_semaphore, #tpu.memory_space<semaphore_mem>>
      %dma_start3A_147 = arith.constant 0 : i32
      %dma_start3A_148 = tpu.memref_slice %arg11[%arg0, %mul3A_0, %dma_start3A_147] : memref<2x10112x16xf32, #tpu.memory_space<hbm>> -> memref<1x632x16xf32, #tpu.memory_space<hbm>>
      %dma_start3A_149 = tpu.memref_squeeze %dma_start3A_148 : memref<1x632x16xf32, #tpu.memory_space<hbm>> -> memref<632x16xf32, #tpu.memory_space<hbm>>
      %dma_start3A_150 = arith.constant 0 : i32
      %dma_start3A_151 = tpu.memref_slice %arg20[%mul3A_0, %dma_start3A_150] : memref<10112x16xf32, #tpu.memory_space<vmem_shared>> -> memref<632x16xf32, #tpu.memory_space<vmem_shared>>
      tpu.enqueue_dma source(%dma_start3A_151 : memref<632x16xf32, #tpu.memory_space<vmem_shared>>) target(%dma_start3A_149 : memref<632x16xf32, #tpu.memory_space<hbm>>) target_semaphore(%run_scoped3A : memref<!tpu.dma_semaphore, #tpu.memory_space<semaphore_mem>>)
      %dma_wait3A_152 = arith.constant 0 : i32
      %dma_wait3A_153 = tpu.memref_slice %arg11[%arg0, %mul3A_0, %dma_wait3A_152] : memref<2x10112x16xf32, #tpu.memory_space<hbm>> -> memref<1x632x16xf32, #tpu.memory_space<hbm>>
      %dma_wait3A_154 = tpu.memref_squeeze %dma_wait3A_153 : memref<1x632x16xf32, #tpu.memory_space<hbm>> -> memref<632x16xf32, #tpu.memory_space<hbm>>
      %dma_wait3A_155 = arith.constant 0 : i32
      %dma_wait3A_156 = tpu.memref_slice %arg20[%mul3A_0, %dma_wait3A_155] : memref<10112x16xf32, #tpu.memory_space<vmem_shared>> -> memref<632x16xf32, #tpu.memory_space<vmem_shared>>
      tpu.wait_dma2 semaphore(%run_scoped3A : memref<!tpu.dma_semaphore, #tpu.memory_space<semaphore_mem>>) src(%dma_wait3A_156 : memref<632x16xf32, #tpu.memory_space<vmem_shared>>) dst(%dma_wait3A_154 : memref<632x16xf32, #tpu.memory_space<hbm>>)
      tpu.yield
    }) : () -> ()
    return
  }
}

#map = affine_map<(d0, d1) -> (0, 0)>
#map1 = affine_map<(d0, d1) -> (0)>
#map2 = affine_map<(d0, d1) -> (0, 0, 0)>
module attributes {stable_mosaic.version = 14 : i64} {
  func.func @kern(%arg0: i32, %arg1: i32, %arg2: memref<10112x16xf32, #tpu.memory_space<hbm>>, %arg3: memref<10112x16xf32, #tpu.memory_space<hbm>>, %arg4: memref<10112x64xf32, #tpu.memory_space<hbm>>, %arg5: memref<325632x16xf32, #tpu.memory_space<hbm>>, %arg6: memref<325632xi32, #tpu.memory_space<hbm>>, %arg7: memref<325632xi32, #tpu.memory_space<hbm>>, %arg8: memref<10112x64xf32, #tpu.memory_space<hbm>>, %arg9: memref<10112x16xf32, #tpu.memory_space<hbm>>, %arg10: memref<2x10112x64xf32, #tpu.memory_space<hbm>>, %arg11: memref<2x10112x16xf32, #tpu.memory_space<hbm>>, %arg12: memref<2x96xi32, #tpu.memory_space<vmem>>, %arg13: memref<2x96xi32, #tpu.memory_space<vmem>>, %arg14: memref<2x96x16xf32, #tpu.memory_space<vmem>>, %arg15: memref<2x96x16xf32, #tpu.memory_space<vmem>>, %arg16: memref<2x96x16xf32, #tpu.memory_space<vmem>>, %arg17: memref<2x96x16xf32, #tpu.memory_space<vmem>>, %arg18: memref<2x96x64xf32, #tpu.memory_space<vmem>>, %arg19: memref<10112x64xf32, #tpu.memory_space<vmem_shared>>, %arg20: memref<10112x16xf32, #tpu.memory_space<vmem_shared>>, %arg21: memref<!tpu.dma_semaphore, #tpu.memory_space<semaphore_mem>>, %arg22: memref<!tpu.dma_semaphore, #tpu.memory_space<semaphore_mem>>, %arg23: memref<!tpu.dma_semaphore, #tpu.memory_space<semaphore_mem>>, %arg24: memref<!tpu.dma_semaphore, #tpu.memory_space<semaphore_mem>>, %arg25: memref<!tpu.dma_semaphore, #tpu.memory_space<semaphore_mem>>, %arg26: memref<!tpu.dma_semaphore, #tpu.memory_space<semaphore_mem>>) attributes {dimension_semantics = [#tpu.dimension_semantics<core_parallel>, #tpu.dimension_semantics<subcore_parallel>], iteration_bounds = array<i64: 2, 16>, scalar_prefetch = 0 : i64, scratch_operands = 15 : i64, tpu.core_type = #tpu.core_type<sc_vector_subcore>, window_params = [{transform_indices = #map}, {transform_indices = #map}, {transform_indices = #map}, {transform_indices = #map}, {transform_indices = #map1}, {transform_indices = #map1}, {transform_indices = #map}, {transform_indices = #map}, {transform_indices = #map2}, {transform_indices = #map2}]} {
    %mul3A = arith.constant 632 : i32
    %mul3A_0 = arith.muli %arg1, %mul3A : i32
    "tpu.region"() ({
      %run_scoped3A = tpu.sem_alloc : memref<!tpu.dma_semaphore, #tpu.memory_space<semaphore_mem>>
      %dma_start3A_147 = arith.constant 0 : i32
      %dma_start3A_148 = tpu.memref_slice %arg19[%mul3A_0, %dma_start3A_147] : memref<10112x64xf32, #tpu.memory_space<vmem_shared>> -> memref<632x64xf32, #tpu.memory_space<vmem_shared>>
      %dma_start3A_149 = arith.constant 0 : i32
      %dma_start3A_150 = tpu.memref_slice %arg8[%mul3A_0, %dma_start3A_149] : memref<10112x64xf32, #tpu.memory_space<hbm>> -> memref<632x64xf32, #tpu.memory_space<hbm>>
      tpu.enqueue_dma source(%dma_start3A_150 : memref<632x64xf32, #tpu.memory_space<hbm>>) target(%dma_start3A_148 : memref<632x64xf32, #tpu.memory_space<vmem_shared>>) target_semaphore(%run_scoped3A : memref<!tpu.dma_semaphore, #tpu.memory_space<semaphore_mem>>)
      %dma_wait3A_151 = arith.constant 0 : i32
      %dma_wait3A_152 = tpu.memref_slice %arg19[%mul3A_0, %dma_wait3A_151] : memref<10112x64xf32, #tpu.memory_space<vmem_shared>> -> memref<632x64xf32, #tpu.memory_space<vmem_shared>>
      %dma_wait3A_153 = arith.constant 0 : i32
      %dma_wait3A_154 = tpu.memref_slice %arg8[%mul3A_0, %dma_wait3A_153] : memref<10112x64xf32, #tpu.memory_space<hbm>> -> memref<632x64xf32, #tpu.memory_space<hbm>>
      tpu.wait_dma2 semaphore(%run_scoped3A : memref<!tpu.dma_semaphore, #tpu.memory_space<semaphore_mem>>) src(%dma_wait3A_154 : memref<632x64xf32, #tpu.memory_space<hbm>>) dst(%dma_wait3A_152 : memref<632x64xf32, #tpu.memory_space<vmem_shared>>)
      tpu.yield
    }) : () -> ()
    "tpu.region"() ({
      %run_scoped3A = tpu.sem_alloc : memref<!tpu.dma_semaphore, #tpu.memory_space<semaphore_mem>>
      %dma_start3A_147 = arith.constant 0 : i32
      %dma_start3A_148 = tpu.memref_slice %arg20[%mul3A_0, %dma_start3A_147] : memref<10112x16xf32, #tpu.memory_space<vmem_shared>> -> memref<632x16xf32, #tpu.memory_space<vmem_shared>>
      %dma_start3A_149 = arith.constant 0 : i32
      %dma_start3A_150 = tpu.memref_slice %arg9[%mul3A_0, %dma_start3A_149] : memref<10112x16xf32, #tpu.memory_space<hbm>> -> memref<632x16xf32, #tpu.memory_space<hbm>>
      tpu.enqueue_dma source(%dma_start3A_150 : memref<632x16xf32, #tpu.memory_space<hbm>>) target(%dma_start3A_148 : memref<632x16xf32, #tpu.memory_space<vmem_shared>>) target_semaphore(%run_scoped3A : memref<!tpu.dma_semaphore, #tpu.memory_space<semaphore_mem>>)
      %dma_wait3A_151 = arith.constant 0 : i32
      %dma_wait3A_152 = tpu.memref_slice %arg20[%mul3A_0, %dma_wait3A_151] : memref<10112x16xf32, #tpu.memory_space<vmem_shared>> -> memref<632x16xf32, #tpu.memory_space<vmem_shared>>
      %dma_wait3A_153 = arith.constant 0 : i32
      %dma_wait3A_154 = tpu.memref_slice %arg9[%mul3A_0, %dma_wait3A_153] : memref<10112x16xf32, #tpu.memory_space<hbm>> -> memref<632x16xf32, #tpu.memory_space<hbm>>
      tpu.wait_dma2 semaphore(%run_scoped3A : memref<!tpu.dma_semaphore, #tpu.memory_space<semaphore_mem>>) src(%dma_wait3A_154 : memref<632x16xf32, #tpu.memory_space<hbm>>) dst(%dma_wait3A_152 : memref<632x16xf32, #tpu.memory_space<vmem_shared>>)
      tpu.yield
    }) : () -> ()
    %barrier3A = arith.constant 0 : index
    tpu.barrier barrier_id(%barrier3A)
    %mul3A_1 = arith.constant 16 : i32
    %mul3A_2 = arith.muli %arg0, %mul3A_1 : i32
    %add3A = arith.addi %mul3A_2, %arg1 : i32
    %mul3A_3 = arith.constant 106 : i32
    %mul3A_4 = arith.muli %add3A, %mul3A_3 : i32
    %mul3A_5 = arith.constant 96 : i32
    %mul3A_6 = arith.muli %mul3A_4, %mul3A_5 : i32
    %add3A_7 = arith.constant 0 : i32
    %add3A_8 = arith.addi %mul3A_6, %add3A_7 : i32
    %dma_start3A = arith.constant 0 : i32
    %dma_start3A_9 = arith.constant 0 : i32
    %dma_start3A_10 = tpu.memref_slice %arg12[%dma_start3A, %dma_start3A_9] : memref<2x96xi32, #tpu.memory_space<vmem>> -> memref<1x96xi32, #tpu.memory_space<vmem>>
    %dma_start3A_11 = tpu.memref_squeeze %dma_start3A_10 : memref<1x96xi32, #tpu.memory_space<vmem>> -> memref<96xi32, #tpu.memory_space<vmem>>
    %dma_start3A_12 = tpu.memref_slice %arg6[%add3A_8] : memref<325632xi32, #tpu.memory_space<hbm>> -> memref<96xi32, #tpu.memory_space<hbm>>
    %dma_start3A_13 = arith.constant 0 : i32
    %dma_start3A_14 = tpu.memref_slice %arg12[%dma_start3A, %dma_start3A_13] : memref<2x96xi32, #tpu.memory_space<vmem>> -> memref<1x96xi32, #tpu.memory_space<vmem>>
    %dma_start3A_15 = tpu.memref_squeeze %dma_start3A_14 : memref<1x96xi32, #tpu.memory_space<vmem>> -> memref<96xi32, #tpu.memory_space<vmem>>
    %dma_start3A_16 = tpu.memref_slice %arg6[%add3A_8] : memref<325632xi32, #tpu.memory_space<hbm>> -> memref<96xi32, #tpu.memory_space<hbm>>
    tpu.enqueue_dma source(%dma_start3A_16 : memref<96xi32, #tpu.memory_space<hbm>>) target(%dma_start3A_15 : memref<96xi32, #tpu.memory_space<vmem>>) target_semaphore(%arg25 : memref<!tpu.dma_semaphore, #tpu.memory_space<semaphore_mem>>)
    %dma_start3A_17 = arith.constant 0 : i32
    %dma_start3A_18 = arith.constant 0 : i32
    %dma_start3A_19 = tpu.memref_slice %arg13[%dma_start3A_17, %dma_start3A_18] : memref<2x96xi32, #tpu.memory_space<vmem>> -> memref<1x96xi32, #tpu.memory_space<vmem>>
    %dma_start3A_20 = tpu.memref_squeeze %dma_start3A_19 : memref<1x96xi32, #tpu.memory_space<vmem>> -> memref<96xi32, #tpu.memory_space<vmem>>
    %dma_start3A_21 = tpu.memref_slice %arg7[%add3A_8] : memref<325632xi32, #tpu.memory_space<hbm>> -> memref<96xi32, #tpu.memory_space<hbm>>
    %dma_start3A_22 = arith.constant 0 : i32
    %dma_start3A_23 = tpu.memref_slice %arg13[%dma_start3A_17, %dma_start3A_22] : memref<2x96xi32, #tpu.memory_space<vmem>> -> memref<1x96xi32, #tpu.memory_space<vmem>>
    %dma_start3A_24 = tpu.memref_squeeze %dma_start3A_23 : memref<1x96xi32, #tpu.memory_space<vmem>> -> memref<96xi32, #tpu.memory_space<vmem>>
    %dma_start3A_25 = tpu.memref_slice %arg7[%add3A_8] : memref<325632xi32, #tpu.memory_space<hbm>> -> memref<96xi32, #tpu.memory_space<hbm>>
    tpu.enqueue_dma source(%dma_start3A_25 : memref<96xi32, #tpu.memory_space<hbm>>) target(%dma_start3A_24 : memref<96xi32, #tpu.memory_space<vmem>>) target_semaphore(%arg25 : memref<!tpu.dma_semaphore, #tpu.memory_space<semaphore_mem>>)
    %dma_start3A_26 = arith.constant 0 : i32
    %dma_start3A_27 = arith.constant 0 : i32
    %dma_start3A_28 = arith.constant 0 : i32
    %dma_start3A_29 = tpu.memref_slice %arg16[%dma_start3A_26, %dma_start3A_27, %dma_start3A_28] : memref<2x96x16xf32, #tpu.memory_space<vmem>> -> memref<1x96x16xf32, #tpu.memory_space<vmem>>
    %dma_start3A_30 = tpu.memref_squeeze %dma_start3A_29 : memref<1x96x16xf32, #tpu.memory_space<vmem>> -> memref<96x16xf32, #tpu.memory_space<vmem>>
    %dma_start3A_31 = arith.constant 0 : i32
    %dma_start3A_32 = tpu.memref_slice %arg5[%add3A_8, %dma_start3A_31] : memref<325632x16xf32, #tpu.memory_space<hbm>> -> memref<96x16xf32, #tpu.memory_space<hbm>>
    %dma_start3A_33 = arith.constant 0 : i32
    %dma_start3A_34 = arith.constant 0 : i32
    %dma_start3A_35 = tpu.memref_slice %arg16[%dma_start3A_26, %dma_start3A_33, %dma_start3A_34] : memref<2x96x16xf32, #tpu.memory_space<vmem>> -> memref<1x96x16xf32, #tpu.memory_space<vmem>>
    %dma_start3A_36 = tpu.memref_squeeze %dma_start3A_35 : memref<1x96x16xf32, #tpu.memory_space<vmem>> -> memref<96x16xf32, #tpu.memory_space<vmem>>
    %dma_start3A_37 = arith.constant 0 : i32
    %dma_start3A_38 = tpu.memref_slice %arg5[%add3A_8, %dma_start3A_37] : memref<325632x16xf32, #tpu.memory_space<hbm>> -> memref<96x16xf32, #tpu.memory_space<hbm>>
    tpu.enqueue_dma source(%dma_start3A_38 : memref<96x16xf32, #tpu.memory_space<hbm>>) target(%dma_start3A_36 : memref<96x16xf32, #tpu.memory_space<vmem>>) target_semaphore(%arg25 : memref<!tpu.dma_semaphore, #tpu.memory_space<semaphore_mem>>)
    %dma_wait3A = arith.constant 0 : i32
    %dma_wait3A_39 = arith.constant 0 : i32
    %dma_wait3A_40 = tpu.memref_slice %arg12[%dma_wait3A, %dma_wait3A_39] : memref<2x96xi32, #tpu.memory_space<vmem>> -> memref<1x96xi32, #tpu.memory_space<vmem>>
    %dma_wait3A_41 = tpu.memref_squeeze %dma_wait3A_40 : memref<1x96xi32, #tpu.memory_space<vmem>> -> memref<96xi32, #tpu.memory_space<vmem>>
    %dma_wait3A_42 = arith.constant 0 : i32
    %dma_wait3A_43 = tpu.memref_slice %arg6[%dma_wait3A_42] : memref<325632xi32, #tpu.memory_space<hbm>> -> memref<96xi32, #tpu.memory_space<hbm>>
    %dma_wait3A_44 = arith.constant 0 : i32
    %dma_wait3A_45 = tpu.memref_slice %arg12[%dma_wait3A, %dma_wait3A_44] : memref<2x96xi32, #tpu.memory_space<vmem>> -> memref<1x96xi32, #tpu.memory_space<vmem>>
    %dma_wait3A_46 = tpu.memref_squeeze %dma_wait3A_45 : memref<1x96xi32, #tpu.memory_space<vmem>> -> memref<96xi32, #tpu.memory_space<vmem>>
    %dma_wait3A_47 = arith.constant 0 : i32
    %dma_wait3A_48 = tpu.memref_slice %arg6[%dma_wait3A_47] : memref<325632xi32, #tpu.memory_space<hbm>> -> memref<96xi32, #tpu.memory_space<hbm>>
    tpu.wait_dma2 semaphore(%arg25 : memref<!tpu.dma_semaphore, #tpu.memory_space<semaphore_mem>>) src(%dma_wait3A_48 : memref<96xi32, #tpu.memory_space<hbm>>) dst(%dma_wait3A_46 : memref<96xi32, #tpu.memory_space<vmem>>)
    %dma_wait3A_49 = arith.constant 0 : i32
    %dma_wait3A_50 = arith.constant 0 : i32
    %dma_wait3A_51 = tpu.memref_slice %arg13[%dma_wait3A_49, %dma_wait3A_50] : memref<2x96xi32, #tpu.memory_space<vmem>> -> memref<1x96xi32, #tpu.memory_space<vmem>>
    %dma_wait3A_52 = tpu.memref_squeeze %dma_wait3A_51 : memref<1x96xi32, #tpu.memory_space<vmem>> -> memref<96xi32, #tpu.memory_space<vmem>>
    %dma_wait3A_53 = arith.constant 0 : i32
    %dma_wait3A_54 = tpu.memref_slice %arg6[%dma_wait3A_53] : memref<325632xi32, #tpu.memory_space<hbm>> -> memref<96xi32, #tpu.memory_space<hbm>>
    %dma_wait3A_55 = arith.constant 0 : i32
    %dma_wait3A_56 = tpu.memref_slice %arg13[%dma_wait3A_49, %dma_wait3A_55] : memref<2x96xi32, #tpu.memory_space<vmem>> -> memref<1x96xi32, #tpu.memory_space<vmem>>
    %dma_wait3A_57 = tpu.memref_squeeze %dma_wait3A_56 : memref<1x96xi32, #tpu.memory_space<vmem>> -> memref<96xi32, #tpu.memory_space<vmem>>
    %dma_wait3A_58 = arith.constant 0 : i32
    %dma_wait3A_59 = tpu.memref_slice %arg6[%dma_wait3A_58] : memref<325632xi32, #tpu.memory_space<hbm>> -> memref<96xi32, #tpu.memory_space<hbm>>
    tpu.wait_dma2 semaphore(%arg25 : memref<!tpu.dma_semaphore, #tpu.memory_space<semaphore_mem>>) src(%dma_wait3A_59 : memref<96xi32, #tpu.memory_space<hbm>>) dst(%dma_wait3A_57 : memref<96xi32, #tpu.memory_space<vmem>>)
    %dma_wait3A_60 = arith.constant 0 : i32
    %dma_wait3A_61 = arith.constant 0 : i32
    %dma_wait3A_62 = arith.constant 0 : i32
    %dma_wait3A_63 = tpu.memref_slice %arg16[%dma_wait3A_60, %dma_wait3A_61, %dma_wait3A_62] : memref<2x96x16xf32, #tpu.memory_space<vmem>> -> memref<1x96x16xf32, #tpu.memory_space<vmem>>
    %dma_wait3A_64 = tpu.memref_squeeze %dma_wait3A_63 : memref<1x96x16xf32, #tpu.memory_space<vmem>> -> memref<96x16xf32, #tpu.memory_space<vmem>>
    %dma_wait3A_65 = arith.constant 0 : i32
    %dma_wait3A_66 = arith.constant 0 : i32
    %dma_wait3A_67 = tpu.memref_slice %arg5[%dma_wait3A_65, %dma_wait3A_66] : memref<325632x16xf32, #tpu.memory_space<hbm>> -> memref<96x16xf32, #tpu.memory_space<hbm>>
    %dma_wait3A_68 = arith.constant 0 : i32
    %dma_wait3A_69 = arith.constant 0 : i32
    %dma_wait3A_70 = tpu.memref_slice %arg16[%dma_wait3A_60, %dma_wait3A_68, %dma_wait3A_69] : memref<2x96x16xf32, #tpu.memory_space<vmem>> -> memref<1x96x16xf32, #tpu.memory_space<vmem>>
    %dma_wait3A_71 = tpu.memref_squeeze %dma_wait3A_70 : memref<1x96x16xf32, #tpu.memory_space<vmem>> -> memref<96x16xf32, #tpu.memory_space<vmem>>
    %dma_wait3A_72 = arith.constant 0 : i32
    %dma_wait3A_73 = arith.constant 0 : i32
    %dma_wait3A_74 = tpu.memref_slice %arg5[%dma_wait3A_72, %dma_wait3A_73] : memref<325632x16xf32, #tpu.memory_space<hbm>> -> memref<96x16xf32, #tpu.memory_space<hbm>>
    tpu.wait_dma2 semaphore(%arg25 : memref<!tpu.dma_semaphore, #tpu.memory_space<semaphore_mem>>) src(%dma_wait3A_74 : memref<96x16xf32, #tpu.memory_space<hbm>>) dst(%dma_wait3A_71 : memref<96x16xf32, #tpu.memory_space<vmem>>)
    %dma_start3A_75 = arith.constant 0 : i32
    %dma_start3A_76 = arith.constant 0 : i32
    %dma_start3A_77 = arith.constant 0 : i32
    %dma_start3A_78 = arith.constant 0 : i32
    %dma_start3A_79 = tpu.memref_slice %arg14[%dma_start3A_76, %dma_start3A_77, %dma_start3A_78] : memref<2x96x16xf32, #tpu.memory_space<vmem>> -> memref<1x96x16xf32, #tpu.memory_space<vmem>>
    %dma_start3A_80 = tpu.memref_squeeze %dma_start3A_79 : memref<1x96x16xf32, #tpu.memory_space<vmem>> -> memref<96x16xf32, #tpu.memory_space<vmem>>
    %dma_start3A_81 = arith.constant 0 : i32
    %dma_start3A_82 = tpu.memref_slice %arg12[%dma_start3A_75, %dma_start3A_81] : memref<2x96xi32, #tpu.memory_space<vmem>> -> memref<1x96xi32, #tpu.memory_space<vmem>>
    %dma_start3A_83 = tpu.memref_squeeze %dma_start3A_82 : memref<1x96xi32, #tpu.memory_space<vmem>> -> memref<96xi32, #tpu.memory_space<vmem>>
    %dma_start3A_84 = arith.constant 0 : i32
    %dma_start3A_85 = arith.constant 0 : i32
    %dma_start3A_86 = tpu.memref_slice %arg2[%dma_start3A_84, %dma_start3A_85] : memref<10112x16xf32, #tpu.memory_space<hbm>> -> memref<10112x16xf32, #tpu.memory_space<hbm>>
    tpu.enqueue_indirect_dma source(%dma_start3A_86 : memref<10112x16xf32, #tpu.memory_space<hbm>>) target(%dma_start3A_80 : memref<96x16xf32, #tpu.memory_space<vmem>>) offsets(%dma_start3A_83 : memref<96xi32, #tpu.memory_space<vmem>>) semaphore(%arg21 : memref<!tpu.dma_semaphore, #tpu.memory_space<semaphore_mem>>)
    %dma_start3A_87 = arith.constant 0 : i32
    %dma_start3A_88 = arith.constant 0 : i32
    %dma_start3A_89 = arith.constant 0 : i32
    %dma_start3A_90 = arith.constant 0 : i32
    %dma_start3A_91 = tpu.memref_slice %arg15[%dma_start3A_88, %dma_start3A_89, %dma_start3A_90] : memref<2x96x16xf32, #tpu.memory_space<vmem>> -> memref<1x96x16xf32, #tpu.memory_space<vmem>>
    %dma_start3A_92 = tpu.memref_squeeze %dma_start3A_91 : memref<1x96x16xf32, #tpu.memory_space<vmem>> -> memref<96x16xf32, #tpu.memory_space<vmem>>
    %dma_start3A_93 = arith.constant 0 : i32
    %dma_start3A_94 = tpu.memref_slice %arg13[%dma_start3A_87, %dma_start3A_93] : memref<2x96xi32, #tpu.memory_space<vmem>> -> memref<1x96xi32, #tpu.memory_space<vmem>>
    %dma_start3A_95 = tpu.memref_squeeze %dma_start3A_94 : memref<1x96xi32, #tpu.memory_space<vmem>> -> memref<96xi32, #tpu.memory_space<vmem>>
    %dma_start3A_96 = arith.constant 0 : i32
    %dma_start3A_97 = arith.constant 0 : i32
    %dma_start3A_98 = tpu.memref_slice %arg3[%dma_start3A_96, %dma_start3A_97] : memref<10112x16xf32, #tpu.memory_space<hbm>> -> memref<10112x16xf32, #tpu.memory_space<hbm>>
    tpu.enqueue_indirect_dma source(%dma_start3A_98 : memref<10112x16xf32, #tpu.memory_space<hbm>>) target(%dma_start3A_92 : memref<96x16xf32, #tpu.memory_space<vmem>>) offsets(%dma_start3A_95 : memref<96xi32, #tpu.memory_space<vmem>>) semaphore(%arg21 : memref<!tpu.dma_semaphore, #tpu.memory_space<semaphore_mem>>)
    %dma_start3A_99 = arith.constant 0 : i32
    %dma_start3A_100 = arith.constant 0 : i32
    %dma_start3A_101 = arith.constant 0 : i32
    %dma_start3A_102 = arith.constant 0 : i32
    %dma_start3A_103 = tpu.memref_slice %arg18[%dma_start3A_100, %dma_start3A_101, %dma_start3A_102] : memref<2x96x64xf32, #tpu.memory_space<vmem>> -> memref<1x96x64xf32, #tpu.memory_space<vmem>>
    %dma_start3A_104 = tpu.memref_squeeze %dma_start3A_103 : memref<1x96x64xf32, #tpu.memory_space<vmem>> -> memref<96x64xf32, #tpu.memory_space<vmem>>
    %dma_start3A_105 = arith.constant 0 : i32
    %dma_start3A_106 = tpu.memref_slice %arg12[%dma_start3A_99, %dma_start3A_105] : memref<2x96xi32, #tpu.memory_space<vmem>> -> memref<1x96xi32, #tpu.memory_space<vmem>>
    %dma_start3A_107 = tpu.memref_squeeze %dma_start3A_106 : memref<1x96xi32, #tpu.memory_space<vmem>> -> memref<96xi32, #tpu.memory_space<vmem>>
    %dma_start3A_108 = arith.constant 0 : i32
    %dma_start3A_109 = arith.constant 0 : i32
    %dma_start3A_110 = tpu.memref_slice %arg4[%dma_start3A_108, %dma_start3A_109] : memref<10112x64xf32, #tpu.memory_space<hbm>> -> memref<10112x64xf32, #tpu.memory_space<hbm>>
    tpu.enqueue_indirect_dma source(%dma_start3A_110 : memref<10112x64xf32, #tpu.memory_space<hbm>>) target(%dma_start3A_104 : memref<96x64xf32, #tpu.memory_space<vmem>>) offsets(%dma_start3A_107 : memref<96xi32, #tpu.memory_space<vmem>>) semaphore(%arg21 : memref<!tpu.dma_semaphore, #tpu.memory_space<semaphore_mem>>)
    %scan3A = arith.constant 0 : i32
    %scan3A_111 = arith.constant 0 : i32
    %scan3A_112 = arith.constant 53 : i32
    %scan3A_113 = arith.addi %scan3A_111, %scan3A_112 : i32
    %scan3A_114 = arith.constant 1 : i32
    scf.for %scan3A_147 = %scan3A_111 to %scan3A_113 step %scan3A_114  : i32 {
      %mul3A_148 = arith.constant 2 : i32
      %mul3A_149 = arith.muli %scan3A_147, %mul3A_148 : i32
      %add3A_150 = arith.constant 0 : i32
      %add3A_151 = arith.addi %mul3A_149, %add3A_150 : i32
      %ge3A = arith.constant 1 : i32
      %ge3A_152 = arith.cmpi sge, %add3A_151, %ge3A : i32
      %convert_element_type3A = arith.extui %ge3A_152 : i1 to i32
      %cond3A = arith.constant 0 : i32
      %cond3A_153 = arith.cmpi ne, %convert_element_type3A, %cond3A : i32
      scf.if %cond3A_153 {
        %dma_wait3A_326 = arith.constant 1 : i32
        %dma_wait3A_327 = arith.constant 0 : i32
        %dma_wait3A_328 = arith.constant 0 : i32
        %dma_wait3A_329 = tpu.memref_slice %arg17[%dma_wait3A_326, %dma_wait3A_327, %dma_wait3A_328] : memref<2x96x16xf32, #tpu.memory_space<vmem>> -> memref<1x96x16xf32, #tpu.memory_space<vmem>>
        %dma_wait3A_330 = tpu.memref_squeeze %dma_wait3A_329 : memref<1x96x16xf32, #tpu.memory_space<vmem>> -> memref<96x16xf32, #tpu.memory_space<vmem>>
        %dma_wait3A_331 = arith.constant 0 : i32
        %dma_wait3A_332 = arith.constant 0 : i32
        %dma_wait3A_333 = tpu.memref_slice %arg2[%dma_wait3A_331, %dma_wait3A_332] : memref<10112x16xf32, #tpu.memory_space<hbm>> -> memref<96x16xf32, #tpu.memory_space<hbm>>
        %dma_wait3A_334 = arith.constant 0 : i32
        %dma_wait3A_335 = arith.constant 0 : i32
        %dma_wait3A_336 = tpu.memref_slice %arg17[%dma_wait3A_326, %dma_wait3A_334, %dma_wait3A_335] : memref<2x96x16xf32, #tpu.memory_space<vmem>> -> memref<1x96x16xf32, #tpu.memory_space<vmem>>
        %dma_wait3A_337 = tpu.memref_squeeze %dma_wait3A_336 : memref<1x96x16xf32, #tpu.memory_space<vmem>> -> memref<96x16xf32, #tpu.memory_space<vmem>>
        %dma_wait3A_338 = arith.constant 0 : i32
        %dma_wait3A_339 = arith.constant 0 : i32
        %dma_wait3A_340 = tpu.memref_slice %arg2[%dma_wait3A_338, %dma_wait3A_339] : memref<10112x16xf32, #tpu.memory_space<hbm>> -> memref<96x16xf32, #tpu.memory_space<hbm>>
        tpu.wait_dma2 semaphore(%arg24 : memref<!tpu.dma_semaphore, #tpu.memory_space<semaphore_mem>>) src(%dma_wait3A_340 : memref<96x16xf32, #tpu.memory_space<hbm>>) dst(%dma_wait3A_337 : memref<96x16xf32, #tpu.memory_space<vmem>>)
        %dma_wait3A_341 = arith.constant 1 : i32
        %dma_wait3A_342 = arith.constant 0 : i32
        %dma_wait3A_343 = arith.constant 0 : i32
        %dma_wait3A_344 = tpu.memref_slice %arg18[%dma_wait3A_341, %dma_wait3A_342, %dma_wait3A_343] : memref<2x96x64xf32, #tpu.memory_space<vmem>> -> memref<1x96x64xf32, #tpu.memory_space<vmem>>
        %dma_wait3A_345 = tpu.memref_squeeze %dma_wait3A_344 : memref<1x96x64xf32, #tpu.memory_space<vmem>> -> memref<96x64xf32, #tpu.memory_space<vmem>>
        %dma_wait3A_346 = arith.constant 0 : i32
        %dma_wait3A_347 = arith.constant 0 : i32
        %dma_wait3A_348 = tpu.memref_slice %arg4[%dma_wait3A_346, %dma_wait3A_347] : memref<10112x64xf32, #tpu.memory_space<hbm>> -> memref<96x64xf32, #tpu.memory_space<hbm>>
        %dma_wait3A_349 = arith.constant 0 : i32
        %dma_wait3A_350 = arith.constant 0 : i32
        %dma_wait3A_351 = tpu.memref_slice %arg18[%dma_wait3A_341, %dma_wait3A_349, %dma_wait3A_350] : memref<2x96x64xf32, #tpu.memory_space<vmem>> -> memref<1x96x64xf32, #tpu.memory_space<vmem>>
        %dma_wait3A_352 = tpu.memref_squeeze %dma_wait3A_351 : memref<1x96x64xf32, #tpu.memory_space<vmem>> -> memref<96x64xf32, #tpu.memory_space<vmem>>
        %dma_wait3A_353 = arith.constant 0 : i32
        %dma_wait3A_354 = arith.constant 0 : i32
        %dma_wait3A_355 = tpu.memref_slice %arg4[%dma_wait3A_353, %dma_wait3A_354] : memref<10112x64xf32, #tpu.memory_space<hbm>> -> memref<96x64xf32, #tpu.memory_space<hbm>>
        tpu.wait_dma2 semaphore(%arg24 : memref<!tpu.dma_semaphore, #tpu.memory_space<semaphore_mem>>) src(%dma_wait3A_355 : memref<96x64xf32, #tpu.memory_space<hbm>>) dst(%dma_wait3A_352 : memref<96x64xf32, #tpu.memory_space<vmem>>)
      } else {
      }
      %add3A_154 = arith.constant 1 : i32
      %add3A_155 = arith.addi %add3A_151, %add3A_154 : i32
      %lt3A = arith.constant 106 : i32
      %lt3A_156 = arith.cmpi slt, %add3A_155, %lt3A : i32
      %convert_element_type3A_157 = arith.extui %lt3A_156 : i1 to i32
      %cond3A_158 = arith.constant 0 : i32
      %cond3A_159 = arith.cmpi ne, %convert_element_type3A_157, %cond3A_158 : i32
      scf.if %cond3A_159 {
        %add3A_326 = arith.constant 1 : i32
        %add3A_327 = arith.addi %add3A_151, %add3A_326 : i32
        %mul3A_328 = arith.constant 96 : i32
        %mul3A_329 = arith.muli %add3A_327, %mul3A_328 : i32
        %add3A_330 = arith.addi %mul3A_6, %mul3A_329 : i32
        %dma_start3A_331 = arith.constant 1 : i32
        %dma_start3A_332 = arith.constant 0 : i32
        %dma_start3A_333 = tpu.memref_slice %arg12[%dma_start3A_331, %dma_start3A_332] : memref<2x96xi32, #tpu.memory_space<vmem>> -> memref<1x96xi32, #tpu.memory_space<vmem>>
        %dma_start3A_334 = tpu.memref_squeeze %dma_start3A_333 : memref<1x96xi32, #tpu.memory_space<vmem>> -> memref<96xi32, #tpu.memory_space<vmem>>
        %dma_start3A_335 = tpu.memref_slice %arg6[%add3A_330] : memref<325632xi32, #tpu.memory_space<hbm>> -> memref<96xi32, #tpu.memory_space<hbm>>
        %dma_start3A_336 = arith.constant 0 : i32
        %dma_start3A_337 = tpu.memref_slice %arg12[%dma_start3A_331, %dma_start3A_336] : memref<2x96xi32, #tpu.memory_space<vmem>> -> memref<1x96xi32, #tpu.memory_space<vmem>>
        %dma_start3A_338 = tpu.memref_squeeze %dma_start3A_337 : memref<1x96xi32, #tpu.memory_space<vmem>> -> memref<96xi32, #tpu.memory_space<vmem>>
        %dma_start3A_339 = tpu.memref_slice %arg6[%add3A_330] : memref<325632xi32, #tpu.memory_space<hbm>> -> memref<96xi32, #tpu.memory_space<hbm>>
        tpu.enqueue_dma source(%dma_start3A_339 : memref<96xi32, #tpu.memory_space<hbm>>) target(%dma_start3A_338 : memref<96xi32, #tpu.memory_space<vmem>>) target_semaphore(%arg26 : memref<!tpu.dma_semaphore, #tpu.memory_space<semaphore_mem>>)
        %dma_start3A_340 = arith.constant 1 : i32
        %dma_start3A_341 = arith.constant 0 : i32
        %dma_start3A_342 = tpu.memref_slice %arg13[%dma_start3A_340, %dma_start3A_341] : memref<2x96xi32, #tpu.memory_space<vmem>> -> memref<1x96xi32, #tpu.memory_space<vmem>>
        %dma_start3A_343 = tpu.memref_squeeze %dma_start3A_342 : memref<1x96xi32, #tpu.memory_space<vmem>> -> memref<96xi32, #tpu.memory_space<vmem>>
        %dma_start3A_344 = tpu.memref_slice %arg7[%add3A_330] : memref<325632xi32, #tpu.memory_space<hbm>> -> memref<96xi32, #tpu.memory_space<hbm>>
        %dma_start3A_345 = arith.constant 0 : i32
        %dma_start3A_346 = tpu.memref_slice %arg13[%dma_start3A_340, %dma_start3A_345] : memref<2x96xi32, #tpu.memory_space<vmem>> -> memref<1x96xi32, #tpu.memory_space<vmem>>
        %dma_start3A_347 = tpu.memref_squeeze %dma_start3A_346 : memref<1x96xi32, #tpu.memory_space<vmem>> -> memref<96xi32, #tpu.memory_space<vmem>>
        %dma_start3A_348 = tpu.memref_slice %arg7[%add3A_330] : memref<325632xi32, #tpu.memory_space<hbm>> -> memref<96xi32, #tpu.memory_space<hbm>>
        tpu.enqueue_dma source(%dma_start3A_348 : memref<96xi32, #tpu.memory_space<hbm>>) target(%dma_start3A_347 : memref<96xi32, #tpu.memory_space<vmem>>) target_semaphore(%arg26 : memref<!tpu.dma_semaphore, #tpu.memory_space<semaphore_mem>>)
        %dma_start3A_349 = arith.constant 1 : i32
        %dma_start3A_350 = arith.constant 0 : i32
        %dma_start3A_351 = arith.constant 0 : i32
        %dma_start3A_352 = tpu.memref_slice %arg16[%dma_start3A_349, %dma_start3A_350, %dma_start3A_351] : memref<2x96x16xf32, #tpu.memory_space<vmem>> -> memref<1x96x16xf32, #tpu.memory_space<vmem>>
        %dma_start3A_353 = tpu.memref_squeeze %dma_start3A_352 : memref<1x96x16xf32, #tpu.memory_space<vmem>> -> memref<96x16xf32, #tpu.memory_space<vmem>>
        %dma_start3A_354 = arith.constant 0 : i32
        %dma_start3A_355 = tpu.memref_slice %arg5[%add3A_330, %dma_start3A_354] : memref<325632x16xf32, #tpu.memory_space<hbm>> -> memref<96x16xf32, #tpu.memory_space<hbm>>
        %dma_start3A_356 = arith.constant 0 : i32
        %dma_start3A_357 = arith.constant 0 : i32
        %dma_start3A_358 = tpu.memref_slice %arg16[%dma_start3A_349, %dma_start3A_356, %dma_start3A_357] : memref<2x96x16xf32, #tpu.memory_space<vmem>> -> memref<1x96x16xf32, #tpu.memory_space<vmem>>
        %dma_start3A_359 = tpu.memref_squeeze %dma_start3A_358 : memref<1x96x16xf32, #tpu.memory_space<vmem>> -> memref<96x16xf32, #tpu.memory_space<vmem>>
        %dma_start3A_360 = arith.constant 0 : i32
        %dma_start3A_361 = tpu.memref_slice %arg5[%add3A_330, %dma_start3A_360] : memref<325632x16xf32, #tpu.memory_space<hbm>> -> memref<96x16xf32, #tpu.memory_space<hbm>>
        tpu.enqueue_dma source(%dma_start3A_361 : memref<96x16xf32, #tpu.memory_space<hbm>>) target(%dma_start3A_359 : memref<96x16xf32, #tpu.memory_space<vmem>>) target_semaphore(%arg26 : memref<!tpu.dma_semaphore, #tpu.memory_space<semaphore_mem>>)
        %dma_wait3A_362 = arith.constant 1 : i32
        %dma_wait3A_363 = arith.constant 0 : i32
        %dma_wait3A_364 = tpu.memref_slice %arg12[%dma_wait3A_362, %dma_wait3A_363] : memref<2x96xi32, #tpu.memory_space<vmem>> -> memref<1x96xi32, #tpu.memory_space<vmem>>
        %dma_wait3A_365 = tpu.memref_squeeze %dma_wait3A_364 : memref<1x96xi32, #tpu.memory_space<vmem>> -> memref<96xi32, #tpu.memory_space<vmem>>
        %dma_wait3A_366 = arith.constant 0 : i32
        %dma_wait3A_367 = tpu.memref_slice %arg6[%dma_wait3A_366] : memref<325632xi32, #tpu.memory_space<hbm>> -> memref<96xi32, #tpu.memory_space<hbm>>
        %dma_wait3A_368 = arith.constant 0 : i32
        %dma_wait3A_369 = tpu.memref_slice %arg12[%dma_wait3A_362, %dma_wait3A_368] : memref<2x96xi32, #tpu.memory_space<vmem>> -> memref<1x96xi32, #tpu.memory_space<vmem>>
        %dma_wait3A_370 = tpu.memref_squeeze %dma_wait3A_369 : memref<1x96xi32, #tpu.memory_space<vmem>> -> memref<96xi32, #tpu.memory_space<vmem>>
        %dma_wait3A_371 = arith.constant 0 : i32
        %dma_wait3A_372 = tpu.memref_slice %arg6[%dma_wait3A_371] : memref<325632xi32, #tpu.memory_space<hbm>> -> memref<96xi32, #tpu.memory_space<hbm>>
        tpu.wait_dma2 semaphore(%arg26 : memref<!tpu.dma_semaphore, #tpu.memory_space<semaphore_mem>>) src(%dma_wait3A_372 : memref<96xi32, #tpu.memory_space<hbm>>) dst(%dma_wait3A_370 : memref<96xi32, #tpu.memory_space<vmem>>)
        %dma_wait3A_373 = arith.constant 1 : i32
        %dma_wait3A_374 = arith.constant 0 : i32
        %dma_wait3A_375 = tpu.memref_slice %arg13[%dma_wait3A_373, %dma_wait3A_374] : memref<2x96xi32, #tpu.memory_space<vmem>> -> memref<1x96xi32, #tpu.memory_space<vmem>>
        %dma_wait3A_376 = tpu.memref_squeeze %dma_wait3A_375 : memref<1x96xi32, #tpu.memory_space<vmem>> -> memref<96xi32, #tpu.memory_space<vmem>>
        %dma_wait3A_377 = arith.constant 0 : i32
        %dma_wait3A_378 = tpu.memref_slice %arg6[%dma_wait3A_377] : memref<325632xi32, #tpu.memory_space<hbm>> -> memref<96xi32, #tpu.memory_space<hbm>>
        %dma_wait3A_379 = arith.constant 0 : i32
        %dma_wait3A_380 = tpu.memref_slice %arg13[%dma_wait3A_373, %dma_wait3A_379] : memref<2x96xi32, #tpu.memory_space<vmem>> -> memref<1x96xi32, #tpu.memory_space<vmem>>
        %dma_wait3A_381 = tpu.memref_squeeze %dma_wait3A_380 : memref<1x96xi32, #tpu.memory_space<vmem>> -> memref<96xi32, #tpu.memory_space<vmem>>
        %dma_wait3A_382 = arith.constant 0 : i32
        %dma_wait3A_383 = tpu.memref_slice %arg6[%dma_wait3A_382] : memref<325632xi32, #tpu.memory_space<hbm>> -> memref<96xi32, #tpu.memory_space<hbm>>
        tpu.wait_dma2 semaphore(%arg26 : memref<!tpu.dma_semaphore, #tpu.memory_space<semaphore_mem>>) src(%dma_wait3A_383 : memref<96xi32, #tpu.memory_space<hbm>>) dst(%dma_wait3A_381 : memref<96xi32, #tpu.memory_space<vmem>>)
        %dma_wait3A_384 = arith.constant 1 : i32
        %dma_wait3A_385 = arith.constant 0 : i32
        %dma_wait3A_386 = arith.constant 0 : i32
        %dma_wait3A_387 = tpu.memref_slice %arg16[%dma_wait3A_384, %dma_wait3A_385, %dma_wait3A_386] : memref<2x96x16xf32, #tpu.memory_space<vmem>> -> memref<1x96x16xf32, #tpu.memory_space<vmem>>
        %dma_wait3A_388 = tpu.memref_squeeze %dma_wait3A_387 : memref<1x96x16xf32, #tpu.memory_space<vmem>> -> memref<96x16xf32, #tpu.memory_space<vmem>>
        %dma_wait3A_389 = arith.constant 0 : i32
        %dma_wait3A_390 = arith.constant 0 : i32
        %dma_wait3A_391 = tpu.memref_slice %arg5[%dma_wait3A_389, %dma_wait3A_390] : memref<325632x16xf32, #tpu.memory_space<hbm>> -> memref<96x16xf32, #tpu.memory_space<hbm>>
        %dma_wait3A_392 = arith.constant 0 : i32
        %dma_wait3A_393 = arith.constant 0 : i32
        %dma_wait3A_394 = tpu.memref_slice %arg16[%dma_wait3A_384, %dma_wait3A_392, %dma_wait3A_393] : memref<2x96x16xf32, #tpu.memory_space<vmem>> -> memref<1x96x16xf32, #tpu.memory_space<vmem>>
        %dma_wait3A_395 = tpu.memref_squeeze %dma_wait3A_394 : memref<1x96x16xf32, #tpu.memory_space<vmem>> -> memref<96x16xf32, #tpu.memory_space<vmem>>
        %dma_wait3A_396 = arith.constant 0 : i32
        %dma_wait3A_397 = arith.constant 0 : i32
        %dma_wait3A_398 = tpu.memref_slice %arg5[%dma_wait3A_396, %dma_wait3A_397] : memref<325632x16xf32, #tpu.memory_space<hbm>> -> memref<96x16xf32, #tpu.memory_space<hbm>>
        tpu.wait_dma2 semaphore(%arg26 : memref<!tpu.dma_semaphore, #tpu.memory_space<semaphore_mem>>) src(%dma_wait3A_398 : memref<96x16xf32, #tpu.memory_space<hbm>>) dst(%dma_wait3A_395 : memref<96x16xf32, #tpu.memory_space<vmem>>)
        %dma_start3A_399 = arith.constant 1 : i32
        %dma_start3A_400 = arith.constant 1 : i32
        %dma_start3A_401 = arith.constant 0 : i32
        %dma_start3A_402 = arith.constant 0 : i32
        %dma_start3A_403 = tpu.memref_slice %arg14[%dma_start3A_400, %dma_start3A_401, %dma_start3A_402] : memref<2x96x16xf32, #tpu.memory_space<vmem>> -> memref<1x96x16xf32, #tpu.memory_space<vmem>>
        %dma_start3A_404 = tpu.memref_squeeze %dma_start3A_403 : memref<1x96x16xf32, #tpu.memory_space<vmem>> -> memref<96x16xf32, #tpu.memory_space<vmem>>
        %dma_start3A_405 = arith.constant 0 : i32
        %dma_start3A_406 = tpu.memref_slice %arg12[%dma_start3A_399, %dma_start3A_405] : memref<2x96xi32, #tpu.memory_space<vmem>> -> memref<1x96xi32, #tpu.memory_space<vmem>>
        %dma_start3A_407 = tpu.memref_squeeze %dma_start3A_406 : memref<1x96xi32, #tpu.memory_space<vmem>> -> memref<96xi32, #tpu.memory_space<vmem>>
        %dma_start3A_408 = arith.constant 0 : i32
        %dma_start3A_409 = arith.constant 0 : i32
        %dma_start3A_410 = tpu.memref_slice %arg2[%dma_start3A_408, %dma_start3A_409] : memref<10112x16xf32, #tpu.memory_space<hbm>> -> memref<10112x16xf32, #tpu.memory_space<hbm>>
        tpu.enqueue_indirect_dma source(%dma_start3A_410 : memref<10112x16xf32, #tpu.memory_space<hbm>>) target(%dma_start3A_404 : memref<96x16xf32, #tpu.memory_space<vmem>>) offsets(%dma_start3A_407 : memref<96xi32, #tpu.memory_space<vmem>>) semaphore(%arg22 : memref<!tpu.dma_semaphore, #tpu.memory_space<semaphore_mem>>)
        %dma_start3A_411 = arith.constant 1 : i32
        %dma_start3A_412 = arith.constant 1 : i32
        %dma_start3A_413 = arith.constant 0 : i32
        %dma_start3A_414 = arith.constant 0 : i32
        %dma_start3A_415 = tpu.memref_slice %arg15[%dma_start3A_412, %dma_start3A_413, %dma_start3A_414] : memref<2x96x16xf32, #tpu.memory_space<vmem>> -> memref<1x96x16xf32, #tpu.memory_space<vmem>>
        %dma_start3A_416 = tpu.memref_squeeze %dma_start3A_415 : memref<1x96x16xf32, #tpu.memory_space<vmem>> -> memref<96x16xf32, #tpu.memory_space<vmem>>
        %dma_start3A_417 = arith.constant 0 : i32
        %dma_start3A_418 = tpu.memref_slice %arg13[%dma_start3A_411, %dma_start3A_417] : memref<2x96xi32, #tpu.memory_space<vmem>> -> memref<1x96xi32, #tpu.memory_space<vmem>>
        %dma_start3A_419 = tpu.memref_squeeze %dma_start3A_418 : memref<1x96xi32, #tpu.memory_space<vmem>> -> memref<96xi32, #tpu.memory_space<vmem>>
        %dma_start3A_420 = arith.constant 0 : i32
        %dma_start3A_421 = arith.constant 0 : i32
        %dma_start3A_422 = tpu.memref_slice %arg3[%dma_start3A_420, %dma_start3A_421] : memref<10112x16xf32, #tpu.memory_space<hbm>> -> memref<10112x16xf32, #tpu.memory_space<hbm>>
        tpu.enqueue_indirect_dma source(%dma_start3A_422 : memref<10112x16xf32, #tpu.memory_space<hbm>>) target(%dma_start3A_416 : memref<96x16xf32, #tpu.memory_space<vmem>>) offsets(%dma_start3A_419 : memref<96xi32, #tpu.memory_space<vmem>>) semaphore(%arg22 : memref<!tpu.dma_semaphore, #tpu.memory_space<semaphore_mem>>)
        %dma_start3A_423 = arith.constant 1 : i32
        %dma_start3A_424 = arith.constant 1 : i32
        %dma_start3A_425 = arith.constant 0 : i32
        %dma_start3A_426 = arith.constant 0 : i32
        %dma_start3A_427 = tpu.memref_slice %arg18[%dma_start3A_424, %dma_start3A_425, %dma_start3A_426] : memref<2x96x64xf32, #tpu.memory_space<vmem>> -> memref<1x96x64xf32, #tpu.memory_space<vmem>>
        %dma_start3A_428 = tpu.memref_squeeze %dma_start3A_427 : memref<1x96x64xf32, #tpu.memory_space<vmem>> -> memref<96x64xf32, #tpu.memory_space<vmem>>
        %dma_start3A_429 = arith.constant 0 : i32
        %dma_start3A_430 = tpu.memref_slice %arg12[%dma_start3A_423, %dma_start3A_429] : memref<2x96xi32, #tpu.memory_space<vmem>> -> memref<1x96xi32, #tpu.memory_space<vmem>>
        %dma_start3A_431 = tpu.memref_squeeze %dma_start3A_430 : memref<1x96xi32, #tpu.memory_space<vmem>> -> memref<96xi32, #tpu.memory_space<vmem>>
        %dma_start3A_432 = arith.constant 0 : i32
        %dma_start3A_433 = arith.constant 0 : i32
        %dma_start3A_434 = tpu.memref_slice %arg4[%dma_start3A_432, %dma_start3A_433] : memref<10112x64xf32, #tpu.memory_space<hbm>> -> memref<10112x64xf32, #tpu.memory_space<hbm>>
        tpu.enqueue_indirect_dma source(%dma_start3A_434 : memref<10112x64xf32, #tpu.memory_space<hbm>>) target(%dma_start3A_428 : memref<96x64xf32, #tpu.memory_space<vmem>>) offsets(%dma_start3A_431 : memref<96xi32, #tpu.memory_space<vmem>>) semaphore(%arg22 : memref<!tpu.dma_semaphore, #tpu.memory_space<semaphore_mem>>)
      } else {
      }
      %dma_wait3A_160 = arith.constant 0 : i32
      %dma_wait3A_161 = arith.constant 0 : i32
      %dma_wait3A_162 = arith.constant 0 : i32
      %dma_wait3A_163 = tpu.memref_slice %arg14[%dma_wait3A_160, %dma_wait3A_161, %dma_wait3A_162] : memref<2x96x16xf32, #tpu.memory_space<vmem>> -> memref<1x96x16xf32, #tpu.memory_space<vmem>>
      %dma_wait3A_164 = tpu.memref_squeeze %dma_wait3A_163 : memref<1x96x16xf32, #tpu.memory_space<vmem>> -> memref<96x16xf32, #tpu.memory_space<vmem>>
      %dma_wait3A_165 = arith.constant 0 : i32
      %dma_wait3A_166 = arith.constant 0 : i32
      %dma_wait3A_167 = tpu.memref_slice %arg2[%dma_wait3A_165, %dma_wait3A_166] : memref<10112x16xf32, #tpu.memory_space<hbm>> -> memref<96x16xf32, #tpu.memory_space<hbm>>
      %dma_wait3A_168 = arith.constant 0 : i32
      %dma_wait3A_169 = arith.constant 0 : i32
      %dma_wait3A_170 = tpu.memref_slice %arg14[%dma_wait3A_160, %dma_wait3A_168, %dma_wait3A_169] : memref<2x96x16xf32, #tpu.memory_space<vmem>> -> memref<1x96x16xf32, #tpu.memory_space<vmem>>
      %dma_wait3A_171 = tpu.memref_squeeze %dma_wait3A_170 : memref<1x96x16xf32, #tpu.memory_space<vmem>> -> memref<96x16xf32, #tpu.memory_space<vmem>>
      %dma_wait3A_172 = arith.constant 0 : i32
      %dma_wait3A_173 = arith.constant 0 : i32
      %dma_wait3A_174 = tpu.memref_slice %arg2[%dma_wait3A_172, %dma_wait3A_173] : memref<10112x16xf32, #tpu.memory_space<hbm>> -> memref<96x16xf32, #tpu.memory_space<hbm>>
      tpu.wait_dma2 semaphore(%arg21 : memref<!tpu.dma_semaphore, #tpu.memory_space<semaphore_mem>>) src(%dma_wait3A_174 : memref<96x16xf32, #tpu.memory_space<hbm>>) dst(%dma_wait3A_171 : memref<96x16xf32, #tpu.memory_space<vmem>>)
      %dma_wait3A_175 = arith.constant 0 : i32
      %dma_wait3A_176 = arith.constant 0 : i32
      %dma_wait3A_177 = arith.constant 0 : i32
      %dma_wait3A_178 = tpu.memref_slice %arg15[%dma_wait3A_175, %dma_wait3A_176, %dma_wait3A_177] : memref<2x96x16xf32, #tpu.memory_space<vmem>> -> memref<1x96x16xf32, #tpu.memory_space<vmem>>
      %dma_wait3A_179 = tpu.memref_squeeze %dma_wait3A_178 : memref<1x96x16xf32, #tpu.memory_space<vmem>> -> memref<96x16xf32, #tpu.memory_space<vmem>>
      %dma_wait3A_180 = arith.constant 0 : i32
      %dma_wait3A_181 = arith.constant 0 : i32
      %dma_wait3A_182 = tpu.memref_slice %arg2[%dma_wait3A_180, %dma_wait3A_181] : memref<10112x16xf32, #tpu.memory_space<hbm>> -> memref<96x16xf32, #tpu.memory_space<hbm>>
      %dma_wait3A_183 = arith.constant 0 : i32
      %dma_wait3A_184 = arith.constant 0 : i32
      %dma_wait3A_185 = tpu.memref_slice %arg15[%dma_wait3A_175, %dma_wait3A_183, %dma_wait3A_184] : memref<2x96x16xf32, #tpu.memory_space<vmem>> -> memref<1x96x16xf32, #tpu.memory_space<vmem>>
      %dma_wait3A_186 = tpu.memref_squeeze %dma_wait3A_185 : memref<1x96x16xf32, #tpu.memory_space<vmem>> -> memref<96x16xf32, #tpu.memory_space<vmem>>
      %dma_wait3A_187 = arith.constant 0 : i32
      %dma_wait3A_188 = arith.constant 0 : i32
      %dma_wait3A_189 = tpu.memref_slice %arg2[%dma_wait3A_187, %dma_wait3A_188] : memref<10112x16xf32, #tpu.memory_space<hbm>> -> memref<96x16xf32, #tpu.memory_space<hbm>>
      tpu.wait_dma2 semaphore(%arg21 : memref<!tpu.dma_semaphore, #tpu.memory_space<semaphore_mem>>) src(%dma_wait3A_189 : memref<96x16xf32, #tpu.memory_space<hbm>>) dst(%dma_wait3A_186 : memref<96x16xf32, #tpu.memory_space<vmem>>)
      %dma_wait3A_190 = arith.constant 0 : i32
      %dma_wait3A_191 = arith.constant 0 : i32
      %dma_wait3A_192 = arith.constant 0 : i32
      %dma_wait3A_193 = tpu.memref_slice %arg18[%dma_wait3A_190, %dma_wait3A_191, %dma_wait3A_192] : memref<2x96x64xf32, #tpu.memory_space<vmem>> -> memref<1x96x64xf32, #tpu.memory_space<vmem>>
      %dma_wait3A_194 = tpu.memref_squeeze %dma_wait3A_193 : memref<1x96x64xf32, #tpu.memory_space<vmem>> -> memref<96x64xf32, #tpu.memory_space<vmem>>
      %dma_wait3A_195 = arith.constant 0 : i32
      %dma_wait3A_196 = arith.constant 0 : i32
      %dma_wait3A_197 = tpu.memref_slice %arg4[%dma_wait3A_195, %dma_wait3A_196] : memref<10112x64xf32, #tpu.memory_space<hbm>> -> memref<96x64xf32, #tpu.memory_space<hbm>>
      %dma_wait3A_198 = arith.constant 0 : i32
      %dma_wait3A_199 = arith.constant 0 : i32
      %dma_wait3A_200 = tpu.memref_slice %arg18[%dma_wait3A_190, %dma_wait3A_198, %dma_wait3A_199] : memref<2x96x64xf32, #tpu.memory_space<vmem>> -> memref<1x96x64xf32, #tpu.memory_space<vmem>>
      %dma_wait3A_201 = tpu.memref_squeeze %dma_wait3A_200 : memref<1x96x64xf32, #tpu.memory_space<vmem>> -> memref<96x64xf32, #tpu.memory_space<vmem>>
      %dma_wait3A_202 = arith.constant 0 : i32
      %dma_wait3A_203 = arith.constant 0 : i32
      %dma_wait3A_204 = tpu.memref_slice %arg4[%dma_wait3A_202, %dma_wait3A_203] : memref<10112x64xf32, #tpu.memory_space<hbm>> -> memref<96x64xf32, #tpu.memory_space<hbm>>
      tpu.wait_dma2 semaphore(%arg21 : memref<!tpu.dma_semaphore, #tpu.memory_space<semaphore_mem>>) src(%dma_wait3A_204 : memref<96x64xf32, #tpu.memory_space<hbm>>) dst(%dma_wait3A_201 : memref<96x64xf32, #tpu.memory_space<vmem>>)
      %scan3A_205 = arith.constant 0 : i32
      %scan3A_206 = arith.constant 0 : i32
      %scan3A_207 = arith.constant 96 : i32
      %scan3A_208 = arith.addi %scan3A_206, %scan3A_207 : i32
      %scan3A_209 = arith.constant 4 : i32
      scf.for %scan3A_326 = %scan3A_206 to %scan3A_208 step %scan3A_209  : i32 {
        %get3A = arith.constant 0 : i32
        %get3A_327 = arith.index_cast %get3A : i32 to index
        %get3A_328 = arith.index_cast %scan3A_326 : i32 to index
        %get3A_329 = arith.constant 0 : index
        %get3A_330 = tpu.vector_load %arg14[%get3A_327, %get3A_328, %get3A_329] {strides = array<i32>} : memref<2x96x16xf32, #tpu.memory_space<vmem>>, vector<1x1x16xf32>,
        %get3A_331 = vector.shape_cast %get3A_330 : vector<1x1x16xf32> to vector<16xf32>
        %get3A_332 = arith.constant 0 : i32
        %get3A_333 = arith.index_cast %get3A_332 : i32 to index
        %get3A_334 = arith.index_cast %scan3A_326 : i32 to index
        %get3A_335 = arith.constant 0 : index
        %get3A_336 = tpu.vector_load %arg15[%get3A_333, %get3A_334, %get3A_335] {strides = array<i32>} : memref<2x96x16xf32, #tpu.memory_space<vmem>>, vector<1x1x16xf32>,
        %get3A_337 = vector.shape_cast %get3A_336 : vector<1x1x16xf32> to vector<16xf32>
        %add3A_338 = arith.addf %get3A_331, %get3A_337 : vector<16xf32>
        %get3A_339 = arith.constant 0 : i32
        %get3A_340 = arith.index_cast %get3A_339 : i32 to index
        %get3A_341 = arith.index_cast %scan3A_326 : i32 to index
        %get3A_342 = arith.constant 0 : index
        %get3A_343 = tpu.vector_load %arg16[%get3A_340, %get3A_341, %get3A_342] {strides = array<i32>} : memref<2x96x16xf32, #tpu.memory_space<vmem>>, vector<1x1x16xf32>,
        %get3A_344 = vector.shape_cast %get3A_343 : vector<1x1x16xf32> to vector<16xf32>
        %add3A_345 = arith.addf %add3A_338, %get3A_344 : vector<16xf32>
        %mul3A_346 = arith.constant 2.000000e-01 : f32
        %mul3A_347 = vector.broadcast %mul3A_346 : f32 to vector<16xf32>
        %mul3A_348 = arith.mulf %add3A_345, %mul3A_347 : vector<16xf32>
        %max3A = arith.maximumf %add3A_345, %mul3A_348 : vector<16xf32>
        %exp3A = math.exp %max3A : vector<16xf32>
        %swap3A = arith.constant 0 : i32
        %swap3A_349 = arith.index_cast %swap3A : i32 to index
        %swap3A_350 = arith.index_cast %scan3A_326 : i32 to index
        %swap3A_351 = arith.constant 0 : index
        %swap3A_352 = tpu.vector_load %arg17[%swap3A_349, %swap3A_350, %swap3A_351] {strides = array<i32>} : memref<2x96x16xf32, #tpu.memory_space<vmem>>, vector<1x1x16xf32>,
        %swap3A_353 = vector.shape_cast %swap3A_352 : vector<1x1x16xf32> to vector<16xf32>
        %swap3A_354 = vector.shape_cast %exp3A : vector<16xf32> to vector<1x1x16xf32>
        tpu.vector_store %arg17[%swap3A_349, %swap3A_350, %swap3A_351], %swap3A_354 {strides = array<i32>} : memref<2x96x16xf32, #tpu.memory_space<vmem>>, vector<1x1x16xf32>,
        %slice3A = vector.extract_strided_slice %exp3A {offsets = [0], sizes = [1], strides = [1]} : vector<16xf32> to vector<1xf32>
        %squeeze3A = vector.extract %slice3A[0] : f32 from vector<1xf32>
        %broadcast_in_dim3A = vector.broadcast %squeeze3A : f32 to vector<16xf32>
        %get3A_355 = arith.constant 0 : i32
        %get3A_356 = arith.index_cast %get3A_355 : i32 to index
        %get3A_357 = arith.index_cast %scan3A_326 : i32 to index
        %get3A_358 = arith.constant 0 : index
        %get3A_359 = tpu.vector_load %arg18[%get3A_356, %get3A_357, %get3A_358] {strides = array<i32>} : memref<2x96x64xf32, #tpu.memory_space<vmem>>, vector<1x1x16xf32>,
        %get3A_360 = vector.shape_cast %get3A_359 : vector<1x1x16xf32> to vector<16xf32>
        %mul3A_361 = arith.mulf %get3A_360, %broadcast_in_dim3A : vector<16xf32>
        %swap3A_362 = arith.constant 0 : i32
        %swap3A_363 = arith.index_cast %swap3A_362 : i32 to index
        %swap3A_364 = arith.index_cast %scan3A_326 : i32 to index
        %swap3A_365 = arith.constant 0 : index
        %swap3A_366 = tpu.vector_load %arg18[%swap3A_363, %swap3A_364, %swap3A_365] {strides = array<i32>} : memref<2x96x64xf32, #tpu.memory_space<vmem>>, vector<1x1x16xf32>,
        %swap3A_367 = vector.shape_cast %swap3A_366 : vector<1x1x16xf32> to vector<16xf32>
        %swap3A_368 = vector.shape_cast %mul3A_361 : vector<16xf32> to vector<1x1x16xf32>
        tpu.vector_store %arg18[%swap3A_363, %swap3A_364, %swap3A_365], %swap3A_368 {strides = array<i32>} : memref<2x96x64xf32, #tpu.memory_space<vmem>>, vector<1x1x16xf32>,
        %get3A_369 = arith.constant 0 : i32
        %get3A_370 = arith.index_cast %get3A_369 : i32 to index
        %get3A_371 = arith.index_cast %scan3A_326 : i32 to index
        %get3A_372 = arith.constant 16 : index
        %get3A_373 = tpu.vector_load %arg18[%get3A_370, %get3A_371, %get3A_372] {strides = array<i32>} : memref<2x96x64xf32, #tpu.memory_space<vmem>>, vector<1x1x16xf32>,
        %get3A_374 = vector.shape_cast %get3A_373 : vector<1x1x16xf32> to vector<16xf32>
        %mul3A_375 = arith.mulf %get3A_374, %broadcast_in_dim3A : vector<16xf32>
        %swap3A_376 = arith.constant 0 : i32
        %swap3A_377 = arith.index_cast %swap3A_376 : i32 to index
        %swap3A_378 = arith.index_cast %scan3A_326 : i32 to index
        %swap3A_379 = arith.constant 16 : index
        %swap3A_380 = tpu.vector_load %arg18[%swap3A_377, %swap3A_378, %swap3A_379] {strides = array<i32>} : memref<2x96x64xf32, #tpu.memory_space<vmem>>, vector<1x1x16xf32>,
        %swap3A_381 = vector.shape_cast %swap3A_380 : vector<1x1x16xf32> to vector<16xf32>
        %swap3A_382 = vector.shape_cast %mul3A_375 : vector<16xf32> to vector<1x1x16xf32>
        tpu.vector_store %arg18[%swap3A_377, %swap3A_378, %swap3A_379], %swap3A_382 {strides = array<i32>} : memref<2x96x64xf32, #tpu.memory_space<vmem>>, vector<1x1x16xf32>,
        %get3A_383 = arith.constant 0 : i32
        %get3A_384 = arith.index_cast %get3A_383 : i32 to index
        %get3A_385 = arith.index_cast %scan3A_326 : i32 to index
        %get3A_386 = arith.constant 32 : index
        %get3A_387 = tpu.vector_load %arg18[%get3A_384, %get3A_385, %get3A_386] {strides = array<i32>} : memref<2x96x64xf32, #tpu.memory_space<vmem>>, vector<1x1x16xf32>,
        %get3A_388 = vector.shape_cast %get3A_387 : vector<1x1x16xf32> to vector<16xf32>
        %mul3A_389 = arith.mulf %get3A_388, %broadcast_in_dim3A : vector<16xf32>
        %swap3A_390 = arith.constant 0 : i32
        %swap3A_391 = arith.index_cast %swap3A_390 : i32 to index
        %swap3A_392 = arith.index_cast %scan3A_326 : i32 to index
        %swap3A_393 = arith.constant 32 : index
        %swap3A_394 = tpu.vector_load %arg18[%swap3A_391, %swap3A_392, %swap3A_393] {strides = array<i32>} : memref<2x96x64xf32, #tpu.memory_space<vmem>>, vector<1x1x16xf32>,
        %swap3A_395 = vector.shape_cast %swap3A_394 : vector<1x1x16xf32> to vector<16xf32>
        %swap3A_396 = vector.shape_cast %mul3A_389 : vector<16xf32> to vector<1x1x16xf32>
        tpu.vector_store %arg18[%swap3A_391, %swap3A_392, %swap3A_393], %swap3A_396 {strides = array<i32>} : memref<2x96x64xf32, #tpu.memory_space<vmem>>, vector<1x1x16xf32>,
        %get3A_397 = arith.constant 0 : i32
        %get3A_398 = arith.index_cast %get3A_397 : i32 to index
        %get3A_399 = arith.index_cast %scan3A_326 : i32 to index
        %get3A_400 = arith.constant 48 : index
        %get3A_401 = tpu.vector_load %arg18[%get3A_398, %get3A_399, %get3A_400] {strides = array<i32>} : memref<2x96x64xf32, #tpu.memory_space<vmem>>, vector<1x1x16xf32>,
        %get3A_402 = vector.shape_cast %get3A_401 : vector<1x1x16xf32> to vector<16xf32>
        %mul3A_403 = arith.mulf %get3A_402, %broadcast_in_dim3A : vector<16xf32>
        %swap3A_404 = arith.constant 0 : i32
        %swap3A_405 = arith.index_cast %swap3A_404 : i32 to index
        %swap3A_406 = arith.index_cast %scan3A_326 : i32 to index
        %swap3A_407 = arith.constant 48 : index
        %swap3A_408 = tpu.vector_load %arg18[%swap3A_405, %swap3A_406, %swap3A_407] {strides = array<i32>} : memref<2x96x64xf32, #tpu.memory_space<vmem>>, vector<1x1x16xf32>,
        %swap3A_409 = vector.shape_cast %swap3A_408 : vector<1x1x16xf32> to vector<16xf32>
        %swap3A_410 = vector.shape_cast %mul3A_403 : vector<16xf32> to vector<1x1x16xf32>
        tpu.vector_store %arg18[%swap3A_405, %swap3A_406, %swap3A_407], %swap3A_410 {strides = array<i32>} : memref<2x96x64xf32, #tpu.memory_space<vmem>>, vector<1x1x16xf32>,
        %scan3A_411 = arith.constant 1 : i32
        %scan3A_412 = arith.addi %scan3A_326, %scan3A_411 : i32
        %get3A_413 = arith.constant 0 : i32
        %get3A_414 = arith.index_cast %get3A_413 : i32 to index
        %get3A_415 = arith.index_cast %scan3A_412 : i32 to index
        %get3A_416 = arith.constant 0 : index
        %get3A_417 = tpu.vector_load %arg14[%get3A_414, %get3A_415, %get3A_416] {strides = array<i32>} : memref<2x96x16xf32, #tpu.memory_space<vmem>>, vector<1x1x16xf32>,
        %get3A_418 = vector.shape_cast %get3A_417 : vector<1x1x16xf32> to vector<16xf32>
        %get3A_419 = arith.constant 0 : i32
        %get3A_420 = arith.index_cast %get3A_419 : i32 to index
        %get3A_421 = arith.index_cast %scan3A_412 : i32 to index
        %get3A_422 = arith.constant 0 : index
        %get3A_423 = tpu.vector_load %arg15[%get3A_420, %get3A_421, %get3A_422] {strides = array<i32>} : memref<2x96x16xf32, #tpu.memory_space<vmem>>, vector<1x1x16xf32>,
        %get3A_424 = vector.shape_cast %get3A_423 : vector<1x1x16xf32> to vector<16xf32>
        %add3A_425 = arith.addf %get3A_418, %get3A_424 : vector<16xf32>
        %get3A_426 = arith.constant 0 : i32
        %get3A_427 = arith.index_cast %get3A_426 : i32 to index
        %get3A_428 = arith.index_cast %scan3A_412 : i32 to index
        %get3A_429 = arith.constant 0 : index
        %get3A_430 = tpu.vector_load %arg16[%get3A_427, %get3A_428, %get3A_429] {strides = array<i32>} : memref<2x96x16xf32, #tpu.memory_space<vmem>>, vector<1x1x16xf32>,
        %get3A_431 = vector.shape_cast %get3A_430 : vector<1x1x16xf32> to vector<16xf32>
        %add3A_432 = arith.addf %add3A_425, %get3A_431 : vector<16xf32>
        %mul3A_433 = arith.constant 2.000000e-01 : f32
        %mul3A_434 = vector.broadcast %mul3A_433 : f32 to vector<16xf32>
        %mul3A_435 = arith.mulf %add3A_432, %mul3A_434 : vector<16xf32>
        %max3A_436 = arith.maximumf %add3A_432, %mul3A_435 : vector<16xf32>
        %exp3A_437 = math.exp %max3A_436 : vector<16xf32>
        %swap3A_438 = arith.constant 0 : i32
        %swap3A_439 = arith.index_cast %swap3A_438 : i32 to index
        %swap3A_440 = arith.index_cast %scan3A_412 : i32 to index
        %swap3A_441 = arith.constant 0 : index
        %swap3A_442 = tpu.vector_load %arg17[%swap3A_439, %swap3A_440, %swap3A_441] {strides = array<i32>} : memref<2x96x16xf32, #tpu.memory_space<vmem>>, vector<1x1x16xf32>,
        %swap3A_443 = vector.shape_cast %swap3A_442 : vector<1x1x16xf32> to vector<16xf32>
        %swap3A_444 = vector.shape_cast %exp3A_437 : vector<16xf32> to vector<1x1x16xf32>
        tpu.vector_store %arg17[%swap3A_439, %swap3A_440, %swap3A_441], %swap3A_444 {strides = array<i32>} : memref<2x96x16xf32, #tpu.memory_space<vmem>>, vector<1x1x16xf32>,
        %slice3A_445 = vector.extract_strided_slice %exp3A_437 {offsets = [0], sizes = [1], strides = [1]} : vector<16xf32> to vector<1xf32>
        %squeeze3A_446 = vector.extract %slice3A_445[0] : f32 from vector<1xf32>
        %broadcast_in_dim3A_447 = vector.broadcast %squeeze3A_446 : f32 to vector<16xf32>
        %get3A_448 = arith.constant 0 : i32
        %get3A_449 = arith.index_cast %get3A_448 : i32 to index
        %get3A_450 = arith.index_cast %scan3A_412 : i32 to index
        %get3A_451 = arith.constant 0 : index
        %get3A_452 = tpu.vector_load %arg18[%get3A_449, %get3A_450, %get3A_451] {strides = array<i32>} : memref<2x96x64xf32, #tpu.memory_space<vmem>>, vector<1x1x16xf32>,
        %get3A_453 = vector.shape_cast %get3A_452 : vector<1x1x16xf32> to vector<16xf32>
        %mul3A_454 = arith.mulf %get3A_453, %broadcast_in_dim3A_447 : vector<16xf32>
        %swap3A_455 = arith.constant 0 : i32
        %swap3A_456 = arith.index_cast %swap3A_455 : i32 to index
        %swap3A_457 = arith.index_cast %scan3A_412 : i32 to index
        %swap3A_458 = arith.constant 0 : index
        %swap3A_459 = tpu.vector_load %arg18[%swap3A_456, %swap3A_457, %swap3A_458] {strides = array<i32>} : memref<2x96x64xf32, #tpu.memory_space<vmem>>, vector<1x1x16xf32>,
        %swap3A_460 = vector.shape_cast %swap3A_459 : vector<1x1x16xf32> to vector<16xf32>
        %swap3A_461 = vector.shape_cast %mul3A_454 : vector<16xf32> to vector<1x1x16xf32>
        tpu.vector_store %arg18[%swap3A_456, %swap3A_457, %swap3A_458], %swap3A_461 {strides = array<i32>} : memref<2x96x64xf32, #tpu.memory_space<vmem>>, vector<1x1x16xf32>,
        %get3A_462 = arith.constant 0 : i32
        %get3A_463 = arith.index_cast %get3A_462 : i32 to index
        %get3A_464 = arith.index_cast %scan3A_412 : i32 to index
        %get3A_465 = arith.constant 16 : index
        %get3A_466 = tpu.vector_load %arg18[%get3A_463, %get3A_464, %get3A_465] {strides = array<i32>} : memref<2x96x64xf32, #tpu.memory_space<vmem>>, vector<1x1x16xf32>,
        %get3A_467 = vector.shape_cast %get3A_466 : vector<1x1x16xf32> to vector<16xf32>
        %mul3A_468 = arith.mulf %get3A_467, %broadcast_in_dim3A_447 : vector<16xf32>
        %swap3A_469 = arith.constant 0 : i32
        %swap3A_470 = arith.index_cast %swap3A_469 : i32 to index
        %swap3A_471 = arith.index_cast %scan3A_412 : i32 to index
        %swap3A_472 = arith.constant 16 : index
        %swap3A_473 = tpu.vector_load %arg18[%swap3A_470, %swap3A_471, %swap3A_472] {strides = array<i32>} : memref<2x96x64xf32, #tpu.memory_space<vmem>>, vector<1x1x16xf32>,
        %swap3A_474 = vector.shape_cast %swap3A_473 : vector<1x1x16xf32> to vector<16xf32>
        %swap3A_475 = vector.shape_cast %mul3A_468 : vector<16xf32> to vector<1x1x16xf32>
        tpu.vector_store %arg18[%swap3A_470, %swap3A_471, %swap3A_472], %swap3A_475 {strides = array<i32>} : memref<2x96x64xf32, #tpu.memory_space<vmem>>, vector<1x1x16xf32>,
        %get3A_476 = arith.constant 0 : i32
        %get3A_477 = arith.index_cast %get3A_476 : i32 to index
        %get3A_478 = arith.index_cast %scan3A_412 : i32 to index
        %get3A_479 = arith.constant 32 : index
        %get3A_480 = tpu.vector_load %arg18[%get3A_477, %get3A_478, %get3A_479] {strides = array<i32>} : memref<2x96x64xf32, #tpu.memory_space<vmem>>, vector<1x1x16xf32>,
        %get3A_481 = vector.shape_cast %get3A_480 : vector<1x1x16xf32> to vector<16xf32>
        %mul3A_482 = arith.mulf %get3A_481, %broadcast_in_dim3A_447 : vector<16xf32>
        %swap3A_483 = arith.constant 0 : i32
        %swap3A_484 = arith.index_cast %swap3A_483 : i32 to index
        %swap3A_485 = arith.index_cast %scan3A_412 : i32 to index
        %swap3A_486 = arith.constant 32 : index
        %swap3A_487 = tpu.vector_load %arg18[%swap3A_484, %swap3A_485, %swap3A_486] {strides = array<i32>} : memref<2x96x64xf32, #tpu.memory_space<vmem>>, vector<1x1x16xf32>,
        %swap3A_488 = vector.shape_cast %swap3A_487 : vector<1x1x16xf32> to vector<16xf32>
        %swap3A_489 = vector.shape_cast %mul3A_482 : vector<16xf32> to vector<1x1x16xf32>
        tpu.vector_store %arg18[%swap3A_484, %swap3A_485, %swap3A_486], %swap3A_489 {strides = array<i32>} : memref<2x96x64xf32, #tpu.memory_space<vmem>>, vector<1x1x16xf32>,
        %get3A_490 = arith.constant 0 : i32
        %get3A_491 = arith.index_cast %get3A_490 : i32 to index
        %get3A_492 = arith.index_cast %scan3A_412 : i32 to index
        %get3A_493 = arith.constant 48 : index
        %get3A_494 = tpu.vector_load %arg18[%get3A_491, %get3A_492, %get3A_493] {strides = array<i32>} : memref<2x96x64xf32, #tpu.memory_space<vmem>>, vector<1x1x16xf32>,
        %get3A_495 = vector.shape_cast %get3A_494 : vector<1x1x16xf32> to vector<16xf32>
        %mul3A_496 = arith.mulf %get3A_495, %broadcast_in_dim3A_447 : vector<16xf32>
        %swap3A_497 = arith.constant 0 : i32
        %swap3A_498 = arith.index_cast %swap3A_497 : i32 to index
        %swap3A_499 = arith.index_cast %scan3A_412 : i32 to index
        %swap3A_500 = arith.constant 48 : index
        %swap3A_501 = tpu.vector_load %arg18[%swap3A_498, %swap3A_499, %swap3A_500] {strides = array<i32>} : memref<2x96x64xf32, #tpu.memory_space<vmem>>, vector<1x1x16xf32>,
        %swap3A_502 = vector.shape_cast %swap3A_501 : vector<1x1x16xf32> to vector<16xf32>
        %swap3A_503 = vector.shape_cast %mul3A_496 : vector<16xf32> to vector<1x1x16xf32>
        tpu.vector_store %arg18[%swap3A_498, %swap3A_499, %swap3A_500], %swap3A_503 {strides = array<i32>} : memref<2x96x64xf32, #tpu.memory_space<vmem>>, vector<1x1x16xf32>,
        %scan3A_504 = arith.constant 2 : i32
        %scan3A_505 = arith.addi %scan3A_326, %scan3A_504 : i32
        %get3A_506 = arith.constant 0 : i32
        %get3A_507 = arith.index_cast %get3A_506 : i32 to index
        %get3A_508 = arith.index_cast %scan3A_505 : i32 to index
        %get3A_509 = arith.constant 0 : index
        %get3A_510 = tpu.vector_load %arg14[%get3A_507, %get3A_508, %get3A_509] {strides = array<i32>} : memref<2x96x16xf32, #tpu.memory_space<vmem>>, vector<1x1x16xf32>,
        %get3A_511 = vector.shape_cast %get3A_510 : vector<1x1x16xf32> to vector<16xf32>
        %get3A_512 = arith.constant 0 : i32
        %get3A_513 = arith.index_cast %get3A_512 : i32 to index
        %get3A_514 = arith.index_cast %scan3A_505 : i32 to index
        %get3A_515 = arith.constant 0 : index
        %get3A_516 = tpu.vector_load %arg15[%get3A_513, %get3A_514, %get3A_515] {strides = array<i32>} : memref<2x96x16xf32, #tpu.memory_space<vmem>>, vector<1x1x16xf32>,
        %get3A_517 = vector.shape_cast %get3A_516 : vector<1x1x16xf32> to vector<16xf32>
        %add3A_518 = arith.addf %get3A_511, %get3A_517 : vector<16xf32>
        %get3A_519 = arith.constant 0 : i32
        %get3A_520 = arith.index_cast %get3A_519 : i32 to index
        %get3A_521 = arith.index_cast %scan3A_505 : i32 to index
        %get3A_522 = arith.constant 0 : index
        %get3A_523 = tpu.vector_load %arg16[%get3A_520, %get3A_521, %get3A_522] {strides = array<i32>} : memref<2x96x16xf32, #tpu.memory_space<vmem>>, vector<1x1x16xf32>,
        %get3A_524 = vector.shape_cast %get3A_523 : vector<1x1x16xf32> to vector<16xf32>
        %add3A_525 = arith.addf %add3A_518, %get3A_524 : vector<16xf32>
        %mul3A_526 = arith.constant 2.000000e-01 : f32
        %mul3A_527 = vector.broadcast %mul3A_526 : f32 to vector<16xf32>
        %mul3A_528 = arith.mulf %add3A_525, %mul3A_527 : vector<16xf32>
        %max3A_529 = arith.maximumf %add3A_525, %mul3A_528 : vector<16xf32>
        %exp3A_530 = math.exp %max3A_529 : vector<16xf32>
        %swap3A_531 = arith.constant 0 : i32
        %swap3A_532 = arith.index_cast %swap3A_531 : i32 to index
        %swap3A_533 = arith.index_cast %scan3A_505 : i32 to index
        %swap3A_534 = arith.constant 0 : index
        %swap3A_535 = tpu.vector_load %arg17[%swap3A_532, %swap3A_533, %swap3A_534] {strides = array<i32>} : memref<2x96x16xf32, #tpu.memory_space<vmem>>, vector<1x1x16xf32>,
        %swap3A_536 = vector.shape_cast %swap3A_535 : vector<1x1x16xf32> to vector<16xf32>
        %swap3A_537 = vector.shape_cast %exp3A_530 : vector<16xf32> to vector<1x1x16xf32>
        tpu.vector_store %arg17[%swap3A_532, %swap3A_533, %swap3A_534], %swap3A_537 {strides = array<i32>} : memref<2x96x16xf32, #tpu.memory_space<vmem>>, vector<1x1x16xf32>,
        %slice3A_538 = vector.extract_strided_slice %exp3A_530 {offsets = [0], sizes = [1], strides = [1]} : vector<16xf32> to vector<1xf32>
        %squeeze3A_539 = vector.extract %slice3A_538[0] : f32 from vector<1xf32>
        %broadcast_in_dim3A_540 = vector.broadcast %squeeze3A_539 : f32 to vector<16xf32>
        %get3A_541 = arith.constant 0 : i32
        %get3A_542 = arith.index_cast %get3A_541 : i32 to index
        %get3A_543 = arith.index_cast %scan3A_505 : i32 to index
        %get3A_544 = arith.constant 0 : index
        %get3A_545 = tpu.vector_load %arg18[%get3A_542, %get3A_543, %get3A_544] {strides = array<i32>} : memref<2x96x64xf32, #tpu.memory_space<vmem>>, vector<1x1x16xf32>,
        %get3A_546 = vector.shape_cast %get3A_545 : vector<1x1x16xf32> to vector<16xf32>
        %mul3A_547 = arith.mulf %get3A_546, %broadcast_in_dim3A_540 : vector<16xf32>
        %swap3A_548 = arith.constant 0 : i32
        %swap3A_549 = arith.index_cast %swap3A_548 : i32 to index
        %swap3A_550 = arith.index_cast %scan3A_505 : i32 to index
        %swap3A_551 = arith.constant 0 : index
        %swap3A_552 = tpu.vector_load %arg18[%swap3A_549, %swap3A_550, %swap3A_551] {strides = array<i32>} : memref<2x96x64xf32, #tpu.memory_space<vmem>>, vector<1x1x16xf32>,
        %swap3A_553 = vector.shape_cast %swap3A_552 : vector<1x1x16xf32> to vector<16xf32>
        %swap3A_554 = vector.shape_cast %mul3A_547 : vector<16xf32> to vector<1x1x16xf32>
        tpu.vector_store %arg18[%swap3A_549, %swap3A_550, %swap3A_551], %swap3A_554 {strides = array<i32>} : memref<2x96x64xf32, #tpu.memory_space<vmem>>, vector<1x1x16xf32>,
        %get3A_555 = arith.constant 0 : i32
        %get3A_556 = arith.index_cast %get3A_555 : i32 to index
        %get3A_557 = arith.index_cast %scan3A_505 : i32 to index
        %get3A_558 = arith.constant 16 : index
        %get3A_559 = tpu.vector_load %arg18[%get3A_556, %get3A_557, %get3A_558] {strides = array<i32>} : memref<2x96x64xf32, #tpu.memory_space<vmem>>, vector<1x1x16xf32>,
        %get3A_560 = vector.shape_cast %get3A_559 : vector<1x1x16xf32> to vector<16xf32>
        %mul3A_561 = arith.mulf %get3A_560, %broadcast_in_dim3A_540 : vector<16xf32>
        %swap3A_562 = arith.constant 0 : i32
        %swap3A_563 = arith.index_cast %swap3A_562 : i32 to index
        %swap3A_564 = arith.index_cast %scan3A_505 : i32 to index
        %swap3A_565 = arith.constant 16 : index
        %swap3A_566 = tpu.vector_load %arg18[%swap3A_563, %swap3A_564, %swap3A_565] {strides = array<i32>} : memref<2x96x64xf32, #tpu.memory_space<vmem>>, vector<1x1x16xf32>,
        %swap3A_567 = vector.shape_cast %swap3A_566 : vector<1x1x16xf32> to vector<16xf32>
        %swap3A_568 = vector.shape_cast %mul3A_561 : vector<16xf32> to vector<1x1x16xf32>
        tpu.vector_store %arg18[%swap3A_563, %swap3A_564, %swap3A_565], %swap3A_568 {strides = array<i32>} : memref<2x96x64xf32, #tpu.memory_space<vmem>>, vector<1x1x16xf32>,
        %get3A_569 = arith.constant 0 : i32
        %get3A_570 = arith.index_cast %get3A_569 : i32 to index
        %get3A_571 = arith.index_cast %scan3A_505 : i32 to index
        %get3A_572 = arith.constant 32 : index
        %get3A_573 = tpu.vector_load %arg18[%get3A_570, %get3A_571, %get3A_572] {strides = array<i32>} : memref<2x96x64xf32, #tpu.memory_space<vmem>>, vector<1x1x16xf32>,
        %get3A_574 = vector.shape_cast %get3A_573 : vector<1x1x16xf32> to vector<16xf32>
        %mul3A_575 = arith.mulf %get3A_574, %broadcast_in_dim3A_540 : vector<16xf32>
        %swap3A_576 = arith.constant 0 : i32
        %swap3A_577 = arith.index_cast %swap3A_576 : i32 to index
        %swap3A_578 = arith.index_cast %scan3A_505 : i32 to index
        %swap3A_579 = arith.constant 32 : index
        %swap3A_580 = tpu.vector_load %arg18[%swap3A_577, %swap3A_578, %swap3A_579] {strides = array<i32>} : memref<2x96x64xf32, #tpu.memory_space<vmem>>, vector<1x1x16xf32>,
        %swap3A_581 = vector.shape_cast %swap3A_580 : vector<1x1x16xf32> to vector<16xf32>
        %swap3A_582 = vector.shape_cast %mul3A_575 : vector<16xf32> to vector<1x1x16xf32>
        tpu.vector_store %arg18[%swap3A_577, %swap3A_578, %swap3A_579], %swap3A_582 {strides = array<i32>} : memref<2x96x64xf32, #tpu.memory_space<vmem>>, vector<1x1x16xf32>,
        %get3A_583 = arith.constant 0 : i32
        %get3A_584 = arith.index_cast %get3A_583 : i32 to index
        %get3A_585 = arith.index_cast %scan3A_505 : i32 to index
        %get3A_586 = arith.constant 48 : index
        %get3A_587 = tpu.vector_load %arg18[%get3A_584, %get3A_585, %get3A_586] {strides = array<i32>} : memref<2x96x64xf32, #tpu.memory_space<vmem>>, vector<1x1x16xf32>,
        %get3A_588 = vector.shape_cast %get3A_587 : vector<1x1x16xf32> to vector<16xf32>
        %mul3A_589 = arith.mulf %get3A_588, %broadcast_in_dim3A_540 : vector<16xf32>
        %swap3A_590 = arith.constant 0 : i32
        %swap3A_591 = arith.index_cast %swap3A_590 : i32 to index
        %swap3A_592 = arith.index_cast %scan3A_505 : i32 to index
        %swap3A_593 = arith.constant 48 : index
        %swap3A_594 = tpu.vector_load %arg18[%swap3A_591, %swap3A_592, %swap3A_593] {strides = array<i32>} : memref<2x96x64xf32, #tpu.memory_space<vmem>>, vector<1x1x16xf32>,
        %swap3A_595 = vector.shape_cast %swap3A_594 : vector<1x1x16xf32> to vector<16xf32>
        %swap3A_596 = vector.shape_cast %mul3A_589 : vector<16xf32> to vector<1x1x16xf32>
        tpu.vector_store %arg18[%swap3A_591, %swap3A_592, %swap3A_593], %swap3A_596 {strides = array<i32>} : memref<2x96x64xf32, #tpu.memory_space<vmem>>, vector<1x1x16xf32>,
        %scan3A_597 = arith.constant 3 : i32
        %scan3A_598 = arith.addi %scan3A_326, %scan3A_597 : i32
        %get3A_599 = arith.constant 0 : i32
        %get3A_600 = arith.index_cast %get3A_599 : i32 to index
        %get3A_601 = arith.index_cast %scan3A_598 : i32 to index
        %get3A_602 = arith.constant 0 : index
        %get3A_603 = tpu.vector_load %arg14[%get3A_600, %get3A_601, %get3A_602] {strides = array<i32>} : memref<2x96x16xf32, #tpu.memory_space<vmem>>, vector<1x1x16xf32>,
        %get3A_604 = vector.shape_cast %get3A_603 : vector<1x1x16xf32> to vector<16xf32>
        %get3A_605 = arith.constant 0 : i32
        %get3A_606 = arith.index_cast %get3A_605 : i32 to index
        %get3A_607 = arith.index_cast %scan3A_598 : i32 to index
        %get3A_608 = arith.constant 0 : index
        %get3A_609 = tpu.vector_load %arg15[%get3A_606, %get3A_607, %get3A_608] {strides = array<i32>} : memref<2x96x16xf32, #tpu.memory_space<vmem>>, vector<1x1x16xf32>,
        %get3A_610 = vector.shape_cast %get3A_609 : vector<1x1x16xf32> to vector<16xf32>
        %add3A_611 = arith.addf %get3A_604, %get3A_610 : vector<16xf32>
        %get3A_612 = arith.constant 0 : i32
        %get3A_613 = arith.index_cast %get3A_612 : i32 to index
        %get3A_614 = arith.index_cast %scan3A_598 : i32 to index
        %get3A_615 = arith.constant 0 : index
        %get3A_616 = tpu.vector_load %arg16[%get3A_613, %get3A_614, %get3A_615] {strides = array<i32>} : memref<2x96x16xf32, #tpu.memory_space<vmem>>, vector<1x1x16xf32>,
        %get3A_617 = vector.shape_cast %get3A_616 : vector<1x1x16xf32> to vector<16xf32>
        %add3A_618 = arith.addf %add3A_611, %get3A_617 : vector<16xf32>
        %mul3A_619 = arith.constant 2.000000e-01 : f32
        %mul3A_620 = vector.broadcast %mul3A_619 : f32 to vector<16xf32>
        %mul3A_621 = arith.mulf %add3A_618, %mul3A_620 : vector<16xf32>
        %max3A_622 = arith.maximumf %add3A_618, %mul3A_621 : vector<16xf32>
        %exp3A_623 = math.exp %max3A_622 : vector<16xf32>
        %swap3A_624 = arith.constant 0 : i32
        %swap3A_625 = arith.index_cast %swap3A_624 : i32 to index
        %swap3A_626 = arith.index_cast %scan3A_598 : i32 to index
        %swap3A_627 = arith.constant 0 : index
        %swap3A_628 = tpu.vector_load %arg17[%swap3A_625, %swap3A_626, %swap3A_627] {strides = array<i32>} : memref<2x96x16xf32, #tpu.memory_space<vmem>>, vector<1x1x16xf32>,
        %swap3A_629 = vector.shape_cast %swap3A_628 : vector<1x1x16xf32> to vector<16xf32>
        %swap3A_630 = vector.shape_cast %exp3A_623 : vector<16xf32> to vector<1x1x16xf32>
        tpu.vector_store %arg17[%swap3A_625, %swap3A_626, %swap3A_627], %swap3A_630 {strides = array<i32>} : memref<2x96x16xf32, #tpu.memory_space<vmem>>, vector<1x1x16xf32>,
        %slice3A_631 = vector.extract_strided_slice %exp3A_623 {offsets = [0], sizes = [1], strides = [1]} : vector<16xf32> to vector<1xf32>
        %squeeze3A_632 = vector.extract %slice3A_631[0] : f32 from vector<1xf32>
        %broadcast_in_dim3A_633 = vector.broadcast %squeeze3A_632 : f32 to vector<16xf32>
        %get3A_634 = arith.constant 0 : i32
        %get3A_635 = arith.index_cast %get3A_634 : i32 to index
        %get3A_636 = arith.index_cast %scan3A_598 : i32 to index
        %get3A_637 = arith.constant 0 : index
        %get3A_638 = tpu.vector_load %arg18[%get3A_635, %get3A_636, %get3A_637] {strides = array<i32>} : memref<2x96x64xf32, #tpu.memory_space<vmem>>, vector<1x1x16xf32>,
        %get3A_639 = vector.shape_cast %get3A_638 : vector<1x1x16xf32> to vector<16xf32>
        %mul3A_640 = arith.mulf %get3A_639, %broadcast_in_dim3A_633 : vector<16xf32>
        %swap3A_641 = arith.constant 0 : i32
        %swap3A_642 = arith.index_cast %swap3A_641 : i32 to index
        %swap3A_643 = arith.index_cast %scan3A_598 : i32 to index
        %swap3A_644 = arith.constant 0 : index
        %swap3A_645 = tpu.vector_load %arg18[%swap3A_642, %swap3A_643, %swap3A_644] {strides = array<i32>} : memref<2x96x64xf32, #tpu.memory_space<vmem>>, vector<1x1x16xf32>,
        %swap3A_646 = vector.shape_cast %swap3A_645 : vector<1x1x16xf32> to vector<16xf32>
        %swap3A_647 = vector.shape_cast %mul3A_640 : vector<16xf32> to vector<1x1x16xf32>
        tpu.vector_store %arg18[%swap3A_642, %swap3A_643, %swap3A_644], %swap3A_647 {strides = array<i32>} : memref<2x96x64xf32, #tpu.memory_space<vmem>>, vector<1x1x16xf32>,
        %get3A_648 = arith.constant 0 : i32
        %get3A_649 = arith.index_cast %get3A_648 : i32 to index
        %get3A_650 = arith.index_cast %scan3A_598 : i32 to index
        %get3A_651 = arith.constant 16 : index
        %get3A_652 = tpu.vector_load %arg18[%get3A_649, %get3A_650, %get3A_651] {strides = array<i32>} : memref<2x96x64xf32, #tpu.memory_space<vmem>>, vector<1x1x16xf32>,
        %get3A_653 = vector.shape_cast %get3A_652 : vector<1x1x16xf32> to vector<16xf32>
        %mul3A_654 = arith.mulf %get3A_653, %broadcast_in_dim3A_633 : vector<16xf32>
        %swap3A_655 = arith.constant 0 : i32
        %swap3A_656 = arith.index_cast %swap3A_655 : i32 to index
        %swap3A_657 = arith.index_cast %scan3A_598 : i32 to index
        %swap3A_658 = arith.constant 16 : index
        %swap3A_659 = tpu.vector_load %arg18[%swap3A_656, %swap3A_657, %swap3A_658] {strides = array<i32>} : memref<2x96x64xf32, #tpu.memory_space<vmem>>, vector<1x1x16xf32>,
        %swap3A_660 = vector.shape_cast %swap3A_659 : vector<1x1x16xf32> to vector<16xf32>
        %swap3A_661 = vector.shape_cast %mul3A_654 : vector<16xf32> to vector<1x1x16xf32>
        tpu.vector_store %arg18[%swap3A_656, %swap3A_657, %swap3A_658], %swap3A_661 {strides = array<i32>} : memref<2x96x64xf32, #tpu.memory_space<vmem>>, vector<1x1x16xf32>,
        %get3A_662 = arith.constant 0 : i32
        %get3A_663 = arith.index_cast %get3A_662 : i32 to index
        %get3A_664 = arith.index_cast %scan3A_598 : i32 to index
        %get3A_665 = arith.constant 32 : index
        %get3A_666 = tpu.vector_load %arg18[%get3A_663, %get3A_664, %get3A_665] {strides = array<i32>} : memref<2x96x64xf32, #tpu.memory_space<vmem>>, vector<1x1x16xf32>,
        %get3A_667 = vector.shape_cast %get3A_666 : vector<1x1x16xf32> to vector<16xf32>
        %mul3A_668 = arith.mulf %get3A_667, %broadcast_in_dim3A_633 : vector<16xf32>
        %swap3A_669 = arith.constant 0 : i32
        %swap3A_670 = arith.index_cast %swap3A_669 : i32 to index
        %swap3A_671 = arith.index_cast %scan3A_598 : i32 to index
        %swap3A_672 = arith.constant 32 : index
        %swap3A_673 = tpu.vector_load %arg18[%swap3A_670, %swap3A_671, %swap3A_672] {strides = array<i32>} : memref<2x96x64xf32, #tpu.memory_space<vmem>>, vector<1x1x16xf32>,
        %swap3A_674 = vector.shape_cast %swap3A_673 : vector<1x1x16xf32> to vector<16xf32>
        %swap3A_675 = vector.shape_cast %mul3A_668 : vector<16xf32> to vector<1x1x16xf32>
        tpu.vector_store %arg18[%swap3A_670, %swap3A_671, %swap3A_672], %swap3A_675 {strides = array<i32>} : memref<2x96x64xf32, #tpu.memory_space<vmem>>, vector<1x1x16xf32>,
        %get3A_676 = arith.constant 0 : i32
        %get3A_677 = arith.index_cast %get3A_676 : i32 to index
        %get3A_678 = arith.index_cast %scan3A_598 : i32 to index
        %get3A_679 = arith.constant 48 : index
        %get3A_680 = tpu.vector_load %arg18[%get3A_677, %get3A_678, %get3A_679] {strides = array<i32>} : memref<2x96x64xf32, #tpu.memory_space<vmem>>, vector<1x1x16xf32>,
        %get3A_681 = vector.shape_cast %get3A_680 : vector<1x1x16xf32> to vector<16xf32>
        %mul3A_682 = arith.mulf %get3A_681, %broadcast_in_dim3A_633 : vector<16xf32>
        %swap3A_683 = arith.constant 0 : i32
        %swap3A_684 = arith.index_cast %swap3A_683 : i32 to index
        %swap3A_685 = arith.index_cast %scan3A_598 : i32 to index
        %swap3A_686 = arith.constant 48 : index
        %swap3A_687 = tpu.vector_load %arg18[%swap3A_684, %swap3A_685, %swap3A_686] {strides = array<i32>} : memref<2x96x64xf32, #tpu.memory_space<vmem>>, vector<1x1x16xf32>,
        %swap3A_688 = vector.shape_cast %swap3A_687 : vector<1x1x16xf32> to vector<16xf32>
        %swap3A_689 = vector.shape_cast %mul3A_682 : vector<16xf32> to vector<1x1x16xf32>
        tpu.vector_store %arg18[%swap3A_684, %swap3A_685, %swap3A_686], %swap3A_689 {strides = array<i32>} : memref<2x96x64xf32, #tpu.memory_space<vmem>>, vector<1x1x16xf32>,
      }
      %scan3A_210 = arith.constant 96 : i32
      %dma_start3A_211 = arith.constant 0 : i32
      %dma_start3A_212 = arith.constant 0 : i32
      %dma_start3A_213 = arith.constant 0 : i32
      %dma_start3A_214 = arith.constant 0 : i32
      %dma_start3A_215 = tpu.memref_slice %arg17[%dma_start3A_211, %dma_start3A_213, %dma_start3A_214] : memref<2x96x16xf32, #tpu.memory_space<vmem>> -> memref<1x96x16xf32, #tpu.memory_space<vmem>>
      %dma_start3A_216 = tpu.memref_squeeze %dma_start3A_215 : memref<1x96x16xf32, #tpu.memory_space<vmem>> -> memref<96x16xf32, #tpu.memory_space<vmem>>
      %dma_start3A_217 = arith.constant 0 : i32
      %dma_start3A_218 = tpu.memref_slice %arg13[%dma_start3A_212, %dma_start3A_217] : memref<2x96xi32, #tpu.memory_space<vmem>> -> memref<1x96xi32, #tpu.memory_space<vmem>>
      %dma_start3A_219 = tpu.memref_squeeze %dma_start3A_218 : memref<1x96xi32, #tpu.memory_space<vmem>> -> memref<96xi32, #tpu.memory_space<vmem>>
      %dma_start3A_220 = arith.constant 0 : i32
      %dma_start3A_221 = arith.constant 0 : i32
      %dma_start3A_222 = tpu.memref_slice %arg20[%dma_start3A_220, %dma_start3A_221] : memref<10112x16xf32, #tpu.memory_space<vmem_shared>> -> memref<10112x16xf32, #tpu.memory_space<vmem_shared>>
      tpu.enqueue_indirect_dma source(%dma_start3A_216 : memref<96x16xf32, #tpu.memory_space<vmem>>) target(%dma_start3A_222 : memref<10112x16xf32, #tpu.memory_space<vmem_shared>>) offsets(%dma_start3A_219 : memref<96xi32, #tpu.memory_space<vmem>>) semaphore(%arg23 : memref<!tpu.dma_semaphore, #tpu.memory_space<semaphore_mem>>) {add = true}
      %dma_start3A_223 = arith.constant 0 : i32
      %dma_start3A_224 = arith.constant 0 : i32
      %dma_start3A_225 = arith.constant 0 : i32
      %dma_start3A_226 = arith.constant 0 : i32
      %dma_start3A_227 = tpu.memref_slice %arg18[%dma_start3A_223, %dma_start3A_225, %dma_start3A_226] : memref<2x96x64xf32, #tpu.memory_space<vmem>> -> memref<1x96x64xf32, #tpu.memory_space<vmem>>
      %dma_start3A_228 = tpu.memref_squeeze %dma_start3A_227 : memref<1x96x64xf32, #tpu.memory_space<vmem>> -> memref<96x64xf32, #tpu.memory_space<vmem>>
      %dma_start3A_229 = arith.constant 0 : i32
      %dma_start3A_230 = tpu.memref_slice %arg13[%dma_start3A_224, %dma_start3A_229] : memref<2x96xi32, #tpu.memory_space<vmem>> -> memref<1x96xi32, #tpu.memory_space<vmem>>
      %dma_start3A_231 = tpu.memref_squeeze %dma_start3A_230 : memref<1x96xi32, #tpu.memory_space<vmem>> -> memref<96xi32, #tpu.memory_space<vmem>>
      %dma_start3A_232 = arith.constant 0 : i32
      %dma_start3A_233 = arith.constant 0 : i32
      %dma_start3A_234 = tpu.memref_slice %arg19[%dma_start3A_232, %dma_start3A_233] : memref<10112x64xf32, #tpu.memory_space<vmem_shared>> -> memref<10112x64xf32, #tpu.memory_space<vmem_shared>>
      tpu.enqueue_indirect_dma source(%dma_start3A_228 : memref<96x64xf32, #tpu.memory_space<vmem>>) target(%dma_start3A_234 : memref<10112x64xf32, #tpu.memory_space<vmem_shared>>) offsets(%dma_start3A_231 : memref<96xi32, #tpu.memory_space<vmem>>) semaphore(%arg23 : memref<!tpu.dma_semaphore, #tpu.memory_space<semaphore_mem>>) {add = true}
      %mul3A_235 = arith.constant 2 : i32
      %mul3A_236 = arith.muli %scan3A_147, %mul3A_235 : i32
      %add3A_237 = arith.constant 1 : i32
      %add3A_238 = arith.addi %mul3A_236, %add3A_237 : i32
      %ge3A_239 = arith.constant 1 : i32
      %ge3A_240 = arith.cmpi sge, %add3A_238, %ge3A_239 : i32
      %convert_element_type3A_241 = arith.extui %ge3A_240 : i1 to i32
      %cond3A_242 = arith.constant 0 : i32
      %cond3A_243 = arith.cmpi ne, %convert_element_type3A_241, %cond3A_242 : i32
      scf.if %cond3A_243 {
        %dma_wait3A_326 = arith.constant 0 : i32
        %dma_wait3A_327 = arith.constant 0 : i32
        %dma_wait3A_328 = arith.constant 0 : i32
        %dma_wait3A_329 = tpu.memref_slice %arg17[%dma_wait3A_326, %dma_wait3A_327, %dma_wait3A_328] : memref<2x96x16xf32, #tpu.memory_space<vmem>> -> memref<1x96x16xf32, #tpu.memory_space<vmem>>
        %dma_wait3A_330 = tpu.memref_squeeze %dma_wait3A_329 : memref<1x96x16xf32, #tpu.memory_space<vmem>> -> memref<96x16xf32, #tpu.memory_space<vmem>>
        %dma_wait3A_331 = arith.constant 0 : i32
        %dma_wait3A_332 = arith.constant 0 : i32
        %dma_wait3A_333 = tpu.memref_slice %arg2[%dma_wait3A_331, %dma_wait3A_332] : memref<10112x16xf32, #tpu.memory_space<hbm>> -> memref<96x16xf32, #tpu.memory_space<hbm>>
        %dma_wait3A_334 = arith.constant 0 : i32
        %dma_wait3A_335 = arith.constant 0 : i32
        %dma_wait3A_336 = tpu.memref_slice %arg17[%dma_wait3A_326, %dma_wait3A_334, %dma_wait3A_335] : memref<2x96x16xf32, #tpu.memory_space<vmem>> -> memref<1x96x16xf32, #tpu.memory_space<vmem>>
        %dma_wait3A_337 = tpu.memref_squeeze %dma_wait3A_336 : memref<1x96x16xf32, #tpu.memory_space<vmem>> -> memref<96x16xf32, #tpu.memory_space<vmem>>
        %dma_wait3A_338 = arith.constant 0 : i32
        %dma_wait3A_339 = arith.constant 0 : i32
        %dma_wait3A_340 = tpu.memref_slice %arg2[%dma_wait3A_338, %dma_wait3A_339] : memref<10112x16xf32, #tpu.memory_space<hbm>> -> memref<96x16xf32, #tpu.memory_space<hbm>>
        tpu.wait_dma2 semaphore(%arg23 : memref<!tpu.dma_semaphore, #tpu.memory_space<semaphore_mem>>) src(%dma_wait3A_340 : memref<96x16xf32, #tpu.memory_space<hbm>>) dst(%dma_wait3A_337 : memref<96x16xf32, #tpu.memory_space<vmem>>)
        %dma_wait3A_341 = arith.constant 0 : i32
        %dma_wait3A_342 = arith.constant 0 : i32
        %dma_wait3A_343 = arith.constant 0 : i32
        %dma_wait3A_344 = tpu.memref_slice %arg18[%dma_wait3A_341, %dma_wait3A_342, %dma_wait3A_343] : memref<2x96x64xf32, #tpu.memory_space<vmem>> -> memref<1x96x64xf32, #tpu.memory_space<vmem>>
        %dma_wait3A_345 = tpu.memref_squeeze %dma_wait3A_344 : memref<1x96x64xf32, #tpu.memory_space<vmem>> -> memref<96x64xf32, #tpu.memory_space<vmem>>
        %dma_wait3A_346 = arith.constant 0 : i32
        %dma_wait3A_347 = arith.constant 0 : i32
        %dma_wait3A_348 = tpu.memref_slice %arg4[%dma_wait3A_346, %dma_wait3A_347] : memref<10112x64xf32, #tpu.memory_space<hbm>> -> memref<96x64xf32, #tpu.memory_space<hbm>>
        %dma_wait3A_349 = arith.constant 0 : i32
        %dma_wait3A_350 = arith.constant 0 : i32
        %dma_wait3A_351 = tpu.memref_slice %arg18[%dma_wait3A_341, %dma_wait3A_349, %dma_wait3A_350] : memref<2x96x64xf32, #tpu.memory_space<vmem>> -> memref<1x96x64xf32, #tpu.memory_space<vmem>>
        %dma_wait3A_352 = tpu.memref_squeeze %dma_wait3A_351 : memref<1x96x64xf32, #tpu.memory_space<vmem>> -> memref<96x64xf32, #tpu.memory_space<vmem>>
        %dma_wait3A_353 = arith.constant 0 : i32
        %dma_wait3A_354 = arith.constant 0 : i32
        %dma_wait3A_355 = tpu.memref_slice %arg4[%dma_wait3A_353, %dma_wait3A_354] : memref<10112x64xf32, #tpu.memory_space<hbm>> -> memref<96x64xf32, #tpu.memory_space<hbm>>
        tpu.wait_dma2 semaphore(%arg23 : memref<!tpu.dma_semaphore, #tpu.memory_space<semaphore_mem>>) src(%dma_wait3A_355 : memref<96x64xf32, #tpu.memory_space<hbm>>) dst(%dma_wait3A_352 : memref<96x64xf32, #tpu.memory_space<vmem>>)
      } else {
      }
      %add3A_244 = arith.constant 1 : i32
      %add3A_245 = arith.addi %add3A_238, %add3A_244 : i32
      %lt3A_246 = arith.constant 106 : i32
      %lt3A_247 = arith.cmpi slt, %add3A_245, %lt3A_246 : i32
      %convert_element_type3A_248 = arith.extui %lt3A_247 : i1 to i32
      %cond3A_249 = arith.constant 0 : i32
      %cond3A_250 = arith.cmpi ne, %convert_element_type3A_248, %cond3A_249 : i32
      scf.if %cond3A_250 {
        %add3A_326 = arith.constant 1 : i32
        %add3A_327 = arith.addi %add3A_238, %add3A_326 : i32
        %mul3A_328 = arith.constant 96 : i32
        %mul3A_329 = arith.muli %add3A_327, %mul3A_328 : i32
        %add3A_330 = arith.addi %mul3A_6, %mul3A_329 : i32
        %dma_start3A_331 = arith.constant 0 : i32
        %dma_start3A_332 = arith.constant 0 : i32
        %dma_start3A_333 = tpu.memref_slice %arg12[%dma_start3A_331, %dma_start3A_332] : memref<2x96xi32, #tpu.memory_space<vmem>> -> memref<1x96xi32, #tpu.memory_space<vmem>>
        %dma_start3A_334 = tpu.memref_squeeze %dma_start3A_333 : memref<1x96xi32, #tpu.memory_space<vmem>> -> memref<96xi32, #tpu.memory_space<vmem>>
        %dma_start3A_335 = tpu.memref_slice %arg6[%add3A_330] : memref<325632xi32, #tpu.memory_space<hbm>> -> memref<96xi32, #tpu.memory_space<hbm>>
        %dma_start3A_336 = arith.constant 0 : i32
        %dma_start3A_337 = tpu.memref_slice %arg12[%dma_start3A_331, %dma_start3A_336] : memref<2x96xi32, #tpu.memory_space<vmem>> -> memref<1x96xi32, #tpu.memory_space<vmem>>
        %dma_start3A_338 = tpu.memref_squeeze %dma_start3A_337 : memref<1x96xi32, #tpu.memory_space<vmem>> -> memref<96xi32, #tpu.memory_space<vmem>>
        %dma_start3A_339 = tpu.memref_slice %arg6[%add3A_330] : memref<325632xi32, #tpu.memory_space<hbm>> -> memref<96xi32, #tpu.memory_space<hbm>>
        tpu.enqueue_dma source(%dma_start3A_339 : memref<96xi32, #tpu.memory_space<hbm>>) target(%dma_start3A_338 : memref<96xi32, #tpu.memory_space<vmem>>) target_semaphore(%arg25 : memref<!tpu.dma_semaphore, #tpu.memory_space<semaphore_mem>>)
        %dma_start3A_340 = arith.constant 0 : i32
        %dma_start3A_341 = arith.constant 0 : i32
        %dma_start3A_342 = tpu.memref_slice %arg13[%dma_start3A_340, %dma_start3A_341] : memref<2x96xi32, #tpu.memory_space<vmem>> -> memref<1x96xi32, #tpu.memory_space<vmem>>
        %dma_start3A_343 = tpu.memref_squeeze %dma_start3A_342 : memref<1x96xi32, #tpu.memory_space<vmem>> -> memref<96xi32, #tpu.memory_space<vmem>>
        %dma_start3A_344 = tpu.memref_slice %arg7[%add3A_330] : memref<325632xi32, #tpu.memory_space<hbm>> -> memref<96xi32, #tpu.memory_space<hbm>>
        %dma_start3A_345 = arith.constant 0 : i32
        %dma_start3A_346 = tpu.memref_slice %arg13[%dma_start3A_340, %dma_start3A_345] : memref<2x96xi32, #tpu.memory_space<vmem>> -> memref<1x96xi32, #tpu.memory_space<vmem>>
        %dma_start3A_347 = tpu.memref_squeeze %dma_start3A_346 : memref<1x96xi32, #tpu.memory_space<vmem>> -> memref<96xi32, #tpu.memory_space<vmem>>
        %dma_start3A_348 = tpu.memref_slice %arg7[%add3A_330] : memref<325632xi32, #tpu.memory_space<hbm>> -> memref<96xi32, #tpu.memory_space<hbm>>
        tpu.enqueue_dma source(%dma_start3A_348 : memref<96xi32, #tpu.memory_space<hbm>>) target(%dma_start3A_347 : memref<96xi32, #tpu.memory_space<vmem>>) target_semaphore(%arg25 : memref<!tpu.dma_semaphore, #tpu.memory_space<semaphore_mem>>)
        %dma_start3A_349 = arith.constant 0 : i32
        %dma_start3A_350 = arith.constant 0 : i32
        %dma_start3A_351 = arith.constant 0 : i32
        %dma_start3A_352 = tpu.memref_slice %arg16[%dma_start3A_349, %dma_start3A_350, %dma_start3A_351] : memref<2x96x16xf32, #tpu.memory_space<vmem>> -> memref<1x96x16xf32, #tpu.memory_space<vmem>>
        %dma_start3A_353 = tpu.memref_squeeze %dma_start3A_352 : memref<1x96x16xf32, #tpu.memory_space<vmem>> -> memref<96x16xf32, #tpu.memory_space<vmem>>
        %dma_start3A_354 = arith.constant 0 : i32
        %dma_start3A_355 = tpu.memref_slice %arg5[%add3A_330, %dma_start3A_354] : memref<325632x16xf32, #tpu.memory_space<hbm>> -> memref<96x16xf32, #tpu.memory_space<hbm>>
        %dma_start3A_356 = arith.constant 0 : i32
        %dma_start3A_357 = arith.constant 0 : i32
        %dma_start3A_358 = tpu.memref_slice %arg16[%dma_start3A_349, %dma_start3A_356, %dma_start3A_357] : memref<2x96x16xf32, #tpu.memory_space<vmem>> -> memref<1x96x16xf32, #tpu.memory_space<vmem>>
        %dma_start3A_359 = tpu.memref_squeeze %dma_start3A_358 : memref<1x96x16xf32, #tpu.memory_space<vmem>> -> memref<96x16xf32, #tpu.memory_space<vmem>>
        %dma_start3A_360 = arith.constant 0 : i32
        %dma_start3A_361 = tpu.memref_slice %arg5[%add3A_330, %dma_start3A_360] : memref<325632x16xf32, #tpu.memory_space<hbm>> -> memref<96x16xf32, #tpu.memory_space<hbm>>
        tpu.enqueue_dma source(%dma_start3A_361 : memref<96x16xf32, #tpu.memory_space<hbm>>) target(%dma_start3A_359 : memref<96x16xf32, #tpu.memory_space<vmem>>) target_semaphore(%arg25 : memref<!tpu.dma_semaphore, #tpu.memory_space<semaphore_mem>>)
        %dma_wait3A_362 = arith.constant 0 : i32
        %dma_wait3A_363 = arith.constant 0 : i32
        %dma_wait3A_364 = tpu.memref_slice %arg12[%dma_wait3A_362, %dma_wait3A_363] : memref<2x96xi32, #tpu.memory_space<vmem>> -> memref<1x96xi32, #tpu.memory_space<vmem>>
        %dma_wait3A_365 = tpu.memref_squeeze %dma_wait3A_364 : memref<1x96xi32, #tpu.memory_space<vmem>> -> memref<96xi32, #tpu.memory_space<vmem>>
        %dma_wait3A_366 = arith.constant 0 : i32
        %dma_wait3A_367 = tpu.memref_slice %arg6[%dma_wait3A_366] : memref<325632xi32, #tpu.memory_space<hbm>> -> memref<96xi32, #tpu.memory_space<hbm>>
        %dma_wait3A_368 = arith.constant 0 : i32
        %dma_wait3A_369 = tpu.memref_slice %arg12[%dma_wait3A_362, %dma_wait3A_368] : memref<2x96xi32, #tpu.memory_space<vmem>> -> memref<1x96xi32, #tpu.memory_space<vmem>>
        %dma_wait3A_370 = tpu.memref_squeeze %dma_wait3A_369 : memref<1x96xi32, #tpu.memory_space<vmem>> -> memref<96xi32, #tpu.memory_space<vmem>>
        %dma_wait3A_371 = arith.constant 0 : i32
        %dma_wait3A_372 = tpu.memref_slice %arg6[%dma_wait3A_371] : memref<325632xi32, #tpu.memory_space<hbm>> -> memref<96xi32, #tpu.memory_space<hbm>>
        tpu.wait_dma2 semaphore(%arg25 : memref<!tpu.dma_semaphore, #tpu.memory_space<semaphore_mem>>) src(%dma_wait3A_372 : memref<96xi32, #tpu.memory_space<hbm>>) dst(%dma_wait3A_370 : memref<96xi32, #tpu.memory_space<vmem>>)
        %dma_wait3A_373 = arith.constant 0 : i32
        %dma_wait3A_374 = arith.constant 0 : i32
        %dma_wait3A_375 = tpu.memref_slice %arg13[%dma_wait3A_373, %dma_wait3A_374] : memref<2x96xi32, #tpu.memory_space<vmem>> -> memref<1x96xi32, #tpu.memory_space<vmem>>
        %dma_wait3A_376 = tpu.memref_squeeze %dma_wait3A_375 : memref<1x96xi32, #tpu.memory_space<vmem>> -> memref<96xi32, #tpu.memory_space<vmem>>
        %dma_wait3A_377 = arith.constant 0 : i32
        %dma_wait3A_378 = tpu.memref_slice %arg6[%dma_wait3A_377] : memref<325632xi32, #tpu.memory_space<hbm>> -> memref<96xi32, #tpu.memory_space<hbm>>
        %dma_wait3A_379 = arith.constant 0 : i32
        %dma_wait3A_380 = tpu.memref_slice %arg13[%dma_wait3A_373, %dma_wait3A_379] : memref<2x96xi32, #tpu.memory_space<vmem>> -> memref<1x96xi32, #tpu.memory_space<vmem>>
        %dma_wait3A_381 = tpu.memref_squeeze %dma_wait3A_380 : memref<1x96xi32, #tpu.memory_space<vmem>> -> memref<96xi32, #tpu.memory_space<vmem>>
        %dma_wait3A_382 = arith.constant 0 : i32
        %dma_wait3A_383 = tpu.memref_slice %arg6[%dma_wait3A_382] : memref<325632xi32, #tpu.memory_space<hbm>> -> memref<96xi32, #tpu.memory_space<hbm>>
        tpu.wait_dma2 semaphore(%arg25 : memref<!tpu.dma_semaphore, #tpu.memory_space<semaphore_mem>>) src(%dma_wait3A_383 : memref<96xi32, #tpu.memory_space<hbm>>) dst(%dma_wait3A_381 : memref<96xi32, #tpu.memory_space<vmem>>)
        %dma_wait3A_384 = arith.constant 0 : i32
        %dma_wait3A_385 = arith.constant 0 : i32
        %dma_wait3A_386 = arith.constant 0 : i32
        %dma_wait3A_387 = tpu.memref_slice %arg16[%dma_wait3A_384, %dma_wait3A_385, %dma_wait3A_386] : memref<2x96x16xf32, #tpu.memory_space<vmem>> -> memref<1x96x16xf32, #tpu.memory_space<vmem>>
        %dma_wait3A_388 = tpu.memref_squeeze %dma_wait3A_387 : memref<1x96x16xf32, #tpu.memory_space<vmem>> -> memref<96x16xf32, #tpu.memory_space<vmem>>
        %dma_wait3A_389 = arith.constant 0 : i32
        %dma_wait3A_390 = arith.constant 0 : i32
        %dma_wait3A_391 = tpu.memref_slice %arg5[%dma_wait3A_389, %dma_wait3A_390] : memref<325632x16xf32, #tpu.memory_space<hbm>> -> memref<96x16xf32, #tpu.memory_space<hbm>>
        %dma_wait3A_392 = arith.constant 0 : i32
        %dma_wait3A_393 = arith.constant 0 : i32
        %dma_wait3A_394 = tpu.memref_slice %arg16[%dma_wait3A_384, %dma_wait3A_392, %dma_wait3A_393] : memref<2x96x16xf32, #tpu.memory_space<vmem>> -> memref<1x96x16xf32, #tpu.memory_space<vmem>>
        %dma_wait3A_395 = tpu.memref_squeeze %dma_wait3A_394 : memref<1x96x16xf32, #tpu.memory_space<vmem>> -> memref<96x16xf32, #tpu.memory_space<vmem>>
        %dma_wait3A_396 = arith.constant 0 : i32
        %dma_wait3A_397 = arith.constant 0 : i32
        %dma_wait3A_398 = tpu.memref_slice %arg5[%dma_wait3A_396, %dma_wait3A_397] : memref<325632x16xf32, #tpu.memory_space<hbm>> -> memref<96x16xf32, #tpu.memory_space<hbm>>
        tpu.wait_dma2 semaphore(%arg25 : memref<!tpu.dma_semaphore, #tpu.memory_space<semaphore_mem>>) src(%dma_wait3A_398 : memref<96x16xf32, #tpu.memory_space<hbm>>) dst(%dma_wait3A_395 : memref<96x16xf32, #tpu.memory_space<vmem>>)
        %dma_start3A_399 = arith.constant 0 : i32
        %dma_start3A_400 = arith.constant 0 : i32
        %dma_start3A_401 = arith.constant 0 : i32
        %dma_start3A_402 = arith.constant 0 : i32
        %dma_start3A_403 = tpu.memref_slice %arg14[%dma_start3A_400, %dma_start3A_401, %dma_start3A_402] : memref<2x96x16xf32, #tpu.memory_space<vmem>> -> memref<1x96x16xf32, #tpu.memory_space<vmem>>
        %dma_start3A_404 = tpu.memref_squeeze %dma_start3A_403 : memref<1x96x16xf32, #tpu.memory_space<vmem>> -> memref<96x16xf32, #tpu.memory_space<vmem>>
        %dma_start3A_405 = arith.constant 0 : i32
        %dma_start3A_406 = tpu.memref_slice %arg12[%dma_start3A_399, %dma_start3A_405] : memref<2x96xi32, #tpu.memory_space<vmem>> -> memref<1x96xi32, #tpu.memory_space<vmem>>
        %dma_start3A_407 = tpu.memref_squeeze %dma_start3A_406 : memref<1x96xi32, #tpu.memory_space<vmem>> -> memref<96xi32, #tpu.memory_space<vmem>>
        %dma_start3A_408 = arith.constant 0 : i32
        %dma_start3A_409 = arith.constant 0 : i32
        %dma_start3A_410 = tpu.memref_slice %arg2[%dma_start3A_408, %dma_start3A_409] : memref<10112x16xf32, #tpu.memory_space<hbm>> -> memref<10112x16xf32, #tpu.memory_space<hbm>>
        tpu.enqueue_indirect_dma source(%dma_start3A_410 : memref<10112x16xf32, #tpu.memory_space<hbm>>) target(%dma_start3A_404 : memref<96x16xf32, #tpu.memory_space<vmem>>) offsets(%dma_start3A_407 : memref<96xi32, #tpu.memory_space<vmem>>) semaphore(%arg21 : memref<!tpu.dma_semaphore, #tpu.memory_space<semaphore_mem>>)
        %dma_start3A_411 = arith.constant 0 : i32
        %dma_start3A_412 = arith.constant 0 : i32
        %dma_start3A_413 = arith.constant 0 : i32
        %dma_start3A_414 = arith.constant 0 : i32
        %dma_start3A_415 = tpu.memref_slice %arg15[%dma_start3A_412, %dma_start3A_413, %dma_start3A_414] : memref<2x96x16xf32, #tpu.memory_space<vmem>> -> memref<1x96x16xf32, #tpu.memory_space<vmem>>
        %dma_start3A_416 = tpu.memref_squeeze %dma_start3A_415 : memref<1x96x16xf32, #tpu.memory_space<vmem>> -> memref<96x16xf32, #tpu.memory_space<vmem>>
        %dma_start3A_417 = arith.constant 0 : i32
        %dma_start3A_418 = tpu.memref_slice %arg13[%dma_start3A_411, %dma_start3A_417] : memref<2x96xi32, #tpu.memory_space<vmem>> -> memref<1x96xi32, #tpu.memory_space<vmem>>
        %dma_start3A_419 = tpu.memref_squeeze %dma_start3A_418 : memref<1x96xi32, #tpu.memory_space<vmem>> -> memref<96xi32, #tpu.memory_space<vmem>>
        %dma_start3A_420 = arith.constant 0 : i32
        %dma_start3A_421 = arith.constant 0 : i32
        %dma_start3A_422 = tpu.memref_slice %arg3[%dma_start3A_420, %dma_start3A_421] : memref<10112x16xf32, #tpu.memory_space<hbm>> -> memref<10112x16xf32, #tpu.memory_space<hbm>>
        tpu.enqueue_indirect_dma source(%dma_start3A_422 : memref<10112x16xf32, #tpu.memory_space<hbm>>) target(%dma_start3A_416 : memref<96x16xf32, #tpu.memory_space<vmem>>) offsets(%dma_start3A_419 : memref<96xi32, #tpu.memory_space<vmem>>) semaphore(%arg21 : memref<!tpu.dma_semaphore, #tpu.memory_space<semaphore_mem>>)
        %dma_start3A_423 = arith.constant 0 : i32
        %dma_start3A_424 = arith.constant 0 : i32
        %dma_start3A_425 = arith.constant 0 : i32
        %dma_start3A_426 = arith.constant 0 : i32
        %dma_start3A_427 = tpu.memref_slice %arg18[%dma_start3A_424, %dma_start3A_425, %dma_start3A_426] : memref<2x96x64xf32, #tpu.memory_space<vmem>> -> memref<1x96x64xf32, #tpu.memory_space<vmem>>
        %dma_start3A_428 = tpu.memref_squeeze %dma_start3A_427 : memref<1x96x64xf32, #tpu.memory_space<vmem>> -> memref<96x64xf32, #tpu.memory_space<vmem>>
        %dma_start3A_429 = arith.constant 0 : i32
        %dma_start3A_430 = tpu.memref_slice %arg12[%dma_start3A_423, %dma_start3A_429] : memref<2x96xi32, #tpu.memory_space<vmem>> -> memref<1x96xi32, #tpu.memory_space<vmem>>
        %dma_start3A_431 = tpu.memref_squeeze %dma_start3A_430 : memref<1x96xi32, #tpu.memory_space<vmem>> -> memref<96xi32, #tpu.memory_space<vmem>>
        %dma_start3A_432 = arith.constant 0 : i32
        %dma_start3A_433 = arith.constant 0 : i32
        %dma_start3A_434 = tpu.memref_slice %arg4[%dma_start3A_432, %dma_start3A_433] : memref<10112x64xf32, #tpu.memory_space<hbm>> -> memref<10112x64xf32, #tpu.memory_space<hbm>>
        tpu.enqueue_indirect_dma source(%dma_start3A_434 : memref<10112x64xf32, #tpu.memory_space<hbm>>) target(%dma_start3A_428 : memref<96x64xf32, #tpu.memory_space<vmem>>) offsets(%dma_start3A_431 : memref<96xi32, #tpu.memory_space<vmem>>) semaphore(%arg21 : memref<!tpu.dma_semaphore, #tpu.memory_space<semaphore_mem>>)
      } else {
      }
      %dma_wait3A_251 = arith.constant 1 : i32
      %dma_wait3A_252 = arith.constant 0 : i32
      %dma_wait3A_253 = arith.constant 0 : i32
      %dma_wait3A_254 = tpu.memref_slice %arg14[%dma_wait3A_251, %dma_wait3A_252, %dma_wait3A_253] : memref<2x96x16xf32, #tpu.memory_space<vmem>> -> memref<1x96x16xf32, #tpu.memory_space<vmem>>
      %dma_wait3A_255 = tpu.memref_squeeze %dma_wait3A_254 : memref<1x96x16xf32, #tpu.memory_space<vmem>> -> memref<96x16xf32, #tpu.memory_space<vmem>>
      %dma_wait3A_256 = arith.constant 0 : i32
      %dma_wait3A_257 = arith.constant 0 : i32
      %dma_wait3A_258 = tpu.memref_slice %arg2[%dma_wait3A_256, %dma_wait3A_257] : memref<10112x16xf32, #tpu.memory_space<hbm>> -> memref<96x16xf32, #tpu.memory_space<hbm>>
      %dma_wait3A_259 = arith.constant 0 : i32
      %dma_wait3A_260 = arith.constant 0 : i32
      %dma_wait3A_261 = tpu.memref_slice %arg14[%dma_wait3A_251, %dma_wait3A_259, %dma_wait3A_260] : memref<2x96x16xf32, #tpu.memory_space<vmem>> -> memref<1x96x16xf32, #tpu.memory_space<vmem>>
      %dma_wait3A_262 = tpu.memref_squeeze %dma_wait3A_261 : memref<1x96x16xf32, #tpu.memory_space<vmem>> -> memref<96x16xf32, #tpu.memory_space<vmem>>
      %dma_wait3A_263 = arith.constant 0 : i32
      %dma_wait3A_264 = arith.constant 0 : i32
      %dma_wait3A_265 = tpu.memref_slice %arg2[%dma_wait3A_263, %dma_wait3A_264] : memref<10112x16xf32, #tpu.memory_space<hbm>> -> memref<96x16xf32, #tpu.memory_space<hbm>>
      tpu.wait_dma2 semaphore(%arg22 : memref<!tpu.dma_semaphore, #tpu.memory_space<semaphore_mem>>) src(%dma_wait3A_265 : memref<96x16xf32, #tpu.memory_space<hbm>>) dst(%dma_wait3A_262 : memref<96x16xf32, #tpu.memory_space<vmem>>)
      %dma_wait3A_266 = arith.constant 1 : i32
      %dma_wait3A_267 = arith.constant 0 : i32
      %dma_wait3A_268 = arith.constant 0 : i32
      %dma_wait3A_269 = tpu.memref_slice %arg15[%dma_wait3A_266, %dma_wait3A_267, %dma_wait3A_268] : memref<2x96x16xf32, #tpu.memory_space<vmem>> -> memref<1x96x16xf32, #tpu.memory_space<vmem>>
      %dma_wait3A_270 = tpu.memref_squeeze %dma_wait3A_269 : memref<1x96x16xf32, #tpu.memory_space<vmem>> -> memref<96x16xf32, #tpu.memory_space<vmem>>
      %dma_wait3A_271 = arith.constant 0 : i32
      %dma_wait3A_272 = arith.constant 0 : i32
      %dma_wait3A_273 = tpu.memref_slice %arg2[%dma_wait3A_271, %dma_wait3A_272] : memref<10112x16xf32, #tpu.memory_space<hbm>> -> memref<96x16xf32, #tpu.memory_space<hbm>>
      %dma_wait3A_274 = arith.constant 0 : i32
      %dma_wait3A_275 = arith.constant 0 : i32
      %dma_wait3A_276 = tpu.memref_slice %arg15[%dma_wait3A_266, %dma_wait3A_274, %dma_wait3A_275] : memref<2x96x16xf32, #tpu.memory_space<vmem>> -> memref<1x96x16xf32, #tpu.memory_space<vmem>>
      %dma_wait3A_277 = tpu.memref_squeeze %dma_wait3A_276 : memref<1x96x16xf32, #tpu.memory_space<vmem>> -> memref<96x16xf32, #tpu.memory_space<vmem>>
      %dma_wait3A_278 = arith.constant 0 : i32
      %dma_wait3A_279 = arith.constant 0 : i32
      %dma_wait3A_280 = tpu.memref_slice %arg2[%dma_wait3A_278, %dma_wait3A_279] : memref<10112x16xf32, #tpu.memory_space<hbm>> -> memref<96x16xf32, #tpu.memory_space<hbm>>
      tpu.wait_dma2 semaphore(%arg22 : memref<!tpu.dma_semaphore, #tpu.memory_space<semaphore_mem>>) src(%dma_wait3A_280 : memref<96x16xf32, #tpu.memory_space<hbm>>) dst(%dma_wait3A_277 : memref<96x16xf32, #tpu.memory_space<vmem>>)
      %dma_wait3A_281 = arith.constant 1 : i32
      %dma_wait3A_282 = arith.constant 0 : i32
      %dma_wait3A_283 = arith.constant 0 : i32
      %dma_wait3A_284 = tpu.memref_slice %arg18[%dma_wait3A_281, %dma_wait3A_282, %dma_wait3A_283] : memref<2x96x64xf32, #tpu.memory_space<vmem>> -> memref<1x96x64xf32, #tpu.memory_space<vmem>>
      %dma_wait3A_285 = tpu.memref_squeeze %dma_wait3A_284 : memref<1x96x64xf32, #tpu.memory_space<vmem>> -> memref<96x64xf32, #tpu.memory_space<vmem>>
      %dma_wait3A_286 = arith.constant 0 : i32
      %dma_wait3A_287 = arith.constant 0 : i32
      %dma_wait3A_288 = tpu.memref_slice %arg4[%dma_wait3A_286, %dma_wait3A_287] : memref<10112x64xf32, #tpu.memory_space<hbm>> -> memref<96x64xf32, #tpu.memory_space<hbm>>
      %dma_wait3A_289 = arith.constant 0 : i32
      %dma_wait3A_290 = arith.constant 0 : i32
      %dma_wait3A_291 = tpu.memref_slice %arg18[%dma_wait3A_281, %dma_wait3A_289, %dma_wait3A_290] : memref<2x96x64xf32, #tpu.memory_space<vmem>> -> memref<1x96x64xf32, #tpu.memory_space<vmem>>
      %dma_wait3A_292 = tpu.memref_squeeze %dma_wait3A_291 : memref<1x96x64xf32, #tpu.memory_space<vmem>> -> memref<96x64xf32, #tpu.memory_space<vmem>>
      %dma_wait3A_293 = arith.constant 0 : i32
      %dma_wait3A_294 = arith.constant 0 : i32
      %dma_wait3A_295 = tpu.memref_slice %arg4[%dma_wait3A_293, %dma_wait3A_294] : memref<10112x64xf32, #tpu.memory_space<hbm>> -> memref<96x64xf32, #tpu.memory_space<hbm>>
      tpu.wait_dma2 semaphore(%arg22 : memref<!tpu.dma_semaphore, #tpu.memory_space<semaphore_mem>>) src(%dma_wait3A_295 : memref<96x64xf32, #tpu.memory_space<hbm>>) dst(%dma_wait3A_292 : memref<96x64xf32, #tpu.memory_space<vmem>>)
      %scan3A_296 = arith.constant 0 : i32
      %scan3A_297 = arith.constant 0 : i32
      %scan3A_298 = arith.constant 96 : i32
      %scan3A_299 = arith.addi %scan3A_297, %scan3A_298 : i32
      %scan3A_300 = arith.constant 4 : i32
      scf.for %scan3A_326 = %scan3A_297 to %scan3A_299 step %scan3A_300  : i32 {
        %get3A = arith.constant 1 : i32
        %get3A_327 = arith.index_cast %get3A : i32 to index
        %get3A_328 = arith.index_cast %scan3A_326 : i32 to index
        %get3A_329 = arith.constant 0 : index
        %get3A_330 = tpu.vector_load %arg14[%get3A_327, %get3A_328, %get3A_329] {strides = array<i32>} : memref<2x96x16xf32, #tpu.memory_space<vmem>>, vector<1x1x16xf32>,
        %get3A_331 = vector.shape_cast %get3A_330 : vector<1x1x16xf32> to vector<16xf32>
        %get3A_332 = arith.constant 1 : i32
        %get3A_333 = arith.index_cast %get3A_332 : i32 to index
        %get3A_334 = arith.index_cast %scan3A_326 : i32 to index
        %get3A_335 = arith.constant 0 : index
        %get3A_336 = tpu.vector_load %arg15[%get3A_333, %get3A_334, %get3A_335] {strides = array<i32>} : memref<2x96x16xf32, #tpu.memory_space<vmem>>, vector<1x1x16xf32>,
        %get3A_337 = vector.shape_cast %get3A_336 : vector<1x1x16xf32> to vector<16xf32>
        %add3A_338 = arith.addf %get3A_331, %get3A_337 : vector<16xf32>
        %get3A_339 = arith.constant 1 : i32
        %get3A_340 = arith.index_cast %get3A_339 : i32 to index
        %get3A_341 = arith.index_cast %scan3A_326 : i32 to index
        %get3A_342 = arith.constant 0 : index
        %get3A_343 = tpu.vector_load %arg16[%get3A_340, %get3A_341, %get3A_342] {strides = array<i32>} : memref<2x96x16xf32, #tpu.memory_space<vmem>>, vector<1x1x16xf32>,
        %get3A_344 = vector.shape_cast %get3A_343 : vector<1x1x16xf32> to vector<16xf32>
        %add3A_345 = arith.addf %add3A_338, %get3A_344 : vector<16xf32>
        %mul3A_346 = arith.constant 2.000000e-01 : f32
        %mul3A_347 = vector.broadcast %mul3A_346 : f32 to vector<16xf32>
        %mul3A_348 = arith.mulf %add3A_345, %mul3A_347 : vector<16xf32>
        %max3A = arith.maximumf %add3A_345, %mul3A_348 : vector<16xf32>
        %exp3A = math.exp %max3A : vector<16xf32>
        %swap3A = arith.constant 1 : i32
        %swap3A_349 = arith.index_cast %swap3A : i32 to index
        %swap3A_350 = arith.index_cast %scan3A_326 : i32 to index
        %swap3A_351 = arith.constant 0 : index
        %swap3A_352 = tpu.vector_load %arg17[%swap3A_349, %swap3A_350, %swap3A_351] {strides = array<i32>} : memref<2x96x16xf32, #tpu.memory_space<vmem>>, vector<1x1x16xf32>,
        %swap3A_353 = vector.shape_cast %swap3A_352 : vector<1x1x16xf32> to vector<16xf32>
        %swap3A_354 = vector.shape_cast %exp3A : vector<16xf32> to vector<1x1x16xf32>
        tpu.vector_store %arg17[%swap3A_349, %swap3A_350, %swap3A_351], %swap3A_354 {strides = array<i32>} : memref<2x96x16xf32, #tpu.memory_space<vmem>>, vector<1x1x16xf32>,
        %slice3A = vector.extract_strided_slice %exp3A {offsets = [0], sizes = [1], strides = [1]} : vector<16xf32> to vector<1xf32>
        %squeeze3A = vector.extract %slice3A[0] : f32 from vector<1xf32>
        %broadcast_in_dim3A = vector.broadcast %squeeze3A : f32 to vector<16xf32>
        %get3A_355 = arith.constant 1 : i32
        %get3A_356 = arith.index_cast %get3A_355 : i32 to index
        %get3A_357 = arith.index_cast %scan3A_326 : i32 to index
        %get3A_358 = arith.constant 0 : index
        %get3A_359 = tpu.vector_load %arg18[%get3A_356, %get3A_357, %get3A_358] {strides = array<i32>} : memref<2x96x64xf32, #tpu.memory_space<vmem>>, vector<1x1x16xf32>,
        %get3A_360 = vector.shape_cast %get3A_359 : vector<1x1x16xf32> to vector<16xf32>
        %mul3A_361 = arith.mulf %get3A_360, %broadcast_in_dim3A : vector<16xf32>
        %swap3A_362 = arith.constant 1 : i32
        %swap3A_363 = arith.index_cast %swap3A_362 : i32 to index
        %swap3A_364 = arith.index_cast %scan3A_326 : i32 to index
        %swap3A_365 = arith.constant 0 : index
        %swap3A_366 = tpu.vector_load %arg18[%swap3A_363, %swap3A_364, %swap3A_365] {strides = array<i32>} : memref<2x96x64xf32, #tpu.memory_space<vmem>>, vector<1x1x16xf32>,
        %swap3A_367 = vector.shape_cast %swap3A_366 : vector<1x1x16xf32> to vector<16xf32>
        %swap3A_368 = vector.shape_cast %mul3A_361 : vector<16xf32> to vector<1x1x16xf32>
        tpu.vector_store %arg18[%swap3A_363, %swap3A_364, %swap3A_365], %swap3A_368 {strides = array<i32>} : memref<2x96x64xf32, #tpu.memory_space<vmem>>, vector<1x1x16xf32>,
        %get3A_369 = arith.constant 1 : i32
        %get3A_370 = arith.index_cast %get3A_369 : i32 to index
        %get3A_371 = arith.index_cast %scan3A_326 : i32 to index
        %get3A_372 = arith.constant 16 : index
        %get3A_373 = tpu.vector_load %arg18[%get3A_370, %get3A_371, %get3A_372] {strides = array<i32>} : memref<2x96x64xf32, #tpu.memory_space<vmem>>, vector<1x1x16xf32>,
        %get3A_374 = vector.shape_cast %get3A_373 : vector<1x1x16xf32> to vector<16xf32>
        %mul3A_375 = arith.mulf %get3A_374, %broadcast_in_dim3A : vector<16xf32>
        %swap3A_376 = arith.constant 1 : i32
        %swap3A_377 = arith.index_cast %swap3A_376 : i32 to index
        %swap3A_378 = arith.index_cast %scan3A_326 : i32 to index
        %swap3A_379 = arith.constant 16 : index
        %swap3A_380 = tpu.vector_load %arg18[%swap3A_377, %swap3A_378, %swap3A_379] {strides = array<i32>} : memref<2x96x64xf32, #tpu.memory_space<vmem>>, vector<1x1x16xf32>,
        %swap3A_381 = vector.shape_cast %swap3A_380 : vector<1x1x16xf32> to vector<16xf32>
        %swap3A_382 = vector.shape_cast %mul3A_375 : vector<16xf32> to vector<1x1x16xf32>
        tpu.vector_store %arg18[%swap3A_377, %swap3A_378, %swap3A_379], %swap3A_382 {strides = array<i32>} : memref<2x96x64xf32, #tpu.memory_space<vmem>>, vector<1x1x16xf32>,
        %get3A_383 = arith.constant 1 : i32
        %get3A_384 = arith.index_cast %get3A_383 : i32 to index
        %get3A_385 = arith.index_cast %scan3A_326 : i32 to index
        %get3A_386 = arith.constant 32 : index
        %get3A_387 = tpu.vector_load %arg18[%get3A_384, %get3A_385, %get3A_386] {strides = array<i32>} : memref<2x96x64xf32, #tpu.memory_space<vmem>>, vector<1x1x16xf32>,
        %get3A_388 = vector.shape_cast %get3A_387 : vector<1x1x16xf32> to vector<16xf32>
        %mul3A_389 = arith.mulf %get3A_388, %broadcast_in_dim3A : vector<16xf32>
        %swap3A_390 = arith.constant 1 : i32
        %swap3A_391 = arith.index_cast %swap3A_390 : i32 to index
        %swap3A_392 = arith.index_cast %scan3A_326 : i32 to index
        %swap3A_393 = arith.constant 32 : index
        %swap3A_394 = tpu.vector_load %arg18[%swap3A_391, %swap3A_392, %swap3A_393] {strides = array<i32>} : memref<2x96x64xf32, #tpu.memory_space<vmem>>, vector<1x1x16xf32>,
        %swap3A_395 = vector.shape_cast %swap3A_394 : vector<1x1x16xf32> to vector<16xf32>
        %swap3A_396 = vector.shape_cast %mul3A_389 : vector<16xf32> to vector<1x1x16xf32>
        tpu.vector_store %arg18[%swap3A_391, %swap3A_392, %swap3A_393], %swap3A_396 {strides = array<i32>} : memref<2x96x64xf32, #tpu.memory_space<vmem>>, vector<1x1x16xf32>,
        %get3A_397 = arith.constant 1 : i32
        %get3A_398 = arith.index_cast %get3A_397 : i32 to index
        %get3A_399 = arith.index_cast %scan3A_326 : i32 to index
        %get3A_400 = arith.constant 48 : index
        %get3A_401 = tpu.vector_load %arg18[%get3A_398, %get3A_399, %get3A_400] {strides = array<i32>} : memref<2x96x64xf32, #tpu.memory_space<vmem>>, vector<1x1x16xf32>,
        %get3A_402 = vector.shape_cast %get3A_401 : vector<1x1x16xf32> to vector<16xf32>
        %mul3A_403 = arith.mulf %get3A_402, %broadcast_in_dim3A : vector<16xf32>
        %swap3A_404 = arith.constant 1 : i32
        %swap3A_405 = arith.index_cast %swap3A_404 : i32 to index
        %swap3A_406 = arith.index_cast %scan3A_326 : i32 to index
        %swap3A_407 = arith.constant 48 : index
        %swap3A_408 = tpu.vector_load %arg18[%swap3A_405, %swap3A_406, %swap3A_407] {strides = array<i32>} : memref<2x96x64xf32, #tpu.memory_space<vmem>>, vector<1x1x16xf32>,
        %swap3A_409 = vector.shape_cast %swap3A_408 : vector<1x1x16xf32> to vector<16xf32>
        %swap3A_410 = vector.shape_cast %mul3A_403 : vector<16xf32> to vector<1x1x16xf32>
        tpu.vector_store %arg18[%swap3A_405, %swap3A_406, %swap3A_407], %swap3A_410 {strides = array<i32>} : memref<2x96x64xf32, #tpu.memory_space<vmem>>, vector<1x1x16xf32>,
        %scan3A_411 = arith.constant 1 : i32
        %scan3A_412 = arith.addi %scan3A_326, %scan3A_411 : i32
        %get3A_413 = arith.constant 1 : i32
        %get3A_414 = arith.index_cast %get3A_413 : i32 to index
        %get3A_415 = arith.index_cast %scan3A_412 : i32 to index
        %get3A_416 = arith.constant 0 : index
        %get3A_417 = tpu.vector_load %arg14[%get3A_414, %get3A_415, %get3A_416] {strides = array<i32>} : memref<2x96x16xf32, #tpu.memory_space<vmem>>, vector<1x1x16xf32>,
        %get3A_418 = vector.shape_cast %get3A_417 : vector<1x1x16xf32> to vector<16xf32>
        %get3A_419 = arith.constant 1 : i32
        %get3A_420 = arith.index_cast %get3A_419 : i32 to index
        %get3A_421 = arith.index_cast %scan3A_412 : i32 to index
        %get3A_422 = arith.constant 0 : index
        %get3A_423 = tpu.vector_load %arg15[%get3A_420, %get3A_421, %get3A_422] {strides = array<i32>} : memref<2x96x16xf32, #tpu.memory_space<vmem>>, vector<1x1x16xf32>,
        %get3A_424 = vector.shape_cast %get3A_423 : vector<1x1x16xf32> to vector<16xf32>
        %add3A_425 = arith.addf %get3A_418, %get3A_424 : vector<16xf32>
        %get3A_426 = arith.constant 1 : i32
        %get3A_427 = arith.index_cast %get3A_426 : i32 to index
        %get3A_428 = arith.index_cast %scan3A_412 : i32 to index
        %get3A_429 = arith.constant 0 : index
        %get3A_430 = tpu.vector_load %arg16[%get3A_427, %get3A_428, %get3A_429] {strides = array<i32>} : memref<2x96x16xf32, #tpu.memory_space<vmem>>, vector<1x1x16xf32>,
        %get3A_431 = vector.shape_cast %get3A_430 : vector<1x1x16xf32> to vector<16xf32>
        %add3A_432 = arith.addf %add3A_425, %get3A_431 : vector<16xf32>
        %mul3A_433 = arith.constant 2.000000e-01 : f32
        %mul3A_434 = vector.broadcast %mul3A_433 : f32 to vector<16xf32>
        %mul3A_435 = arith.mulf %add3A_432, %mul3A_434 : vector<16xf32>
        %max3A_436 = arith.maximumf %add3A_432, %mul3A_435 : vector<16xf32>
        %exp3A_437 = math.exp %max3A_436 : vector<16xf32>
        %swap3A_438 = arith.constant 1 : i32
        %swap3A_439 = arith.index_cast %swap3A_438 : i32 to index
        %swap3A_440 = arith.index_cast %scan3A_412 : i32 to index
        %swap3A_441 = arith.constant 0 : index
        %swap3A_442 = tpu.vector_load %arg17[%swap3A_439, %swap3A_440, %swap3A_441] {strides = array<i32>} : memref<2x96x16xf32, #tpu.memory_space<vmem>>, vector<1x1x16xf32>,
        %swap3A_443 = vector.shape_cast %swap3A_442 : vector<1x1x16xf32> to vector<16xf32>
        %swap3A_444 = vector.shape_cast %exp3A_437 : vector<16xf32> to vector<1x1x16xf32>
        tpu.vector_store %arg17[%swap3A_439, %swap3A_440, %swap3A_441], %swap3A_444 {strides = array<i32>} : memref<2x96x16xf32, #tpu.memory_space<vmem>>, vector<1x1x16xf32>,
        %slice3A_445 = vector.extract_strided_slice %exp3A_437 {offsets = [0], sizes = [1], strides = [1]} : vector<16xf32> to vector<1xf32>
        %squeeze3A_446 = vector.extract %slice3A_445[0] : f32 from vector<1xf32>
        %broadcast_in_dim3A_447 = vector.broadcast %squeeze3A_446 : f32 to vector<16xf32>
        %get3A_448 = arith.constant 1 : i32
        %get3A_449 = arith.index_cast %get3A_448 : i32 to index
        %get3A_450 = arith.index_cast %scan3A_412 : i32 to index
        %get3A_451 = arith.constant 0 : index
        %get3A_452 = tpu.vector_load %arg18[%get3A_449, %get3A_450, %get3A_451] {strides = array<i32>} : memref<2x96x64xf32, #tpu.memory_space<vmem>>, vector<1x1x16xf32>,
        %get3A_453 = vector.shape_cast %get3A_452 : vector<1x1x16xf32> to vector<16xf32>
        %mul3A_454 = arith.mulf %get3A_453, %broadcast_in_dim3A_447 : vector<16xf32>
        %swap3A_455 = arith.constant 1 : i32
        %swap3A_456 = arith.index_cast %swap3A_455 : i32 to index
        %swap3A_457 = arith.index_cast %scan3A_412 : i32 to index
        %swap3A_458 = arith.constant 0 : index
        %swap3A_459 = tpu.vector_load %arg18[%swap3A_456, %swap3A_457, %swap3A_458] {strides = array<i32>} : memref<2x96x64xf32, #tpu.memory_space<vmem>>, vector<1x1x16xf32>,
        %swap3A_460 = vector.shape_cast %swap3A_459 : vector<1x1x16xf32> to vector<16xf32>
        %swap3A_461 = vector.shape_cast %mul3A_454 : vector<16xf32> to vector<1x1x16xf32>
        tpu.vector_store %arg18[%swap3A_456, %swap3A_457, %swap3A_458], %swap3A_461 {strides = array<i32>} : memref<2x96x64xf32, #tpu.memory_space<vmem>>, vector<1x1x16xf32>,
        %get3A_462 = arith.constant 1 : i32
        %get3A_463 = arith.index_cast %get3A_462 : i32 to index
        %get3A_464 = arith.index_cast %scan3A_412 : i32 to index
        %get3A_465 = arith.constant 16 : index
        %get3A_466 = tpu.vector_load %arg18[%get3A_463, %get3A_464, %get3A_465] {strides = array<i32>} : memref<2x96x64xf32, #tpu.memory_space<vmem>>, vector<1x1x16xf32>,
        %get3A_467 = vector.shape_cast %get3A_466 : vector<1x1x16xf32> to vector<16xf32>
        %mul3A_468 = arith.mulf %get3A_467, %broadcast_in_dim3A_447 : vector<16xf32>
        %swap3A_469 = arith.constant 1 : i32
        %swap3A_470 = arith.index_cast %swap3A_469 : i32 to index
        %swap3A_471 = arith.index_cast %scan3A_412 : i32 to index
        %swap3A_472 = arith.constant 16 : index
        %swap3A_473 = tpu.vector_load %arg18[%swap3A_470, %swap3A_471, %swap3A_472] {strides = array<i32>} : memref<2x96x64xf32, #tpu.memory_space<vmem>>, vector<1x1x16xf32>,
        %swap3A_474 = vector.shape_cast %swap3A_473 : vector<1x1x16xf32> to vector<16xf32>
        %swap3A_475 = vector.shape_cast %mul3A_468 : vector<16xf32> to vector<1x1x16xf32>
        tpu.vector_store %arg18[%swap3A_470, %swap3A_471, %swap3A_472], %swap3A_475 {strides = array<i32>} : memref<2x96x64xf32, #tpu.memory_space<vmem>>, vector<1x1x16xf32>,
        %get3A_476 = arith.constant 1 : i32
        %get3A_477 = arith.index_cast %get3A_476 : i32 to index
        %get3A_478 = arith.index_cast %scan3A_412 : i32 to index
        %get3A_479 = arith.constant 32 : index
        %get3A_480 = tpu.vector_load %arg18[%get3A_477, %get3A_478, %get3A_479] {strides = array<i32>} : memref<2x96x64xf32, #tpu.memory_space<vmem>>, vector<1x1x16xf32>,
        %get3A_481 = vector.shape_cast %get3A_480 : vector<1x1x16xf32> to vector<16xf32>
        %mul3A_482 = arith.mulf %get3A_481, %broadcast_in_dim3A_447 : vector<16xf32>
        %swap3A_483 = arith.constant 1 : i32
        %swap3A_484 = arith.index_cast %swap3A_483 : i32 to index
        %swap3A_485 = arith.index_cast %scan3A_412 : i32 to index
        %swap3A_486 = arith.constant 32 : index
        %swap3A_487 = tpu.vector_load %arg18[%swap3A_484, %swap3A_485, %swap3A_486] {strides = array<i32>} : memref<2x96x64xf32, #tpu.memory_space<vmem>>, vector<1x1x16xf32>,
        %swap3A_488 = vector.shape_cast %swap3A_487 : vector<1x1x16xf32> to vector<16xf32>
        %swap3A_489 = vector.shape_cast %mul3A_482 : vector<16xf32> to vector<1x1x16xf32>
        tpu.vector_store %arg18[%swap3A_484, %swap3A_485, %swap3A_486], %swap3A_489 {strides = array<i32>} : memref<2x96x64xf32, #tpu.memory_space<vmem>>, vector<1x1x16xf32>,
        %get3A_490 = arith.constant 1 : i32
        %get3A_491 = arith.index_cast %get3A_490 : i32 to index
        %get3A_492 = arith.index_cast %scan3A_412 : i32 to index
        %get3A_493 = arith.constant 48 : index
        %get3A_494 = tpu.vector_load %arg18[%get3A_491, %get3A_492, %get3A_493] {strides = array<i32>} : memref<2x96x64xf32, #tpu.memory_space<vmem>>, vector<1x1x16xf32>,
        %get3A_495 = vector.shape_cast %get3A_494 : vector<1x1x16xf32> to vector<16xf32>
        %mul3A_496 = arith.mulf %get3A_495, %broadcast_in_dim3A_447 : vector<16xf32>
        %swap3A_497 = arith.constant 1 : i32
        %swap3A_498 = arith.index_cast %swap3A_497 : i32 to index
        %swap3A_499 = arith.index_cast %scan3A_412 : i32 to index
        %swap3A_500 = arith.constant 48 : index
        %swap3A_501 = tpu.vector_load %arg18[%swap3A_498, %swap3A_499, %swap3A_500] {strides = array<i32>} : memref<2x96x64xf32, #tpu.memory_space<vmem>>, vector<1x1x16xf32>,
        %swap3A_502 = vector.shape_cast %swap3A_501 : vector<1x1x16xf32> to vector<16xf32>
        %swap3A_503 = vector.shape_cast %mul3A_496 : vector<16xf32> to vector<1x1x16xf32>
        tpu.vector_store %arg18[%swap3A_498, %swap3A_499, %swap3A_500], %swap3A_503 {strides = array<i32>} : memref<2x96x64xf32, #tpu.memory_space<vmem>>, vector<1x1x16xf32>,
        %scan3A_504 = arith.constant 2 : i32
        %scan3A_505 = arith.addi %scan3A_326, %scan3A_504 : i32
        %get3A_506 = arith.constant 1 : i32
        %get3A_507 = arith.index_cast %get3A_506 : i32 to index
        %get3A_508 = arith.index_cast %scan3A_505 : i32 to index
        %get3A_509 = arith.constant 0 : index
        %get3A_510 = tpu.vector_load %arg14[%get3A_507, %get3A_508, %get3A_509] {strides = array<i32>} : memref<2x96x16xf32, #tpu.memory_space<vmem>>, vector<1x1x16xf32>,
        %get3A_511 = vector.shape_cast %get3A_510 : vector<1x1x16xf32> to vector<16xf32>
        %get3A_512 = arith.constant 1 : i32
        %get3A_513 = arith.index_cast %get3A_512 : i32 to index
        %get3A_514 = arith.index_cast %scan3A_505 : i32 to index
        %get3A_515 = arith.constant 0 : index
        %get3A_516 = tpu.vector_load %arg15[%get3A_513, %get3A_514, %get3A_515] {strides = array<i32>} : memref<2x96x16xf32, #tpu.memory_space<vmem>>, vector<1x1x16xf32>,
        %get3A_517 = vector.shape_cast %get3A_516 : vector<1x1x16xf32> to vector<16xf32>
        %add3A_518 = arith.addf %get3A_511, %get3A_517 : vector<16xf32>
        %get3A_519 = arith.constant 1 : i32
        %get3A_520 = arith.index_cast %get3A_519 : i32 to index
        %get3A_521 = arith.index_cast %scan3A_505 : i32 to index
        %get3A_522 = arith.constant 0 : index
        %get3A_523 = tpu.vector_load %arg16[%get3A_520, %get3A_521, %get3A_522] {strides = array<i32>} : memref<2x96x16xf32, #tpu.memory_space<vmem>>, vector<1x1x16xf32>,
        %get3A_524 = vector.shape_cast %get3A_523 : vector<1x1x16xf32> to vector<16xf32>
        %add3A_525 = arith.addf %add3A_518, %get3A_524 : vector<16xf32>
        %mul3A_526 = arith.constant 2.000000e-01 : f32
        %mul3A_527 = vector.broadcast %mul3A_526 : f32 to vector<16xf32>
        %mul3A_528 = arith.mulf %add3A_525, %mul3A_527 : vector<16xf32>
        %max3A_529 = arith.maximumf %add3A_525, %mul3A_528 : vector<16xf32>
        %exp3A_530 = math.exp %max3A_529 : vector<16xf32>
        %swap3A_531 = arith.constant 1 : i32
        %swap3A_532 = arith.index_cast %swap3A_531 : i32 to index
        %swap3A_533 = arith.index_cast %scan3A_505 : i32 to index
        %swap3A_534 = arith.constant 0 : index
        %swap3A_535 = tpu.vector_load %arg17[%swap3A_532, %swap3A_533, %swap3A_534] {strides = array<i32>} : memref<2x96x16xf32, #tpu.memory_space<vmem>>, vector<1x1x16xf32>,
        %swap3A_536 = vector.shape_cast %swap3A_535 : vector<1x1x16xf32> to vector<16xf32>
        %swap3A_537 = vector.shape_cast %exp3A_530 : vector<16xf32> to vector<1x1x16xf32>
        tpu.vector_store %arg17[%swap3A_532, %swap3A_533, %swap3A_534], %swap3A_537 {strides = array<i32>} : memref<2x96x16xf32, #tpu.memory_space<vmem>>, vector<1x1x16xf32>,
        %slice3A_538 = vector.extract_strided_slice %exp3A_530 {offsets = [0], sizes = [1], strides = [1]} : vector<16xf32> to vector<1xf32>
        %squeeze3A_539 = vector.extract %slice3A_538[0] : f32 from vector<1xf32>
        %broadcast_in_dim3A_540 = vector.broadcast %squeeze3A_539 : f32 to vector<16xf32>
        %get3A_541 = arith.constant 1 : i32
        %get3A_542 = arith.index_cast %get3A_541 : i32 to index
        %get3A_543 = arith.index_cast %scan3A_505 : i32 to index
        %get3A_544 = arith.constant 0 : index
        %get3A_545 = tpu.vector_load %arg18[%get3A_542, %get3A_543, %get3A_544] {strides = array<i32>} : memref<2x96x64xf32, #tpu.memory_space<vmem>>, vector<1x1x16xf32>,
        %get3A_546 = vector.shape_cast %get3A_545 : vector<1x1x16xf32> to vector<16xf32>
        %mul3A_547 = arith.mulf %get3A_546, %broadcast_in_dim3A_540 : vector<16xf32>
        %swap3A_548 = arith.constant 1 : i32
        %swap3A_549 = arith.index_cast %swap3A_548 : i32 to index
        %swap3A_550 = arith.index_cast %scan3A_505 : i32 to index
        %swap3A_551 = arith.constant 0 : index
        %swap3A_552 = tpu.vector_load %arg18[%swap3A_549, %swap3A_550, %swap3A_551] {strides = array<i32>} : memref<2x96x64xf32, #tpu.memory_space<vmem>>, vector<1x1x16xf32>,
        %swap3A_553 = vector.shape_cast %swap3A_552 : vector<1x1x16xf32> to vector<16xf32>
        %swap3A_554 = vector.shape_cast %mul3A_547 : vector<16xf32> to vector<1x1x16xf32>
        tpu.vector_store %arg18[%swap3A_549, %swap3A_550, %swap3A_551], %swap3A_554 {strides = array<i32>} : memref<2x96x64xf32, #tpu.memory_space<vmem>>, vector<1x1x16xf32>,
        %get3A_555 = arith.constant 1 : i32
        %get3A_556 = arith.index_cast %get3A_555 : i32 to index
        %get3A_557 = arith.index_cast %scan3A_505 : i32 to index
        %get3A_558 = arith.constant 16 : index
        %get3A_559 = tpu.vector_load %arg18[%get3A_556, %get3A_557, %get3A_558] {strides = array<i32>} : memref<2x96x64xf32, #tpu.memory_space<vmem>>, vector<1x1x16xf32>,
        %get3A_560 = vector.shape_cast %get3A_559 : vector<1x1x16xf32> to vector<16xf32>
        %mul3A_561 = arith.mulf %get3A_560, %broadcast_in_dim3A_540 : vector<16xf32>
        %swap3A_562 = arith.constant 1 : i32
        %swap3A_563 = arith.index_cast %swap3A_562 : i32 to index
        %swap3A_564 = arith.index_cast %scan3A_505 : i32 to index
        %swap3A_565 = arith.constant 16 : index
        %swap3A_566 = tpu.vector_load %arg18[%swap3A_563, %swap3A_564, %swap3A_565] {strides = array<i32>} : memref<2x96x64xf32, #tpu.memory_space<vmem>>, vector<1x1x16xf32>,
        %swap3A_567 = vector.shape_cast %swap3A_566 : vector<1x1x16xf32> to vector<16xf32>
        %swap3A_568 = vector.shape_cast %mul3A_561 : vector<16xf32> to vector<1x1x16xf32>
        tpu.vector_store %arg18[%swap3A_563, %swap3A_564, %swap3A_565], %swap3A_568 {strides = array<i32>} : memref<2x96x64xf32, #tpu.memory_space<vmem>>, vector<1x1x16xf32>,
        %get3A_569 = arith.constant 1 : i32
        %get3A_570 = arith.index_cast %get3A_569 : i32 to index
        %get3A_571 = arith.index_cast %scan3A_505 : i32 to index
        %get3A_572 = arith.constant 32 : index
        %get3A_573 = tpu.vector_load %arg18[%get3A_570, %get3A_571, %get3A_572] {strides = array<i32>} : memref<2x96x64xf32, #tpu.memory_space<vmem>>, vector<1x1x16xf32>,
        %get3A_574 = vector.shape_cast %get3A_573 : vector<1x1x16xf32> to vector<16xf32>
        %mul3A_575 = arith.mulf %get3A_574, %broadcast_in_dim3A_540 : vector<16xf32>
        %swap3A_576 = arith.constant 1 : i32
        %swap3A_577 = arith.index_cast %swap3A_576 : i32 to index
        %swap3A_578 = arith.index_cast %scan3A_505 : i32 to index
        %swap3A_579 = arith.constant 32 : index
        %swap3A_580 = tpu.vector_load %arg18[%swap3A_577, %swap3A_578, %swap3A_579] {strides = array<i32>} : memref<2x96x64xf32, #tpu.memory_space<vmem>>, vector<1x1x16xf32>,
        %swap3A_581 = vector.shape_cast %swap3A_580 : vector<1x1x16xf32> to vector<16xf32>
        %swap3A_582 = vector.shape_cast %mul3A_575 : vector<16xf32> to vector<1x1x16xf32>
        tpu.vector_store %arg18[%swap3A_577, %swap3A_578, %swap3A_579], %swap3A_582 {strides = array<i32>} : memref<2x96x64xf32, #tpu.memory_space<vmem>>, vector<1x1x16xf32>,
        %get3A_583 = arith.constant 1 : i32
        %get3A_584 = arith.index_cast %get3A_583 : i32 to index
        %get3A_585 = arith.index_cast %scan3A_505 : i32 to index
        %get3A_586 = arith.constant 48 : index
        %get3A_587 = tpu.vector_load %arg18[%get3A_584, %get3A_585, %get3A_586] {strides = array<i32>} : memref<2x96x64xf32, #tpu.memory_space<vmem>>, vector<1x1x16xf32>,
        %get3A_588 = vector.shape_cast %get3A_587 : vector<1x1x16xf32> to vector<16xf32>
        %mul3A_589 = arith.mulf %get3A_588, %broadcast_in_dim3A_540 : vector<16xf32>
        %swap3A_590 = arith.constant 1 : i32
        %swap3A_591 = arith.index_cast %swap3A_590 : i32 to index
        %swap3A_592 = arith.index_cast %scan3A_505 : i32 to index
        %swap3A_593 = arith.constant 48 : index
        %swap3A_594 = tpu.vector_load %arg18[%swap3A_591, %swap3A_592, %swap3A_593] {strides = array<i32>} : memref<2x96x64xf32, #tpu.memory_space<vmem>>, vector<1x1x16xf32>,
        %swap3A_595 = vector.shape_cast %swap3A_594 : vector<1x1x16xf32> to vector<16xf32>
        %swap3A_596 = vector.shape_cast %mul3A_589 : vector<16xf32> to vector<1x1x16xf32>
        tpu.vector_store %arg18[%swap3A_591, %swap3A_592, %swap3A_593], %swap3A_596 {strides = array<i32>} : memref<2x96x64xf32, #tpu.memory_space<vmem>>, vector<1x1x16xf32>,
        %scan3A_597 = arith.constant 3 : i32
        %scan3A_598 = arith.addi %scan3A_326, %scan3A_597 : i32
        %get3A_599 = arith.constant 1 : i32
        %get3A_600 = arith.index_cast %get3A_599 : i32 to index
        %get3A_601 = arith.index_cast %scan3A_598 : i32 to index
        %get3A_602 = arith.constant 0 : index
        %get3A_603 = tpu.vector_load %arg14[%get3A_600, %get3A_601, %get3A_602] {strides = array<i32>} : memref<2x96x16xf32, #tpu.memory_space<vmem>>, vector<1x1x16xf32>,
        %get3A_604 = vector.shape_cast %get3A_603 : vector<1x1x16xf32> to vector<16xf32>
        %get3A_605 = arith.constant 1 : i32
        %get3A_606 = arith.index_cast %get3A_605 : i32 to index
        %get3A_607 = arith.index_cast %scan3A_598 : i32 to index
        %get3A_608 = arith.constant 0 : index
        %get3A_609 = tpu.vector_load %arg15[%get3A_606, %get3A_607, %get3A_608] {strides = array<i32>} : memref<2x96x16xf32, #tpu.memory_space<vmem>>, vector<1x1x16xf32>,
        %get3A_610 = vector.shape_cast %get3A_609 : vector<1x1x16xf32> to vector<16xf32>
        %add3A_611 = arith.addf %get3A_604, %get3A_610 : vector<16xf32>
        %get3A_612 = arith.constant 1 : i32
        %get3A_613 = arith.index_cast %get3A_612 : i32 to index
        %get3A_614 = arith.index_cast %scan3A_598 : i32 to index
        %get3A_615 = arith.constant 0 : index
        %get3A_616 = tpu.vector_load %arg16[%get3A_613, %get3A_614, %get3A_615] {strides = array<i32>} : memref<2x96x16xf32, #tpu.memory_space<vmem>>, vector<1x1x16xf32>,
        %get3A_617 = vector.shape_cast %get3A_616 : vector<1x1x16xf32> to vector<16xf32>
        %add3A_618 = arith.addf %add3A_611, %get3A_617 : vector<16xf32>
        %mul3A_619 = arith.constant 2.000000e-01 : f32
        %mul3A_620 = vector.broadcast %mul3A_619 : f32 to vector<16xf32>
        %mul3A_621 = arith.mulf %add3A_618, %mul3A_620 : vector<16xf32>
        %max3A_622 = arith.maximumf %add3A_618, %mul3A_621 : vector<16xf32>
        %exp3A_623 = math.exp %max3A_622 : vector<16xf32>
        %swap3A_624 = arith.constant 1 : i32
        %swap3A_625 = arith.index_cast %swap3A_624 : i32 to index
        %swap3A_626 = arith.index_cast %scan3A_598 : i32 to index
        %swap3A_627 = arith.constant 0 : index
        %swap3A_628 = tpu.vector_load %arg17[%swap3A_625, %swap3A_626, %swap3A_627] {strides = array<i32>} : memref<2x96x16xf32, #tpu.memory_space<vmem>>, vector<1x1x16xf32>,
        %swap3A_629 = vector.shape_cast %swap3A_628 : vector<1x1x16xf32> to vector<16xf32>
        %swap3A_630 = vector.shape_cast %exp3A_623 : vector<16xf32> to vector<1x1x16xf32>
        tpu.vector_store %arg17[%swap3A_625, %swap3A_626, %swap3A_627], %swap3A_630 {strides = array<i32>} : memref<2x96x16xf32, #tpu.memory_space<vmem>>, vector<1x1x16xf32>,
        %slice3A_631 = vector.extract_strided_slice %exp3A_623 {offsets = [0], sizes = [1], strides = [1]} : vector<16xf32> to vector<1xf32>
        %squeeze3A_632 = vector.extract %slice3A_631[0] : f32 from vector<1xf32>
        %broadcast_in_dim3A_633 = vector.broadcast %squeeze3A_632 : f32 to vector<16xf32>
        %get3A_634 = arith.constant 1 : i32
        %get3A_635 = arith.index_cast %get3A_634 : i32 to index
        %get3A_636 = arith.index_cast %scan3A_598 : i32 to index
        %get3A_637 = arith.constant 0 : index
        %get3A_638 = tpu.vector_load %arg18[%get3A_635, %get3A_636, %get3A_637] {strides = array<i32>} : memref<2x96x64xf32, #tpu.memory_space<vmem>>, vector<1x1x16xf32>,
        %get3A_639 = vector.shape_cast %get3A_638 : vector<1x1x16xf32> to vector<16xf32>
        %mul3A_640 = arith.mulf %get3A_639, %broadcast_in_dim3A_633 : vector<16xf32>
        %swap3A_641 = arith.constant 1 : i32
        %swap3A_642 = arith.index_cast %swap3A_641 : i32 to index
        %swap3A_643 = arith.index_cast %scan3A_598 : i32 to index
        %swap3A_644 = arith.constant 0 : index
        %swap3A_645 = tpu.vector_load %arg18[%swap3A_642, %swap3A_643, %swap3A_644] {strides = array<i32>} : memref<2x96x64xf32, #tpu.memory_space<vmem>>, vector<1x1x16xf32>,
        %swap3A_646 = vector.shape_cast %swap3A_645 : vector<1x1x16xf32> to vector<16xf32>
        %swap3A_647 = vector.shape_cast %mul3A_640 : vector<16xf32> to vector<1x1x16xf32>
        tpu.vector_store %arg18[%swap3A_642, %swap3A_643, %swap3A_644], %swap3A_647 {strides = array<i32>} : memref<2x96x64xf32, #tpu.memory_space<vmem>>, vector<1x1x16xf32>,
        %get3A_648 = arith.constant 1 : i32
        %get3A_649 = arith.index_cast %get3A_648 : i32 to index
        %get3A_650 = arith.index_cast %scan3A_598 : i32 to index
        %get3A_651 = arith.constant 16 : index
        %get3A_652 = tpu.vector_load %arg18[%get3A_649, %get3A_650, %get3A_651] {strides = array<i32>} : memref<2x96x64xf32, #tpu.memory_space<vmem>>, vector<1x1x16xf32>,
        %get3A_653 = vector.shape_cast %get3A_652 : vector<1x1x16xf32> to vector<16xf32>
        %mul3A_654 = arith.mulf %get3A_653, %broadcast_in_dim3A_633 : vector<16xf32>
        %swap3A_655 = arith.constant 1 : i32
        %swap3A_656 = arith.index_cast %swap3A_655 : i32 to index
        %swap3A_657 = arith.index_cast %scan3A_598 : i32 to index
        %swap3A_658 = arith.constant 16 : index
        %swap3A_659 = tpu.vector_load %arg18[%swap3A_656, %swap3A_657, %swap3A_658] {strides = array<i32>} : memref<2x96x64xf32, #tpu.memory_space<vmem>>, vector<1x1x16xf32>,
        %swap3A_660 = vector.shape_cast %swap3A_659 : vector<1x1x16xf32> to vector<16xf32>
        %swap3A_661 = vector.shape_cast %mul3A_654 : vector<16xf32> to vector<1x1x16xf32>
        tpu.vector_store %arg18[%swap3A_656, %swap3A_657, %swap3A_658], %swap3A_661 {strides = array<i32>} : memref<2x96x64xf32, #tpu.memory_space<vmem>>, vector<1x1x16xf32>,
        %get3A_662 = arith.constant 1 : i32
        %get3A_663 = arith.index_cast %get3A_662 : i32 to index
        %get3A_664 = arith.index_cast %scan3A_598 : i32 to index
        %get3A_665 = arith.constant 32 : index
        %get3A_666 = tpu.vector_load %arg18[%get3A_663, %get3A_664, %get3A_665] {strides = array<i32>} : memref<2x96x64xf32, #tpu.memory_space<vmem>>, vector<1x1x16xf32>,
        %get3A_667 = vector.shape_cast %get3A_666 : vector<1x1x16xf32> to vector<16xf32>
        %mul3A_668 = arith.mulf %get3A_667, %broadcast_in_dim3A_633 : vector<16xf32>
        %swap3A_669 = arith.constant 1 : i32
        %swap3A_670 = arith.index_cast %swap3A_669 : i32 to index
        %swap3A_671 = arith.index_cast %scan3A_598 : i32 to index
        %swap3A_672 = arith.constant 32 : index
        %swap3A_673 = tpu.vector_load %arg18[%swap3A_670, %swap3A_671, %swap3A_672] {strides = array<i32>} : memref<2x96x64xf32, #tpu.memory_space<vmem>>, vector<1x1x16xf32>,
        %swap3A_674 = vector.shape_cast %swap3A_673 : vector<1x1x16xf32> to vector<16xf32>
        %swap3A_675 = vector.shape_cast %mul3A_668 : vector<16xf32> to vector<1x1x16xf32>
        tpu.vector_store %arg18[%swap3A_670, %swap3A_671, %swap3A_672], %swap3A_675 {strides = array<i32>} : memref<2x96x64xf32, #tpu.memory_space<vmem>>, vector<1x1x16xf32>,
        %get3A_676 = arith.constant 1 : i32
        %get3A_677 = arith.index_cast %get3A_676 : i32 to index
        %get3A_678 = arith.index_cast %scan3A_598 : i32 to index
        %get3A_679 = arith.constant 48 : index
        %get3A_680 = tpu.vector_load %arg18[%get3A_677, %get3A_678, %get3A_679] {strides = array<i32>} : memref<2x96x64xf32, #tpu.memory_space<vmem>>, vector<1x1x16xf32>,
        %get3A_681 = vector.shape_cast %get3A_680 : vector<1x1x16xf32> to vector<16xf32>
        %mul3A_682 = arith.mulf %get3A_681, %broadcast_in_dim3A_633 : vector<16xf32>
        %swap3A_683 = arith.constant 1 : i32
        %swap3A_684 = arith.index_cast %swap3A_683 : i32 to index
        %swap3A_685 = arith.index_cast %scan3A_598 : i32 to index
        %swap3A_686 = arith.constant 48 : index
        %swap3A_687 = tpu.vector_load %arg18[%swap3A_684, %swap3A_685, %swap3A_686] {strides = array<i32>} : memref<2x96x64xf32, #tpu.memory_space<vmem>>, vector<1x1x16xf32>,
        %swap3A_688 = vector.shape_cast %swap3A_687 : vector<1x1x16xf32> to vector<16xf32>
        %swap3A_689 = vector.shape_cast %mul3A_682 : vector<16xf32> to vector<1x1x16xf32>
        tpu.vector_store %arg18[%swap3A_684, %swap3A_685, %swap3A_686], %swap3A_689 {strides = array<i32>} : memref<2x96x64xf32, #tpu.memory_space<vmem>>, vector<1x1x16xf32>,
      }
      %scan3A_301 = arith.constant 96 : i32
      %dma_start3A_302 = arith.constant 1 : i32
      %dma_start3A_303 = arith.constant 1 : i32
      %dma_start3A_304 = arith.constant 0 : i32
      %dma_start3A_305 = arith.constant 0 : i32
      %dma_start3A_306 = tpu.memref_slice %arg17[%dma_start3A_302, %dma_start3A_304, %dma_start3A_305] : memref<2x96x16xf32, #tpu.memory_space<vmem>> -> memref<1x96x16xf32, #tpu.memory_space<vmem>>
      %dma_start3A_307 = tpu.memref_squeeze %dma_start3A_306 : memref<1x96x16xf32, #tpu.memory_space<vmem>> -> memref<96x16xf32, #tpu.memory_space<vmem>>
      %dma_start3A_308 = arith.constant 0 : i32
      %dma_start3A_309 = tpu.memref_slice %arg13[%dma_start3A_303, %dma_start3A_308] : memref<2x96xi32, #tpu.memory_space<vmem>> -> memref<1x96xi32, #tpu.memory_space<vmem>>
      %dma_start3A_310 = tpu.memref_squeeze %dma_start3A_309 : memref<1x96xi32, #tpu.memory_space<vmem>> -> memref<96xi32, #tpu.memory_space<vmem>>
      %dma_start3A_311 = arith.constant 0 : i32
      %dma_start3A_312 = arith.constant 0 : i32
      %dma_start3A_313 = tpu.memref_slice %arg20[%dma_start3A_311, %dma_start3A_312] : memref<10112x16xf32, #tpu.memory_space<vmem_shared>> -> memref<10112x16xf32, #tpu.memory_space<vmem_shared>>
      tpu.enqueue_indirect_dma source(%dma_start3A_307 : memref<96x16xf32, #tpu.memory_space<vmem>>) target(%dma_start3A_313 : memref<10112x16xf32, #tpu.memory_space<vmem_shared>>) offsets(%dma_start3A_310 : memref<96xi32, #tpu.memory_space<vmem>>) semaphore(%arg24 : memref<!tpu.dma_semaphore, #tpu.memory_space<semaphore_mem>>) {add = true}
      %dma_start3A_314 = arith.constant 1 : i32
      %dma_start3A_315 = arith.constant 1 : i32
      %dma_start3A_316 = arith.constant 0 : i32
      %dma_start3A_317 = arith.constant 0 : i32
      %dma_start3A_318 = tpu.memref_slice %arg18[%dma_start3A_314, %dma_start3A_316, %dma_start3A_317] : memref<2x96x64xf32, #tpu.memory_space<vmem>> -> memref<1x96x64xf32, #tpu.memory_space<vmem>>
      %dma_start3A_319 = tpu.memref_squeeze %dma_start3A_318 : memref<1x96x64xf32, #tpu.memory_space<vmem>> -> memref<96x64xf32, #tpu.memory_space<vmem>>
      %dma_start3A_320 = arith.constant 0 : i32
      %dma_start3A_321 = tpu.memref_slice %arg13[%dma_start3A_315, %dma_start3A_320] : memref<2x96xi32, #tpu.memory_space<vmem>> -> memref<1x96xi32, #tpu.memory_space<vmem>>
      %dma_start3A_322 = tpu.memref_squeeze %dma_start3A_321 : memref<1x96xi32, #tpu.memory_space<vmem>> -> memref<96xi32, #tpu.memory_space<vmem>>
      %dma_start3A_323 = arith.constant 0 : i32
      %dma_start3A_324 = arith.constant 0 : i32
      %dma_start3A_325 = tpu.memref_slice %arg19[%dma_start3A_323, %dma_start3A_324] : memref<10112x64xf32, #tpu.memory_space<vmem_shared>> -> memref<10112x64xf32, #tpu.memory_space<vmem_shared>>
      tpu.enqueue_indirect_dma source(%dma_start3A_319 : memref<96x64xf32, #tpu.memory_space<vmem>>) target(%dma_start3A_325 : memref<10112x64xf32, #tpu.memory_space<vmem_shared>>) offsets(%dma_start3A_322 : memref<96xi32, #tpu.memory_space<vmem>>) semaphore(%arg24 : memref<!tpu.dma_semaphore, #tpu.memory_space<semaphore_mem>>) {add = true}
    }
    %scan3A_115 = arith.constant 53 : i32
    %dma_wait3A_116 = arith.constant 1 : i32
    %dma_wait3A_117 = arith.constant 0 : i32
    %dma_wait3A_118 = arith.constant 0 : i32
    %dma_wait3A_119 = tpu.memref_slice %arg17[%dma_wait3A_116, %dma_wait3A_117, %dma_wait3A_118] : memref<2x96x16xf32, #tpu.memory_space<vmem>> -> memref<1x96x16xf32, #tpu.memory_space<vmem>>
    %dma_wait3A_120 = tpu.memref_squeeze %dma_wait3A_119 : memref<1x96x16xf32, #tpu.memory_space<vmem>> -> memref<96x16xf32, #tpu.memory_space<vmem>>
    %dma_wait3A_121 = arith.constant 0 : i32
    %dma_wait3A_122 = arith.constant 0 : i32
    %dma_wait3A_123 = tpu.memref_slice %arg2[%dma_wait3A_121, %dma_wait3A_122] : memref<10112x16xf32, #tpu.memory_space<hbm>> -> memref<96x16xf32, #tpu.memory_space<hbm>>
    %dma_wait3A_124 = arith.constant 0 : i32
    %dma_wait3A_125 = arith.constant 0 : i32
    %dma_wait3A_126 = tpu.memref_slice %arg17[%dma_wait3A_116, %dma_wait3A_124, %dma_wait3A_125] : memref<2x96x16xf32, #tpu.memory_space<vmem>> -> memref<1x96x16xf32, #tpu.memory_space<vmem>>
    %dma_wait3A_127 = tpu.memref_squeeze %dma_wait3A_126 : memref<1x96x16xf32, #tpu.memory_space<vmem>> -> memref<96x16xf32, #tpu.memory_space<vmem>>
    %dma_wait3A_128 = arith.constant 0 : i32
    %dma_wait3A_129 = arith.constant 0 : i32
    %dma_wait3A_130 = tpu.memref_slice %arg2[%dma_wait3A_128, %dma_wait3A_129] : memref<10112x16xf32, #tpu.memory_space<hbm>> -> memref<96x16xf32, #tpu.memory_space<hbm>>
    tpu.wait_dma2 semaphore(%arg24 : memref<!tpu.dma_semaphore, #tpu.memory_space<semaphore_mem>>) src(%dma_wait3A_130 : memref<96x16xf32, #tpu.memory_space<hbm>>) dst(%dma_wait3A_127 : memref<96x16xf32, #tpu.memory_space<vmem>>)
    %dma_wait3A_131 = arith.constant 1 : i32
    %dma_wait3A_132 = arith.constant 0 : i32
    %dma_wait3A_133 = arith.constant 0 : i32
    %dma_wait3A_134 = tpu.memref_slice %arg18[%dma_wait3A_131, %dma_wait3A_132, %dma_wait3A_133] : memref<2x96x64xf32, #tpu.memory_space<vmem>> -> memref<1x96x64xf32, #tpu.memory_space<vmem>>
    %dma_wait3A_135 = tpu.memref_squeeze %dma_wait3A_134 : memref<1x96x64xf32, #tpu.memory_space<vmem>> -> memref<96x64xf32, #tpu.memory_space<vmem>>
    %dma_wait3A_136 = arith.constant 0 : i32
    %dma_wait3A_137 = arith.constant 0 : i32
    %dma_wait3A_138 = tpu.memref_slice %arg4[%dma_wait3A_136, %dma_wait3A_137] : memref<10112x64xf32, #tpu.memory_space<hbm>> -> memref<96x64xf32, #tpu.memory_space<hbm>>
    %dma_wait3A_139 = arith.constant 0 : i32
    %dma_wait3A_140 = arith.constant 0 : i32
    %dma_wait3A_141 = tpu.memref_slice %arg18[%dma_wait3A_131, %dma_wait3A_139, %dma_wait3A_140] : memref<2x96x64xf32, #tpu.memory_space<vmem>> -> memref<1x96x64xf32, #tpu.memory_space<vmem>>
    %dma_wait3A_142 = tpu.memref_squeeze %dma_wait3A_141 : memref<1x96x64xf32, #tpu.memory_space<vmem>> -> memref<96x64xf32, #tpu.memory_space<vmem>>
    %dma_wait3A_143 = arith.constant 0 : i32
    %dma_wait3A_144 = arith.constant 0 : i32
    %dma_wait3A_145 = tpu.memref_slice %arg4[%dma_wait3A_143, %dma_wait3A_144] : memref<10112x64xf32, #tpu.memory_space<hbm>> -> memref<96x64xf32, #tpu.memory_space<hbm>>
    tpu.wait_dma2 semaphore(%arg24 : memref<!tpu.dma_semaphore, #tpu.memory_space<semaphore_mem>>) src(%dma_wait3A_145 : memref<96x64xf32, #tpu.memory_space<hbm>>) dst(%dma_wait3A_142 : memref<96x64xf32, #tpu.memory_space<vmem>>)
    %barrier3A_146 = arith.constant 0 : index
    tpu.barrier barrier_id(%barrier3A_146)
    "tpu.region"() ({
      %run_scoped3A = tpu.sem_alloc : memref<!tpu.dma_semaphore, #tpu.memory_space<semaphore_mem>>
      %dma_start3A_147 = arith.constant 0 : i32
      %dma_start3A_148 = tpu.memref_slice %arg10[%arg0, %mul3A_0, %dma_start3A_147] : memref<2x10112x64xf32, #tpu.memory_space<hbm>> -> memref<1x632x64xf32, #tpu.memory_space<hbm>>
      %dma_start3A_149 = tpu.memref_squeeze %dma_start3A_148 : memref<1x632x64xf32, #tpu.memory_space<hbm>> -> memref<632x64xf32, #tpu.memory_space<hbm>>
      %dma_start3A_150 = arith.constant 0 : i32
      %dma_start3A_151 = tpu.memref_slice %arg19[%mul3A_0, %dma_start3A_150] : memref<10112x64xf32, #tpu.memory_space<vmem_shared>> -> memref<632x64xf32, #tpu.memory_space<vmem_shared>>
      tpu.enqueue_dma source(%dma_start3A_151 : memref<632x64xf32, #tpu.memory_space<vmem_shared>>) target(%dma_start3A_149 : memref<632x64xf32, #tpu.memory_space<hbm>>) target_semaphore(%run_scoped3A : memref<!tpu.dma_semaphore, #tpu.memory_space<semaphore_mem>>)
      %dma_wait3A_152 = arith.constant 0 : i32
      %dma_wait3A_153 = tpu.memref_slice %arg10[%arg0, %mul3A_0, %dma_wait3A_152] : memref<2x10112x64xf32, #tpu.memory_space<hbm>> -> memref<1x632x64xf32, #tpu.memory_space<hbm>>
      %dma_wait3A_154 = tpu.memref_squeeze %dma_wait3A_153 : memref<1x632x64xf32, #tpu.memory_space<hbm>> -> memref<632x64xf32, #tpu.memory_space<hbm>>
      %dma_wait3A_155 = arith.constant 0 : i32
      %dma_wait3A_156 = tpu.memref_slice %arg19[%mul3A_0, %dma_wait3A_155] : memref<10112x64xf32, #tpu.memory_space<vmem_shared>> -> memref<632x64xf32, #tpu.memory_space<vmem_shared>>
      tpu.wait_dma2 semaphore(%run_scoped3A : memref<!tpu.dma_semaphore, #tpu.memory_space<semaphore_mem>>) src(%dma_wait3A_156 : memref<632x64xf32, #tpu.memory_space<vmem_shared>>) dst(%dma_wait3A_154 : memref<632x64xf32, #tpu.memory_space<hbm>>)
      tpu.yield
    }) : () -> ()
    "tpu.region"() ({
      %run_scoped3A = tpu.sem_alloc : memref<!tpu.dma_semaphore, #tpu.memory_space<semaphore_mem>>
      %dma_start3A_147 = arith.constant 0 : i32
      %dma_start3A_148 = tpu.memref_slice %arg11[%arg0, %mul3A_0, %dma_start3A_147] : memref<2x10112x16xf32, #tpu.memory_space<hbm>> -> memref<1x632x16xf32, #tpu.memory_space<hbm>>
      %dma_start3A_149 = tpu.memref_squeeze %dma_start3A_148 : memref<1x632x16xf32, #tpu.memory_space<hbm>> -> memref<632x16xf32, #tpu.memory_space<hbm>>
      %dma_start3A_150 = arith.constant 0 : i32
      %dma_start3A_151 = tpu.memref_slice %arg20[%mul3A_0, %dma_start3A_150] : memref<10112x16xf32, #tpu.memory_space<vmem_shared>> -> memref<632x16xf32, #tpu.memory_space<vmem_shared>>
      tpu.enqueue_dma source(%dma_start3A_151 : memref<632x16xf32, #tpu.memory_space<vmem_shared>>) target(%dma_start3A_149 : memref<632x16xf32, #tpu.memory_space<hbm>>) target_semaphore(%run_scoped3A : memref<!tpu.dma_semaphore, #tpu.memory_space<semaphore_mem>>)
      %dma_wait3A_152 = arith.constant 0 : i32
      %dma_wait3A_153 = tpu.memref_slice %arg11[%arg0, %mul3A_0, %dma_wait3A_152] : memref<2x10112x16xf32, #tpu.memory_space<hbm>> -> memref<1x632x16xf32, #tpu.memory_space<hbm>>
      %dma_wait3A_154 = tpu.memref_squeeze %dma_wait3A_153 : memref<1x632x16xf32, #tpu.memory_space<hbm>> -> memref<632x16xf32, #tpu.memory_space<hbm>>
      %dma_wait3A_155 = arith.constant 0 : i32
      %dma_wait3A_156 = tpu.memref_slice %arg20[%mul3A_0, %dma_wait3A_155] : memref<10112x16xf32, #tpu.memory_space<vmem_shared>> -> memref<632x16xf32, #tpu.memory_space<vmem_shared>>
      tpu.wait_dma2 semaphore(%run_scoped3A : memref<!tpu.dma_semaphore, #tpu.memory_space<semaphore_mem>>) src(%dma_wait3A_156 : memref<632x16xf32, #tpu.memory_space<vmem_shared>>) dst(%dma_wait3A_154 : memref<632x16xf32, #tpu.memory_space<hbm>>)
      tpu.yield
    }) : () -> ()
    return
  }
}

module attributes {stable_mosaic.version = 14 : i64} {
  func.func @_tc1_body(%arg0: memref<10112x128xf32, #tpu.memory_space<vmem>>, %arg1: memref<128x128xf32, #tpu.memory_space<vmem>>, %arg2: memref<128x16xf32, #tpu.memory_space<vmem>>, %arg3: memref<128x16xf32, #tpu.memory_space<vmem>>, %arg4: memref<10112x128xf32, #tpu.memory_space<vmem>>, %arg5: memref<10112x16xf32, #tpu.memory_space<vmem>>, %arg6: memref<10112x16xf32, #tpu.memory_space<vmem>>) attributes {dimension_semantics = [], scalar_prefetch = 0 : i64, scratch_operands = 0 : i64, tpu.core_type = #tpu.core_type<tc>} {
    %get3A = arith.constant 0 : index
    %get3A_0 = arith.constant 0 : index
    %get3A_1 = vector.load %arg0[%get3A, %get3A_0] : memref<10112x128xf32, #tpu.memory_space<vmem>>, vector<10112x128xf32>
    %get3A_2 = arith.constant 0 : index
    %get3A_3 = arith.constant 0 : index
    %get3A_4 = vector.load %arg1[%get3A_2, %get3A_3] : memref<128x128xf32, #tpu.memory_space<vmem>>, vector<128x128xf32>
    %dot_general3A = arith.constant dense<0.000000e+00> : vector<10112x128xf32>
    %dot_general3A_5 = tpu.matmul %get3A_1, %get3A_4, %dot_general3A {dimension_numbers = #tpu.dot_dimension_numbers<[1], [0], [0], [1], [0, 0, 1, 1], [], []>, transpose_lhs_hint = false} : vector<10112x128xf32>, vector<128x128xf32>, vector<10112x128xf32> -> vector<10112x128xf32>
    %swap3A = arith.constant 0 : index
    %swap3A_6 = arith.constant 0 : index
    %swap3A_7 = vector.load %arg4[%swap3A, %swap3A_6] : memref<10112x128xf32, #tpu.memory_space<vmem>>, vector<10112x128xf32>
    tpu.vector_store %arg4[%swap3A, %swap3A_6], %dot_general3A_5 {strides = array<i32>} : memref<10112x128xf32, #tpu.memory_space<vmem>>, vector<10112x128xf32>,
    %get3A_8 = arith.constant 0 : index
    %get3A_9 = arith.constant 0 : index
    %get3A_10 = vector.load %arg2[%get3A_8, %get3A_9] : memref<128x16xf32, #tpu.memory_space<vmem>>, vector<128x16xf32>
    %dot_general3A_11 = arith.constant dense<0.000000e+00> : vector<10112x16xf32>
    %dot_general3A_12 = tpu.matmul %dot_general3A_5, %get3A_10, %dot_general3A_11 {dimension_numbers = #tpu.dot_dimension_numbers<[1], [0], [0], [1], [0, 0, 1, 1], [], []>, transpose_lhs_hint = false} : vector<10112x128xf32>, vector<128x16xf32>, vector<10112x16xf32> -> vector<10112x16xf32>
    %swap3A_13 = arith.constant 0 : index
    %swap3A_14 = arith.constant 0 : index
    %swap3A_15 = vector.load %arg5[%swap3A_13, %swap3A_14] : memref<10112x16xf32, #tpu.memory_space<vmem>>, vector<10112x16xf32>
    tpu.vector_store %arg5[%swap3A_13, %swap3A_14], %dot_general3A_12 {strides = array<i32>} : memref<10112x16xf32, #tpu.memory_space<vmem>>, vector<10112x16xf32>,
    %get3A_16 = arith.constant 0 : index
    %get3A_17 = arith.constant 0 : index
    %get3A_18 = vector.load %arg3[%get3A_16, %get3A_17] : memref<128x16xf32, #tpu.memory_space<vmem>>, vector<128x16xf32>
    %dot_general3A_19 = arith.constant dense<0.000000e+00> : vector<10112x16xf32>
    %dot_general3A_20 = tpu.matmul %dot_general3A_5, %get3A_18, %dot_general3A_19 {dimension_numbers = #tpu.dot_dimension_numbers<[1], [0], [0], [1], [0, 0, 1, 1], [], []>, transpose_lhs_hint = false} : vector<10112x128xf32>, vector<128x16xf32>, vector<10112x16xf32> -> vector<10112x16xf32>
    %swap3A_21 = arith.constant 0 : index
    %swap3A_22 = arith.constant 0 : index
    %swap3A_23 = vector.load %arg6[%swap3A_21, %swap3A_22] : memref<10112x16xf32, #tpu.memory_space<vmem>>, vector<10112x16xf32>
    tpu.vector_store %arg6[%swap3A_21, %swap3A_22], %dot_general3A_20 {strides = array<i32>} : memref<10112x16xf32, #tpu.memory_space<vmem>>, vector<10112x16xf32>,
    return
  }
}

module attributes {stable_mosaic.version = 14 : i64} {
  func.func @_tc_prep_body(%arg0: i32, %arg1: memref<3072x1xf32, #tpu.memory_space<vmem>>, %arg2: memref<1x16xf32, #tpu.memory_space<vmem>>, %arg3: memref<1x16xf32, #tpu.memory_space<vmem>>, %arg4: memref<3072x16xf32, #tpu.memory_space<vmem>>, %arg5: memref<3072x16xf32, #tpu.memory_space<vmem>>, %arg6: memref<1x1xf32, #tpu.memory_space<vmem>>) attributes {dimension_semantics = [#tpu.dimension_semantics<arbitrary>], iteration_bounds = array<i64: 106>, scalar_prefetch = 0 : i64, scratch_operands = 0 : i64, tpu.core_type = #tpu.core_type<tc>, window_params = [{transform_indices = @transform_0, window_bounds = array<i64: 3072, 1>}, {pipeline_mode = #tpu.pipeline_mode<synchronous>, transform_indices = @transform_1, window_bounds = array<i64: 1, 16>}, {pipeline_mode = #tpu.pipeline_mode<synchronous>, transform_indices = @transform_2, window_bounds = array<i64: 1, 16>}, {transform_indices = @transform_3, window_bounds = array<i64: 3072, 16>}, {transform_indices = @transform_4, window_bounds = array<i64: 3072, 16>}, {pipeline_mode = #tpu.pipeline_mode<synchronous>, transform_indices = @transform_5, window_bounds = array<i64: 1, 1>}]} {
    %get3A = arith.constant 0 : index
    %get3A_0 = arith.constant 0 : index
    %get3A_1 = vector.load %arg1[%get3A, %get3A_0] : memref<3072x1xf32, #tpu.memory_space<vmem>>, vector<3072x1xf32>
    %get3A_2 = arith.constant 0 : index
    %get3A_3 = arith.constant 0 : index
    %get3A_4 = vector.load %arg2[%get3A_2, %get3A_3] : memref<1x16xf32, #tpu.memory_space<vmem>>, vector<1x16xf32>
    %dot_general3A = arith.constant dense<0.000000e+00> : vector<3072x16xf32>
    %dot_general3A_5 = tpu.matmul %get3A_1, %get3A_4, %dot_general3A {dimension_numbers = #tpu.dot_dimension_numbers<[1], [0], [0], [1], [0, 0, 1, 1], [], []>, transpose_lhs_hint = false} : vector<3072x1xf32>, vector<1x16xf32>, vector<3072x16xf32> -> vector<3072x16xf32>
    %swap3A = arith.constant 0 : index
    %swap3A_6 = arith.constant 0 : index
    %swap3A_7 = vector.load %arg4[%swap3A, %swap3A_6] : memref<3072x16xf32, #tpu.memory_space<vmem>>, vector<3072x16xf32>
    tpu.vector_store %arg4[%swap3A, %swap3A_6], %dot_general3A_5 {strides = array<i32>} : memref<3072x16xf32, #tpu.memory_space<vmem>>, vector<3072x16xf32>,
    %get3A_8 = arith.constant 0 : index
    %get3A_9 = arith.constant 0 : index
    %get3A_10 = vector.load %arg3[%get3A_8, %get3A_9] : memref<1x16xf32, #tpu.memory_space<vmem>>, vector<1x16xf32>
    %dot_general3A_11 = arith.constant dense<0.000000e+00> : vector<3072x16xf32>
    %dot_general3A_12 = tpu.matmul %get3A_1, %get3A_10, %dot_general3A_11 {dimension_numbers = #tpu.dot_dimension_numbers<[1], [0], [0], [1], [0, 0, 1, 1], [], []>, transpose_lhs_hint = false} : vector<3072x1xf32>, vector<1x16xf32>, vector<3072x16xf32> -> vector<3072x16xf32>
    %swap3A_13 = arith.constant 0 : index
    %swap3A_14 = arith.constant 0 : index
    %swap3A_15 = vector.load %arg5[%swap3A_13, %swap3A_14] : memref<3072x16xf32, #tpu.memory_space<vmem>>, vector<3072x16xf32>
    tpu.vector_store %arg5[%swap3A_13, %swap3A_14], %dot_general3A_12 {strides = array<i32>} : memref<3072x16xf32, #tpu.memory_space<vmem>>, vector<3072x16xf32>,
    %mul3A = arith.constant 3072 : i32
    %mul3A_16 = arith.muli %arg0, %mul3A : i32
    %iota3A = tpu.iota {dimensions = array<i32: 0>} : vector<3072x1xi32>
    %add3A = vector.broadcast %mul3A_16 : i32 to vector<3072x1xi32>
    %add3A_17 = arith.addi %add3A, %iota3A : vector<3072x1xi32>
    %lt3A = arith.constant 320000 : i32
    %lt3A_18 = vector.broadcast %lt3A : i32 to vector<3072x1xi32>
    %lt3A_19 = arith.cmpi slt, %add3A_17, %lt3A_18 : vector<3072x1xi32>
    %jit3A = arith.constant 0.000000e+00 : f32
    %broadcast_in_dim3A = vector.broadcast %jit3A : f32 to vector<3072x1xf32>
    %select_n3A = arith.select %lt3A_19, %get3A_1, %broadcast_in_dim3A : vector<3072x1xi1>, vector<3072x1xf32>
    %reduce_sum3A = arith.constant dense<0.000000e+00> : vector<1xf32>
    %reduce_sum3A_20 = vector.multi_reduction <add>, %select_n3A, %reduce_sum3A [0] : vector<3072x1xf32> to vector<1xf32>
    %broadcast_in_dim3A_21 = vector.shape_cast %reduce_sum3A_20 : vector<1xf32> to vector<1x1xf32>
    %div3A = arith.constant 3.200000e+05 : f32
    %div3A_22 = vector.broadcast %div3A : f32 to vector<1x1xf32>
    %div3A_23 = arith.divf %broadcast_in_dim3A_21, %div3A_22 : vector<1x1xf32>
    %eq3A = arith.constant 0 : i32
    %eq3A_24 = arith.cmpi eq, %arg0, %eq3A : i32
    %convert_element_type3A = arith.extui %eq3A_24 : i1 to i32
    %cond3A = arith.constant 0 : i32
    %cond3A_25 = arith.cmpi ne, %convert_element_type3A, %cond3A : i32
    scf.if %cond3A_25 {
      %broadcast_in_dim3A_33 = arith.constant 0.000000e+00 : f32
      %broadcast_in_dim3A_34 = vector.broadcast %broadcast_in_dim3A_33 : f32 to vector<1x1xf32>
      %swap3A_35 = arith.constant 0 : index
      %swap3A_36 = arith.constant 0 : index
      %swap3A_37 = vector.load %arg6[%swap3A_35, %swap3A_36] : memref<1x1xf32, #tpu.memory_space<vmem>>, vector<1x1xf32>
      tpu.vector_store %arg6[%swap3A_35, %swap3A_36], %broadcast_in_dim3A_34 {strides = array<i32>} : memref<1x1xf32, #tpu.memory_space<vmem>>, vector<1x1xf32>,
    } else {
    }
    %get3A_26 = arith.constant 0 : index
    %get3A_27 = arith.constant 0 : index
    %get3A_28 = vector.load %arg6[%get3A_26, %get3A_27] : memref<1x1xf32, #tpu.memory_space<vmem>>, vector<1x1xf32>
    %add3A_29 = arith.addf %get3A_28, %div3A_23 : vector<1x1xf32>
    %swap3A_30 = arith.constant 0 : index
    %swap3A_31 = arith.constant 0 : index
    %swap3A_32 = vector.load %arg6[%swap3A_30, %swap3A_31] : memref<1x1xf32, #tpu.memory_space<vmem>>, vector<1x1xf32>
    tpu.vector_store %arg6[%swap3A_30, %swap3A_31], %add3A_29 {strides = array<i32>} : memref<1x1xf32, #tpu.memory_space<vmem>>, vector<1x1xf32>,
    return
  }
  func.func @transform_0(%arg0: i32) -> (i32, i32) {
    %c0_i32 = arith.constant 0 : i32
    %c0_i32_0 = arith.constant 0 : i32
    return %arg0, %c0_i32 : i32, i32
  }
  func.func @transform_1(%arg0: i32) -> (i32, i32) {
    %c0_i32 = arith.constant 0 : i32
    %c0_i32_0 = arith.constant 0 : i32
    %c0_i32_1 = arith.constant 0 : i32
    return %c0_i32, %c0_i32_0 : i32, i32
  }
  func.func @transform_2(%arg0: i32) -> (i32, i32) {
    %c0_i32 = arith.constant 0 : i32
    %c0_i32_0 = arith.constant 0 : i32
    %c0_i32_1 = arith.constant 0 : i32
    return %c0_i32, %c0_i32_0 : i32, i32
  }
  func.func @transform_3(%arg0: i32) -> (i32, i32) {
    %c0_i32 = arith.constant 0 : i32
    %c0_i32_0 = arith.constant 0 : i32
    return %arg0, %c0_i32 : i32, i32
  }
  func.func @transform_4(%arg0: i32) -> (i32, i32) {
    %c0_i32 = arith.constant 0 : i32
    %c0_i32_0 = arith.constant 0 : i32
    return %arg0, %c0_i32 : i32, i32
  }
  func.func @transform_5(%arg0: i32) -> (i32, i32) {
    %c0_i32 = arith.constant 0 : i32
    %c0_i32_0 = arith.constant 0 : i32
    %c0_i32_1 = arith.constant 0 : i32
    return %c0_i32, %c0_i32_0 : i32, i32
  }
}

module attributes {stable_mosaic.version = 14 : i64} {
  func.func @_tc2_body(%arg0: memref<2x10112x128xf32, #tpu.memory_space<vmem>>, %arg1: memref<2x10112x16xf32, #tpu.memory_space<vmem>>, %arg2: memref<10112x128xf32, #tpu.memory_space<vmem>>, %arg3: memref<10112x16xf32, #tpu.memory_space<vmem>>, %arg4: memref<10112x16xf32, #tpu.memory_space<vmem>>, %arg5: memref<1x1xf32, #tpu.memory_space<vmem>>, %arg6: memref<1x16xf32, #tpu.memory_space<vmem>>, %arg7: memref<8x128xf32, #tpu.memory_space<vmem>>, %arg8: memref<128x64xf32, #tpu.memory_space<vmem>>, %arg9: memref<1x128xf32, #tpu.memory_space<vmem>>, %arg10: memref<10112x64xf32, #tpu.memory_space<vmem>>) attributes {dimension_semantics = [], scalar_prefetch = 0 : i64, scratch_operands = 0 : i64, tpu.core_type = #tpu.core_type<tc>} {
    %get3A = arith.constant 0 : index
    %get3A_0 = arith.constant 0 : index
    %get3A_1 = vector.load %arg3[%get3A, %get3A_0] : memref<10112x16xf32, #tpu.memory_space<vmem>>, vector<10112x16xf32>
    %slice3A = vector.extract_strided_slice %get3A_1 {offsets = [0, 0], sizes = [10112, 8], strides = [1, 1]} : vector<10112x16xf32> to vector<10112x8xf32>
    %get3A_2 = arith.constant 0 : index
    %get3A_3 = arith.constant 0 : index
    %get3A_4 = vector.load %arg4[%get3A_2, %get3A_3] : memref<10112x16xf32, #tpu.memory_space<vmem>>, vector<10112x16xf32>
    %slice3A_5 = vector.extract_strided_slice %get3A_4 {offsets = [0, 0], sizes = [10112, 8], strides = [1, 1]} : vector<10112x16xf32> to vector<10112x8xf32>
    %add3A = arith.addf %slice3A, %slice3A_5 : vector<10112x8xf32>
    %get3A_6 = arith.constant 0 : index
    %get3A_7 = arith.constant 0 : index
    %get3A_8 = vector.load %arg5[%get3A_6, %get3A_7] : memref<1x1xf32, #tpu.memory_space<vmem>>, vector<1x1xf32>
    %get3A_9 = vector.extract %get3A_8[0, 0] : f32 from vector<1x1xf32>
    %get3A_10 = arith.constant 0 : index
    %get3A_11 = arith.constant 0 : index
    %get3A_12 = vector.load %arg6[%get3A_10, %get3A_11] : memref<1x16xf32, #tpu.memory_space<vmem>>, vector<1x16xf32>
    %slice3A_13 = vector.extract_strided_slice %get3A_12 {offsets = [0, 0], sizes = [1, 8], strides = [1, 1]} : vector<1x16xf32> to vector<1x8xf32>
    %mul3A = vector.broadcast %get3A_9 : f32 to vector<1x8xf32>
    %mul3A_14 = arith.mulf %mul3A, %slice3A_13 : vector<1x8xf32>
    %add3A_15 = vector.broadcast %mul3A_14 : vector<1x8xf32> to vector<10112x8xf32>
    %add3A_16 = arith.addf %add3A, %add3A_15 : vector<10112x8xf32>
    %mul3A_17 = arith.constant 2.000000e-01 : f32
    %mul3A_18 = vector.broadcast %mul3A_17 : f32 to vector<10112x8xf32>
    %mul3A_19 = arith.mulf %add3A_16, %mul3A_18 : vector<10112x8xf32>
    %max3A = arith.maximumf %add3A_16, %mul3A_19 : vector<10112x8xf32>
    %exp3A = math.exp %max3A : vector<10112x8xf32>
    %get3A_20 = arith.constant 0 : index
    %get3A_21 = arith.constant 0 : index
    %get3A_22 = vector.load %arg7[%get3A_20, %get3A_21] : memref<8x128xf32, #tpu.memory_space<vmem>>, vector<8x128xf32>
    %dot_general3A = arith.constant dense<0.000000e+00> : vector<10112x128xf32>
    %dot_general3A_23 = tpu.matmul %exp3A, %get3A_22, %dot_general3A {dimension_numbers = #tpu.dot_dimension_numbers<[1], [0], [0], [1], [0, 0, 1, 1], [], []>, transpose_lhs_hint = false} : vector<10112x8xf32>, vector<8x128xf32>, vector<10112x128xf32> -> vector<10112x128xf32>
    %get3A_24 = arith.constant 0 : index
    %get3A_25 = arith.constant 0 : index
    %get3A_26 = arith.constant 0 : index
    %get3A_27 = vector.load %arg0[%get3A_24, %get3A_25, %get3A_26] : memref<2x10112x128xf32, #tpu.memory_space<vmem>>, vector<1x10112x128xf32>
    %get3A_28 = vector.shape_cast %get3A_27 : vector<1x10112x128xf32> to vector<10112x128xf32>
    %get3A_29 = arith.constant 1 : index
    %get3A_30 = arith.constant 0 : index
    %get3A_31 = arith.constant 0 : index
    %get3A_32 = vector.load %arg0[%get3A_29, %get3A_30, %get3A_31] : memref<2x10112x128xf32, #tpu.memory_space<vmem>>, vector<1x10112x128xf32>
    %get3A_33 = vector.shape_cast %get3A_32 : vector<1x10112x128xf32> to vector<10112x128xf32>
    %add3A_34 = arith.addf %get3A_28, %get3A_33 : vector<10112x128xf32>
    %get3A_35 = arith.constant 0 : index
    %get3A_36 = arith.constant 0 : index
    %get3A_37 = vector.load %arg2[%get3A_35, %get3A_36] : memref<10112x128xf32, #tpu.memory_space<vmem>>, vector<10112x128xf32>
    %mul3A_38 = arith.mulf %dot_general3A_23, %get3A_37 : vector<10112x128xf32>
    %add3A_39 = arith.addf %add3A_34, %mul3A_38 : vector<10112x128xf32>
    %get3A_40 = arith.constant 0 : index
    %get3A_41 = arith.constant 0 : index
    %get3A_42 = arith.constant 0 : index
    %get3A_43 = vector.load %arg1[%get3A_40, %get3A_41, %get3A_42] : memref<2x10112x16xf32, #tpu.memory_space<vmem>>, vector<1x10112x16xf32>
    %get3A_44 = vector.shape_cast %get3A_43 : vector<1x10112x16xf32> to vector<10112x16xf32>
    %slice3A_45 = vector.extract_strided_slice %get3A_44 {offsets = [0, 0], sizes = [10112, 8], strides = [1, 1]} : vector<10112x16xf32> to vector<10112x8xf32>
    %get3A_46 = arith.constant 1 : index
    %get3A_47 = arith.constant 0 : index
    %get3A_48 = arith.constant 0 : index
    %get3A_49 = vector.load %arg1[%get3A_46, %get3A_47, %get3A_48] : memref<2x10112x16xf32, #tpu.memory_space<vmem>>, vector<1x10112x16xf32>
    %get3A_50 = vector.shape_cast %get3A_49 : vector<1x10112x16xf32> to vector<10112x16xf32>
    %slice3A_51 = vector.extract_strided_slice %get3A_50 {offsets = [0, 0], sizes = [10112, 8], strides = [1, 1]} : vector<10112x16xf32> to vector<10112x8xf32>
    %add3A_52 = arith.addf %slice3A_45, %slice3A_51 : vector<10112x8xf32>
    %add3A_53 = arith.addf %add3A_52, %exp3A : vector<10112x8xf32>
    %get3A_54 = arith.constant 0 : index
    %get3A_55 = arith.constant 0 : index
    %get3A_56 = vector.load %arg7[%get3A_54, %get3A_55] : memref<8x128xf32, #tpu.memory_space<vmem>>, vector<8x128xf32>
    %dot_general3A_57 = arith.constant dense<0.000000e+00> : vector<10112x128xf32>
    %dot_general3A_58 = tpu.matmul %add3A_53, %get3A_56, %dot_general3A_57 {dimension_numbers = #tpu.dot_dimension_numbers<[1], [0], [0], [1], [0, 0, 1, 1], [], []>, transpose_lhs_hint = false} : vector<10112x8xf32>, vector<8x128xf32>, vector<10112x128xf32> -> vector<10112x128xf32>
    %add3A_59 = arith.constant 1.000000e-16 : f32
    %add3A_60 = vector.broadcast %add3A_59 : f32 to vector<10112x128xf32>
    %add3A_61 = arith.addf %dot_general3A_58, %add3A_60 : vector<10112x128xf32>
    %div3A = arith.divf %add3A_39, %add3A_61 : vector<10112x128xf32>
    %get3A_62 = arith.constant 0 : index
    %get3A_63 = arith.constant 0 : index
    %get3A_64 = vector.load %arg9[%get3A_62, %get3A_63] : memref<1x128xf32, #tpu.memory_space<vmem>>, vector<1x128xf32>
    %add3A_65 = vector.broadcast %get3A_64 : vector<1x128xf32> to vector<10112x128xf32>
    %add3A_66 = arith.addf %div3A, %add3A_65 : vector<10112x128xf32>
    %gt3A = arith.constant 0.000000e+00 : f32
    %gt3A_67 = vector.broadcast %gt3A : f32 to vector<10112x128xf32>
    %gt3A_68 = arith.cmpf ogt, %add3A_66, %gt3A_67 : vector<10112x128xf32>
    %min3A = arith.constant 0.000000e+00 : f32
    %min3A_69 = vector.broadcast %min3A : f32 to vector<10112x128xf32>
    %min3A_70 = arith.minimumf %add3A_66, %min3A_69 : vector<10112x128xf32>
    %exp3A_71 = math.exp %min3A_70 : vector<10112x128xf32>
    %sub3A = arith.constant 1.000000e+00 : f32
    %sub3A_72 = vector.broadcast %sub3A : f32 to vector<10112x128xf32>
    %sub3A_73 = arith.subf %exp3A_71, %sub3A_72 : vector<10112x128xf32>
    %select_n3A = arith.select %gt3A_68, %add3A_66, %sub3A_73 : vector<10112x128xi1>, vector<10112x128xf32>
    %get3A_74 = arith.constant 0 : index
    %get3A_75 = arith.constant 0 : index
    %get3A_76 = vector.load %arg8[%get3A_74, %get3A_75] : memref<128x64xf32, #tpu.memory_space<vmem>>, vector<128x64xf32>
    %dot_general3A_77 = arith.constant dense<0.000000e+00> : vector<10112x64xf32>
    %dot_general3A_78 = tpu.matmul %select_n3A, %get3A_76, %dot_general3A_77 {dimension_numbers = #tpu.dot_dimension_numbers<[1], [0], [0], [1], [0, 0, 1, 1], [], []>, transpose_lhs_hint = false} : vector<10112x128xf32>, vector<128x64xf32>, vector<10112x64xf32> -> vector<10112x64xf32>
    %swap3A = arith.constant 0 : index
    %swap3A_79 = arith.constant 0 : index
    %swap3A_80 = vector.load %arg10[%swap3A, %swap3A_79] : memref<10112x64xf32, #tpu.memory_space<vmem>>, vector<10112x64xf32>
    tpu.vector_store %arg10[%swap3A, %swap3A_79], %dot_general3A_78 {strides = array<i32>} : memref<10112x64xf32, #tpu.memory_space<vmem>>, vector<10112x64xf32>,
    return
  }
}

module attributes {stable_mosaic.version = 14 : i64} {
  func.func @_tc2b_body(%arg0: memref<10112x64xf32, #tpu.memory_space<vmem>>, %arg1: memref<64x16xf32, #tpu.memory_space<vmem>>, %arg2: memref<64x16xf32, #tpu.memory_space<vmem>>, %arg3: memref<10112x16xf32, #tpu.memory_space<vmem>>, %arg4: memref<10112x16xf32, #tpu.memory_space<vmem>>) attributes {dimension_semantics = [], scalar_prefetch = 0 : i64, scratch_operands = 0 : i64, tpu.core_type = #tpu.core_type<tc>} {
    %get3A = arith.constant 0 : index
    %get3A_0 = arith.constant 0 : index
    %get3A_1 = vector.load %arg0[%get3A, %get3A_0] : memref<10112x64xf32, #tpu.memory_space<vmem>>, vector<10112x64xf32>
    %get3A_2 = arith.constant 0 : index
    %get3A_3 = arith.constant 0 : index
    %get3A_4 = vector.load %arg1[%get3A_2, %get3A_3] : memref<64x16xf32, #tpu.memory_space<vmem>>, vector<64x16xf32>
    %dot_general3A = arith.constant dense<0.000000e+00> : vector<10112x16xf32>
    %dot_general3A_5 = tpu.matmul %get3A_1, %get3A_4, %dot_general3A {dimension_numbers = #tpu.dot_dimension_numbers<[1], [0], [0], [1], [0, 0, 1, 1], [], []>, transpose_lhs_hint = false} : vector<10112x64xf32>, vector<64x16xf32>, vector<10112x16xf32> -> vector<10112x16xf32>
    %swap3A = arith.constant 0 : index
    %swap3A_6 = arith.constant 0 : index
    %swap3A_7 = vector.load %arg3[%swap3A, %swap3A_6] : memref<10112x16xf32, #tpu.memory_space<vmem>>, vector<10112x16xf32>
    tpu.vector_store %arg3[%swap3A, %swap3A_6], %dot_general3A_5 {strides = array<i32>} : memref<10112x16xf32, #tpu.memory_space<vmem>>, vector<10112x16xf32>,
    %get3A_8 = arith.constant 0 : index
    %get3A_9 = arith.constant 0 : index
    %get3A_10 = vector.load %arg2[%get3A_8, %get3A_9] : memref<64x16xf32, #tpu.memory_space<vmem>>, vector<64x16xf32>
    %dot_general3A_11 = arith.constant dense<0.000000e+00> : vector<10112x16xf32>
    %dot_general3A_12 = tpu.matmul %get3A_1, %get3A_10, %dot_general3A_11 {dimension_numbers = #tpu.dot_dimension_numbers<[1], [0], [0], [1], [0, 0, 1, 1], [], []>, transpose_lhs_hint = false} : vector<10112x64xf32>, vector<64x16xf32>, vector<10112x16xf32> -> vector<10112x16xf32>
    %swap3A_13 = arith.constant 0 : index
    %swap3A_14 = arith.constant 0 : index
    %swap3A_15 = vector.load %arg4[%swap3A_13, %swap3A_14] : memref<10112x16xf32, #tpu.memory_space<vmem>>, vector<10112x16xf32>
    tpu.vector_store %arg4[%swap3A_13, %swap3A_14], %dot_general3A_12 {strides = array<i32>} : memref<10112x16xf32, #tpu.memory_space<vmem>>, vector<10112x16xf32>,
    return
  }
}

module attributes {stable_mosaic.version = 14 : i64} {
  func.func @_tc3_body(%arg0: memref<2x10112x64xf32, #tpu.memory_space<vmem>>, %arg1: memref<2x10112x16xf32, #tpu.memory_space<vmem>>, %arg2: memref<10112x64xf32, #tpu.memory_space<vmem>>, %arg3: memref<10112x16xf32, #tpu.memory_space<vmem>>, %arg4: memref<10112x16xf32, #tpu.memory_space<vmem>>, %arg5: memref<1x1xf32, #tpu.memory_space<vmem>>, %arg6: memref<1x16xf32, #tpu.memory_space<vmem>>, %arg7: memref<1x64xf32, #tpu.memory_space<vmem>>, %arg8: memref<10112x64xf32, #tpu.memory_space<vmem>>) attributes {dimension_semantics = [], scalar_prefetch = 0 : i64, scratch_operands = 0 : i64, tpu.core_type = #tpu.core_type<tc>} {
    %get3A = arith.constant 0 : index
    %get3A_0 = arith.constant 0 : index
    %get3A_1 = vector.load %arg3[%get3A, %get3A_0] : memref<10112x16xf32, #tpu.memory_space<vmem>>, vector<10112x16xf32>
    %slice3A = vector.extract_strided_slice %get3A_1 {offsets = [0, 0], sizes = [10112, 1], strides = [1, 1]} : vector<10112x16xf32> to vector<10112x1xf32>
    %get3A_2 = arith.constant 0 : index
    %get3A_3 = arith.constant 0 : index
    %get3A_4 = vector.load %arg4[%get3A_2, %get3A_3] : memref<10112x16xf32, #tpu.memory_space<vmem>>, vector<10112x16xf32>
    %slice3A_5 = vector.extract_strided_slice %get3A_4 {offsets = [0, 0], sizes = [10112, 1], strides = [1, 1]} : vector<10112x16xf32> to vector<10112x1xf32>
    %add3A = arith.addf %slice3A, %slice3A_5 : vector<10112x1xf32>
    %get3A_6 = arith.constant 0 : index
    %get3A_7 = arith.constant 0 : index
    %get3A_8 = vector.load %arg5[%get3A_6, %get3A_7] : memref<1x1xf32, #tpu.memory_space<vmem>>, vector<1x1xf32>
    %get3A_9 = vector.extract %get3A_8[0, 0] : f32 from vector<1x1xf32>
    %get3A_10 = arith.constant 0 : index
    %get3A_11 = arith.constant 0 : index
    %get3A_12 = vector.load %arg6[%get3A_10, %get3A_11] : memref<1x16xf32, #tpu.memory_space<vmem>>, vector<1x16xf32>
    %slice3A_13 = vector.extract_strided_slice %get3A_12 {offsets = [0, 0], sizes = [1, 1], strides = [1, 1]} : vector<1x16xf32> to vector<1x1xf32>
    %mul3A = vector.broadcast %get3A_9 : f32 to vector<1x1xf32>
    %mul3A_14 = arith.mulf %mul3A, %slice3A_13 : vector<1x1xf32>
    %add3A_15 = vector.broadcast %mul3A_14 : vector<1x1xf32> to vector<10112x1xf32>
    %add3A_16 = arith.addf %add3A, %add3A_15 : vector<10112x1xf32>
    %mul3A_17 = arith.constant 2.000000e-01 : f32
    %mul3A_18 = vector.broadcast %mul3A_17 : f32 to vector<10112x1xf32>
    %mul3A_19 = arith.mulf %add3A_16, %mul3A_18 : vector<10112x1xf32>
    %max3A = arith.maximumf %add3A_16, %mul3A_19 : vector<10112x1xf32>
    %exp3A = math.exp %max3A : vector<10112x1xf32>
    %get3A_20 = arith.constant 0 : index
    %get3A_21 = arith.constant 0 : index
    %get3A_22 = arith.constant 0 : index
    %get3A_23 = vector.load %arg0[%get3A_20, %get3A_21, %get3A_22] : memref<2x10112x64xf32, #tpu.memory_space<vmem>>, vector<1x10112x64xf32>
    %get3A_24 = vector.shape_cast %get3A_23 : vector<1x10112x64xf32> to vector<10112x64xf32>
    %get3A_25 = arith.constant 1 : index
    %get3A_26 = arith.constant 0 : index
    %get3A_27 = arith.constant 0 : index
    %get3A_28 = vector.load %arg0[%get3A_25, %get3A_26, %get3A_27] : memref<2x10112x64xf32, #tpu.memory_space<vmem>>, vector<1x10112x64xf32>
    %get3A_29 = vector.shape_cast %get3A_28 : vector<1x10112x64xf32> to vector<10112x64xf32>
    %add3A_30 = arith.addf %get3A_24, %get3A_29 : vector<10112x64xf32>
    %get3A_31 = arith.constant 0 : index
    %get3A_32 = arith.constant 0 : index
    %get3A_33 = vector.load %arg2[%get3A_31, %get3A_32] : memref<10112x64xf32, #tpu.memory_space<vmem>>, vector<10112x64xf32>
    %mul3A_34 = vector.broadcast %exp3A : vector<10112x1xf32> to vector<10112x64xf32>
    %mul3A_35 = arith.mulf %mul3A_34, %get3A_33 : vector<10112x64xf32>
    %add3A_36 = arith.addf %add3A_30, %mul3A_35 : vector<10112x64xf32>
    %get3A_37 = arith.constant 0 : index
    %get3A_38 = arith.constant 0 : index
    %get3A_39 = arith.constant 0 : index
    %get3A_40 = vector.load %arg1[%get3A_37, %get3A_38, %get3A_39] : memref<2x10112x16xf32, #tpu.memory_space<vmem>>, vector<1x10112x16xf32>
    %get3A_41 = vector.shape_cast %get3A_40 : vector<1x10112x16xf32> to vector<10112x16xf32>
    %slice3A_42 = vector.extract_strided_slice %get3A_41 {offsets = [0, 0], sizes = [10112, 1], strides = [1, 1]} : vector<10112x16xf32> to vector<10112x1xf32>
    %get3A_43 = arith.constant 1 : index
    %get3A_44 = arith.constant 0 : index
    %get3A_45 = arith.constant 0 : index
    %get3A_46 = vector.load %arg1[%get3A_43, %get3A_44, %get3A_45] : memref<2x10112x16xf32, #tpu.memory_space<vmem>>, vector<1x10112x16xf32>
    %get3A_47 = vector.shape_cast %get3A_46 : vector<1x10112x16xf32> to vector<10112x16xf32>
    %slice3A_48 = vector.extract_strided_slice %get3A_47 {offsets = [0, 0], sizes = [10112, 1], strides = [1, 1]} : vector<10112x16xf32> to vector<10112x1xf32>
    %add3A_49 = arith.addf %slice3A_42, %slice3A_48 : vector<10112x1xf32>
    %add3A_50 = arith.addf %add3A_49, %exp3A : vector<10112x1xf32>
    %add3A_51 = arith.constant 1.000000e-16 : f32
    %add3A_52 = vector.broadcast %add3A_51 : f32 to vector<10112x1xf32>
    %add3A_53 = arith.addf %add3A_50, %add3A_52 : vector<10112x1xf32>
    %div3A = vector.broadcast %add3A_53 : vector<10112x1xf32> to vector<10112x64xf32>
    %div3A_54 = arith.divf %add3A_36, %div3A : vector<10112x64xf32>
    %get3A_55 = arith.constant 0 : index
    %get3A_56 = arith.constant 0 : index
    %get3A_57 = vector.load %arg7[%get3A_55, %get3A_56] : memref<1x64xf32, #tpu.memory_space<vmem>>, vector<1x64xf32>
    %add3A_58 = vector.broadcast %get3A_57 : vector<1x64xf32> to vector<10112x64xf32>
    %add3A_59 = arith.addf %div3A_54, %add3A_58 : vector<10112x64xf32>
    %swap3A = arith.constant 0 : index
    %swap3A_60 = arith.constant 0 : index
    %swap3A_61 = vector.load %arg8[%swap3A, %swap3A_60] : memref<10112x64xf32, #tpu.memory_space<vmem>>, vector<10112x64xf32>
    tpu.vector_store %arg8[%swap3A, %swap3A_60], %add3A_59 {strides = array<i32>} : memref<10112x64xf32, #tpu.memory_space<vmem>>, vector<10112x64xf32>,
    return
  }
}

</mosaic_0001>

<sc_bundles>
// kernel: kernel.12.cloned.1.call-start
scs
__scs_entry_jumppad:
0x0: {  	(pc) =	sbr.rel $0x88, $3  }
0x1: {  	(tag) =	ssettag $0x0;
	lr =	simm.s32 $0x1  }
0x2: {  	[smem:$0x3F92] =	sst lr;
	_ =	strace $0xD0000000  }
0x3: {  	_ = 	snop  }
0x4: {  	_ = 	snop  }
0x5: {  	_ = 	snop  }
0x6: {  	_ = 	snop  }
0x7: {  	_ = 	snop  }
__scs_overlays_trampoline_lowered:
0x8: {  	[smem:$0x3FA1] =	sst s0  }
0x9: {  	[smem:$0x3FA2] =	sst s1  }
0xa: {  	[smem:$0x3FA3] =	sst s2  }
0xb: {  	[smem:$0x3FA4] =	sst s3  }
0xc: {  	[smem:$0x3FA5] =	sst s4  }
0xd: {  	[smem:$0x3FA6] =	sst s5  }
0xe: {  	[smem:$0x3FA7] =	sst s6  }
0xf: {  	[smem:$0x3FA8] =	sst s7  }
0x10: {  	[smem:$0x3FA9] =	sst s8  }
0x11: {  	[smem:$0x3FAA] =	sst s9;
	s0 =	simm.s32 @!p0 $0x0  }
0x12: {  	s1 =	sld [smem:$0x3F90];
	s0 =	simm.s32 @p0 $0x1  }
0x13: {  	[smem:$0x3FAB] =	sst s0;
	s0 =	simm.s32 @!p1 $0x0  }
0x14: {  	s2 =	sld [smem:$0x3F8F];
	s0 =	simm.s32 @p1 $0x1  }
0x15: {  	[smem:$0x3FAC] =	sst s0;
	s0 =	simm.s32 @!p2 $0x0  }
0x16: {  	s3 =	sld [smem:$0x3FDB];
	s0 =	simm.s32 @p2 $0x1  }
0x17: {  	s4 =	simm.s32 $0x1BF5;
	[smem:$0x3FAE] =	sst s0  }
0x18: {  	s0 =	sld [smem:$0x3F91];
	_ =	swait.ge [sflag:s4], $0x0  }
0x19: {  	s7 =	sld [smem:$0x3F92]  }
0x1a: {  	s8 =	sadd.s32 $0xFFFFE003, lr  }
0x1b: {  	s9 =	sadd.s32 $0xFFFFFEF7, lr;
	s5 =	simm.s32 $0xFFFFFFFF;
	p2 =	slt.u32 s8, $0xFFFFF086  }
0x1c: {  	p1 =	slt.u32 s9, $0xF7A;
	s5 =	simm.s32 @!p2 $0x0  }
0x1d: {  	s5 =	simm.s32 @p1 $0x1;
	p0 =	seq.s32 s7, s2  }
0x1e: {  	s7 =	smul.u32 @!p0 $0xF7A, s2;
	p2 =	seq.s32 @!p0 s5, $0x0  }
0x1f: {  	s9 =	smul.u32 $0xF7A, s1;
	s8 =	simm.s32 @!p0 $0x1BF5;
	p2 =	por !p2, p0  }
0x20: {  	[sflag:s8] =	ssyncset.s32 @!p0 $0xFFFFF086;
	s6 =	sadd.s32 @!p0 s3, s7;
	s7 =	simm.s32 @!p0 $0x108  }
0x21: {  	s3 =	sadd.s32 s3, s9;
	s6 =	sadd.s32 @!p0 $0x88, s6;
	s7 =	simm.s32 @p2 $0x1082  }
0x22: {  	[simem:s7], [sflag:s8] =	dma.local @!p0 [hbm:s6], $0xF7A  }
0x23: {  	s9 =	sor.u32 $0xD0000000, s2;
	s6 =	simm.s32 $0x108;
	_ =	swait.ge @!p0 [sflag:s8], $0x0  }
0x24: {  	s3 =	sadd.s32 $0x88, s3;
	s6 =	simm.s32 @!p1 $0x1082;
	[sflag:s4] =	ssyncset.s32 $0xFFFFF086  }
0x25: {  	[simem:s6], [sflag:s4] =	dma.local [hbm:s3], $0xF7A  }
0x26: {  	[smem:$0x3F92] =	sst s1;
	(tag) =	ssettag s2;
	_ =	strace s9  }
0x27: {  	s1 =	sld [smem:$0x3FA2]  }
0x28: {  	s2 =	sld [smem:$0x3FA3]  }
0x29: {  	s4 =	sld [smem:$0x3FA5]  }
0x2a: {  	p0 =	seq.s32 s5, $0x0;
	s5 =	sld [smem:$0x3FA6]  }
0x2b: {  	s6 =	sld [smem:$0x3FA7]  }
0x2c: {  	s7 =	sld [smem:$0x3FA8]  }
0x2d: {  	s3 =	simm.s32 $0x108;
	s8 =	sld [smem:$0x3FA9]  }
0x2e: {  	s3 =	simm.s32 @!p0 $0x1082;
	s9 =	sld [smem:$0x3FAA]  }
0x2f: {  	lr =	sadd.s32 s0, s3;
	s0 =	sld [smem:$0x3FA1]  }
0x30: {  	s3 =	sld [smem:$0x3FA4]  }
0x31: {  	[smem:$0x3FAD] =	sst s10  }
0x32: {  	s10 =	sld [smem:$0x3FAB];
	_ =	sdelay $0x3  }
0x33: {  	p0 =	seq.s32 s10, $0x1;
	s10 =	sld [smem:$0x3FAD];
	_ =	sdelay $0x3  }
0x34: {  	[smem:$0x3FAD] =	sst s10  }
0x35: {  	s10 =	sld [smem:$0x3FAC];
	_ =	sdelay $0x3  }
0x36: {  	p1 =	seq.s32 s10, $0x1;
	s10 =	sld [smem:$0x3FAD];
	_ =	sdelay $0x3  }
0x37: {  	[smem:$0x3FAD] =	sst s10  }
0x38: {  	s10 =	sld [smem:$0x3FAE]  }
0x39: {  	_ = 	snop;
	(pc) =	sbr.ind lr, $3  }
0x3a: {  	_ = 	snop  }
0x3b: {  	_ = 	snop  }
0x3c: {  	p2 =	seq.s32 s10, $0x1;
	s10 =	sld [smem:$0x3FAD]  }
0x3d: {  	_ =	shalt  }
0x3e: {  	_ =	shalt  }
0x3f: {  	_ =	shalt  }
0x40: {  	_ =	shalt  }
0x41: {  	_ =	shalt  }
0x42: {  	_ =	shalt  }
0x43: {  	_ =	shalt  }
0x44: {  	_ =	shalt  }
0x45: {  	_ =	shalt  }
0x46: {  	_ =	shalt  }
0x47: {  	_ =	shalt  }
0x48: {  	_ =	shalt  }
0x49: {  	_ =	shalt  }
0x4a: {  	_ =	shalt  }
0x4b: {  	_ =	shalt  }
0x4c: {  	_ =	shalt  }
0x4d: {  	_ =	shalt  }
0x4e: {  	_ =	shalt  }
0x4f: {  	_ =	shalt  }
0x50: {  	_ =	shalt  }
0x51: {  	_ =	shalt  }
0x52: {  	_ =	shalt  }
0x53: {  	_ =	shalt  }
0x54: {  	_ =	shalt  }
0x55: {  	_ =	shalt  }
0x56: {  	_ =	shalt  }
0x57: {  	_ =	shalt  }
0x58: {  	_ =	shalt  }
0x59: {  	_ =	shalt  }
0x5a: {  	_ =	shalt  }
0x5b: {  	_ =	shalt  }
0x5c: {  	_ =	shalt  }
0x5d: {  	_ =	shalt  }
0x5e: {  	_ =	shalt  }
0x5f: {  	_ =	shalt  }
0x60: {  	_ =	shalt  }
0x61: {  	_ =	shalt  }
0x62: {  	_ =	shalt  }
0x63: {  	_ =	shalt  }
0x64: {  	_ =	shalt  }
0x65: {  	_ =	shalt  }
0x66: {  	_ =	shalt  }
0x67: {  	_ =	shalt  }
0x68: {  	_ =	shalt  }
0x69: {  	_ =	shalt  }
0x6a: {  	_ =	shalt  }
0x6b: {  	_ =	shalt  }
0x6c: {  	_ =	shalt  }
0x6d: {  	_ =	shalt  }
0x6e: {  	_ =	shalt  }
0x6f: {  	_ =	shalt  }
0x70: {  	_ =	shalt  }
0x71: {  	_ =	shalt  }
0x72: {  	_ =	shalt  }
0x73: {  	_ =	shalt  }
0x74: {  	_ =	shalt  }
0x75: {  	_ =	shalt  }
0x76: {  	_ =	shalt  }
0x77: {  	_ =	shalt  }
0x78: {  	_ =	shalt  }
0x79: {  	_ =	shalt  }
0x7a: {  	_ =	shalt  }
0x7b: {  	_ =	shalt  }
0x7c: {  	_ =	shalt  }
0x7d: {  	_ =	shalt  }
0x7e: {  	_ =	shalt  }
0x7f: {  	_ =	shalt  }
0x80: {  	_ =	shalt  }
0x81: {  	_ =	shalt  }
0x82: {  	_ =	shalt  }
0x83: {  	_ =	shalt  }
0x84: {  	_ =	shalt  }
0x85: {  	_ =	shalt  }
0x86: {  	_ =	shalt  }
0x87: {  	_ =	shalt  }
.Lfunc_end0:
.L_simem_size_0:
called_computation.1_lowered:
.L_overlay_start_0:
0x88: {  	s2 =	sld [smem:$0x3FD9]  }
0x89: {  	s3 =	sld [smem:$0x3FFE];
	_ =	sdelay $0x1  }
0x8a: {  	s1 =	srdreg.scid  }
0x8b: {  	s0 =	sand.u32 $0x1, s1  }
0x8c: {  	s17 =	sshll.u32 s0, $0xA;
	s2 =	sadd.s32 s3, s2  }
0x8d: {  	s2 =	sadd.s32 s2, s17  }
0x8e: {  	[smem:$0x3FB9] =	sst s2  }
0x8f: {  	_ = 	snop  }
0x90: {  	s2 =	sld [smem:$0x3FD0];
	(tm) =	ssettm $0x1  }
0x91: {  	s18 =	sld [smem:$0x3FFB];
	_ =	sdelay $0x3  }
0x92: {  	_ =	strace s18  }
0x93: {  	s3 =	sld [smem:$0x3FFC];
	_ =	sdelay $0x3  }
0x94: {  	_ =	strace s3  }
0x95: {  	s3 =	sld [smem:$0x3FFD];
	_ =	sdelay $0x3  }
0x96: {  	_ =	strace s3  }
0x97: {  	_ =	strace $0x8FFFFFFF  }
0x98: {  	s19 =	sld [smem:$0x3FDB];
	_ =	sdelay $0x1  }
0x99: {  	s4 =	simm.s32 $_scs_section_size  }
0x9a: {  	s5 =	simm.s32 $_size__tile_overlayer_lowered;
	s6 =	simm.s32 $_tile_overlayer_lowered  }
0x9b: {  	s22 =	simm.s32 $0x1BFF;
	s21 =	sshll.u32 s6, $0x1;
	s3 =	sadd.s32 s4, s19  }
0x9c: {  	s7 =	simm.s32 $0x0;
	s20 =	sshll.u32 s5, $0x1;
	s5 =	sadd.s32 s21, s3  }
0x9d: {  	[timem:s7], [sflag:s22] =	dma.local [hbm:s5], s20  }
0x9e: {  	_ =	swait.ge [sflag:s22], s20  }
0x9f: {  	s4 =	ssub.s32 $0x0, s20;
	[sflag:s22] =	ssyncset.done $0x0  }
0xa0: {  	[sflag:s22] =	ssyncadd.s32 s4;
	_ =	sdelay $0x1  }
0xa1: {  	s23 =	simm.s32 $0x1B8B  }
0xa2: {  	_ =	swait.ge [sflag:s23], $0x1  }
0xa3: {  	[sflag:s23] =	ssyncset.done $0x0  }
0xa4: {  	s25 =	simm.s32 $0x1B8E;
	s24 =	sld [smem:$0x3FFE];
	[sflag:s23] =	ssyncadd.s32 $0xFFFFFFFF  }
0xa5: {  	s26 =	simm.s32 $execute0_lowered;
	[smem:$0x3FD2] =	sst s25  }
0xa6: {  	s5 =	sshll.u32 s26, $0x1;
	_ =	strace $0x80000049;
	[dreg:$0x1] =	wrdreg $0xFFFFFFFF  }
0xa7: {  	s28 =	simm.s32 $_size_execute0_lowered;
	s3 =	sadd.s32 s3, s5;
	[dreg:$0x0] =	wrdreg $0x0  }
0xa8: {  	s5 =	sshll.u32 s28, $0x1;
	[dreg:$0x2] =	wrdreg s3  }
0xa9: {  	[dreg:$0x3] =	wrdreg s5  }
0xaa: {  	[dreg:$0x4] =	wrdreg $0xC0  }
0xab: {  	_ =	task [dreg:s7], $0x5FFFF  }
0xac: {  	[dreg:$0x1] =	wrdreg $0xFFFFFFFF  }
0xad: {  	[dreg:$0x0] =	wrdreg $0x60  }
0xae: {  	[dreg:$0x2] =	wrdreg s24  }
0xaf: {  	[dreg:$0x3] =	wrdreg s2  }
0xb0: {  	[dreg:$0x4] =	wrdreg $0x61800  }
0xb1: {  	[dreg:$0x5] =	wrdreg $0xFF800  }
0xb2: {  	[dreg:$0x6] =	wrdreg $0x9  }
0xb3: {  	_ =	task.clear_ibuf [dreg:s7], $0x7FFFF;
	_ =	strace $0x90000049  }
0xb4: {  	s29 =	simm.s32 $0x9;
	_ =	strace $0x8000004B  }
0xb5: {  	_ =	swait.ge [sflag:s29], $0x1  }
0xb6: {  	[sflag:s29] =	ssyncadd.s32 $0xFFFFFFFF  }
0xb7: {  	_ =	strace $0x9000004B  }
0xb8: {  	_ =	sfence  }
0xb9: {  	s30 =	sld [smem:$0x0];
	_ =	sdelay $0x2  }
0xba: {  	s31 =	sshll.u32 s1, $0xD;
	s1 =	sshrl.u32 s1, $0x2  }
0xbb: {  	s3 =	sand.u32 $0x4000, s31;
	s1 =	sadd.s32 s1, s30  }
0xbc: {  	s0 =	sor.u32 s3, s0;
	s1 =	sshll.u32 s1, $0x11  }
0xbd: {  	s0 =	sor.u32 s1, s0  }
0xbe: {  	s0 =	sadd.s32 $0x8F2B, s0  }
0xbf: {  	[sflag:s0] =	ssyncadd.remote.s32 $0x1  }
0xc0: {  	_ =	sfence.sel $0xFFFF  }
0xc1: {  	[dreg:$0x0] =	wrdreg $0xFFFFFFFF;
	(pc) =	sbr.abs _section_cstart, $3  }
0xc2: {  	[dreg:$0x1] =	wrdreg $0xFFFFFFFF  }
0xc3: {  	_ =	task.clear_ibuf [dreg:s7], $0x2FFFF;
	_ =	strace $0x9FFFFFFF  }
0xc4: {  	(tm) =	ssettm $0x7FFFFFFF  }
0xc5: {  	_ =	shalt  }
tec
execute0_lowered:
.L_overlay_start_1:
0x0: {  	(tag) =	ssettag $0x1  }
0x1: {  	s0 =	rddreg [dreg:$0x0]  }
0x2: {  	s1 =	rddreg [dreg:$0x1]  }
0x3: {  	s2 =	rddreg [dreg:$0x2]  }
0x4: {  	s3 =	rddreg [dreg:$0x3];
	s4 =	simm.s32 $0x0  }
0x5: {  	s18 =	stileid.u32;
	s5 =	srdreg.scid;
	s29 =	simm.s32 $0x60  }
0x6: {  	s30 =	simm.s32 $0x6;
	[smem:$0x7FF] =	sst s4;
	s7 =	sadd.s32 $0x164E00, s0  }
0x7: {  	s6 =	sadd.s32 $0x169E00, s0;
	s8 =	sadd.s32 $0x1B3E00, s0;
	s11 =	smul.u32 $0x9E00, s18  }
0x8: {  	s5 =	sand.u32 $0x1, s5;
	s9 =	sadd.s32 $0x12E600, s0;
	s13 =	smul.u32 $0x2780, s18  }
0x9: {  	s10 =	sadd.s32 $0x124600, s0;
	s19 =	sshll.u32 s18, $0x6;
	s12 =	smul.u32 $0x9E000, s5  }
0xa: {  	_ =	strace $0x8000004A;
	s15 =	smul.u32 $0x27800, s5;
	s17 =	ssub.s32 $0x2, s5  }
0xb: {  	s5 =	sshll.u32 s5, $0x4;
	s21 =	sor.u32 $0x1C07, s19;
	s14 =	sshrl.u32 s11, $0x3  }
0xc: {  	s16 =	sshrl.u32 s13, $0x3;
	s31 =	sshrl.u32 s17, $0x1;
	s5 =	sor.u32 s18, s5  }
0xd: {  	s23 =	sadd.s32 s13, s3;
	s18 =	simm.s32 $0x2B80;
	[dreg:$0x7] =	wrdreg s21  }
0xe: {  	s12 =	sadd.s32 s11, s12;
	s14 =	sadd.s32 s14, s0;
	s16 =	sadd.s32 s16, s0  }
0xf: {  	s15 =	sadd.s32 s13, s15;
	s20 =	smul.u32 $0x27C0, s5;
	s11 =	sadd.s32 s11, s2  }
0x10: {  	[dreg:$0x8] =	wrdreg s23;
	s5 =	smul.u32 $0x4F80, s5;
	s13 =	simm.s32 $0x7  }
0x11: {  	s12 =	sshrl.u32 s12, $0x3;
	s15 =	sshrl.u32 s15, $0x3;
	[dreg:$0x5] =	wrdreg s11  }
0x12: {  	s22 =	sadd.s32 $0x16EE00, s14;
	s25 =	sadd.s32 $0x138600, s16;
	s14 =	simm.s32 $0x1  }
0x13: {  	s16 =	simm.s32 $0x3;
	s12 =	sadd.s32 s12, s0;
	s0 =	sadd.s32 s15, s0  }
0x14: {  	s15 =	ssub.s32 s17, s31;
	[dreg:$0x6] =	wrdreg s22;
	s24 =	sshrl.u32 s20, $0x3  }
0x15: {  	[dreg:$0x9] =	wrdreg s25;
	s5 =	sadd.s32 s8, s5;
	s19 =	sadd.s32 $0x60, s20  }
0x16: {  	s20 =	sadd.s32 $0xC0, s20;
	s26 =	sadd.s32 s9, s24;
	[dreg:$0xc] =	wrdreg s5  }
0x17: {  	s25 =	simm.s32 $0xC0;
	s11 =	sadd.s32 s10, s24;
	[dreg:$0xa] =	wrdreg s26  }
0x18: {  	s17 =	simm.s32 $0x2;
	s28 =	sadd.s32 $0x4800, s12;
	[dreg:$0xb] =	wrdreg s11  }
0x19: {  	s0 =	sadd.s32 $0x182A00, s0;
	s31 =	smax.u32 s15, $0x1;
	[dreg:$0xd] =	wrdreg s28  }
0x1a: {  	s5 =	simm.s32 $0x120;
	s12 =	simm.s32 $0x4980;
	[dreg:$0xe] =	wrdreg s0  }
0x1b: {  	s15 =	simm.s32 $0x0;
	[dreg:$0xf] =	wrdreg s31;
	s0 =	simm.s32 $0x3180  }
.LBB2_1:
0x1c: {  	[dreg:$0x10] =	wrdreg s15  }
0x1d: {  	s11 =	rddreg [dreg:$0x5]  }
0x1e: {  	s24 =	rddreg [dreg:$0x6];
	s23 =	sshrl.u32 s11, $0x3  }
0x1f: {  	[dreg:$0x11] =	wrdreg s23  }
0x20: {  	[spmem:s23], [sflag:s21] =	dma.local [hbm:s24], $0x13C0  }
0x21: {  	_ =	swait.ge [sflag:s13], $0x13C0  }
0x22: {  	s26 =	rddreg [dreg:$0x8]  }
0x23: {  	[sflag:s13] =	ssyncset.done $0x0;
	s31 =	rddreg [dreg:$0x9];
	s28 =	sshrl.u32 s26, $0x3  }
0x24: {  	[sflag:s13] =	ssyncadd.s32 $0xFFFFEC40;
	[dreg:$0x12] =	wrdreg s28  }
0x25: {  	[spmem:s28], [sflag:s21] =	dma.local [hbm:s31], $0x4F0  }
0x26: {  	_ =	swait.ge [sflag:s13], $0x4F0  }
0x27: {  	[sflag:s13] =	ssyncset.done $0x0  }
0x28: {  	[sflag:s13] =	ssyncadd.s32 $0xFFFFFB10  }
0x29: {  	[bflag:$0x0] =	sbarrier.arrive $0xFFFF  }
0x2a: {  	s21 =	rddreg [dreg:$0xa]  }
0x2b: {  	[tilespmem:s4], [sflag:$0x5] =	stream.linear.gather [hbm4b:s21+s4], $0x60, $0x38;
	[tilespmem:$0x12700] =	vst v63  }
0x2c: {  	s22 =	rddreg [dreg:$0xb]  }
0x2d: {  	[tilespmem:s25], [sflag:$0x5] =	stream.linear.gather [hbm4b:s22+s4], $0x60, $0x38;
	[tilespmem:$0x12700] =	vst v63  }
0x2e: {  	s24 =	simm.s32 $0x1980;
	s26 =	simm.s32 $0x5;
	s23 =	rddreg [dreg:$0xc]  }
0x2f: {  	[tilespmem:s24], [sflag:$0x5] =	stream.linear.gather [hbm4b:s23+s4], $0x600, $0x38;
	[tilespmem:$0x12700] =	vst v63  }
0x30: {  	_ =	swait.ge [sflag:s26], $0x60  }
0x31: {  	[sflag:s26] =	ssyncset.done $0x0  }
0x32: {  	[sflag:s26] =	ssyncadd.s32 $0xFFFFFFA0  }
0x33: {  	_ =	swait.ge [sflag:s26], $0x60  }
0x34: {  	[sflag:s26] =	ssyncset.done $0x0  }
0x35: {  	[sflag:s26] =	ssyncadd.s32 $0xFFFFFFA0  }
0x36: {  	_ =	swait.ge [sflag:s26], $0x600  }
0x37: {  	[sflag:s26] =	ssyncset.done $0x0  }
0x38: {  	s28 =	simm.s32 $0x180;
	[sflag:s26] =	ssyncadd.s32 $0xFFFFFA00  }
0x39: {  	[tilespmem:s28], [sflag:$0x1] =	stream.indirect.gather [hbm4b:s6+s29], $0x10, s4, s29, $0xb8;
	[tilespmem:$0x12700] =	vst v63  }
0x3a: {  	s31 =	simm.s32 $0xD80  }
0x3b: {  	[tilespmem:s31], [sflag:$0x1] =	stream.indirect.gather [hbm4b:s7+s29], $0x10, s25, s29, $0xb8;
	[tilespmem:$0x12700] =	vst v63  }
0x3c: {  	s23 =	simm.s32 $0x0  }
0x3d: {  	[tilespmem:s0], [sflag:$0x1] =	stream.indirect.gather [hbm4b:s1+s29], $0x40, s4, s29, $0xb8;
	[tilespmem:$0x12700] =	vst v63  }
.LBB2_2:
0x3e: {  	p0 =	seq.s32 s23, $0x0  }
0x3f: {  	s11 =	simm.s32 @!p0 $0x4  }
0x40: {  	_ =	swait.ge @!p0 [sflag:s11], $0x600  }
0x41: {  	s21 =	smul.u32 $0xC0, s23;
	[sflag:s11] =	ssyncset.done @!p0 $0x0  }
0x42: {  	[sflag:s11] =	ssyncadd.s32 @!p0 $0xFFFFFA00  }
0x43: {  	s13 =	sadd.s32 s21, s19;
	_ =	swait.ge @!p0 [sflag:s11], $0x1800  }
0x44: {  	s15 =	sshrl.u32 s13, $0x3;
	[sflag:s11] =	ssyncset.done @!p0 $0x0  }
0x45: {  	s24 =	sshll.u32 s13, $0x1;
	s26 =	sadd.s32 s9, s15;
	[sflag:s11] =	ssyncadd.s32 @!p0 $0xFFFFE800  }
0x46: {  	[tilespmem:s29], [sflag:$0x6] =	stream.linear.gather [hbm4b:s26+s4], $0x60, $0x38;
	[tilespmem:$0x12700] =	vst v63  }
0x47: {  	s22 =	sadd.s32 s10, s15;
	s11 =	sand.u32 $0x1FFFFFC0, s24  }
0x48: {  	[tilespmem:s5], [sflag:$0x6] =	stream.linear.gather [hbm4b:s22+s4], $0x60, $0x38;
	[tilespmem:$0x12700] =	vst v63  }
0x49: {  	s11 =	sadd.s32 s8, s11;
	s26 =	simm.s32 $0x1F80  }
0x4a: {  	[tilespmem:s26], [sflag:$0x6] =	stream.linear.gather [hbm4b:s11+s4], $0x600, $0x38;
	[tilespmem:$0x12700] =	vst v63  }
0x4b: {  	_ =	swait.ge [sflag:s30], $0x60  }
0x4c: {  	[sflag:s30] =	ssyncset.done $0x0  }
0x4d: {  	[sflag:s30] =	ssyncadd.s32 $0xFFFFFFA0  }
0x4e: {  	_ =	swait.ge [sflag:s30], $0x60  }
0x4f: {  	[sflag:s30] =	ssyncset.done $0x0  }
0x50: {  	[sflag:s30] =	ssyncadd.s32 $0xFFFFFFA0  }
0x51: {  	_ =	swait.ge [sflag:s30], $0x600  }
0x52: {  	[sflag:s30] =	ssyncset.done $0x0  }
0x53: {  	s13 =	simm.s32 $0x780;
	[sflag:s30] =	ssyncadd.s32 $0xFFFFFA00  }
0x54: {  	[tilespmem:s13], [sflag:$0x2] =	stream.indirect.gather [hbm4b:s6+s29], $0x10, s29, s29, $0xb8;
	[tilespmem:$0x12700] =	vst v63  }
0x55: {  	s15 =	simm.s32 $0x1380  }
0x56: {  	[tilespmem:s15], [sflag:$0x2] =	stream.indirect.gather [hbm4b:s7+s29], $0x10, s5, s29, $0xb8;
	[tilespmem:$0x12700] =	vst v63  }
0x57: {  	_ = 	snop  }
0x58: {  	[tilespmem:s12], [sflag:$0x2] =	stream.indirect.gather [hbm4b:s1+s29], $0x40, s29, s29, $0xb8;
	[tilespmem:$0x12700] =	vst v63  }
0x59: {  	_ =	swait.ge [sflag:s14], $0x600  }
0x5a: {  	[sflag:s14] =	ssyncset.done $0x0  }
0x5b: {  	[sflag:s14] =	ssyncadd.s32 $0xFFFFFA00  }
0x5c: {  	_ =	swait.ge [sflag:s14], $0x600  }
0x5d: {  	[sflag:s14] =	ssyncset.done $0x0  }
0x5e: {  	[sflag:s14] =	ssyncadd.s32 $0xFFFFFA00  }
0x5f: {  	_ =	swait.ge [sflag:s14], $0x1800  }
0x60: {  	[sflag:s14] =	ssyncset.done $0x0  }
0x61: {  	s22 =	simm.s32 $0xDA0;
	[sflag:s14] =	ssyncadd.s32 $0xFFFFE800  }
0x62: {  	s26 =	simm.s32 $0x1A0;
	v0 =	vld [tilespmem:s22+$0xFFFFFFE0]  }
0x63: {  	v1 =	vld [tilespmem:s26+$0xFFFFFFE0]  }
0x64: {  	s28 =	simm.s32 $0x19A0  }
0x65: {  	v2 =	vld [tilespmem:s28+$0xFFFFFFE0];
	_ =	sdelay $0x2  }
0x66: {  	v0 =	vadd.f32 v0, v1;
	_ =	sdelay $0x1  }
0x67: {  	v0 =	vadd.f32 v2, v0;
	_ =	sdelay $0x1  }
0x68: {  	v47 =	vmul.f32 $2.000000030e-01, v0;
	_ =	sdelay $0x1  }
0x69: {  	v0 =	vmax.f32 v0, v47  }
0x6a: {  	v0 =	vmul.f32 $1.442695020e+00, v0;
	_ =	sdelay $0x1  }
0x6b: {  	(erf) = vpow2.f32 v0;
	_ =	sdelay $0x8  }
0x6c: {  	s24 =	simm.s32 $0x25A0;
	v0 =	vpop (erf)  }
0x6d: {  	s13 =	simm.s32 $0x3200;
	[tilespmem:s24+$0xFFFFFFE0] =	vst v0  }
0x6e: {  	v48 =	vld [tilespmem:s13+$0xFFFFFF80]  }
0x6f: {  	v49 =	vld [tilespmem:s13+$0xFFFFFFA0]  }
0x70: {  	v3 =	vld [tilespmem:s13+$0xFFFFFF90]  }
0x71: {  	v0 =	vbroadcast v0, $0x0;
	v4 =	vld [tilespmem:s13+$0xFFFFFFB0];
	_ =	sdelay $0x1  }
0x72: {  	v1 =	vmul.f32 v0, v48  }
0x73: {  	v2 =	vmul.f32 v0, v49  }
0x74: {  	v50 =	vmul.f32 v0, v3;
	[tilespmem:s13+$0xFFFFFF80] =	vst v1  }
0x75: {  	v0 =	vmul.f32 v4, v0;
	[tilespmem:s13+$0xFFFFFFA0] =	vst v2  }
0x76: {  	[tilespmem:s13+$0xFFFFFF90] =	vst v50  }
0x77: {  	[tilespmem:s13+$0xFFFFFFB0] =	vst v0  }
0x78: {  	v0 =	vld [tilespmem:s26+$0xFFFFFFF0]  }
0x79: {  	v1 =	vld [tilespmem:s22+$0xFFFFFFF0];
	_ =	sdelay $0x1  }
0x7a: {  	v2 =	vld [tilespmem:s28+$0xFFFFFFF0];
	_ =	sdelay $0x2  }
0x7b: {  	v0 =	vadd.f32 v1, v0;
	_ =	sdelay $0x1  }
0x7c: {  	v0 =	vadd.f32 v2, v0;
	_ =	sdelay $0x1  }
0x7d: {  	v51 =	vmul.f32 $2.000000030e-01, v0;
	_ =	sdelay $0x1  }
0x7e: {  	v0 =	vmax.f32 v0, v51  }
0x7f: {  	v0 =	vmul.f32 $1.442695020e+00, v0;
	_ =	sdelay $0x1  }
0x80: {  	(erf) = vpow2.f32 v0;
	_ =	sdelay $0x8  }
0x81: {  	v0 =	vpop (erf)  }
0x82: {  	[tilespmem:s24+$0xFFFFFFF0] =	vst v0  }
0x83: {  	v52 =	vld [tilespmem:s13+$0xFFFFFFC0]  }
0x84: {  	v53 =	vld [tilespmem:s13+$0xFFFFFFD0]  }
0x85: {  	v54 =	vld [tilespmem:s13+$0xFFFFFFE0]  }
0x86: {  	v0 =	vbroadcast v0, $0x0;
	v55 =	vld [tilespmem:s13+$0xFFFFFFF0];
	_ =	sdelay $0x1  }
0x87: {  	v1 =	vmul.f32 v0, v52  }
0x88: {  	v2 =	vmul.f32 v0, v53  }
0x89: {  	v56 =	vmul.f32 v0, v54;
	[tilespmem:s13+$0xFFFFFFC0] =	vst v1  }
0x8a: {  	v0 =	vmul.f32 v55, v0;
	[tilespmem:s13+$0xFFFFFFD0] =	vst v2  }
0x8b: {  	[tilespmem:s13+$0xFFFFFFE0] =	vst v56  }
0x8c: {  	[tilespmem:s13+$0xFFFFFFF0] =	vst v0  }
0x8d: {  	v0 =	vld [tilespmem:s26+$0x0]  }
0x8e: {  	v1 =	vld [tilespmem:s22+$0x0];
	_ =	sdelay $0x1  }
0x8f: {  	v2 =	vld [tilespmem:s28+$0x0];
	_ =	sdelay $0x2  }
0x90: {  	v0 =	vadd.f32 v1, v0;
	_ =	sdelay $0x1  }
0x91: {  	v0 =	vadd.f32 v2, v0;
	_ =	sdelay $0x1  }
0x92: {  	v57 =	vmul.f32 $2.000000030e-01, v0;
	_ =	sdelay $0x1  }
0x93: {  	v0 =	vmax.f32 v0, v57  }
0x94: {  	v0 =	vmul.f32 $1.442695020e+00, v0;
	_ =	sdelay $0x1  }
0x95: {  	(erf) = vpow2.f32 v0;
	_ =	sdelay $0x8  }
0x96: {  	v0 =	vpop (erf)  }
0x97: {  	[tilespmem:s24+$0x0] =	vst v0  }
0x98: {  	v58 =	vld [tilespmem:s13+$0x0]  }
0x99: {  	v59 =	vld [tilespmem:s13+$0x10]  }
0x9a: {  	v60 =	vld [tilespmem:s13+$0x20]  }
0x9b: {  	v0 =	vbroadcast v0, $0x0;
	v61 =	vld [tilespmem:s13+$0x30];
	_ =	sdelay $0x1  }
0x9c: {  	v1 =	vmul.f32 v0, v58  }
0x9d: {  	v2 =	vmul.f32 v0, v59  }
0x9e: {  	v62 =	vmul.f32 v0, v60;
	[tilespmem:s13+$0x0] =	vst v1  }
0x9f: {  	v0 =	vmul.f32 v61, v0;
	[tilespmem:s13+$0x10] =	vst v2  }
0xa0: {  	[tilespmem:s13+$0x20] =	vst v62  }
0xa1: {  	[tilespmem:s13+$0x30] =	vst v0  }
0xa2: {  	v0 =	vld [tilespmem:s26+$0x10]  }
0xa3: {  	v1 =	vld [tilespmem:s22+$0x10];
	_ =	sdelay $0x1  }
0xa4: {  	v2 =	vld [tilespmem:s28+$0x10];
	_ =	sdelay $0x2  }
0xa5: {  	v0 =	vadd.f32 v1, v0;
	_ =	sdelay $0x1  }
0xa6: {  	v0 =	vadd.f32 v2, v0;
	_ =	sdelay $0x1  }
0xa7: {  	v63 =	vmul.f32 $2.000000030e-01, v0;
	_ =	sdelay $0x1  }
0xa8: {  	v0 =	vmax.f32 v0, v63  }
0xa9: {  	v0 =	vmul.f32 $1.442695020e+00, v0;
	_ =	sdelay $0x1  }
0xaa: {  	s31 =	simm.s32 $0x3300;
	s11 =	simm.s32 $0x25A0;
	(erf) = vpow2.f32 v0  }
0xab: {  	s15 =	simm.s32 $0x1E0;
	s22 =	simm.s32 $0x0;
	s26 =	simm.s32 $0xDE0  }
.LBB2_3:
0xac: {  	s22 =	sadd.s32 $0x4, s22;
	s24 =	sadd.s32 $0x40, s24;
	s28 =	sadd.s32 $0x40, s28  }
0xad: {  	p0 =	slt.u32 s22, $0x5C;
	_ =	sdelay $0x5  }
0xae: {  	v0 =	vpop (erf)  }
0xaf: {  	[tilespmem:s11+$0x10] =	vst v0;
	s11 =	smov.u32 s24  }
0xb0: {  	v1 =	vld [tilespmem:s13+$0x40]  }
0xb1: {  	v2 =	vld [tilespmem:s13+$0x50]  }
0xb2: {  	v3 =	vld [tilespmem:s13+$0x60]  }
0xb3: {  	v0 =	vbroadcast v0, $0x0;
	v4 =	vld [tilespmem:s13+$0x70];
	_ =	sdelay $0x1  }
0xb4: {  	v1 =	vmul.f32 v0, v1  }
0xb5: {  	v2 =	vmul.f32 v0, v2  }
0xb6: {  	[tilespmem:s13+$0x40] =	vst v1;
	v1 =	vmul.f32 v0, v3  }
0xb7: {  	[tilespmem:s13+$0x50] =	vst v2;
	v0 =	vmul.f32 v4, v0  }
0xb8: {  	[tilespmem:s13+$0x60] =	vst v1  }
0xb9: {  	[tilespmem:s13+$0x70] =	vst v0;
	s13 =	smov.u32 s31  }
0xba: {  	v0 =	vld [tilespmem:s26+$0xFFFFFFE0]  }
0xbb: {  	v1 =	vld [tilespmem:s15+$0xFFFFFFE0]  }
0xbc: {  	v2 =	vld [tilespmem:s28+$0xFFFFFFE0];
	_ =	sdelay $0x3  }
0xbd: {  	v0 =	vadd.f32 v0, v1;
	_ =	sdelay $0x1  }
0xbe: {  	v0 =	vadd.f32 v2, v0;
	_ =	sdelay $0x1  }
0xbf: {  	v1 =	vmul.f32 $2.000000030e-01, v0;
	_ =	sdelay $0x1  }
0xc0: {  	v0 =	vmax.f32 v0, v1  }
0xc1: {  	v0 =	vmul.f32 $1.442695020e+00, v0;
	_ =	sdelay $0x1  }
0xc2: {  	(erf) = vpow2.f32 v0;
	_ =	sdelay $0x8  }
0xc3: {  	v0 =	vpop (erf)  }
0xc4: {  	[tilespmem:s24+$0xFFFFFFE0] =	vst v0  }
0xc5: {  	v1 =	vld [tilespmem:s31+$0xFFFFFFB0]  }
0xc6: {  	v2 =	vld [tilespmem:s31+$0xFFFFFF80]  }
0xc7: {  	v3 =	vld [tilespmem:s31+$0xFFFFFFA0]  }
0xc8: {  	v4 =	vld [tilespmem:s31+$0xFFFFFF90]  }
0xc9: {  	v0 =	vbroadcast v0, $0x0;
	_ =	sdelay $0x1  }
0xca: {  	v2 =	vmul.f32 v0, v2  }
0xcb: {  	v1 =	vmul.f32 v1, v0;
	v3 =	vmul.f32 v0, v3  }
0xcc: {  	[tilespmem:s31+$0xFFFFFF80] =	vst v2;
	v0 =	vmul.f32 v0, v4  }
0xcd: {  	[tilespmem:s31+$0xFFFFFFA0] =	vst v3  }
0xce: {  	[tilespmem:s31+$0xFFFFFF90] =	vst v0  }
0xcf: {  	[tilespmem:s31+$0xFFFFFFB0] =	vst v1  }
0xd0: {  	v0 =	vld [tilespmem:s15+$0xFFFFFFF0]  }
0xd1: {  	v1 =	vld [tilespmem:s26+$0xFFFFFFF0]  }
0xd2: {  	v2 =	vld [tilespmem:s28+$0xFFFFFFF0];
	_ =	sdelay $0x3  }
0xd3: {  	v0 =	vadd.f32 v1, v0;
	_ =	sdelay $0x1  }
0xd4: {  	v0 =	vadd.f32 v2, v0;
	_ =	sdelay $0x1  }
0xd5: {  	v1 =	vmul.f32 $2.000000030e-01, v0;
	_ =	sdelay $0x1  }
0xd6: {  	v0 =	vmax.f32 v0, v1  }
0xd7: {  	v0 =	vmul.f32 $1.442695020e+00, v0;
	_ =	sdelay $0x1  }
0xd8: {  	(erf) = vpow2.f32 v0;
	_ =	sdelay $0x8  }
0xd9: {  	v0 =	vpop (erf)  }
0xda: {  	[tilespmem:s24+$0xFFFFFFF0] =	vst v0  }
0xdb: {  	v1 =	vld [tilespmem:s31+$0xFFFFFFC0]  }
0xdc: {  	v2 =	vld [tilespmem:s31+$0xFFFFFFD0]  }
0xdd: {  	v3 =	vld [tilespmem:s31+$0xFFFFFFE0]  }
0xde: {  	v0 =	vbroadcast v0, $0x0;
	v4 =	vld [tilespmem:s31+$0xFFFFFFF0];
	_ =	sdelay $0x1  }
0xdf: {  	v1 =	vmul.f32 v0, v1  }
0xe0: {  	v2 =	vmul.f32 v0, v2  }
0xe1: {  	[tilespmem:s31+$0xFFFFFFC0] =	vst v1;
	v1 =	vmul.f32 v0, v3  }
0xe2: {  	[tilespmem:s31+$0xFFFFFFD0] =	vst v2;
	v0 =	vmul.f32 v4, v0  }
0xe3: {  	[tilespmem:s31+$0xFFFFFFE0] =	vst v1  }
0xe4: {  	[tilespmem:s31+$0xFFFFFFF0] =	vst v0  }
0xe5: {  	v0 =	vld [tilespmem:s15+$0x0]  }
0xe6: {  	v1 =	vld [tilespmem:s26+$0x0]  }
0xe7: {  	v2 =	vld [tilespmem:s28+$0x0];
	_ =	sdelay $0x3  }
0xe8: {  	v0 =	vadd.f32 v1, v0;
	_ =	sdelay $0x1  }
0xe9: {  	v0 =	vadd.f32 v2, v0;
	_ =	sdelay $0x1  }
0xea: {  	v1 =	vmul.f32 $2.000000030e-01, v0;
	_ =	sdelay $0x1  }
0xeb: {  	v0 =	vmax.f32 v0, v1  }
0xec: {  	v0 =	vmul.f32 $1.442695020e+00, v0;
	_ =	sdelay $0x1  }
0xed: {  	(erf) = vpow2.f32 v0;
	_ =	sdelay $0x8  }
0xee: {  	v0 =	vpop (erf)  }
0xef: {  	[tilespmem:s24+$0x0] =	vst v0  }
0xf0: {  	v1 =	vld [tilespmem:s31+$0x0]  }
0xf1: {  	v2 =	vld [tilespmem:s31+$0x10]  }
0xf2: {  	v3 =	vld [tilespmem:s31+$0x20]  }
0xf3: {  	v0 =	vbroadcast v0, $0x0;
	v4 =	vld [tilespmem:s31+$0x30];
	_ =	sdelay $0x1  }
0xf4: {  	v1 =	vmul.f32 v0, v1  }
0xf5: {  	v2 =	vmul.f32 v0, v2  }
0xf6: {  	[tilespmem:s31+$0x0] =	vst v1;
	v1 =	vmul.f32 v0, v3  }
0xf7: {  	[tilespmem:s31+$0x10] =	vst v2;
	v0 =	vmul.f32 v4, v0  }
0xf8: {  	[tilespmem:s31+$0x20] =	vst v1  }
0xf9: {  	[tilespmem:s31+$0x30] =	vst v0  }
0xfa: {  	v0 =	vld [tilespmem:s15+$0x10]  }
0xfb: {  	v1 =	vld [tilespmem:s26+$0x10]  }
0xfc: {  	v2 =	vld [tilespmem:s28+$0x10];
	_ =	sdelay $0x3  }
0xfd: {  	v0 =	vadd.f32 v1, v0;
	_ =	sdelay $0x1  }
0xfe: {  	v0 =	vadd.f32 v2, v0;
	_ =	sdelay $0x1  }
0xff: {  	v1 =	vmul.f32 $2.000000030e-01, v0;
	_ =	sdelay $0x1  }
.Ltmp0:
0x100: {  	v0 =	vmax.f32 v0, v1;
	(pc) =	sbr.rel @p0 .LBB2_3-.Ltmp0, $3  }
0x101: {  	v0 =	vmul.f32 $1.442695020e+00, v0;
	_ =	sdelay $0x1  }
0x102: {  	(erf) = vpow2.f32 v0  }
0x103: {  	s31 =	sadd.s32 $0x100, s31;
	s15 =	sadd.s32 $0x40, s15;
	s26 =	sadd.s32 $0x40, s26  }
0x104: {  	_ =	sdelay $0x6  }
0x105: {  	v0 =	vpop (erf)  }
0x106: {  	[tilespmem:s11+$0x10] =	vst v0  }
0x107: {  	v1 =	vld [tilespmem:s13+$0x40]  }
0x108: {  	v2 =	vld [tilespmem:s13+$0x50]  }
0x109: {  	v3 =	vld [tilespmem:s13+$0x60]  }
0x10a: {  	v0 =	vbroadcast v0, $0x0;
	v4 =	vld [tilespmem:s13+$0x70];
	_ =	sdelay $0x1  }
0x10b: {  	v1 =	vmul.f32 v0, v1  }
0x10c: {  	v2 =	vmul.f32 v0, v2  }
0x10d: {  	v41 =	vmul.f32 v0, v3;
	[tilespmem:s13+$0x40] =	vst v1  }
0x10e: {  	v0 =	vmul.f32 v4, v0;
	[tilespmem:s13+$0x50] =	vst v2  }
0x10f: {  	[tilespmem:s13+$0x60] =	vst v41  }
0x110: {  	s26 =	simm.s32 $0x2580;
	[tilespmem:s13+$0x70] =	vst v0  }
0x111: {  	[spmem:s3] =	stream.indirect.scatter.add.f32 [tilespmem:s26], [sflag:$0x3], $0x10, s25, s29, $0xb8;
	[tilespmem:$0x12700] =	vst v63  }
0x112: {  	_ = 	snop  }
0x113: {  	[spmem:s2] =	stream.indirect.scatter.add.f32 [tilespmem:s0], [sflag:$0x3], $0x40, s25, s29, $0xb8;
	[tilespmem:$0x12700] =	vst v63  }
0x114: {  	_ =	swait.ge [sflag:s16], $0x600  }
0x115: {  	[sflag:s16] =	ssyncset.done $0x0  }
0x116: {  	p0 =	seq.s32 s23, $0x34;
	[sflag:s16] =	ssyncadd.s32 $0xFFFFFA00  }
0x117: {  	s11 =	sadd.s32 @!p0 s21, s20;
	_ =	swait.ge [sflag:s16], $0x1800  }
0x118: {  	s21 =	simm.s32 @!p0 $0x0;
	s13 =	sshrl.u32 @!p0 s11, $0x3;
	[sflag:s16] =	ssyncset.done $0x0  }
0x119: {  	s11 =	sshll.u32 @!p0 s11, $0x1;
	s15 =	sadd.s32 @!p0 s9, s13;
	[sflag:s16] =	ssyncadd.s32 $0xFFFFE800  }
0x11a: {  	[tilespmem:s21], [sflag:$0x5] =	stream.linear.gather @!p0 [hbm4b:s15+s21], $0x60, $0x38;
	[tilespmem:$0x12700] =	vst v63  }
0x11b: {  	s13 =	sadd.s32 @!p0 s10, s13;
	s11 =	sand.u32 @!p0 $0x1FFFFF80, s11;
	s15 =	simm.s32 @!p0 $0xC0  }
0x11c: {  	[tilespmem:s15], [sflag:$0x5] =	stream.linear.gather @!p0 [hbm4b:s13+s21], $0x60, $0x38;
	[tilespmem:$0x12700] =	vst v63  }
0x11d: {  	s11 =	sadd.s32 @!p0 s8, s11;
	s13 =	simm.s32 @!p0 $0x1980  }
0x11e: {  	[tilespmem:s13], [sflag:$0x5] =	stream.linear.gather @!p0 [hbm4b:s11+s21], $0x600, $0x38;
	[tilespmem:$0x12700] =	vst v63  }
0x11f: {  	s11 =	simm.s32 @!p0 $0x5  }
0x120: {  	_ =	swait.ge @!p0 [sflag:s11], $0x60  }
0x121: {  	[sflag:s11] =	ssyncset.done @!p0 $0x0  }
0x122: {  	[sflag:s11] =	ssyncadd.s32 @!p0 $0xFFFFFFA0  }
0x123: {  	_ =	swait.ge @!p0 [sflag:s11], $0x60  }
0x124: {  	[sflag:s11] =	ssyncset.done @!p0 $0x0  }
0x125: {  	[sflag:s11] =	ssyncadd.s32 @!p0 $0xFFFFFFA0  }
0x126: {  	_ =	swait.ge @!p0 [sflag:s11], $0x600  }
0x127: {  	[sflag:s11] =	ssyncset.done @!p0 $0x0  }
0x128: {  	s13 =	simm.s32 @!p0 $0x180;
	[sflag:s11] =	ssyncadd.s32 @!p0 $0xFFFFFA00;
	s11 =	simm.s32 @!p0 $0x60  }
0x129: {  	[tilespmem:s13], [sflag:$0x1] =	stream.indirect.gather @!p0 [hbm4b:s6+s11], $0x10, s21, s11, $0xb8;
	[tilespmem:$0x12700] =	vst v63  }
0x12a: {  	s13 =	simm.s32 @!p0 $0xD80  }
0x12b: {  	[tilespmem:s13], [sflag:$0x1] =	stream.indirect.gather @!p0 [hbm4b:s7+s11], $0x10, s15, s11, $0xb8;
	[tilespmem:$0x12700] =	vst v63  }
0x12c: {  	s13 =	simm.s32 @!p0 $0x3180  }
0x12d: {  	[tilespmem:s13], [sflag:$0x1] =	stream.indirect.gather @!p0 [hbm4b:s1+s11], $0x40, s21, s11, $0xb8;
	[tilespmem:$0x12700] =	vst v63  }
0x12e: {  	_ =	swait.ge [sflag:s17], $0x600  }
0x12f: {  	[sflag:s17] =	ssyncset.done $0x0  }
0x130: {  	[sflag:s17] =	ssyncadd.s32 $0xFFFFFA00  }
0x131: {  	_ =	swait.ge [sflag:s17], $0x600  }
0x132: {  	[sflag:s17] =	ssyncset.done $0x0  }
0x133: {  	[sflag:s17] =	ssyncadd.s32 $0xFFFFFA00  }
0x134: {  	_ =	swait.ge [sflag:s17], $0x1800  }
0x135: {  	[sflag:s17] =	ssyncset.done $0x0  }
0x136: {  	s21 =	simm.s32 $0x13B0;
	[sflag:s17] =	ssyncadd.s32 $0xFFFFE800  }
0x137: {  	s28 =	simm.s32 $0x7B0;
	v42 =	vld [tilespmem:s21+$0xFFFFFFD0]  }
0x138: {  	v43 =	vld [tilespmem:s28+$0xFFFFFFD0]  }
0x139: {  	s31 =	simm.s32 $0x1FB0  }
0x13a: {  	v44 =	vld [tilespmem:s31+$0xFFFFFFD0];
	_ =	sdelay $0x2  }
0x13b: {  	v0 =	vadd.f32 v42, v43;
	_ =	sdelay $0x1  }
0x13c: {  	v0 =	vadd.f32 v44, v0;
	_ =	sdelay $0x1  }
0x13d: {  	v45 =	vmul.f32 $2.000000030e-01, v0;
	_ =	sdelay $0x1  }
0x13e: {  	v0 =	vmax.f32 v0, v45  }
0x13f: {  	v0 =	vmul.f32 $1.442695020e+00, v0;
	_ =	sdelay $0x1  }
0x140: {  	(erf) = vpow2.f32 v0;
	_ =	sdelay $0x8  }
0x141: {  	s24 =	simm.s32 $0x2BB0;
	v0 =	vpop (erf)  }
0x142: {  	s13 =	simm.s32 $0x4A70;
	[tilespmem:s24+$0xFFFFFFD0] =	vst v0  }
0x143: {  	v46 =	vld [tilespmem:s13+$0xFFFFFF10]  }
0x144: {  	v47 =	vld [tilespmem:s13+$0xFFFFFF30]  }
0x145: {  	v48 =	vld [tilespmem:s13+$0xFFFFFF20]  }
0x146: {  	v0 =	vbroadcast v0, $0x0;
	v49 =	vld [tilespmem:s13+$0xFFFFFF40];
	_ =	sdelay $0x1  }
0x147: {  	v1 =	vmul.f32 v0, v46  }
0x148: {  	v2 =	vmul.f32 v0, v47  }
0x149: {  	v50 =	vmul.f32 v0, v48;
	[tilespmem:s13+$0xFFFFFF10] =	vst v1  }
0x14a: {  	v0 =	vmul.f32 v49, v0;
	[tilespmem:s13+$0xFFFFFF30] =	vst v2  }
0x14b: {  	[tilespmem:s13+$0xFFFFFF20] =	vst v50  }
0x14c: {  	[tilespmem:s13+$0xFFFFFF40] =	vst v0  }
0x14d: {  	v0 =	vld [tilespmem:s28+$0xFFFFFFE0]  }
0x14e: {  	v1 =	vld [tilespmem:s21+$0xFFFFFFE0];
	_ =	sdelay $0x1  }
0x14f: {  	v2 =	vld [tilespmem:s31+$0xFFFFFFE0];
	_ =	sdelay $0x2  }
0x150: {  	v0 =	vadd.f32 v1, v0;
	_ =	sdelay $0x1  }
0x151: {  	v0 =	vadd.f32 v2, v0;
	_ =	sdelay $0x1  }
0x152: {  	v51 =	vmul.f32 $2.000000030e-01, v0;
	_ =	sdelay $0x1  }
0x153: {  	v0 =	vmax.f32 v0, v51  }
0x154: {  	v0 =	vmul.f32 $1.442695020e+00, v0;
	_ =	sdelay $0x1  }
0x155: {  	(erf) = vpow2.f32 v0;
	_ =	sdelay $0x8  }
0x156: {  	v0 =	vpop (erf)  }
0x157: {  	[tilespmem:s24+$0xFFFFFFE0] =	vst v0  }
0x158: {  	v52 =	vld [tilespmem:s13+$0xFFFFFF50]  }
0x159: {  	v53 =	vld [tilespmem:s13+$0xFFFFFF60]  }
0x15a: {  	v54 =	vld [tilespmem:s13+$0xFFFFFF70]  }
0x15b: {  	v0 =	vbroadcast v0, $0x0;
	v55 =	vld [tilespmem:s13+$0xFFFFFF80];
	_ =	sdelay $0x1  }
0x15c: {  	v1 =	vmul.f32 v0, v52  }
0x15d: {  	v2 =	vmul.f32 v0, v53  }
0x15e: {  	v56 =	vmul.f32 v0, v54;
	[tilespmem:s13+$0xFFFFFF50] =	vst v1  }
0x15f: {  	v0 =	vmul.f32 v55, v0;
	[tilespmem:s13+$0xFFFFFF60] =	vst v2  }
0x160: {  	[tilespmem:s13+$0xFFFFFF70] =	vst v56  }
0x161: {  	[tilespmem:s13+$0xFFFFFF80] =	vst v0  }
0x162: {  	v0 =	vld [tilespmem:s28+$0xFFFFFFF0]  }
0x163: {  	v1 =	vld [tilespmem:s21+$0xFFFFFFF0];
	_ =	sdelay $0x1  }
0x164: {  	v2 =	vld [tilespmem:s31+$0xFFFFFFF0];
	_ =	sdelay $0x2  }
0x165: {  	v0 =	vadd.f32 v1, v0;
	_ =	sdelay $0x1  }
0x166: {  	v0 =	vadd.f32 v2, v0;
	_ =	sdelay $0x1  }
0x167: {  	v57 =	vmul.f32 $2.000000030e-01, v0;
	_ =	sdelay $0x1  }
0x168: {  	v0 =	vmax.f32 v0, v57  }
0x169: {  	v0 =	vmul.f32 $1.442695020e+00, v0;
	_ =	sdelay $0x1  }
0x16a: {  	(erf) = vpow2.f32 v0;
	_ =	sdelay $0x8  }
0x16b: {  	v0 =	vpop (erf)  }
0x16c: {  	[tilespmem:s24+$0xFFFFFFF0] =	vst v0  }
0x16d: {  	v58 =	vld [tilespmem:s13+$0xFFFFFF90]  }
0x16e: {  	v59 =	vld [tilespmem:s13+$0xFFFFFFA0]  }
0x16f: {  	v60 =	vld [tilespmem:s13+$0xFFFFFFB0]  }
0x170: {  	v0 =	vbroadcast v0, $0x0;
	v61 =	vld [tilespmem:s13+$0xFFFFFFC0];
	_ =	sdelay $0x1  }
0x171: {  	v1 =	vmul.f32 v0, v58  }
0x172: {  	v2 =	vmul.f32 v0, v59  }
0x173: {  	v62 =	vmul.f32 v0, v60;
	[tilespmem:s13+$0xFFFFFF90] =	vst v1  }
0x174: {  	v0 =	vmul.f32 v61, v0;
	[tilespmem:s13+$0xFFFFFFA0] =	vst v2  }
0x175: {  	[tilespmem:s13+$0xFFFFFFB0] =	vst v62  }
0x176: {  	[tilespmem:s13+$0xFFFFFFC0] =	vst v0  }
0x177: {  	v0 =	vld [tilespmem:s28+$0x0]  }
0x178: {  	v1 =	vld [tilespmem:s21+$0x0];
	_ =	sdelay $0x1  }
0x179: {  	v2 =	vld [tilespmem:s31+$0x0];
	_ =	sdelay $0x2  }
0x17a: {  	v0 =	vadd.f32 v1, v0;
	_ =	sdelay $0x1  }
0x17b: {  	v0 =	vadd.f32 v2, v0;
	_ =	sdelay $0x1  }
0x17c: {  	v63 =	vmul.f32 $2.000000030e-01, v0;
	_ =	sdelay $0x1  }
0x17d: {  	v0 =	vmax.f32 v0, v63  }
0x17e: {  	v0 =	vmul.f32 $1.442695020e+00, v0;
	_ =	sdelay $0x1  }
0x17f: {  	s22 =	simm.s32 $0x0;
	(erf) = vpow2.f32 v0  }
0x180: {  	s26 =	simm.s32 $0x1FF0;
	s15 =	simm.s32 $0x2BF0;
	s11 =	simm.s32 $0x4B70  }
.LBB2_5:
0x181: {  	s22 =	sadd.s32 $0x4, s22;
	s28 =	sadd.s32 $0x40, s28;
	s21 =	sadd.s32 $0x40, s21  }
0x182: {  	p0 =	slt.u32 s22, $0x5C;
	_ =	sdelay $0x5  }
0x183: {  	v0 =	vpop (erf)  }
0x184: {  	[tilespmem:s24+$0x0] =	vst v0;
	s24 =	smov.u32 s15  }
0x185: {  	v1 =	vld [tilespmem:s13+$0xFFFFFFD0]  }
0x186: {  	v2 =	vld [tilespmem:s13+$0xFFFFFFE0]  }
0x187: {  	v3 =	vld [tilespmem:s13+$0xFFFFFFF0]  }
0x188: {  	v0 =	vbroadcast v0, $0x0;
	v4 =	vld [tilespmem:s13+$0x0];
	_ =	sdelay $0x1  }
0x189: {  	v1 =	vmul.f32 v0, v1  }
0x18a: {  	v2 =	vmul.f32 v0, v2  }
0x18b: {  	[tilespmem:s13+$0xFFFFFFD0] =	vst v1;
	v1 =	vmul.f32 v0, v3  }
0x18c: {  	[tilespmem:s13+$0xFFFFFFE0] =	vst v2;
	v0 =	vmul.f32 v4, v0  }
0x18d: {  	[tilespmem:s13+$0xFFFFFFF0] =	vst v1  }
0x18e: {  	[tilespmem:s13+$0x0] =	vst v0;
	s13 =	smov.u32 s11  }
0x18f: {  	v0 =	vld [tilespmem:s21+$0xFFFFFFD0]  }
0x190: {  	v1 =	vld [tilespmem:s28+$0xFFFFFFD0]  }
0x191: {  	v2 =	vld [tilespmem:s26+$0xFFFFFFD0];
	_ =	sdelay $0x3  }
0x192: {  	v0 =	vadd.f32 v0, v1;
	_ =	sdelay $0x1  }
0x193: {  	v0 =	vadd.f32 v2, v0;
	_ =	sdelay $0x1  }
0x194: {  	v1 =	vmul.f32 $2.000000030e-01, v0;
	_ =	sdelay $0x1  }
0x195: {  	v0 =	vmax.f32 v0, v1  }
0x196: {  	v0 =	vmul.f32 $1.442695020e+00, v0;
	_ =	sdelay $0x1  }
0x197: {  	(erf) = vpow2.f32 v0;
	_ =	sdelay $0x8  }
0x198: {  	v0 =	vpop (erf)  }
0x199: {  	[tilespmem:s15+$0xFFFFFFD0] =	vst v0  }
0x19a: {  	v1 =	vld [tilespmem:s11+$0xFFFFFF40]  }
0x19b: {  	v2 =	vld [tilespmem:s11+$0xFFFFFF10]  }
0x19c: {  	v3 =	vld [tilespmem:s11+$0xFFFFFF30]  }
0x19d: {  	v4 =	vld [tilespmem:s11+$0xFFFFFF20]  }
0x19e: {  	v0 =	vbroadcast v0, $0x0;
	_ =	sdelay $0x1  }
0x19f: {  	v2 =	vmul.f32 v0, v2  }
0x1a0: {  	v1 =	vmul.f32 v1, v0;
	v3 =	vmul.f32 v0, v3  }
0x1a1: {  	[tilespmem:s11+$0xFFFFFF10] =	vst v2;
	v0 =	vmul.f32 v0, v4  }
0x1a2: {  	[tilespmem:s11+$0xFFFFFF30] =	vst v3  }
0x1a3: {  	[tilespmem:s11+$0xFFFFFF20] =	vst v0  }
0x1a4: {  	[tilespmem:s11+$0xFFFFFF40] =	vst v1  }
0x1a5: {  	v0 =	vld [tilespmem:s28+$0xFFFFFFE0]  }
0x1a6: {  	v1 =	vld [tilespmem:s21+$0xFFFFFFE0]  }
0x1a7: {  	v2 =	vld [tilespmem:s26+$0xFFFFFFE0];
	_ =	sdelay $0x3  }
0x1a8: {  	v0 =	vadd.f32 v1, v0;
	_ =	sdelay $0x1  }
0x1a9: {  	v0 =	vadd.f32 v2, v0;
	_ =	sdelay $0x1  }
0x1aa: {  	v1 =	vmul.f32 $2.000000030e-01, v0;
	_ =	sdelay $0x1  }
0x1ab: {  	v0 =	vmax.f32 v0, v1  }
0x1ac: {  	v0 =	vmul.f32 $1.442695020e+00, v0;
	_ =	sdelay $0x1  }
0x1ad: {  	(erf) = vpow2.f32 v0;
	_ =	sdelay $0x8  }
0x1ae: {  	v0 =	vpop (erf)  }
0x1af: {  	[tilespmem:s15+$0xFFFFFFE0] =	vst v0  }
0x1b0: {  	v1 =	vld [tilespmem:s11+$0xFFFFFF50]  }
0x1b1: {  	v2 =	vld [tilespmem:s11+$0xFFFFFF60]  }
0x1b2: {  	v3 =	vld [tilespmem:s11+$0xFFFFFF70]  }
0x1b3: {  	v0 =	vbroadcast v0, $0x0;
	v4 =	vld [tilespmem:s11+$0xFFFFFF80];
	_ =	sdelay $0x1  }
0x1b4: {  	v1 =	vmul.f32 v0, v1  }
0x1b5: {  	v2 =	vmul.f32 v0, v2  }
0x1b6: {  	[tilespmem:s11+$0xFFFFFF50] =	vst v1;
	v1 =	vmul.f32 v0, v3  }
0x1b7: {  	[tilespmem:s11+$0xFFFFFF60] =	vst v2;
	v0 =	vmul.f32 v4, v0  }
0x1b8: {  	[tilespmem:s11+$0xFFFFFF70] =	vst v1  }
0x1b9: {  	[tilespmem:s11+$0xFFFFFF80] =	vst v0  }
0x1ba: {  	v0 =	vld [tilespmem:s28+$0xFFFFFFF0]  }
0x1bb: {  	v1 =	vld [tilespmem:s21+$0xFFFFFFF0]  }
0x1bc: {  	v2 =	vld [tilespmem:s26+$0xFFFFFFF0];
	_ =	sdelay $0x3  }
0x1bd: {  	v0 =	vadd.f32 v1, v0;
	_ =	sdelay $0x1  }
0x1be: {  	v0 =	vadd.f32 v2, v0;
	_ =	sdelay $0x1  }
0x1bf: {  	v1 =	vmul.f32 $2.000000030e-01, v0;
	_ =	sdelay $0x1  }
0x1c0: {  	v0 =	vmax.f32 v0, v1  }
0x1c1: {  	v0 =	vmul.f32 $1.442695020e+00, v0;
	_ =	sdelay $0x1  }
0x1c2: {  	(erf) = vpow2.f32 v0;
	_ =	sdelay $0x8  }
0x1c3: {  	v0 =	vpop (erf)  }
0x1c4: {  	[tilespmem:s15+$0xFFFFFFF0] =	vst v0  }
0x1c5: {  	v1 =	vld [tilespmem:s11+$0xFFFFFF90]  }
0x1c6: {  	v2 =	vld [tilespmem:s11+$0xFFFFFFA0]  }
0x1c7: {  	v3 =	vld [tilespmem:s11+$0xFFFFFFB0]  }
0x1c8: {  	v0 =	vbroadcast v0, $0x0;
	v4 =	vld [tilespmem:s11+$0xFFFFFFC0];
	_ =	sdelay $0x1  }
0x1c9: {  	v1 =	vmul.f32 v0, v1  }
0x1ca: {  	v2 =	vmul.f32 v0, v2  }
0x1cb: {  	[tilespmem:s11+$0xFFFFFF90] =	vst v1;
	v1 =	vmul.f32 v0, v3  }
0x1cc: {  	[tilespmem:s11+$0xFFFFFFA0] =	vst v2;
	v0 =	vmul.f32 v4, v0  }
0x1cd: {  	[tilespmem:s11+$0xFFFFFFB0] =	vst v1  }
0x1ce: {  	[tilespmem:s11+$0xFFFFFFC0] =	vst v0  }
0x1cf: {  	v0 =	vld [tilespmem:s28+$0x0]  }
0x1d0: {  	v1 =	vld [tilespmem:s21+$0x0]  }
0x1d1: {  	v2 =	vld [tilespmem:s26+$0x0];
	_ =	sdelay $0x3  }
0x1d2: {  	v0 =	vadd.f32 v1, v0;
	_ =	sdelay $0x1  }
0x1d3: {  	v0 =	vadd.f32 v2, v0;
	_ =	sdelay $0x1  }
0x1d4: {  	v1 =	vmul.f32 $2.000000030e-01, v0;
	_ =	sdelay $0x1  }
.Ltmp1:
0x1d5: {  	v0 =	vmax.f32 v0, v1;
	(pc) =	sbr.rel @p0 .LBB2_5-.Ltmp1, $3  }
0x1d6: {  	v0 =	vmul.f32 $1.442695020e+00, v0;
	_ =	sdelay $0x1  }
0x1d7: {  	(erf) = vpow2.f32 v0  }
0x1d8: {  	s15 =	sadd.s32 $0x40, s15;
	s11 =	sadd.s32 $0x100, s11;
	s26 =	sadd.s32 $0x40, s26  }
0x1d9: {  	_ =	sdelay $0x6  }
0x1da: {  	v0 =	vpop (erf)  }
0x1db: {  	[tilespmem:s24+$0x0] =	vst v0  }
0x1dc: {  	v1 =	vld [tilespmem:s13+$0xFFFFFFD0]  }
0x1dd: {  	v2 =	vld [tilespmem:s13+$0xFFFFFFE0]  }
0x1de: {  	v3 =	vld [tilespmem:s13+$0xFFFFFFF0]  }
0x1df: {  	v0 =	vbroadcast v0, $0x0;
	v4 =	vld [tilespmem:s13+$0x0];
	_ =	sdelay $0x1  }
0x1e0: {  	v1 =	vmul.f32 v0, v1  }
0x1e1: {  	v2 =	vmul.f32 v0, v2  }
0x1e2: {  	s23 =	sadd.s32 $0x1, s23;
	v63 =	vmul.f32 v0, v3;
	[tilespmem:s13+$0xFFFFFFD0] =	vst v1  }
0x1e3: {  	p0 =	sne.s32 s23, $0x35;
	v0 =	vmul.f32 v4, v0;
	[tilespmem:s13+$0xFFFFFFE0] =	vst v2  }
.Ltmp2:
0x1e4: {  	[tilespmem:s13+$0xFFFFFFF0] =	vst v63;
	(pc) =	sbr.rel @p0 .LBB2_2-.Ltmp2, $4  }
0x1e5: {  	[tilespmem:s13+$0x0] =	vst v0  }
0x1e6: {  	[spmem:s3] =	stream.indirect.scatter.add.f32 [tilespmem:s18], [sflag:$0x4], $0x10, s5, s29, $0xb8;
	[tilespmem:$0x12700] =	vst v63  }
0x1e7: {  	_ = 	snop  }
0x1e8: {  	[spmem:s2] =	stream.indirect.scatter.add.f32 [tilespmem:s12], [sflag:$0x4], $0x40, s5, s29, $0xb8;
	[tilespmem:$0x12700] =	vst v63  }
0x1e9: {  	s11 =	simm.s32 $0x4  }
0x1ea: {  	_ =	swait.ge [sflag:s11], $0x600  }
0x1eb: {  	[sflag:s11] =	ssyncset.done $0x0  }
0x1ec: {  	[sflag:s11] =	ssyncadd.s32 $0xFFFFFA00  }
0x1ed: {  	_ =	swait.ge [sflag:s11], $0x1800  }
0x1ee: {  	[sflag:s11] =	ssyncset.done $0x0  }
0x1ef: {  	[sflag:s11] =	ssyncadd.s32 $0xFFFFE800  }
0x1f0: {  	[bflag:$0x0] =	sbarrier.arrive $0xFFFF  }
0x1f1: {  	s21 =	rddreg [dreg:$0x7]  }
0x1f2: {  	s24 =	rddreg [dreg:$0xd]  }
0x1f3: {  	s13 =	rddreg [dreg:$0x11]  }
0x1f4: {  	[hbm:s24], [sflag:s21] =	dma.local [spmem:s13], $0x13C0  }
0x1f5: {  	s13 =	simm.s32 $0x7  }
0x1f6: {  	_ =	swait.ge [sflag:s13], $0x13C0  }
0x1f7: {  	[sflag:s13] =	ssyncset.done $0x0;
	s26 =	rddreg [dreg:$0xe]  }
0x1f8: {  	s15 =	rddreg [dreg:$0x12];
	[sflag:s13] =	ssyncadd.s32 $0xFFFFEC40  }
0x1f9: {  	[hbm:s26], [sflag:s21] =	dma.local [spmem:s15], $0x4F0  }
0x1fa: {  	_ =	swait.ge [sflag:s13], $0x4F0  }
0x1fb: {  	s28 =	rddreg [dreg:$0x10]  }
0x1fc: {  	s31 =	rddreg [dreg:$0xf];
	s15 =	sadd.s32 $0x1, s28  }
0x1fd: {  	p0 =	sne.s32 s15, s31  }
.Ltmp3:
0x1fe: {  	_ = 	snop;
	(pc) =	sbr.rel @p0 .LBB2_1-.Ltmp3, $3  }
0x1ff: {  	_ =	sdelay $0x1  }
0x200: {  	[sflag:s13] =	ssyncset.done $0x0  }
0x201: {  	[sflag:s13] =	ssyncadd.s32 $0xFFFFFB10  }
0x202: {  	_ =	sfence.sel $0x180000  }
0x203: {  	[bflag:$0x0] =	sbarrier.arrive $0xFFFF  }
0x204: {  	_ =	strace $0x9000004A  }
0x205: {  	s0 =	stileid.u32;
	[bflag:$0x2] =	sbarrier.arrive $0xFFFF  }
0x206: {  	p0 =	sne.s32 s0, $0x0;
	s0 =	rddreg [dreg:$0x4]  }
0x207: {  	s0 =	sadd.s32 @!p0 $0x100000, s0  }
0x208: {  	[sflag:s0] =	ssyncadd.tile.s32 @!p0 $0x1;
	_ =	shalt  }
.Lfunc_end2:
_tile_overlayer_lowered:
.L_overlay_start_2:
0x209: {  	(tag) =	ssettag $0x2  }
0x20a: {  	s0 =	rddreg [dreg:$0x0];
	s2 =	stileid.u32  }
0x20b: {  	s1 =	rddreg [dreg:$0x1];
	p0 =	sne.s32 s2, $0x0  }
0x20c: {  	s3 =	rddreg [dreg:$0x2];
	[bflag:$0x3] =	sbarrier.arrive $0xFFFF;
	s2 =	simm.s32 @!p0 $0x1C07  }
0x20d: {  	[timem:s3], [sflag:s2] =	dma.local @!p0 [hbm:s0], s1  }
0x20e: {  	s0 =	simm.s32 @!p0 $0x7  }
0x20f: {  	_ =	swait.ge @!p0 [sflag:s0], s1  }
0x210: {  	s1 =	ssub.s32 @!p0 $0x0, s1;
	[sflag:s0] =	ssyncset.done @!p0 $0x0  }
0x211: {  	[sflag:s0] =	ssyncadd.s32 @!p0 s1  }
0x212: {  	[bflag:$0x3] =	sbarrier.arrive $0xFFFF  }
0x213: {  	_ =	shalt  }

// kernel: kernel.9.cloned.1.call-start
scs
__scs_entry_jumppad:
0x0: {  	(pc) =	sbr.rel $0x88, $3  }
0x1: {  	(tag) =	ssettag $0x0;
	lr =	simm.s32 $0x1  }
0x2: {  	[smem:$0x3F92] =	sst lr;
	_ =	strace $0xD0000000  }
0x3: {  	_ = 	snop  }
0x4: {  	_ = 	snop  }
0x5: {  	_ = 	snop  }
0x6: {  	_ = 	snop  }
0x7: {  	_ = 	snop  }
__scs_overlays_trampoline_lowered:
0x8: {  	[smem:$0x3FA1] =	sst s0  }
0x9: {  	[smem:$0x3FA2] =	sst s1  }
0xa: {  	[smem:$0x3FA3] =	sst s2  }
0xb: {  	[smem:$0x3FA4] =	sst s3  }
0xc: {  	[smem:$0x3FA5] =	sst s4  }
0xd: {  	[smem:$0x3FA6] =	sst s5  }
0xe: {  	[smem:$0x3FA7] =	sst s6  }
0xf: {  	[smem:$0x3FA8] =	sst s7  }
0x10: {  	[smem:$0x3FA9] =	sst s8  }
0x11: {  	[smem:$0x3FAA] =	sst s9;
	s0 =	simm.s32 @!p0 $0x0  }
0x12: {  	s1 =	sld [smem:$0x3F90];
	s0 =	simm.s32 @p0 $0x1  }
0x13: {  	[smem:$0x3FAB] =	sst s0;
	s0 =	simm.s32 @!p1 $0x0  }
0x14: {  	s2 =	sld [smem:$0x3F8F];
	s0 =	simm.s32 @p1 $0x1  }
0x15: {  	[smem:$0x3FAC] =	sst s0;
	s0 =	simm.s32 @!p2 $0x0  }
0x16: {  	s3 =	sld [smem:$0x3FDB];
	s0 =	simm.s32 @p2 $0x1  }
0x17: {  	s4 =	simm.s32 $0x1BF5;
	[smem:$0x3FAE] =	sst s0  }
0x18: {  	s0 =	sld [smem:$0x3F91];
	_ =	swait.ge [sflag:s4], $0x0  }
0x19: {  	s7 =	sld [smem:$0x3F92]  }
0x1a: {  	s8 =	sadd.s32 $0xFFFFE003, lr  }
0x1b: {  	s9 =	sadd.s32 $0xFFFFFEF7, lr;
	s5 =	simm.s32 $0xFFFFFFFF;
	p2 =	slt.u32 s8, $0xFFFFF086  }
0x1c: {  	p1 =	slt.u32 s9, $0xF7A;
	s5 =	simm.s32 @!p2 $0x0  }
0x1d: {  	s5 =	simm.s32 @p1 $0x1;
	p0 =	seq.s32 s7, s2  }
0x1e: {  	s7 =	smul.u32 @!p0 $0xF7A, s2;
	p2 =	seq.s32 @!p0 s5, $0x0  }
0x1f: {  	s9 =	smul.u32 $0xF7A, s1;
	s8 =	simm.s32 @!p0 $0x1BF5;
	p2 =	por !p2, p0  }
0x20: {  	[sflag:s8] =	ssyncset.s32 @!p0 $0xFFFFF086;
	s6 =	sadd.s32 @!p0 s3, s7;
	s7 =	simm.s32 @!p0 $0x108  }
0x21: {  	s3 =	sadd.s32 s3, s9;
	s6 =	sadd.s32 @!p0 $0x88, s6;
	s7 =	simm.s32 @p2 $0x1082  }
0x22: {  	[simem:s7], [sflag:s8] =	dma.local @!p0 [hbm:s6], $0xF7A  }
0x23: {  	s9 =	sor.u32 $0xD0000000, s2;
	s6 =	simm.s32 $0x108;
	_ =	swait.ge @!p0 [sflag:s8], $0x0  }
0x24: {  	s3 =	sadd.s32 $0x88, s3;
	s6 =	simm.s32 @!p1 $0x1082;
	[sflag:s4] =	ssyncset.s32 $0xFFFFF086  }
0x25: {  	[simem:s6], [sflag:s4] =	dma.local [hbm:s3], $0xF7A  }
0x26: {  	[smem:$0x3F92] =	sst s1;
	(tag) =	ssettag s2;
	_ =	strace s9  }
0x27: {  	s1 =	sld [smem:$0x3FA2]  }
0x28: {  	s2 =	sld [smem:$0x3FA3]  }
0x29: {  	s4 =	sld [smem:$0x3FA5]  }
0x2a: {  	p0 =	seq.s32 s5, $0x0;
	s5 =	sld [smem:$0x3FA6]  }
0x2b: {  	s6 =	sld [smem:$0x3FA7]  }
0x2c: {  	s7 =	sld [smem:$0x3FA8]  }
0x2d: {  	s3 =	simm.s32 $0x108;
	s8 =	sld [smem:$0x3FA9]  }
0x2e: {  	s3 =	simm.s32 @!p0 $0x1082;
	s9 =	sld [smem:$0x3FAA]  }
0x2f: {  	lr =	sadd.s32 s0, s3;
	s0 =	sld [smem:$0x3FA1]  }
0x30: {  	s3 =	sld [smem:$0x3FA4]  }
0x31: {  	[smem:$0x3FAD] =	sst s10  }
0x32: {  	s10 =	sld [smem:$0x3FAB];
	_ =	sdelay $0x3  }
0x33: {  	p0 =	seq.s32 s10, $0x1;
	s10 =	sld [smem:$0x3FAD];
	_ =	sdelay $0x3  }
0x34: {  	[smem:$0x3FAD] =	sst s10  }
0x35: {  	s10 =	sld [smem:$0x3FAC];
	_ =	sdelay $0x3  }
0x36: {  	p1 =	seq.s32 s10, $0x1;
	s10 =	sld [smem:$0x3FAD];
	_ =	sdelay $0x3  }
0x37: {  	[smem:$0x3FAD] =	sst s10  }
0x38: {  	s10 =	sld [smem:$0x3FAE]  }
0x39: {  	_ = 	snop;
	(pc) =	sbr.ind lr, $3  }
0x3a: {  	_ = 	snop  }
0x3b: {  	_ = 	snop  }
0x3c: {  	p2 =	seq.s32 s10, $0x1;
	s10 =	sld [smem:$0x3FAD]  }
0x3d: {  	_ =	shalt  }
0x3e: {  	_ =	shalt  }
0x3f: {  	_ =	shalt  }
0x40: {  	_ =	shalt  }
0x41: {  	_ =	shalt  }
0x42: {  	_ =	shalt  }
0x43: {  	_ =	shalt  }
0x44: {  	_ =	shalt  }
0x45: {  	_ =	shalt  }
0x46: {  	_ =	shalt  }
0x47: {  	_ =	shalt  }
0x48: {  	_ =	shalt  }
0x49: {  	_ =	shalt  }
0x4a: {  	_ =	shalt  }
0x4b: {  	_ =	shalt  }
0x4c: {  	_ =	shalt  }
0x4d: {  	_ =	shalt  }
0x4e: {  	_ =	shalt  }
0x4f: {  	_ =	shalt  }
0x50: {  	_ =	shalt  }
0x51: {  	_ =	shalt  }
0x52: {  	_ =	shalt  }
0x53: {  	_ =	shalt  }
0x54: {  	_ =	shalt  }
0x55: {  	_ =	shalt  }
0x56: {  	_ =	shalt  }
0x57: {  	_ =	shalt  }
0x58: {  	_ =	shalt  }
0x59: {  	_ =	shalt  }
0x5a: {  	_ =	shalt  }
0x5b: {  	_ =	shalt  }
0x5c: {  	_ =	shalt  }
0x5d: {  	_ =	shalt  }
0x5e: {  	_ =	shalt  }
0x5f: {  	_ =	shalt  }
0x60: {  	_ =	shalt  }
0x61: {  	_ =	shalt  }
0x62: {  	_ =	shalt  }
0x63: {  	_ =	shalt  }
0x64: {  	_ =	shalt  }
0x65: {  	_ =	shalt  }
0x66: {  	_ =	shalt  }
0x67: {  	_ =	shalt  }
0x68: {  	_ =	shalt  }
0x69: {  	_ =	shalt  }
0x6a: {  	_ =	shalt  }
0x6b: {  	_ =	shalt  }
0x6c: {  	_ =	shalt  }
0x6d: {  	_ =	shalt  }
0x6e: {  	_ =	shalt  }
0x6f: {  	_ =	shalt  }
0x70: {  	_ =	shalt  }
0x71: {  	_ =	shalt  }
0x72: {  	_ =	shalt  }
0x73: {  	_ =	shalt  }
0x74: {  	_ =	shalt  }
0x75: {  	_ =	shalt  }
0x76: {  	_ =	shalt  }
0x77: {  	_ =	shalt  }
0x78: {  	_ =	shalt  }
0x79: {  	_ =	shalt  }
0x7a: {  	_ =	shalt  }
0x7b: {  	_ =	shalt  }
0x7c: {  	_ =	shalt  }
0x7d: {  	_ =	shalt  }
0x7e: {  	_ =	shalt  }
0x7f: {  	_ =	shalt  }
0x80: {  	_ =	shalt  }
0x81: {  	_ =	shalt  }
0x82: {  	_ =	shalt  }
0x83: {  	_ =	shalt  }
0x84: {  	_ =	shalt  }
0x85: {  	_ =	shalt  }
0x86: {  	_ =	shalt  }
0x87: {  	_ =	shalt  }
.Lfunc_end0:
.L_simem_size_0:
called_computation_lowered:
.L_overlay_start_0:
0x88: {  	s2 =	sld [smem:$0x3FD9]  }
0x89: {  	s3 =	sld [smem:$0x3FFE];
	_ =	sdelay $0x1  }
0x8a: {  	s1 =	srdreg.scid  }
0x8b: {  	s0 =	sand.u32 $0x1, s1  }
0x8c: {  	s17 =	sshll.u32 s0, $0xA;
	s2 =	sadd.s32 s3, s2  }
0x8d: {  	s2 =	sadd.s32 s2, s17  }
0x8e: {  	[smem:$0x3FB9] =	sst s2  }
0x8f: {  	_ = 	snop  }
0x90: {  	s2 =	sld [smem:$0x3FD0];
	(tm) =	ssettm $0x1  }
0x91: {  	s18 =	sld [smem:$0x3FFB];
	_ =	sdelay $0x3  }
0x92: {  	_ =	strace s18  }
0x93: {  	s3 =	sld [smem:$0x3FFC];
	_ =	sdelay $0x3  }
0x94: {  	_ =	strace s3  }
0x95: {  	s3 =	sld [smem:$0x3FFD];
	_ =	sdelay $0x3  }
0x96: {  	_ =	strace s3  }
0x97: {  	_ =	strace $0x8FFFFFFF  }
0x98: {  	s19 =	sld [smem:$0x3FDB];
	_ =	sdelay $0x1  }
0x99: {  	s4 =	simm.s32 $_scs_section_size  }
0x9a: {  	s5 =	simm.s32 $_size__tile_overlayer_lowered;
	s6 =	simm.s32 $_tile_overlayer_lowered  }
0x9b: {  	s22 =	simm.s32 $0x1BFF;
	s21 =	sshll.u32 s6, $0x1;
	s3 =	sadd.s32 s4, s19  }
0x9c: {  	s7 =	simm.s32 $0x0;
	s20 =	sshll.u32 s5, $0x1;
	s5 =	sadd.s32 s21, s3  }
0x9d: {  	[timem:s7], [sflag:s22] =	dma.local [hbm:s5], s20  }
0x9e: {  	_ =	swait.ge [sflag:s22], s20  }
0x9f: {  	s4 =	ssub.s32 $0x0, s20;
	[sflag:s22] =	ssyncset.done $0x0  }
0xa0: {  	[sflag:s22] =	ssyncadd.s32 s4;
	_ =	sdelay $0x1  }
0xa1: {  	s23 =	simm.s32 $0x1B8B  }
0xa2: {  	_ =	swait.ge [sflag:s23], $0x1  }
0xa3: {  	[sflag:s23] =	ssyncset.done $0x0  }
0xa4: {  	s25 =	simm.s32 $0x1B8E;
	s24 =	sld [smem:$0x3FFE];
	[sflag:s23] =	ssyncadd.s32 $0xFFFFFFFF  }
0xa5: {  	s26 =	simm.s32 $execute0_lowered;
	[smem:$0x3FD2] =	sst s25  }
0xa6: {  	s5 =	sshll.u32 s26, $0x1;
	_ =	strace $0x80000046;
	[dreg:$0x1] =	wrdreg $0xFFFFFFFF  }
0xa7: {  	s28 =	simm.s32 $_size_execute0_lowered;
	s3 =	sadd.s32 s3, s5;
	[dreg:$0x0] =	wrdreg $0x0  }
0xa8: {  	s5 =	sshll.u32 s28, $0x1;
	[dreg:$0x2] =	wrdreg s3  }
0xa9: {  	[dreg:$0x3] =	wrdreg s5  }
0xaa: {  	[dreg:$0x4] =	wrdreg $0xC0  }
0xab: {  	_ =	task [dreg:s7], $0x5FFFF  }
0xac: {  	[dreg:$0x1] =	wrdreg $0xFFFFFFFF  }
0xad: {  	[dreg:$0x0] =	wrdreg $0x60  }
0xae: {  	[dreg:$0x2] =	wrdreg s24  }
0xaf: {  	[dreg:$0x3] =	wrdreg s2  }
0xb0: {  	[dreg:$0x4] =	wrdreg $0x91800  }
0xb1: {  	[dreg:$0x5] =	wrdreg $0x1CD800  }
0xb2: {  	[dreg:$0x6] =	wrdreg $0x9  }
0xb3: {  	_ =	task.clear_ibuf [dreg:s7], $0x7FFFF;
	_ =	strace $0x90000046  }
0xb4: {  	s29 =	simm.s32 $0x9;
	_ =	strace $0x80000048  }
0xb5: {  	_ =	swait.ge [sflag:s29], $0x1  }
0xb6: {  	[sflag:s29] =	ssyncadd.s32 $0xFFFFFFFF  }
0xb7: {  	_ =	strace $0x90000048  }
0xb8: {  	_ =	sfence  }
0xb9: {  	s30 =	sld [smem:$0x0];
	_ =	sdelay $0x2  }
0xba: {  	s31 =	sshll.u32 s1, $0xD;
	s1 =	sshrl.u32 s1, $0x2  }
0xbb: {  	s3 =	sand.u32 $0x4000, s31;
	s1 =	sadd.s32 s1, s30  }
0xbc: {  	s0 =	sor.u32 s3, s0;
	s1 =	sshll.u32 s1, $0x11  }
0xbd: {  	s0 =	sor.u32 s1, s0  }
0xbe: {  	s0 =	sadd.s32 $0x8F2B, s0  }
0xbf: {  	[sflag:s0] =	ssyncadd.remote.s32 $0x1  }
0xc0: {  	_ =	sfence.sel $0xFFFF  }
0xc1: {  	[dreg:$0x0] =	wrdreg $0xFFFFFFFF;
	(pc) =	sbr.abs _section_cstart, $3  }
0xc2: {  	[dreg:$0x1] =	wrdreg $0xFFFFFFFF  }
0xc3: {  	_ =	task.clear_ibuf [dreg:s7], $0x2FFFF;
	_ =	strace $0x9FFFFFFF  }
0xc4: {  	(tm) =	ssettm $0x7FFFFFFF  }
0xc5: {  	_ =	shalt  }
tec
execute0_lowered:
.L_overlay_start_1:
0x0: {  	(tag) =	ssettag $0x1  }
0x1: {  	s0 =	rddreg [dreg:$0x0]  }
0x2: {  	s3 =	rddreg [dreg:$0x1]  }
0x3: {  	s1 =	rddreg [dreg:$0x2]  }
0x4: {  	s2 =	rddreg [dreg:$0x3];
	s4 =	simm.s32 $0x0  }
0x5: {  	s19 =	stileid.u32;
	s8 =	srdreg.scid;
	s29 =	simm.s32 $0x60  }
0x6: {  	[smem:$0x7FF] =	sst s4;
	s5 =	sadd.s32 $0x80200, s0;
	s11 =	smul.u32 $0x13C00, s19  }
0x7: {  	s6 =	sadd.s32 $0x53A00, s0;
	s7 =	sadd.s32 $0x4A00, s0;
	s12 =	smul.u32 $0x2780, s19  }
0x8: {  	s13 =	sand.u32 $0x1, s8;
	s8 =	sadd.s32 $0x85600, s0;
	s9 =	sadd.s32 $0x12E600, s0  }
0x9: {  	s30 =	simm.s32 $0x6;
	s10 =	sadd.s32 $0x124600, s0;
	_ =	strace $0x80000047  }
0xa: {  	s14 =	smul.u32 $0x13C000, s13;
	s17 =	ssub.s32 $0x2, s13;
	s18 =	sshll.u32 s13, $0x4  }
0xb: {  	s13 =	smul.u32 $0x27800, s13;
	s15 =	sshrl.u32 s11, $0x3;
	s16 =	sshrl.u32 s12, $0x3  }
0xc: {  	s28 =	sshrl.u32 s17, $0x1;
	s18 =	sor.u32 s19, s18;
	s19 =	sshll.u32 s19, $0x6  }
0xd: {  	s23 =	sadd.s32 s12, s2;
	s15 =	sadd.s32 s15, s0;
	s16 =	sadd.s32 s16, s0  }
0xe: {  	s14 =	sadd.s32 s11, s14;
	s11 =	sadd.s32 s11, s1;
	s31 =	smul.u32 $0x27C0, s18  }
0xf: {  	s20 =	smul.u32 $0x4F80, s18;
	s21 =	sor.u32 $0x1C07, s19;
	[dreg:$0x8] =	wrdreg s23  }
0x10: {  	s12 =	sadd.s32 s12, s13;
	s13 =	simm.s32 $0x7;
	s18 =	simm.s32 $0x2B80  }
0x11: {  	s14 =	sshrl.u32 s14, $0x3;
	[dreg:$0x5] =	wrdreg s11;
	s15 =	sadd.s32 $0x13D600, s15  }
0x12: {  	s16 =	sadd.s32 $0x138600, s16;
	s26 =	sshrl.u32 s12, $0x3;
	[dreg:$0x7] =	wrdreg s21  }
0x13: {  	s12 =	simm.s32 $0x6180;
	s0 =	sadd.s32 s14, s0;
	[dreg:$0x6] =	wrdreg s15  }
0x14: {  	s14 =	ssub.s32 s17, s28;
	s22 =	sshrl.u32 s31, $0x3;
	[dreg:$0x9] =	wrdreg s16  }
0x15: {  	s25 =	sadd.s32 s8, s20;
	s19 =	sadd.s32 $0x60, s31;
	s20 =	sadd.s32 $0xC0, s31  }
0x16: {  	s28 =	sadd.s32 s3, s26;
	s3 =	simm.s32 $0x120;
	[dreg:$0xc] =	wrdreg s25  }
0x17: {  	s16 =	simm.s32 $0x3;
	s24 =	sadd.s32 s9, s22;
	[dreg:$0xe] =	wrdreg s28  }
0x18: {  	s17 =	simm.s32 $0x2;
	s15 =	sadd.s32 s10, s22;
	[dreg:$0xa] =	wrdreg s24  }
0x19: {  	s0 =	sadd.s32 $0x164E00, s0;
	s31 =	smax.u32 s14, $0x1;
	[dreg:$0xb] =	wrdreg s15  }
0x1a: {  	s25 =	simm.s32 $0xC0;
	s14 =	simm.s32 $0x1;
	[dreg:$0xd] =	wrdreg s0  }
0x1b: {  	[dreg:$0xf] =	wrdreg s31;
	s0 =	simm.s32 $0x3180;
	s15 =	simm.s32 $0x0  }
.LBB2_1:
0x1c: {  	[dreg:$0x10] =	wrdreg s15  }
0x1d: {  	s11 =	rddreg [dreg:$0x5]  }
0x1e: {  	s24 =	rddreg [dreg:$0x6];
	s23 =	sshrl.u32 s11, $0x3  }
0x1f: {  	[dreg:$0x11] =	wrdreg s23  }
0x20: {  	[spmem:s23], [sflag:s21] =	dma.local [hbm:s24], $0x2780  }
0x21: {  	_ =	swait.ge [sflag:s13], $0x2780  }
0x22: {  	s26 =	rddreg [dreg:$0x8]  }
0x23: {  	[sflag:s13] =	ssyncset.done $0x0;
	s31 =	rddreg [dreg:$0x9];
	s28 =	sshrl.u32 s26, $0x3  }
0x24: {  	[sflag:s13] =	ssyncadd.s32 $0xFFFFD880;
	[dreg:$0x12] =	wrdreg s28  }
0x25: {  	[spmem:s28], [sflag:s21] =	dma.local [hbm:s31], $0x4F0  }
0x26: {  	_ =	swait.ge [sflag:s13], $0x4F0  }
0x27: {  	[sflag:s13] =	ssyncset.done $0x0  }
0x28: {  	[sflag:s13] =	ssyncadd.s32 $0xFFFFFB10  }
0x29: {  	[bflag:$0x0] =	sbarrier.arrive $0xFFFF  }
0x2a: {  	s21 =	rddreg [dreg:$0xa]  }
0x2b: {  	[tilespmem:s4], [sflag:$0x5] =	stream.linear.gather [hbm4b:s21+s4], $0x60, $0x38;
	[tilespmem:$0x1F500] =	vst v63  }
0x2c: {  	s22 =	rddreg [dreg:$0xb]  }
0x2d: {  	[tilespmem:s25], [sflag:$0x5] =	stream.linear.gather [hbm4b:s22+s4], $0x60, $0x38;
	[tilespmem:$0x1F500] =	vst v63  }
0x2e: {  	s24 =	simm.s32 $0x1980;
	s26 =	simm.s32 $0x5;
	s23 =	rddreg [dreg:$0xc]  }
0x2f: {  	[tilespmem:s24], [sflag:$0x5] =	stream.linear.gather [hbm4b:s23+s4], $0x600, $0x38;
	[tilespmem:$0x1F500] =	vst v63  }
0x30: {  	_ =	swait.ge [sflag:s26], $0x60  }
0x31: {  	[sflag:s26] =	ssyncset.done $0x0  }
0x32: {  	[sflag:s26] =	ssyncadd.s32 $0xFFFFFFA0  }
0x33: {  	_ =	swait.ge [sflag:s26], $0x60  }
0x34: {  	[sflag:s26] =	ssyncset.done $0x0  }
0x35: {  	[sflag:s26] =	ssyncadd.s32 $0xFFFFFFA0  }
0x36: {  	_ =	swait.ge [sflag:s26], $0x600  }
0x37: {  	[sflag:s26] =	ssyncset.done $0x0  }
0x38: {  	s28 =	simm.s32 $0x180;
	[sflag:s26] =	ssyncadd.s32 $0xFFFFFA00  }
0x39: {  	[tilespmem:s28], [sflag:$0x1] =	stream.indirect.gather [hbm4b:s5+s29], $0x10, s4, s29, $0xb8;
	[tilespmem:$0x1F500] =	vst v63  }
0x3a: {  	s31 =	simm.s32 $0xD80  }
0x3b: {  	[tilespmem:s31], [sflag:$0x1] =	stream.indirect.gather [hbm4b:s6+s29], $0x10, s25, s29, $0xb8;
	[tilespmem:$0x1F500] =	vst v63  }
0x3c: {  	s23 =	simm.s32 $0x0  }
0x3d: {  	[tilespmem:s0], [sflag:$0x1] =	stream.indirect.gather [hbm4b:s7+s29], $0x80, s4, s29, $0xb8;
	[tilespmem:$0x1F500] =	vst v63  }
.LBB2_2:
0x3e: {  	p0 =	seq.s32 s23, $0x0  }
0x3f: {  	s11 =	simm.s32 @!p0 $0x4  }
0x40: {  	_ =	swait.ge @!p0 [sflag:s11], $0x600  }
0x41: {  	s21 =	smul.u32 $0xC0, s23;
	[sflag:s11] =	ssyncset.done @!p0 $0x0  }
0x42: {  	[sflag:s11] =	ssyncadd.s32 @!p0 $0xFFFFFA00  }
0x43: {  	s13 =	sadd.s32 s21, s19;
	_ =	swait.ge @!p0 [sflag:s11], $0x3000  }
0x44: {  	s15 =	sshrl.u32 s13, $0x3;
	[sflag:s11] =	ssyncset.done @!p0 $0x0  }
0x45: {  	s24 =	sshll.u32 s13, $0x1;
	s26 =	sadd.s32 s9, s15;
	[sflag:s11] =	ssyncadd.s32 @!p0 $0xFFFFD000  }
0x46: {  	[tilespmem:s29], [sflag:$0x6] =	stream.linear.gather [hbm4b:s26+s4], $0x60, $0x38;
	[tilespmem:$0x1F500] =	vst v63  }
0x47: {  	s22 =	sadd.s32 s10, s15;
	s11 =	sand.u32 $0x1FFFFFC0, s24  }
0x48: {  	[tilespmem:s3], [sflag:$0x6] =	stream.linear.gather [hbm4b:s22+s4], $0x60, $0x38;
	[tilespmem:$0x1F500] =	vst v63  }
0x49: {  	s11 =	sadd.s32 s8, s11;
	s26 =	simm.s32 $0x1F80  }
0x4a: {  	[tilespmem:s26], [sflag:$0x6] =	stream.linear.gather [hbm4b:s11+s4], $0x600, $0x38;
	[tilespmem:$0x1F500] =	vst v63  }
0x4b: {  	_ =	swait.ge [sflag:s30], $0x60  }
0x4c: {  	[sflag:s30] =	ssyncset.done $0x0  }
0x4d: {  	[sflag:s30] =	ssyncadd.s32 $0xFFFFFFA0  }
0x4e: {  	_ =	swait.ge [sflag:s30], $0x60  }
0x4f: {  	[sflag:s30] =	ssyncset.done $0x0  }
0x50: {  	[sflag:s30] =	ssyncadd.s32 $0xFFFFFFA0  }
0x51: {  	_ =	swait.ge [sflag:s30], $0x600  }
0x52: {  	[sflag:s30] =	ssyncset.done $0x0  }
0x53: {  	s15 =	simm.s32 $0x780;
	[sflag:s30] =	ssyncadd.s32 $0xFFFFFA00  }
0x54: {  	[tilespmem:s15], [sflag:$0x2] =	stream.indirect.gather [hbm4b:s5+s29], $0x10, s29, s29, $0xb8;
	[tilespmem:$0x1F500] =	vst v63  }
0x55: {  	s22 =	simm.s32 $0x1380  }
0x56: {  	[tilespmem:s22], [sflag:$0x2] =	stream.indirect.gather [hbm4b:s6+s29], $0x10, s3, s29, $0xb8;
	[tilespmem:$0x1F500] =	vst v63  }
0x57: {  	_ = 	snop  }
0x58: {  	[tilespmem:s12], [sflag:$0x2] =	stream.indirect.gather [hbm4b:s7+s29], $0x80, s29, s29, $0xb8;
	[tilespmem:$0x1F500] =	vst v63  }
0x59: {  	_ =	swait.ge [sflag:s14], $0x600  }
0x5a: {  	[sflag:s14] =	ssyncset.done $0x0  }
0x5b: {  	[sflag:s14] =	ssyncadd.s32 $0xFFFFFA00  }
0x5c: {  	_ =	swait.ge [sflag:s14], $0x600  }
0x5d: {  	[sflag:s14] =	ssyncset.done $0x0  }
0x5e: {  	[sflag:s14] =	ssyncadd.s32 $0xFFFFFA00  }
0x5f: {  	_ =	swait.ge [sflag:s14], $0x3000  }
0x60: {  	[sflag:s14] =	ssyncset.done $0x0  }
0x61: {  	s11 =	simm.s32 $0xDA0;
	[sflag:s14] =	ssyncadd.s32 $0xFFFFD000  }
0x62: {  	s24 =	simm.s32 $0x1A0;
	v0 =	vld [tilespmem:s11+$0xFFFFFFE0]  }
0x63: {  	v1 =	vld [tilespmem:s24+$0xFFFFFFE0]  }
0x64: {  	s28 =	simm.s32 $0x19A0  }
0x65: {  	v2 =	vld [tilespmem:s28+$0xFFFFFFE0];
	_ =	sdelay $0x2  }
0x66: {  	v0 =	vadd.f32 v0, v1;
	_ =	sdelay $0x1  }
0x67: {  	v0 =	vadd.f32 v2, v0;
	_ =	sdelay $0x1  }
0x68: {  	v1 =	vmul.f32 $2.000000030e-01, v0;
	_ =	sdelay $0x1  }
0x69: {  	v0 =	vmax.f32 v0, v1  }
0x6a: {  	v0 =	vmul.f32 $1.442695020e+00, v0;
	_ =	sdelay $0x1  }
0x6b: {  	(erf) = vpow2.f32 v0;
	_ =	sdelay $0x8  }
0x6c: {  	s22 =	simm.s32 $0x25A0;
	v0 =	vpop (erf)  }
0x6d: {  	s13 =	simm.s32 $0x3280;
	[tilespmem:s22+$0xFFFFFFE0] =	vst v0  }
0x6e: {  	v1 =	vld [tilespmem:s13+$0xFFFFFF00]  }
0x6f: {  	v2 =	vld [tilespmem:s13+$0xFFFFFF10]  }
0x70: {  	v3 =	vld [tilespmem:s13+$0xFFFFFF30]  }
0x71: {  	v5 =	vbroadcast v0, $0x0;
	v4 =	vld [tilespmem:s13+$0xFFFFFF40]  }
0x72: {  	v6 =	vbroadcast v0, $0x1;
	v8 =	vbroadcast v0, $0x3;
	v42 =	vld [tilespmem:s13+$0xFFFFFF20]  }
0x73: {  	v43 =	vbroadcast v0, $0x4;
	v7 =	vld [tilespmem:s13+$0xFFFFFF60];
	v1 =	vmul.f32 v5, v1  }
0x74: {  	v44 =	vbroadcast v0, $0x2;
	v10 =	vld [tilespmem:s13+$0xFFFFFF50];
	v2 =	vmul.f32 v6, v2  }
0x75: {  	v45 =	vbroadcast v0, $0x7;
	v9 =	vld [tilespmem:s13+$0xFFFFFF70];
	v3 =	vmul.f32 v3, v8;
	[tilespmem:s13+$0xFFFFFF00] =	vst v1  }
0x76: {  	v1 =	vbroadcast v0, $0x6;
	[tilespmem:s13+$0xFFFFFF10] =	vst v2;
	v2 =	vmul.f32 v4, v43  }
0x77: {  	[tilespmem:s13+$0xFFFFFF30] =	vst v3;
	v0 =	vbroadcast v0, $0x5;
	v3 =	vmul.f32 v44, v42  }
0x78: {  	v1 =	vmul.f32 v7, v1;
	[tilespmem:s13+$0xFFFFFF40] =	vst v2  }
0x79: {  	v0 =	vmul.f32 v10, v0;
	[tilespmem:s13+$0xFFFFFF20] =	vst v3  }
0x7a: {  	[tilespmem:s13+$0xFFFFFF60] =	vst v1;
	v1 =	vmul.f32 v9, v45  }
0x7b: {  	[tilespmem:s13+$0xFFFFFF50] =	vst v0  }
0x7c: {  	[tilespmem:s13+$0xFFFFFF70] =	vst v1  }
0x7d: {  	v0 =	vld [tilespmem:s24+$0xFFFFFFF0]  }
0x7e: {  	v1 =	vld [tilespmem:s11+$0xFFFFFFF0];
	_ =	sdelay $0x1  }
0x7f: {  	v2 =	vld [tilespmem:s28+$0xFFFFFFF0];
	_ =	sdelay $0x2  }
0x80: {  	v0 =	vadd.f32 v1, v0;
	_ =	sdelay $0x1  }
0x81: {  	v0 =	vadd.f32 v2, v0;
	_ =	sdelay $0x1  }
0x82: {  	v1 =	vmul.f32 $2.000000030e-01, v0;
	_ =	sdelay $0x1  }
0x83: {  	v0 =	vmax.f32 v0, v1  }
0x84: {  	v0 =	vmul.f32 $1.442695020e+00, v0;
	_ =	sdelay $0x1  }
0x85: {  	(erf) = vpow2.f32 v0;
	_ =	sdelay $0x8  }
0x86: {  	v0 =	vpop (erf)  }
0x87: {  	[tilespmem:s22+$0xFFFFFFF0] =	vst v0  }
0x88: {  	v1 =	vld [tilespmem:s13+$0xFFFFFF80]  }
0x89: {  	v2 =	vld [tilespmem:s13+$0xFFFFFF90]  }
0x8a: {  	v3 =	vld [tilespmem:s13+$0xFFFFFFA0]  }
0x8b: {  	v46 =	vbroadcast v0, $0x0;
	v47 =	vld [tilespmem:s13+$0xFFFFFFB0]  }
0x8c: {  	v48 =	vbroadcast v0, $0x1;
	v49 =	vld [tilespmem:s13+$0xFFFFFFC0]  }
0x8d: {  	v50 =	vbroadcast v0, $0x2;
	v51 =	vld [tilespmem:s13+$0xFFFFFFD0];
	v1 =	vmul.f32 v46, v1  }
0x8e: {  	v52 =	vbroadcast v0, $0x3;
	v53 =	vld [tilespmem:s13+$0xFFFFFFE0];
	v2 =	vmul.f32 v48, v2  }
0x8f: {  	v54 =	vld [tilespmem:s13+$0xFFFFFFF0];
	[tilespmem:s13+$0xFFFFFF80] =	vst v1;
	v1 =	vmul.f32 v50, v3;
	v3 =	vbroadcast v0, $0x4  }
0x90: {  	v55 =	vbroadcast v0, $0x5;
	[tilespmem:s13+$0xFFFFFF90] =	vst v2;
	v2 =	vmul.f32 v47, v52  }
0x91: {  	[tilespmem:s13+$0xFFFFFFA0] =	vst v1;
	v1 =	vmul.f32 v49, v3;
	v3 =	vbroadcast v0, $0x6  }
0x92: {  	[tilespmem:s13+$0xFFFFFFB0] =	vst v2;
	v2 =	vmul.f32 v51, v55;
	v0 =	vbroadcast v0, $0x7  }
0x93: {  	[tilespmem:s13+$0xFFFFFFC0] =	vst v1;
	v1 =	vmul.f32 v53, v3  }
0x94: {  	[tilespmem:s13+$0xFFFFFFD0] =	vst v2;
	v0 =	vmul.f32 v54, v0  }
0x95: {  	[tilespmem:s13+$0xFFFFFFE0] =	vst v1  }
0x96: {  	[tilespmem:s13+$0xFFFFFFF0] =	vst v0  }
0x97: {  	v0 =	vld [tilespmem:s24+$0x0]  }
0x98: {  	v1 =	vld [tilespmem:s11+$0x0];
	_ =	sdelay $0x1  }
0x99: {  	v2 =	vld [tilespmem:s28+$0x0];
	_ =	sdelay $0x2  }
0x9a: {  	v0 =	vadd.f32 v1, v0;
	_ =	sdelay $0x1  }
0x9b: {  	v0 =	vadd.f32 v2, v0;
	_ =	sdelay $0x1  }
0x9c: {  	v1 =	vmul.f32 $2.000000030e-01, v0;
	_ =	sdelay $0x1  }
0x9d: {  	v0 =	vmax.f32 v0, v1  }
0x9e: {  	v0 =	vmul.f32 $1.442695020e+00, v0;
	_ =	sdelay $0x1  }
0x9f: {  	(erf) = vpow2.f32 v0;
	_ =	sdelay $0x8  }
0xa0: {  	v0 =	vpop (erf)  }
0xa1: {  	[tilespmem:s22+$0x0] =	vst v0  }
0xa2: {  	v1 =	vld [tilespmem:s13+$0x10];
	_ =	sdelay $0x1  }
0xa3: {  	v2 =	vld [tilespmem:s13+$0x20]  }
0xa4: {  	v3 =	vbroadcast v0, $0x1  }
0xa5: {  	v57 =	vld [tilespmem:s13+$0x30]  }
0xa6: {  	v58 =	vbroadcast v0, $0x2;
	v56 =	vld [tilespmem:s13+$0x0];
	v1 =	vmul.f32 v3, v1  }
0xa7: {  	v59 =	vld [tilespmem:s13+$0x60]  }
0xa8: {  	v3 =	vld [tilespmem:s13+$0x70];
	v2 =	vmul.f32 v58, v2;
	[tilespmem:s13+$0x10] =	vst v1;
	v1 =	vbroadcast v0, $0x3  }
0xa9: {  	v63 =	vbroadcast v0, $0x0;
	v60 =	vld [tilespmem:s13+$0x40]  }
0xaa: {  	v62 =	vld [tilespmem:s13+$0x50];
	[tilespmem:s13+$0x20] =	vst v2;
	v2 =	vbroadcast v0, $0x6;
	v1 =	vmul.f32 v57, v1  }
0xab: {  	v61 =	vbroadcast v0, $0x7;
	v4 =	vmul.f32 v63, v56  }
0xac: {  	[tilespmem:s13+$0x30] =	vst v1;
	v1 =	vmul.f32 v59, v2;
	v2 =	vbroadcast v0, $0x4  }
0xad: {  	[tilespmem:s13+$0x0] =	vst v4;
	v3 =	vmul.f32 v3, v61;
	v0 =	vbroadcast v0, $0x5  }
0xae: {  	[tilespmem:s13+$0x60] =	vst v1;
	v1 =	vmul.f32 v60, v2  }
0xaf: {  	[tilespmem:s13+$0x70] =	vst v3;
	v0 =	vmul.f32 v62, v0  }
0xb0: {  	[tilespmem:s13+$0x40] =	vst v1  }
0xb1: {  	[tilespmem:s13+$0x50] =	vst v0  }
0xb2: {  	s31 =	simm.s32 $0xDE0;
	s26 =	simm.s32 $0x0;
	v0 =	vld [tilespmem:s24+$0x10]  }
0xb3: {  	s15 =	simm.s32 $0x3480;
	v1 =	vld [tilespmem:s11+$0x10];
	s11 =	simm.s32 $0x1E0;
	s24 =	simm.s32 $0x25A0  }
.LBB2_3:
0xb4: {  	s26 =	sadd.s32 $0x4, s26;
	v2 =	vld [tilespmem:s28+$0x10];
	s22 =	sadd.s32 $0x40, s22;
	s28 =	sadd.s32 $0x40, s28  }
0xb5: {  	p0 =	slt.u32 s26, $0x5C;
	_ =	sdelay $0x2  }
0xb6: {  	v0 =	vadd.f32 v1, v0;
	_ =	sdelay $0x1  }
0xb7: {  	v0 =	vadd.f32 v2, v0;
	_ =	sdelay $0x1  }
0xb8: {  	v1 =	vmul.f32 $2.000000030e-01, v0;
	_ =	sdelay $0x1  }
0xb9: {  	v0 =	vmax.f32 v0, v1  }
0xba: {  	v0 =	vmul.f32 $1.442695020e+00, v0;
	_ =	sdelay $0x1  }
0xbb: {  	(erf) = vpow2.f32 v0;
	_ =	sdelay $0x8  }
0xbc: {  	v0 =	vpop (erf)  }
0xbd: {  	[tilespmem:s24+$0x10] =	vst v0;
	s24 =	smov.u32 s22  }
0xbe: {  	v1 =	vld [tilespmem:s13+$0x80]  }
0xbf: {  	v2 =	vld [tilespmem:s13+$0x90]  }
0xc0: {  	v3 =	vld [tilespmem:s13+$0xA0]  }
0xc1: {  	v4 =	vbroadcast v0, $0x0;
	v5 =	vld [tilespmem:s13+$0xB0]  }
0xc2: {  	v6 =	vbroadcast v0, $0x1;
	v7 =	vld [tilespmem:s13+$0xC0]  }
0xc3: {  	v1 =	vmul.f32 v4, v1;
	v4 =	vbroadcast v0, $0x2;
	v8 =	vld [tilespmem:s13+$0xD0]  }
0xc4: {  	v2 =	vmul.f32 v6, v2;
	v6 =	vbroadcast v0, $0x3;
	v9 =	vld [tilespmem:s13+$0xE0]  }
0xc5: {  	[tilespmem:s13+$0x80] =	vst v1;
	v1 =	vmul.f32 v4, v3;
	v3 =	vbroadcast v0, $0x4;
	v4 =	vld [tilespmem:s13+$0xF0]  }
0xc6: {  	[tilespmem:s13+$0x90] =	vst v2;
	v2 =	vmul.f32 v5, v6;
	v5 =	vbroadcast v0, $0x5  }
0xc7: {  	[tilespmem:s13+$0xA0] =	vst v1;
	v1 =	vmul.f32 v7, v3;
	v3 =	vbroadcast v0, $0x6  }
0xc8: {  	v0 =	vbroadcast v0, $0x7;
	[tilespmem:s13+$0xB0] =	vst v2;
	v2 =	vmul.f32 v8, v5  }
0xc9: {  	[tilespmem:s13+$0xC0] =	vst v1;
	v1 =	vmul.f32 v9, v3  }
0xca: {  	[tilespmem:s13+$0xD0] =	vst v2;
	v0 =	vmul.f32 v4, v0  }
0xcb: {  	[tilespmem:s13+$0xE0] =	vst v1  }
0xcc: {  	[tilespmem:s13+$0xF0] =	vst v0;
	s13 =	smov.u32 s15;
	_ =	sdelay $0x2  }
0xcd: {  	v0 =	vld [tilespmem:s31+$0xFFFFFFE0]  }
0xce: {  	v1 =	vld [tilespmem:s11+$0xFFFFFFE0];
	_ =	sdelay $0x1  }
0xcf: {  	v2 =	vld [tilespmem:s28+$0xFFFFFFE0];
	_ =	sdelay $0x2  }
0xd0: {  	v0 =	vadd.f32 v0, v1;
	_ =	sdelay $0x1  }
0xd1: {  	v0 =	vadd.f32 v2, v0;
	_ =	sdelay $0x1  }
0xd2: {  	v1 =	vmul.f32 $2.000000030e-01, v0;
	_ =	sdelay $0x1  }
0xd3: {  	v0 =	vmax.f32 v0, v1  }
0xd4: {  	v0 =	vmul.f32 $1.442695020e+00, v0;
	_ =	sdelay $0x1  }
0xd5: {  	(erf) = vpow2.f32 v0;
	_ =	sdelay $0x8  }
0xd6: {  	v0 =	vpop (erf)  }
0xd7: {  	[tilespmem:s22+$0xFFFFFFE0] =	vst v0;
	v1 =	vbroadcast v0, $0x7  }
0xd8: {  	v2 =	vld [tilespmem:s15+$0xFFFFFF00]  }
0xd9: {  	v3 =	vld [tilespmem:s15+$0xFFFFFF10]  }
0xda: {  	v4 =	vld [tilespmem:s15+$0xFFFFFF40]  }
0xdb: {  	v5 =	vbroadcast v0, $0x0;
	v6 =	vld [tilespmem:s15+$0xFFFFFF30]  }
0xdc: {  	v7 =	vbroadcast v0, $0x1;
	v8 =	vld [tilespmem:s15+$0xFFFFFF60]  }
0xdd: {  	v2 =	vmul.f32 v5, v2;
	v5 =	vbroadcast v0, $0x2;
	v9 =	vld [tilespmem:s15+$0xFFFFFF50]  }
0xde: {  	v10 =	vbroadcast v0, $0x3;
	v3 =	vmul.f32 v7, v3;
	v7 =	vld [tilespmem:s15+$0xFFFFFF20]  }
0xdf: {  	v11 =	vbroadcast v0, $0x6;
	[tilespmem:s15+$0xFFFFFF00] =	vst v2;
	v2 =	vbroadcast v0, $0x4;
	v12 =	vld [tilespmem:s15+$0xFFFFFF70]  }
0xe0: {  	v0 =	vbroadcast v0, $0x5;
	[tilespmem:s15+$0xFFFFFF10] =	vst v3;
	v3 =	vmul.f32 v6, v10  }
0xe1: {  	v2 =	vmul.f32 v4, v2;
	v4 =	vmul.f32 v8, v11  }
0xe2: {  	[tilespmem:s15+$0xFFFFFF30] =	vst v3;
	v0 =	vmul.f32 v9, v0  }
0xe3: {  	v3 =	vmul.f32 v5, v7;
	[tilespmem:s15+$0xFFFFFF40] =	vst v2  }
0xe4: {  	[tilespmem:s15+$0xFFFFFF60] =	vst v4;
	v1 =	vmul.f32 v12, v1  }
0xe5: {  	[tilespmem:s15+$0xFFFFFF20] =	vst v3  }
0xe6: {  	[tilespmem:s15+$0xFFFFFF70] =	vst v1  }
0xe7: {  	[tilespmem:s15+$0xFFFFFF50] =	vst v0  }
0xe8: {  	v0 =	vld [tilespmem:s11+$0xFFFFFFF0]  }
0xe9: {  	v1 =	vld [tilespmem:s31+$0xFFFFFFF0]  }
0xea: {  	v2 =	vld [tilespmem:s28+$0xFFFFFFF0];
	_ =	sdelay $0x3  }
0xeb: {  	v0 =	vadd.f32 v1, v0;
	_ =	sdelay $0x1  }
0xec: {  	v0 =	vadd.f32 v2, v0;
	_ =	sdelay $0x1  }
0xed: {  	v1 =	vmul.f32 $2.000000030e-01, v0;
	_ =	sdelay $0x1  }
0xee: {  	v0 =	vmax.f32 v0, v1  }
0xef: {  	v0 =	vmul.f32 $1.442695020e+00, v0;
	_ =	sdelay $0x1  }
0xf0: {  	(erf) = vpow2.f32 v0;
	_ =	sdelay $0x8  }
0xf1: {  	v0 =	vpop (erf)  }
0xf2: {  	[tilespmem:s22+$0xFFFFFFF0] =	vst v0  }
0xf3: {  	v1 =	vld [tilespmem:s15+$0xFFFFFF80]  }
0xf4: {  	v2 =	vld [tilespmem:s15+$0xFFFFFF90]  }
0xf5: {  	v3 =	vld [tilespmem:s15+$0xFFFFFFA0]  }
0xf6: {  	v4 =	vbroadcast v0, $0x0;
	v5 =	vld [tilespmem:s15+$0xFFFFFFB0]  }
0xf7: {  	v6 =	vbroadcast v0, $0x1;
	v7 =	vld [tilespmem:s15+$0xFFFFFFC0]  }
0xf8: {  	v1 =	vmul.f32 v4, v1;
	v4 =	vbroadcast v0, $0x2;
	v8 =	vld [tilespmem:s15+$0xFFFFFFD0]  }
0xf9: {  	v2 =	vmul.f32 v6, v2;
	v6 =	vbroadcast v0, $0x3;
	v9 =	vld [tilespmem:s15+$0xFFFFFFE0]  }
0xfa: {  	[tilespmem:s15+$0xFFFFFF80] =	vst v1;
	v1 =	vmul.f32 v4, v3;
	v3 =	vbroadcast v0, $0x4;
	v4 =	vld [tilespmem:s15+$0xFFFFFFF0]  }
0xfb: {  	[tilespmem:s15+$0xFFFFFF90] =	vst v2;
	v2 =	vmul.f32 v5, v6;
	v5 =	vbroadcast v0, $0x5  }
0xfc: {  	[tilespmem:s15+$0xFFFFFFA0] =	vst v1;
	v1 =	vmul.f32 v7, v3;
	v3 =	vbroadcast v0, $0x6  }
0xfd: {  	v0 =	vbroadcast v0, $0x7;
	[tilespmem:s15+$0xFFFFFFB0] =	vst v2;
	v2 =	vmul.f32 v8, v5  }
0xfe: {  	[tilespmem:s15+$0xFFFFFFC0] =	vst v1;
	v1 =	vmul.f32 v9, v3  }
0xff: {  	[tilespmem:s15+$0xFFFFFFD0] =	vst v2;
	v0 =	vmul.f32 v4, v0  }
0x100: {  	[tilespmem:s15+$0xFFFFFFE0] =	vst v1  }
0x101: {  	[tilespmem:s15+$0xFFFFFFF0] =	vst v0  }
0x102: {  	v0 =	vld [tilespmem:s11+$0x0]  }
0x103: {  	v1 =	vld [tilespmem:s31+$0x0]  }
0x104: {  	v2 =	vld [tilespmem:s28+$0x0];
	_ =	sdelay $0x3  }
0x105: {  	v0 =	vadd.f32 v1, v0;
	_ =	sdelay $0x1  }
0x106: {  	v0 =	vadd.f32 v2, v0;
	_ =	sdelay $0x1  }
0x107: {  	v1 =	vmul.f32 $2.000000030e-01, v0;
	_ =	sdelay $0x1  }
0x108: {  	v0 =	vmax.f32 v0, v1  }
0x109: {  	v0 =	vmul.f32 $1.442695020e+00, v0;
	_ =	sdelay $0x1  }
0x10a: {  	(erf) = vpow2.f32 v0;
	_ =	sdelay $0x8  }
0x10b: {  	v0 =	vpop (erf)  }
0x10c: {  	[tilespmem:s22+$0x0] =	vst v0;
	v1 =	vbroadcast v0, $0x6  }
0x10d: {  	v2 =	vld [tilespmem:s15+$0x0]  }
0x10e: {  	v3 =	vld [tilespmem:s15+$0x10]  }
0x10f: {  	v4 =	vld [tilespmem:s15+$0x20]  }
0x110: {  	v5 =	vld [tilespmem:s15+$0x30]  }
0x111: {  	v6 =	vbroadcast v0, $0x1;
	v7 =	vbroadcast v0, $0x7;
	v8 =	vld [tilespmem:s15+$0x70]  }
0x112: {  	v9 =	vbroadcast v0, $0x0;
	v10 =	vbroadcast v0, $0x2;
	v11 =	vld [tilespmem:s15+$0x60]  }
0x113: {  	v3 =	vmul.f32 v6, v3;
	v6 =	vbroadcast v0, $0x3  }
0x114: {  	v2 =	vmul.f32 v9, v2;
	v4 =	vmul.f32 v10, v4  }
0x115: {  	[tilespmem:s15+$0x10] =	vst v3;
	v3 =	vmul.f32 v5, v6;
	v5 =	vld [tilespmem:s15+$0x40]  }
0x116: {  	[tilespmem:s15+$0x20] =	vst v4;
	v4 =	vld [tilespmem:s15+$0x50];
	v6 =	vmul.f32 v8, v7  }
0x117: {  	[tilespmem:s15+$0x30] =	vst v3;
	v1 =	vmul.f32 v11, v1  }
0x118: {  	v3 =	vbroadcast v0, $0x4;
	[tilespmem:s15+$0x70] =	vst v6  }
0x119: {  	v0 =	vbroadcast v0, $0x5;
	[tilespmem:s15+$0x60] =	vst v1  }
0x11a: {  	[tilespmem:s15+$0x0] =	vst v2;
	v1 =	vmul.f32 v5, v3  }
.Ltmp0:
0x11b: {  	v0 =	vmul.f32 v4, v0;
	(pc) =	sbr.rel @p0 .LBB2_3-.Ltmp0, $4  }
0x11c: {  	[tilespmem:s15+$0x40] =	vst v1  }
0x11d: {  	[tilespmem:s15+$0x50] =	vst v0  }
0x11e: {  	v0 =	vld [tilespmem:s11+$0x10]  }
0x11f: {  	s15 =	sadd.s32 $0x200, s15;
	s11 =	sadd.s32 $0x40, s11;
	v1 =	vld [tilespmem:s31+$0x10];
	s31 =	sadd.s32 $0x40, s31  }
0x120: {  	_ = 	snop  }
0x121: {  	v2 =	vld [tilespmem:s28+$0x10];
	_ =	sdelay $0x2  }
0x122: {  	v0 =	vadd.f32 v1, v0;
	_ =	sdelay $0x1  }
0x123: {  	v0 =	vadd.f32 v2, v0;
	_ =	sdelay $0x1  }
0x124: {  	v1 =	vmul.f32 $2.000000030e-01, v0;
	_ =	sdelay $0x1  }
0x125: {  	v0 =	vmax.f32 v0, v1  }
0x126: {  	v0 =	vmul.f32 $1.442695020e+00, v0;
	_ =	sdelay $0x1  }
0x127: {  	(erf) = vpow2.f32 v0;
	_ =	sdelay $0x8  }
0x128: {  	v0 =	vpop (erf)  }
0x129: {  	[tilespmem:s24+$0x10] =	vst v0  }
0x12a: {  	v1 =	vld [tilespmem:s13+$0x80]  }
0x12b: {  	v2 =	vld [tilespmem:s13+$0x90]  }
0x12c: {  	v3 =	vld [tilespmem:s13+$0xA0]  }
0x12d: {  	v4 =	vbroadcast v0, $0x0;
	v5 =	vld [tilespmem:s13+$0xB0]  }
0x12e: {  	v6 =	vbroadcast v0, $0x1;
	v7 =	vld [tilespmem:s13+$0xC0]  }
0x12f: {  	v32 =	vbroadcast v0, $0x2;
	v8 =	vld [tilespmem:s13+$0xD0];
	v1 =	vmul.f32 v4, v1  }
0x130: {  	v33 =	vbroadcast v0, $0x3;
	v9 =	vld [tilespmem:s13+$0xE0];
	v2 =	vmul.f32 v6, v2  }
0x131: {  	v34 =	vld [tilespmem:s13+$0xF0];
	[tilespmem:s13+$0x80] =	vst v1;
	v1 =	vmul.f32 v32, v3;
	v3 =	vbroadcast v0, $0x4  }
0x132: {  	v35 =	vbroadcast v0, $0x5;
	[tilespmem:s13+$0x90] =	vst v2;
	v2 =	vmul.f32 v5, v33  }
0x133: {  	[tilespmem:s13+$0xA0] =	vst v1;
	v1 =	vmul.f32 v7, v3;
	v3 =	vbroadcast v0, $0x6  }
0x134: {  	[tilespmem:s13+$0xB0] =	vst v2;
	v2 =	vmul.f32 v8, v35;
	v0 =	vbroadcast v0, $0x7  }
0x135: {  	[tilespmem:s13+$0xC0] =	vst v1;
	v1 =	vmul.f32 v9, v3  }
0x136: {  	[tilespmem:s13+$0xD0] =	vst v2;
	v0 =	vmul.f32 v34, v0  }
0x137: {  	[tilespmem:s13+$0xE0] =	vst v1  }
0x138: {  	s11 =	simm.s32 $0x2580;
	[tilespmem:s13+$0xF0] =	vst v0  }
0x139: {  	[spmem:s2] =	stream.indirect.scatter.add.f32 [tilespmem:s11], [sflag:$0x3], $0x10, s25, s29, $0xb8;
	[tilespmem:$0x1F500] =	vst v63  }
0x13a: {  	_ = 	snop  }
0x13b: {  	[spmem:s1] =	stream.indirect.scatter.add.f32 [tilespmem:s0], [sflag:$0x3], $0x80, s25, s29, $0xb8;
	[tilespmem:$0x1F500] =	vst v63  }
0x13c: {  	_ =	swait.ge [sflag:s16], $0x600  }
0x13d: {  	[sflag:s16] =	ssyncset.done $0x0  }
0x13e: {  	p0 =	seq.s32 s23, $0x34;
	[sflag:s16] =	ssyncadd.s32 $0xFFFFFA00  }
0x13f: {  	s11 =	sadd.s32 @!p0 s21, s20;
	_ =	swait.ge [sflag:s16], $0x3000  }
0x140: {  	s21 =	simm.s32 @!p0 $0x0;
	s13 =	sshrl.u32 @!p0 s11, $0x3;
	[sflag:s16] =	ssyncset.done $0x0  }
0x141: {  	s11 =	sshll.u32 @!p0 s11, $0x1;
	s15 =	sadd.s32 @!p0 s9, s13;
	[sflag:s16] =	ssyncadd.s32 $0xFFFFD000  }
0x142: {  	[tilespmem:s21], [sflag:$0x5] =	stream.linear.gather @!p0 [hbm4b:s15+s21], $0x60, $0x38;
	[tilespmem:$0x1F500] =	vst v63  }
0x143: {  	s13 =	sadd.s32 @!p0 s10, s13;
	s11 =	sand.u32 @!p0 $0x1FFFFF80, s11;
	s15 =	simm.s32 @!p0 $0xC0  }
0x144: {  	[tilespmem:s15], [sflag:$0x5] =	stream.linear.gather @!p0 [hbm4b:s13+s21], $0x60, $0x38;
	[tilespmem:$0x1F500] =	vst v63  }
0x145: {  	s11 =	sadd.s32 @!p0 s8, s11;
	s13 =	simm.s32 @!p0 $0x1980  }
0x146: {  	[tilespmem:s13], [sflag:$0x5] =	stream.linear.gather @!p0 [hbm4b:s11+s21], $0x600, $0x38;
	[tilespmem:$0x1F500] =	vst v63  }
0x147: {  	s11 =	simm.s32 @!p0 $0x5  }
0x148: {  	_ =	swait.ge @!p0 [sflag:s11], $0x60  }
0x149: {  	[sflag:s11] =	ssyncset.done @!p0 $0x0  }
0x14a: {  	[sflag:s11] =	ssyncadd.s32 @!p0 $0xFFFFFFA0  }
0x14b: {  	_ =	swait.ge @!p0 [sflag:s11], $0x60  }
0x14c: {  	[sflag:s11] =	ssyncset.done @!p0 $0x0  }
0x14d: {  	[sflag:s11] =	ssyncadd.s32 @!p0 $0xFFFFFFA0  }
0x14e: {  	_ =	swait.ge @!p0 [sflag:s11], $0x600  }
0x14f: {  	[sflag:s11] =	ssyncset.done @!p0 $0x0  }
0x150: {  	s13 =	simm.s32 @!p0 $0x180;
	[sflag:s11] =	ssyncadd.s32 @!p0 $0xFFFFFA00;
	s11 =	simm.s32 @!p0 $0x60  }
0x151: {  	[tilespmem:s13], [sflag:$0x1] =	stream.indirect.gather @!p0 [hbm4b:s5+s11], $0x10, s21, s11, $0xb8;
	[tilespmem:$0x1F500] =	vst v63  }
0x152: {  	s13 =	simm.s32 @!p0 $0xD80  }
0x153: {  	[tilespmem:s13], [sflag:$0x1] =	stream.indirect.gather @!p0 [hbm4b:s6+s11], $0x10, s15, s11, $0xb8;
	[tilespmem:$0x1F500] =	vst v63  }
0x154: {  	s13 =	simm.s32 @!p0 $0x3180  }
0x155: {  	[tilespmem:s13], [sflag:$0x1] =	stream.indirect.gather @!p0 [hbm4b:s7+s11], $0x80, s21, s11, $0xb8;
	[tilespmem:$0x1F500] =	vst v63  }
0x156: {  	_ =	swait.ge [sflag:s17], $0x600  }
0x157: {  	[sflag:s17] =	ssyncset.done $0x0  }
0x158: {  	[sflag:s17] =	ssyncadd.s32 $0xFFFFFA00  }
0x159: {  	_ =	swait.ge [sflag:s17], $0x600  }
0x15a: {  	[sflag:s17] =	ssyncset.done $0x0  }
0x15b: {  	[sflag:s17] =	ssyncadd.s32 $0xFFFFFA00  }
0x15c: {  	_ =	swait.ge [sflag:s17], $0x3000  }
0x15d: {  	[sflag:s17] =	ssyncset.done $0x0  }
0x15e: {  	s21 =	simm.s32 $0x13B0;
	[sflag:s17] =	ssyncadd.s32 $0xFFFFD000  }
0x15f: {  	s28 =	simm.s32 $0x7B0;
	v0 =	vld [tilespmem:s21+$0xFFFFFFD0]  }
0x160: {  	v1 =	vld [tilespmem:s28+$0xFFFFFFD0]  }
0x161: {  	s22 =	simm.s32 $0x1FB0  }
0x162: {  	v2 =	vld [tilespmem:s22+$0xFFFFFFD0];
	_ =	sdelay $0x2  }
0x163: {  	v0 =	vadd.f32 v0, v1;
	_ =	sdelay $0x1  }
0x164: {  	v0 =	vadd.f32 v2, v0;
	_ =	sdelay $0x1  }
0x165: {  	v1 =	vmul.f32 $2.000000030e-01, v0;
	_ =	sdelay $0x1  }
0x166: {  	v0 =	vmax.f32 v0, v1  }
0x167: {  	v0 =	vmul.f32 $1.442695020e+00, v0;
	_ =	sdelay $0x1  }
0x168: {  	(erf) = vpow2.f32 v0;
	_ =	sdelay $0x8  }
0x169: {  	s24 =	simm.s32 $0x2BB0;
	v0 =	vpop (erf)  }
0x16a: {  	s13 =	simm.s32 $0x6370;
	[tilespmem:s24+$0xFFFFFFD0] =	vst v0  }
0x16b: {  	v1 =	vld [tilespmem:s13+$0xFFFFFE10]  }
0x16c: {  	v2 =	vld [tilespmem:s13+$0xFFFFFE20]  }
0x16d: {  	v3 =	vld [tilespmem:s13+$0xFFFFFE40]  }
0x16e: {  	v37 =	vbroadcast v0, $0x0;
	v36 =	vld [tilespmem:s13+$0xFFFFFE50]  }
0x16f: {  	v38 =	vbroadcast v0, $0x1;
	v41 =	vbroadcast v0, $0x3;
	v40 =	vld [tilespmem:s13+$0xFFFFFE30]  }
0x170: {  	v42 =	vbroadcast v0, $0x4;
	v39 =	vld [tilespmem:s13+$0xFFFFFE70];
	v1 =	vmul.f32 v37, v1  }
0x171: {  	v44 =	vbroadcast v0, $0x2;
	v10 =	vld [tilespmem:s13+$0xFFFFFE60];
	v2 =	vmul.f32 v38, v2  }
0x172: {  	v45 =	vbroadcast v0, $0x7;
	v43 =	vld [tilespmem:s13+$0xFFFFFE80];
	v3 =	vmul.f32 v3, v41;
	[tilespmem:s13+$0xFFFFFE10] =	vst v1  }
0x173: {  	v1 =	vbroadcast v0, $0x6;
	[tilespmem:s13+$0xFFFFFE20] =	vst v2;
	v2 =	vmul.f32 v36, v42  }
0x174: {  	[tilespmem:s13+$0xFFFFFE40] =	vst v3;
	v0 =	vbroadcast v0, $0x5;
	v3 =	vmul.f32 v44, v40  }
0x175: {  	v1 =	vmul.f32 v39, v1;
	[tilespmem:s13+$0xFFFFFE50] =	vst v2  }
0x176: {  	v0 =	vmul.f32 v10, v0;
	[tilespmem:s13+$0xFFFFFE30] =	vst v3  }
0x177: {  	[tilespmem:s13+$0xFFFFFE70] =	vst v1;
	v1 =	vmul.f32 v43, v45  }
0x178: {  	[tilespmem:s13+$0xFFFFFE60] =	vst v0  }
0x179: {  	[tilespmem:s13+$0xFFFFFE80] =	vst v1  }
0x17a: {  	v0 =	vld [tilespmem:s28+$0xFFFFFFE0]  }
0x17b: {  	v1 =	vld [tilespmem:s21+$0xFFFFFFE0];
	_ =	sdelay $0x1  }
0x17c: {  	v2 =	vld [tilespmem:s22+$0xFFFFFFE0];
	_ =	sdelay $0x2  }
0x17d: {  	v0 =	vadd.f32 v1, v0;
	_ =	sdelay $0x1  }
0x17e: {  	v0 =	vadd.f32 v2, v0;
	_ =	sdelay $0x1  }
0x17f: {  	v1 =	vmul.f32 $2.000000030e-01, v0;
	_ =	sdelay $0x1  }
0x180: {  	v0 =	vmax.f32 v0, v1  }
0x181: {  	v0 =	vmul.f32 $1.442695020e+00, v0;
	_ =	sdelay $0x1  }
0x182: {  	(erf) = vpow2.f32 v0;
	_ =	sdelay $0x8  }
0x183: {  	v0 =	vpop (erf)  }
0x184: {  	[tilespmem:s24+$0xFFFFFFE0] =	vst v0  }
0x185: {  	v1 =	vld [tilespmem:s13+$0xFFFFFE90]  }
0x186: {  	v2 =	vld [tilespmem:s13+$0xFFFFFEA0]  }
0x187: {  	v3 =	vld [tilespmem:s13+$0xFFFFFEB0]  }
0x188: {  	v46 =	vbroadcast v0, $0x0;
	v47 =	vld [tilespmem:s13+$0xFFFFFEC0]  }
0x189: {  	v48 =	vbroadcast v0, $0x1;
	v49 =	vld [tilespmem:s13+$0xFFFFFED0]  }
0x18a: {  	v50 =	vbroadcast v0, $0x2;
	v51 =	vld [tilespmem:s13+$0xFFFFFEE0];
	v1 =	vmul.f32 v46, v1  }
0x18b: {  	v52 =	vbroadcast v0, $0x3;
	v53 =	vld [tilespmem:s13+$0xFFFFFEF0];
	v2 =	vmul.f32 v48, v2  }
0x18c: {  	v54 =	vld [tilespmem:s13+$0xFFFFFF00];
	[tilespmem:s13+$0xFFFFFE90] =	vst v1;
	v1 =	vmul.f32 v50, v3;
	v3 =	vbroadcast v0, $0x4  }
0x18d: {  	v55 =	vbroadcast v0, $0x5;
	[tilespmem:s13+$0xFFFFFEA0] =	vst v2;
	v2 =	vmul.f32 v47, v52  }
0x18e: {  	[tilespmem:s13+$0xFFFFFEB0] =	vst v1;
	v1 =	vmul.f32 v49, v3;
	v3 =	vbroadcast v0, $0x6  }
0x18f: {  	[tilespmem:s13+$0xFFFFFEC0] =	vst v2;
	v2 =	vmul.f32 v51, v55;
	v0 =	vbroadcast v0, $0x7  }
0x190: {  	[tilespmem:s13+$0xFFFFFED0] =	vst v1;
	v1 =	vmul.f32 v53, v3  }
0x191: {  	[tilespmem:s13+$0xFFFFFEE0] =	vst v2;
	v0 =	vmul.f32 v54, v0  }
0x192: {  	[tilespmem:s13+$0xFFFFFEF0] =	vst v1  }
0x193: {  	[tilespmem:s13+$0xFFFFFF00] =	vst v0  }
0x194: {  	v0 =	vld [tilespmem:s28+$0xFFFFFFF0]  }
0x195: {  	v1 =	vld [tilespmem:s21+$0xFFFFFFF0];
	_ =	sdelay $0x1  }
0x196: {  	v2 =	vld [tilespmem:s22+$0xFFFFFFF0];
	_ =	sdelay $0x2  }
0x197: {  	v0 =	vadd.f32 v1, v0;
	_ =	sdelay $0x1  }
0x198: {  	v0 =	vadd.f32 v2, v0;
	_ =	sdelay $0x1  }
0x199: {  	v1 =	vmul.f32 $2.000000030e-01, v0;
	_ =	sdelay $0x1  }
0x19a: {  	v0 =	vmax.f32 v0, v1  }
0x19b: {  	v0 =	vmul.f32 $1.442695020e+00, v0;
	_ =	sdelay $0x1  }
0x19c: {  	(erf) = vpow2.f32 v0;
	_ =	sdelay $0x8  }
0x19d: {  	v0 =	vpop (erf)  }
0x19e: {  	[tilespmem:s24+$0xFFFFFFF0] =	vst v0  }
0x19f: {  	v1 =	vld [tilespmem:s13+$0xFFFFFF20];
	_ =	sdelay $0x1  }
0x1a0: {  	v2 =	vld [tilespmem:s13+$0xFFFFFF30]  }
0x1a1: {  	v3 =	vbroadcast v0, $0x1  }
0x1a2: {  	v57 =	vld [tilespmem:s13+$0xFFFFFF40]  }
0x1a3: {  	v58 =	vbroadcast v0, $0x2;
	v56 =	vld [tilespmem:s13+$0xFFFFFF10];
	v1 =	vmul.f32 v3, v1  }
0x1a4: {  	v59 =	vld [tilespmem:s13+$0xFFFFFF70]  }
0x1a5: {  	v3 =	vld [tilespmem:s13+$0xFFFFFF80];
	v2 =	vmul.f32 v58, v2;
	[tilespmem:s13+$0xFFFFFF20] =	vst v1;
	v1 =	vbroadcast v0, $0x3  }
0x1a6: {  	v63 =	vbroadcast v0, $0x0;
	v60 =	vld [tilespmem:s13+$0xFFFFFF50]  }
0x1a7: {  	v62 =	vld [tilespmem:s13+$0xFFFFFF60];
	[tilespmem:s13+$0xFFFFFF30] =	vst v2;
	v2 =	vbroadcast v0, $0x6;
	v1 =	vmul.f32 v57, v1  }
0x1a8: {  	v61 =	vbroadcast v0, $0x7;
	v4 =	vmul.f32 v63, v56  }
0x1a9: {  	[tilespmem:s13+$0xFFFFFF40] =	vst v1;
	v1 =	vmul.f32 v59, v2;
	v2 =	vbroadcast v0, $0x4  }
0x1aa: {  	[tilespmem:s13+$0xFFFFFF10] =	vst v4;
	v3 =	vmul.f32 v3, v61;
	v0 =	vbroadcast v0, $0x5  }
0x1ab: {  	[tilespmem:s13+$0xFFFFFF70] =	vst v1;
	v1 =	vmul.f32 v60, v2  }
0x1ac: {  	[tilespmem:s13+$0xFFFFFF80] =	vst v3;
	v0 =	vmul.f32 v62, v0  }
0x1ad: {  	[tilespmem:s13+$0xFFFFFF50] =	vst v1  }
0x1ae: {  	[tilespmem:s13+$0xFFFFFF60] =	vst v0  }
0x1af: {  	s26 =	simm.s32 $0x0;
	v0 =	vld [tilespmem:s28+$0x0]  }
0x1b0: {  	s31 =	simm.s32 $0x1FF0;
	s15 =	simm.s32 $0x6570;
	s11 =	simm.s32 $0x2BF0;
	v1 =	vld [tilespmem:s21+$0x0]  }
.LBB2_5:
0x1b1: {  	s26 =	sadd.s32 $0x4, s26;
	v2 =	vld [tilespmem:s22+$0x0];
	s28 =	sadd.s32 $0x40, s28;
	s21 =	sadd.s32 $0x40, s21  }
0x1b2: {  	s22 =	smov.u32 s31;
	p0 =	slt.u32 s26, $0x5C;
	_ =	sdelay $0x2  }
0x1b3: {  	v0 =	vadd.f32 v1, v0;
	_ =	sdelay $0x1  }
0x1b4: {  	v0 =	vadd.f32 v2, v0;
	_ =	sdelay $0x1  }
0x1b5: {  	v1 =	vmul.f32 $2.000000030e-01, v0;
	_ =	sdelay $0x1  }
0x1b6: {  	v0 =	vmax.f32 v0, v1  }
0x1b7: {  	v0 =	vmul.f32 $1.442695020e+00, v0;
	_ =	sdelay $0x1  }
0x1b8: {  	(erf) = vpow2.f32 v0;
	_ =	sdelay $0x8  }
0x1b9: {  	v0 =	vpop (erf)  }
0x1ba: {  	[tilespmem:s24+$0x0] =	vst v0;
	s24 =	smov.u32 s11  }
0x1bb: {  	v1 =	vld [tilespmem:s13+$0xFFFFFF90]  }
0x1bc: {  	v2 =	vld [tilespmem:s13+$0xFFFFFFA0]  }
0x1bd: {  	v3 =	vld [tilespmem:s13+$0xFFFFFFB0]  }
0x1be: {  	v4 =	vbroadcast v0, $0x0;
	v5 =	vld [tilespmem:s13+$0xFFFFFFC0]  }
0x1bf: {  	v6 =	vbroadcast v0, $0x1;
	v7 =	vld [tilespmem:s13+$0xFFFFFFD0]  }
0x1c0: {  	v1 =	vmul.f32 v4, v1;
	v4 =	vbroadcast v0, $0x2;
	v8 =	vld [tilespmem:s13+$0xFFFFFFE0]  }
0x1c1: {  	v2 =	vmul.f32 v6, v2;
	v6 =	vbroadcast v0, $0x3;
	v9 =	vld [tilespmem:s13+$0xFFFFFFF0]  }
0x1c2: {  	[tilespmem:s13+$0xFFFFFF90] =	vst v1;
	v1 =	vmul.f32 v4, v3;
	v3 =	vbroadcast v0, $0x4;
	v4 =	vld [tilespmem:s13+$0x0]  }
0x1c3: {  	[tilespmem:s13+$0xFFFFFFA0] =	vst v2;
	v2 =	vmul.f32 v5, v6;
	v5 =	vbroadcast v0, $0x5  }
0x1c4: {  	[tilespmem:s13+$0xFFFFFFB0] =	vst v1;
	v1 =	vmul.f32 v7, v3;
	v3 =	vbroadcast v0, $0x6  }
0x1c5: {  	v0 =	vbroadcast v0, $0x7;
	[tilespmem:s13+$0xFFFFFFC0] =	vst v2;
	v2 =	vmul.f32 v8, v5  }
0x1c6: {  	[tilespmem:s13+$0xFFFFFFD0] =	vst v1;
	v1 =	vmul.f32 v9, v3  }
0x1c7: {  	[tilespmem:s13+$0xFFFFFFE0] =	vst v2;
	v0 =	vmul.f32 v4, v0  }
0x1c8: {  	[tilespmem:s13+$0xFFFFFFF0] =	vst v1  }
0x1c9: {  	[tilespmem:s13+$0x0] =	vst v0;
	s13 =	smov.u32 s15;
	_ =	sdelay $0x2  }
0x1ca: {  	v0 =	vld [tilespmem:s21+$0xFFFFFFD0]  }
0x1cb: {  	v1 =	vld [tilespmem:s28+$0xFFFFFFD0];
	_ =	sdelay $0x1  }
0x1cc: {  	v2 =	vld [tilespmem:s31+$0xFFFFFFD0];
	_ =	sdelay $0x2  }
0x1cd: {  	v0 =	vadd.f32 v0, v1;
	_ =	sdelay $0x1  }
0x1ce: {  	v0 =	vadd.f32 v2, v0;
	_ =	sdelay $0x1  }
0x1cf: {  	v1 =	vmul.f32 $2.000000030e-01, v0;
	_ =	sdelay $0x1  }
0x1d0: {  	v0 =	vmax.f32 v0, v1  }
0x1d1: {  	v0 =	vmul.f32 $1.442695020e+00, v0;
	_ =	sdelay $0x1  }
0x1d2: {  	(erf) = vpow2.f32 v0;
	_ =	sdelay $0x8  }
0x1d3: {  	v0 =	vpop (erf)  }
0x1d4: {  	[tilespmem:s11+$0xFFFFFFD0] =	vst v0;
	v1 =	vbroadcast v0, $0x7  }
0x1d5: {  	v2 =	vld [tilespmem:s15+$0xFFFFFE10]  }
0x1d6: {  	v3 =	vld [tilespmem:s15+$0xFFFFFE20]  }
0x1d7: {  	v4 =	vld [tilespmem:s15+$0xFFFFFE50]  }
0x1d8: {  	v5 =	vbroadcast v0, $0x0;
	v6 =	vld [tilespmem:s15+$0xFFFFFE40]  }
0x1d9: {  	v7 =	vbroadcast v0, $0x1;
	v8 =	vld [tilespmem:s15+$0xFFFFFE70]  }
0x1da: {  	v2 =	vmul.f32 v5, v2;
	v5 =	vbroadcast v0, $0x2;
	v9 =	vld [tilespmem:s15+$0xFFFFFE60]  }
0x1db: {  	v10 =	vbroadcast v0, $0x3;
	v3 =	vmul.f32 v7, v3;
	v7 =	vld [tilespmem:s15+$0xFFFFFE30]  }
0x1dc: {  	v11 =	vbroadcast v0, $0x6;
	[tilespmem:s15+$0xFFFFFE10] =	vst v2;
	v2 =	vbroadcast v0, $0x4;
	v12 =	vld [tilespmem:s15+$0xFFFFFE80]  }
0x1dd: {  	v0 =	vbroadcast v0, $0x5;
	[tilespmem:s15+$0xFFFFFE20] =	vst v3;
	v3 =	vmul.f32 v6, v10  }
0x1de: {  	v2 =	vmul.f32 v4, v2;
	v4 =	vmul.f32 v8, v11  }
0x1df: {  	[tilespmem:s15+$0xFFFFFE40] =	vst v3;
	v0 =	vmul.f32 v9, v0  }
0x1e0: {  	v3 =	vmul.f32 v5, v7;
	[tilespmem:s15+$0xFFFFFE50] =	vst v2  }
0x1e1: {  	[tilespmem:s15+$0xFFFFFE70] =	vst v4;
	v1 =	vmul.f32 v12, v1  }
0x1e2: {  	[tilespmem:s15+$0xFFFFFE30] =	vst v3  }
0x1e3: {  	[tilespmem:s15+$0xFFFFFE80] =	vst v1  }
0x1e4: {  	[tilespmem:s15+$0xFFFFFE60] =	vst v0  }
0x1e5: {  	v0 =	vld [tilespmem:s28+$0xFFFFFFE0]  }
0x1e6: {  	v1 =	vld [tilespmem:s21+$0xFFFFFFE0]  }
0x1e7: {  	v2 =	vld [tilespmem:s31+$0xFFFFFFE0];
	_ =	sdelay $0x3  }
0x1e8: {  	v0 =	vadd.f32 v1, v0;
	_ =	sdelay $0x1  }
0x1e9: {  	v0 =	vadd.f32 v2, v0;
	_ =	sdelay $0x1  }
0x1ea: {  	v1 =	vmul.f32 $2.000000030e-01, v0;
	_ =	sdelay $0x1  }
0x1eb: {  	v0 =	vmax.f32 v0, v1  }
0x1ec: {  	v0 =	vmul.f32 $1.442695020e+00, v0;
	_ =	sdelay $0x1  }
0x1ed: {  	(erf) = vpow2.f32 v0;
	_ =	sdelay $0x8  }
0x1ee: {  	v0 =	vpop (erf)  }
0x1ef: {  	[tilespmem:s11+$0xFFFFFFE0] =	vst v0  }
0x1f0: {  	v1 =	vld [tilespmem:s15+$0xFFFFFE90]  }
0x1f1: {  	v2 =	vld [tilespmem:s15+$0xFFFFFEA0]  }
0x1f2: {  	v3 =	vld [tilespmem:s15+$0xFFFFFEB0]  }
0x1f3: {  	v4 =	vbroadcast v0, $0x0;
	v5 =	vld [tilespmem:s15+$0xFFFFFEC0]  }
0x1f4: {  	v6 =	vbroadcast v0, $0x1;
	v7 =	vld [tilespmem:s15+$0xFFFFFED0]  }
0x1f5: {  	v1 =	vmul.f32 v4, v1;
	v4 =	vbroadcast v0, $0x2;
	v8 =	vld [tilespmem:s15+$0xFFFFFEE0]  }
0x1f6: {  	v2 =	vmul.f32 v6, v2;
	v6 =	vbroadcast v0, $0x3;
	v9 =	vld [tilespmem:s15+$0xFFFFFEF0]  }
0x1f7: {  	[tilespmem:s15+$0xFFFFFE90] =	vst v1;
	v1 =	vmul.f32 v4, v3;
	v3 =	vbroadcast v0, $0x4;
	v4 =	vld [tilespmem:s15+$0xFFFFFF00]  }
0x1f8: {  	[tilespmem:s15+$0xFFFFFEA0] =	vst v2;
	v2 =	vmul.f32 v5, v6;
	v5 =	vbroadcast v0, $0x5  }
0x1f9: {  	[tilespmem:s15+$0xFFFFFEB0] =	vst v1;
	v1 =	vmul.f32 v7, v3;
	v3 =	vbroadcast v0, $0x6  }
0x1fa: {  	v0 =	vbroadcast v0, $0x7;
	[tilespmem:s15+$0xFFFFFEC0] =	vst v2;
	v2 =	vmul.f32 v8, v5  }
0x1fb: {  	[tilespmem:s15+$0xFFFFFED0] =	vst v1;
	v1 =	vmul.f32 v9, v3  }
0x1fc: {  	[tilespmem:s15+$0xFFFFFEE0] =	vst v2;
	v0 =	vmul.f32 v4, v0  }
0x1fd: {  	[tilespmem:s15+$0xFFFFFEF0] =	vst v1  }
0x1fe: {  	[tilespmem:s15+$0xFFFFFF00] =	vst v0  }
0x1ff: {  	v0 =	vld [tilespmem:s28+$0xFFFFFFF0]  }
0x200: {  	v1 =	vld [tilespmem:s21+$0xFFFFFFF0]  }
0x201: {  	v2 =	vld [tilespmem:s31+$0xFFFFFFF0];
	_ =	sdelay $0x3  }
0x202: {  	v0 =	vadd.f32 v1, v0;
	_ =	sdelay $0x1  }
0x203: {  	v0 =	vadd.f32 v2, v0;
	_ =	sdelay $0x1  }
0x204: {  	v1 =	vmul.f32 $2.000000030e-01, v0;
	_ =	sdelay $0x1  }
0x205: {  	v0 =	vmax.f32 v0, v1  }
0x206: {  	v0 =	vmul.f32 $1.442695020e+00, v0;
	_ =	sdelay $0x1  }
0x207: {  	(erf) = vpow2.f32 v0;
	_ =	sdelay $0x8  }
0x208: {  	v0 =	vpop (erf)  }
0x209: {  	[tilespmem:s11+$0xFFFFFFF0] =	vst v0;
	v1 =	vbroadcast v0, $0x6  }
0x20a: {  	v2 =	vld [tilespmem:s15+$0xFFFFFF10]  }
0x20b: {  	v3 =	vld [tilespmem:s15+$0xFFFFFF20]  }
0x20c: {  	v4 =	vld [tilespmem:s15+$0xFFFFFF30]  }
0x20d: {  	v5 =	vld [tilespmem:s15+$0xFFFFFF40]  }
0x20e: {  	v6 =	vbroadcast v0, $0x1;
	v7 =	vbroadcast v0, $0x7;
	v8 =	vld [tilespmem:s15+$0xFFFFFF80]  }
0x20f: {  	v9 =	vbroadcast v0, $0x0;
	v10 =	vbroadcast v0, $0x2;
	v11 =	vld [tilespmem:s15+$0xFFFFFF70]  }
0x210: {  	v3 =	vmul.f32 v6, v3;
	v6 =	vbroadcast v0, $0x3  }
0x211: {  	v2 =	vmul.f32 v9, v2;
	v4 =	vmul.f32 v10, v4  }
0x212: {  	[tilespmem:s15+$0xFFFFFF20] =	vst v3;
	v3 =	vmul.f32 v5, v6;
	v5 =	vld [tilespmem:s15+$0xFFFFFF50]  }
0x213: {  	[tilespmem:s15+$0xFFFFFF30] =	vst v4;
	v4 =	vld [tilespmem:s15+$0xFFFFFF60];
	v6 =	vmul.f32 v8, v7  }
0x214: {  	[tilespmem:s15+$0xFFFFFF40] =	vst v3;
	v1 =	vmul.f32 v11, v1  }
0x215: {  	v3 =	vbroadcast v0, $0x4;
	[tilespmem:s15+$0xFFFFFF80] =	vst v6  }
0x216: {  	v0 =	vbroadcast v0, $0x5;
	[tilespmem:s15+$0xFFFFFF70] =	vst v1  }
0x217: {  	[tilespmem:s15+$0xFFFFFF10] =	vst v2;
	v1 =	vmul.f32 v5, v3  }
.Ltmp1:
0x218: {  	v0 =	vmul.f32 v4, v0;
	(pc) =	sbr.rel @p0 .LBB2_5-.Ltmp1, $4  }
0x219: {  	[tilespmem:s15+$0xFFFFFF50] =	vst v1  }
0x21a: {  	[tilespmem:s15+$0xFFFFFF60] =	vst v0  }
0x21b: {  	v0 =	vld [tilespmem:s28+$0x0]  }
0x21c: {  	s31 =	sadd.s32 $0x40, s31;
	s11 =	sadd.s32 $0x40, s11;
	s15 =	sadd.s32 $0x200, s15;
	v1 =	vld [tilespmem:s21+$0x0]  }
0x21d: {  	_ = 	snop  }
0x21e: {  	v2 =	vld [tilespmem:s22+$0x0];
	_ =	sdelay $0x2  }
0x21f: {  	v0 =	vadd.f32 v1, v0;
	_ =	sdelay $0x1  }
0x220: {  	v0 =	vadd.f32 v2, v0;
	_ =	sdelay $0x1  }
0x221: {  	v50 =	vmul.f32 $2.000000030e-01, v0;
	_ =	sdelay $0x1  }
0x222: {  	v0 =	vmax.f32 v0, v50  }
0x223: {  	v0 =	vmul.f32 $1.442695020e+00, v0;
	_ =	sdelay $0x1  }
0x224: {  	(erf) = vpow2.f32 v0;
	_ =	sdelay $0x8  }
0x225: {  	v0 =	vpop (erf)  }
0x226: {  	[tilespmem:s24+$0x0] =	vst v0  }
0x227: {  	v51 =	vld [tilespmem:s13+$0xFFFFFF90]  }
0x228: {  	v52 =	vld [tilespmem:s13+$0xFFFFFFA0]  }
0x229: {  	v3 =	vld [tilespmem:s13+$0xFFFFFFB0]  }
0x22a: {  	v4 =	vbroadcast v0, $0x0;
	v5 =	vld [tilespmem:s13+$0xFFFFFFC0]  }
0x22b: {  	v6 =	vbroadcast v0, $0x1;
	v7 =	vld [tilespmem:s13+$0xFFFFFFD0]  }
0x22c: {  	v53 =	vbroadcast v0, $0x2;
	v8 =	vld [tilespmem:s13+$0xFFFFFFE0];
	v1 =	vmul.f32 v4, v51  }
0x22d: {  	v54 =	vbroadcast v0, $0x3;
	v9 =	vld [tilespmem:s13+$0xFFFFFFF0];
	v2 =	vmul.f32 v6, v52  }
0x22e: {  	v56 =	vbroadcast v0, $0x4;
	v57 =	vld [tilespmem:s13+$0x0];
	v55 =	vmul.f32 v53, v3;
	[tilespmem:s13+$0xFFFFFF90] =	vst v1  }
0x22f: {  	v59 =	vbroadcast v0, $0x5;
	v58 =	vmul.f32 v5, v54;
	[tilespmem:s13+$0xFFFFFFA0] =	vst v2  }
0x230: {  	v61 =	vbroadcast v0, $0x6;
	v60 =	vmul.f32 v7, v56;
	[tilespmem:s13+$0xFFFFFFB0] =	vst v55  }
0x231: {  	v0 =	vbroadcast v0, $0x7;
	v62 =	vmul.f32 v8, v59;
	[tilespmem:s13+$0xFFFFFFC0] =	vst v58  }
0x232: {  	s23 =	sadd.s32 $0x1, s23;
	v63 =	vmul.f32 v9, v61;
	[tilespmem:s13+$0xFFFFFFD0] =	vst v60  }
0x233: {  	p0 =	sne.s32 s23, $0x35;
	v0 =	vmul.f32 v57, v0;
	[tilespmem:s13+$0xFFFFFFE0] =	vst v62  }
.Ltmp2:
0x234: {  	[tilespmem:s13+$0xFFFFFFF0] =	vst v63;
	(pc) =	sbr.rel @p0 .LBB2_2-.Ltmp2, $4  }
0x235: {  	[tilespmem:s13+$0x0] =	vst v0  }
0x236: {  	[spmem:s2] =	stream.indirect.scatter.add.f32 [tilespmem:s18], [sflag:$0x4], $0x10, s3, s29, $0xb8;
	[tilespmem:$0x1F500] =	vst v63  }
0x237: {  	_ = 	snop  }
0x238: {  	[spmem:s1] =	stream.indirect.scatter.add.f32 [tilespmem:s12], [sflag:$0x4], $0x80, s3, s29, $0xb8;
	[tilespmem:$0x1F500] =	vst v63  }
0x239: {  	s11 =	simm.s32 $0x4  }
0x23a: {  	_ =	swait.ge [sflag:s11], $0x600  }
0x23b: {  	[sflag:s11] =	ssyncset.done $0x0  }
0x23c: {  	[sflag:s11] =	ssyncadd.s32 $0xFFFFFA00  }
0x23d: {  	_ =	swait.ge [sflag:s11], $0x3000  }
0x23e: {  	[sflag:s11] =	ssyncset.done $0x0  }
0x23f: {  	[sflag:s11] =	ssyncadd.s32 $0xFFFFD000  }
0x240: {  	[bflag:$0x0] =	sbarrier.arrive $0xFFFF  }
0x241: {  	s21 =	rddreg [dreg:$0x7]  }
0x242: {  	s24 =	rddreg [dreg:$0xd]  }
0x243: {  	s13 =	rddreg [dreg:$0x11]  }
0x244: {  	[hbm:s24], [sflag:s21] =	dma.local [spmem:s13], $0x2780  }
0x245: {  	s13 =	simm.s32 $0x7  }
0x246: {  	_ =	swait.ge [sflag:s13], $0x2780  }
0x247: {  	[sflag:s13] =	ssyncset.done $0x0;
	s26 =	rddreg [dreg:$0xe]  }
0x248: {  	s15 =	rddreg [dreg:$0x12];
	[sflag:s13] =	ssyncadd.s32 $0xFFFFD880  }
0x249: {  	[hbm:s26], [sflag:s21] =	dma.local [spmem:s15], $0x4F0  }
0x24a: {  	_ =	swait.ge [sflag:s13], $0x4F0  }
0x24b: {  	s28 =	rddreg [dreg:$0x10]  }
0x24c: {  	s31 =	rddreg [dreg:$0xf];
	s15 =	sadd.s32 $0x1, s28  }
0x24d: {  	p0 =	sne.s32 s15, s31  }
.Ltmp3:
0x24e: {  	_ = 	snop;
	(pc) =	sbr.rel @p0 .LBB2_1-.Ltmp3, $3  }
0x24f: {  	_ =	sdelay $0x1  }
0x250: {  	[sflag:s13] =	ssyncset.done $0x0  }
0x251: {  	[sflag:s13] =	ssyncadd.s32 $0xFFFFFB10  }
0x252: {  	_ =	sfence.sel $0x180000  }
0x253: {  	[bflag:$0x0] =	sbarrier.arrive $0xFFFF  }
0x254: {  	_ =	strace $0x90000047  }
0x255: {  	s0 =	stileid.u32;
	[bflag:$0x2] =	sbarrier.arrive $0xFFFF  }
0x256: {  	p0 =	sne.s32 s0, $0x0;
	s0 =	rddreg [dreg:$0x4]  }
0x257: {  	s0 =	sadd.s32 @!p0 $0x100000, s0  }
0x258: {  	[sflag:s0] =	ssyncadd.tile.s32 @!p0 $0x1;
	_ =	shalt  }
.Lfunc_end2:
_tile_overlayer_lowered:
.L_overlay_start_2:
0x259: {  	(tag) =	ssettag $0x2  }
0x25a: {  	s0 =	rddreg [dreg:$0x0];
	s2 =	stileid.u32  }
0x25b: {  	s1 =	rddreg [dreg:$0x1];
	p0 =	sne.s32 s2, $0x0  }
0x25c: {  	s3 =	rddreg [dreg:$0x2];
	[bflag:$0x3] =	sbarrier.arrive $0xFFFF;
	s2 =	simm.s32 @!p0 $0x1C07  }
0x25d: {  	[timem:s3], [sflag:s2] =	dma.local @!p0 [hbm:s0], s1  }
0x25e: {  	s0 =	simm.s32 @!p0 $0x7  }
0x25f: {  	_ =	swait.ge @!p0 [sflag:s0], s1  }
0x260: {  	s1 =	ssub.s32 @!p0 $0x0, s1;
	[sflag:s0] =	ssyncset.done @!p0 $0x0  }
0x261: {  	[sflag:s0] =	ssyncadd.s32 @!p0 s1  }
0x262: {  	[bflag:$0x3] =	sbarrier.arrive $0xFFFF  }
0x263: {  	_ =	shalt  }

</sc_bundles>
